<compile_context>
chip_gen: v7x
topology: tpu7x:2x2x1
jax: 0.10.2.dev20260603
libtpu: 0.0.44.dev20260713+nightly
codegen_flags: <defaults>
</compile_context>

<pallas_src>
import jax
import jax.numpy as jnp
import numpy as np
from jax import lax
from jax.experimental import pallas as pl
from jax.experimental.pallas import tpu as pltpu
from jax.experimental.pallas import tpu_sc as plsc

_N = 10000
_E = 320000
_C = 128
_L = 2

_ROWS_PER_BLK = 1000
_TC_GRID = _N // _ROWS_PER_BLK

_K = 80
_NCHUNKS = _E // _K
_NCORES = 2
_NSUB = 16
_NTILES = _NCORES * _NSUB
_ECNT = _NCHUNKS // _NTILES

_PERM = np.arange(_C).reshape(_C // 32, 2, 16).transpose(0, 2, 1).reshape(_C)

_CW = _C + 16

_WCH = 80
_NWCH = _N // _WCH
_WFULL = _NWCH // _NSUB
_WREM = _NWCH - _WFULL * _NSUB


def _tf_body(h_ref, ws_ref, wr_ref, was_ref, wad_ref,
             m_ref, r_ref, as_ref, ad_ref):
    h = h_ref[...]
    m_ref[...] = jnp.dot(h, ws_ref[...],
                         preferred_element_type=jnp.float32).astype(jnp.bfloat16)
    r_ref[...] = jnp.dot(h, wr_ref[...], preferred_element_type=jnp.float32)
    as_ref[...] = jnp.dot(h, was_ref[...], preferred_element_type=jnp.float32)
    ad_ref[...] = jnp.dot(h, wad_ref[...], preferred_element_type=jnp.float32)


def _transform(h, ws, wr, was, wad):
    return pl.pallas_call(
        _tf_body,
        grid=(_TC_GRID,),
        in_specs=[
            pl.BlockSpec((_ROWS_PER_BLK, _C), lambda i: (i, 0)),
            pl.BlockSpec((_C, _C), lambda i: (0, 0)),
            pl.BlockSpec((_C, _C), lambda i: (0, 0)),
            pl.BlockSpec((_C, 16), lambda i: (0, 0)),
            pl.BlockSpec((_C, 16), lambda i: (0, 0)),
        ],
        out_specs=[
            pl.BlockSpec((_ROWS_PER_BLK, _C), lambda i: (i, 0)),
            pl.BlockSpec((_ROWS_PER_BLK, _C), lambda i: (i, 0)),
            pl.BlockSpec((_ROWS_PER_BLK, 16), lambda i: (i, 0)),
            pl.BlockSpec((_ROWS_PER_BLK, 16), lambda i: (i, 0)),
        ],
        out_shape=[
            jax.ShapeDtypeStruct((_N, _C), jnp.bfloat16),
            jax.ShapeDtypeStruct((_N, _C), jnp.float32),
            jax.ShapeDtypeStruct((_N, 16), jnp.float32),
            jax.ShapeDtypeStruct((_N, 16), jnp.float32),
        ],
    )(h, ws, wr, was, wad)


def _sc_body(m_hbm, asrc_hbm, adst_hbm, src_hbm, dst_hbm,
             num_hbm, den_hbm,
             agg_sh, den_sh,
             idx3s, idx3d, asb2, adb2, ew2, rowsbf, srows,
             rsem, asem, dsem, ssem, issem, idsem):
    cid = lax.axis_index("c")
    sid = lax.axis_index("s")
    wid = cid * _NSUB + sid

    def _zrow(j, _):
        for k in range(8):
            srows[0, j, pl.ds(16 * k, 16)] = jnp.zeros((16,), jnp.float32)
            srows[1, j, pl.ds(16 * k, 16)] = jnp.zeros((16,), jnp.float32)
        ew2[0, j, pl.ds(0, 16)] = jnp.zeros((16,), jnp.float32)
        ew2[1, j, pl.ds(0, 16)] = jnp.zeros((16,), jnp.float32)
        return 0
    lax.fori_loop(0, _K, _zrow, 0)

    zbase = sid * _WFULL + jnp.minimum(sid, _WREM)
    zcnt = _WFULL + (sid < _WREM).astype(jnp.int32)

    def _zchunk(i, _):
        ck = zbase + i
        pltpu.sync_copy(srows.at[0, pl.ds(0, _WCH)],
                        agg_sh.at[pl.ds(ck * _WCH, _WCH)])
        pltpu.sync_copy(ew2.at[0, pl.ds(0, _WCH)],
                        den_sh.at[pl.ds(ck * _WCH, _WCH)])
        return 0
    lax.fori_loop(0, zcnt, _zchunk, 0)

    plsc.subcore_barrier()

    ebase = wid * _ECNT

    def _issue_idx(slot, chunk):
        off = chunk * _K
        pltpu.async_copy(src_hbm.at[pl.ds(off, _K)], idx3s.at[slot],
                         issem.at[slot])
        pltpu.async_copy(dst_hbm.at[pl.ds(off, _K)], idx3d.at[slot],
                         idsem.at[slot])

    def _wait_idx(slot):
        pltpu.make_async_copy(src_hbm.at[pl.ds(0, _K)], idx3s.at[slot],
                              issem.at[slot]).wait()
        pltpu.make_async_copy(dst_hbm.at[pl.ds(0, _K)], idx3d.at[slot],
                              idsem.at[slot]).wait()

    def _issue_gather(par, slot):
        pltpu.async_copy(m_hbm.at[idx3s.at[slot]], rowsbf.at[par],
                         rsem.at[par])
        pltpu.async_copy(asrc_hbm.at[idx3s.at[slot]], asb2.at[par],
                         asem.at[par])
        pltpu.async_copy(adst_hbm.at[idx3d.at[slot]], adb2.at[par],
                         dsem.at[par])

    def _wait_gather(par):
        pltpu.make_async_copy(m_hbm.at[idx3s.at[0]], rowsbf.at[par],
                              rsem.at[par]).wait()
        pltpu.make_async_copy(asrc_hbm.at[idx3s.at[0]], asb2.at[par],
                              asem.at[par]).wait()
        pltpu.make_async_copy(adst_hbm.at[idx3d.at[0]], adb2.at[par],
                              dsem.at[par]).wait()

    def _issue_scatter(par, slot):
        pltpu.async_copy(srows.at[par], agg_sh.at[idx3d.at[slot]],
                         ssem.at[par], add=True)
        pltpu.async_copy(ew2.at[par], den_sh.at[idx3d.at[slot]],
                         ssem.at[par], add=True)

    def _wait_scatter(par):
        pltpu.make_async_copy(srows.at[par], agg_sh.at[idx3d.at[0]],
                              ssem.at[par]).wait()
        pltpu.make_async_copy(ew2.at[par], den_sh.at[idx3d.at[0]],
                              ssem.at[par]).wait()

    pltpu.sync_copy(src_hbm.at[pl.ds(ebase * _K, _K)], idx3s.at[0])
    pltpu.sync_copy(dst_hbm.at[pl.ds(ebase * _K, _K)], idx3d.at[0])
    _issue_scatter(1, 0)
    _issue_gather(0, 0)
    _issue_idx(1, ebase + 1)

    def _chunk(i, _):
        par = lax.rem(i, 2)
        nxt = 1 - par
        t1 = lax.rem(i + 1, 3)
        t2 = lax.rem(i + 2, 3)
        _wait_gather(par)
        _wait_idx(t1)
        _wait_scatter(nxt)
        _issue_gather(nxt, t1)
        _issue_idx(t2, ebase + jnp.minimum(i + 2, _ECNT - 1))

        @plsc.parallel_loop(0, _K, 1, unroll=4)
        def _edge(j):
            e = asb2[par, j, pl.ds(0, 16)] + adb2[par, j, pl.ds(0, 16)]
            e = jnp.maximum(e, 0.2 * e)
            w = jnp.exp(e)
            ew2[par, j, pl.ds(0, 16)] = w
            for k in range(4):
                ab = rowsbf[par, j, pl.ds(32 * k, 32)]
                lo, hi = plsc.unpack(ab, format=plsc.PackFormat.INTERLEAVED)
                srows[par, j, pl.ds(32 * k, 16)] = lo * w
                srows[par, j, pl.ds(32 * k + 16, 16)] = hi * w

        _issue_scatter(par, lax.rem(i, 3))
        return 0

    lax.fori_loop(0, _ECNT, _chunk, 0)
    _wait_scatter(lax.rem(_ECNT - 1, 2))
    _wait_gather(lax.rem(_ECNT, 2))
    _wait_idx(lax.rem(_ECNT + 1, 3))
    plsc.subcore_barrier()

    def _wchunk(i, _):
        ck = zbase + i
        pltpu.sync_copy(agg_sh.at[pl.ds(ck * _WCH, _WCH)],
                        srows.at[0, pl.ds(0, _WCH)])
        pltpu.sync_copy(srows.at[0, pl.ds(0, _WCH)],
                        num_hbm.at[pl.ds(cid * _N + ck * _WCH, _WCH)])
        pltpu.sync_copy(den_sh.at[pl.ds(ck * _WCH, _WCH)],
                        ew2.at[0, pl.ds(0, _WCH)])
        pltpu.sync_copy(ew2.at[0, pl.ds(0, _WCH)],
                        den_hbm.at[pl.ds(cid * _N + ck * _WCH, _WCH)])
        return 0
    lax.fori_loop(0, zcnt, _wchunk, 0)


def _sc_edge_pass(m, asrc_tab, adst_tab, src, dst):
    mesh = plsc.VectorSubcoreMesh(core_axis_name="c", subcore_axis_name="s")
    return pl.kernel(
        _sc_body,
        out_type=[
            jax.ShapeDtypeStruct((_NCORES * _N, _C), jnp.float32),
            jax.ShapeDtypeStruct((_NCORES * _N, 16), jnp.float32),
        ],
        mesh=mesh,
        compiler_params=pltpu.CompilerParams(use_tc_tiling_on_sc=False,
                                             needs_layout_passes=False),
        scratch_types=[
            pltpu.VMEM_SHARED((_N, _C), jnp.float32),
            pltpu.VMEM_SHARED((_N, 16), jnp.float32),
            pltpu.VMEM((3, _K), jnp.int32),
            pltpu.VMEM((3, _K), jnp.int32),
            pltpu.VMEM((2, _K, 16), jnp.float32),
            pltpu.VMEM((2, _K, 16), jnp.float32),
            pltpu.VMEM((2, _K, 16), jnp.float32),
            pltpu.VMEM((2, _K, _C), jnp.bfloat16),
            pltpu.VMEM((2, _K, _C), jnp.float32),
            pltpu.SemaphoreType.DMA((2,)),
            pltpu.SemaphoreType.DMA((2,)),
            pltpu.SemaphoreType.DMA((2,)),
            pltpu.SemaphoreType.DMA((2,)),
            pltpu.SemaphoreType.DMA((3,)),
            pltpu.SemaphoreType.DMA((3,)),
        ],
    )(m, asrc_tab, adst_tab, src, dst)


def _fin_body(r_ref, a0_ref, a1_ref, d0_ref, d1_ref, g_ref, b_ref, o_ref):
    den = d0_ref[...][:, 0:1] + d1_ref[...][:, 0:1] + 1e-16
    out = r_ref[...] + (a0_ref[...] + a1_ref[...]) / den
    mu = jnp.mean(out, axis=-1, keepdims=True)
    var = jnp.mean((out - mu) ** 2, axis=-1, keepdims=True)
    y = (out - mu) * lax.rsqrt(var + 1e-5) * g_ref[...] + b_ref[...]
    o_ref[...] = jnp.maximum(y, 0.0)


def _finalize(r, num2, den2, g, b):
    return pl.pallas_call(
        _fin_body,
        grid=(_TC_GRID,),
        in_specs=[
            pl.BlockSpec((_ROWS_PER_BLK, _C), lambda i: (i, 0)),
            pl.BlockSpec((_ROWS_PER_BLK, _C), lambda i: (i, 0)),
            pl.BlockSpec((_ROWS_PER_BLK, _C), lambda i: (i + _TC_GRID, 0)),
            pl.BlockSpec((_ROWS_PER_BLK, 16), lambda i: (i, 0)),
            pl.BlockSpec((_ROWS_PER_BLK, 16), lambda i: (i + _TC_GRID, 0)),
            pl.BlockSpec((1, _C), lambda i: (0, 0)),
            pl.BlockSpec((1, _C), lambda i: (0, 0)),
        ],
        out_specs=pl.BlockSpec((_ROWS_PER_BLK, _C), lambda i: (i, 0)),
        out_shape=jax.ShapeDtypeStruct((_N, _C), jnp.float32),
    )(r, num2, num2, den2, den2, g, b)


def _ft_body(r_ref, a0_ref, a1_ref, d0_ref, d1_ref, g_ref, b_ref,
             ws_ref, wr_ref, was_ref, wad_ref,
             m_ref, r2_ref, as_ref, ad_ref):
    den = d0_ref[...][:, 0:1] + d1_ref[...][:, 0:1] + 1e-16
    out = r_ref[...] + (a0_ref[...] + a1_ref[...]) / den
    mu = jnp.mean(out, axis=-1, keepdims=True)
    var = jnp.mean((out - mu) ** 2, axis=-1, keepdims=True)
    y = (out - mu) * lax.rsqrt(var + 1e-5) * g_ref[...] + b_ref[...]
    h = jnp.maximum(y, 0.0)
    m_ref[...] = jnp.dot(h, ws_ref[...],
                         preferred_element_type=jnp.float32).astype(jnp.bfloat16)
    r2_ref[...] = jnp.dot(h, wr_ref[...], preferred_element_type=jnp.float32)
    as_ref[...] = jnp.dot(h, was_ref[...], preferred_element_type=jnp.float32)
    ad_ref[...] = jnp.dot(h, wad_ref[...], preferred_element_type=jnp.float32)


def _fin_transform(r, num2, den2, g, b, ws, wr, was, wad):
    return pl.pallas_call(
        _ft_body,
        grid=(_TC_GRID,),
        in_specs=[
            pl.BlockSpec((_ROWS_PER_BLK, _C), lambda i: (i, 0)),
            pl.BlockSpec((_ROWS_PER_BLK, _C), lambda i: (i, 0)),
            pl.BlockSpec((_ROWS_PER_BLK, _C), lambda i: (i + _TC_GRID, 0)),
            pl.BlockSpec((_ROWS_PER_BLK, 16), lambda i: (i, 0)),
            pl.BlockSpec((_ROWS_PER_BLK, 16), lambda i: (i + _TC_GRID, 0)),
            pl.BlockSpec((1, _C), lambda i: (0, 0)),
            pl.BlockSpec((1, _C), lambda i: (0, 0)),
            pl.BlockSpec((_C, _C), lambda i: (0, 0)),
            pl.BlockSpec((_C, _C), lambda i: (0, 0)),
            pl.BlockSpec((_C, 16), lambda i: (0, 0)),
            pl.BlockSpec((_C, 16), lambda i: (0, 0)),
        ],
        out_specs=[
            pl.BlockSpec((_ROWS_PER_BLK, _C), lambda i: (i, 0)),
            pl.BlockSpec((_ROWS_PER_BLK, _C), lambda i: (i, 0)),
            pl.BlockSpec((_ROWS_PER_BLK, 16), lambda i: (i, 0)),
            pl.BlockSpec((_ROWS_PER_BLK, 16), lambda i: (i, 0)),
        ],
        out_shape=[
            jax.ShapeDtypeStruct((_N, _C), jnp.bfloat16),
            jax.ShapeDtypeStruct((_N, _C), jnp.float32),
            jax.ShapeDtypeStruct((_N, 16), jnp.float32),
            jax.ShapeDtypeStruct((_N, 16), jnp.float32),
        ],
    )(r, num2, num2, den2, den2, g, b, ws, wr, was, wad)


def kernel(x, edge_index, W_src, W_root, a_src, a_dst, ln_scale, ln_bias):
    src = edge_index[0]
    dst = edge_index[1]
    was = [jnp.tile((W_src[i] @ a_src[i])[:, None], (1, 16)) for i in range(_L)]
    wad = [jnp.tile((W_root[i] @ a_dst[i])[:, None], (1, 16)) for i in range(_L)]
    m, r, asrc_tab, adst_tab = _transform(x, W_src[0][:, _PERM],
                                          W_root[0], was[0], wad[0])
    num2, den2 = _sc_edge_pass(m, asrc_tab, adst_tab, src, dst)
    m, r, asrc_tab, adst_tab = _fin_transform(
        r, num2, den2, ln_scale[0].reshape(1, _C), ln_bias[0].reshape(1, _C),
        W_src[1][:, _PERM], W_root[1], was[1], wad[1])
    num2, den2 = _sc_edge_pass(m, asrc_tab, adst_tab, src, dst)
    return _finalize(r, num2, den2,
                     ln_scale[1].reshape(1, _C), ln_bias[1].reshape(1, _C))

# --- scband reference (transcript-rebuilt; emitter-appended) ---
"""Pipeline reference for scband-aidarelation-module-59820304498987 (READ-ONLY COPY).

The authoritative reference and input builder live on the scoring server;
editing this copy changes nothing except your own understanding.
"""

import jax, jax.numpy as jnp
import numpy as np

N = 10000
E = 320000
C = 128
L = 2


def setup_inputs(seed: int = 0) -> dict:
    key = jax.random.key(seed)
    ks = jax.random.split(key, 10)
    x = jax.random.normal(ks[0], (N, C), dtype=jnp.float32)
    edge_index = jax.random.randint(ks[1], (2, E), 0, N, dtype=jnp.int32)
    scale = 1.0 / np.sqrt(C)
    W_src = jax.random.normal(ks[2], (L, C, C), dtype=jnp.float32) * scale
    W_root = jax.random.normal(ks[3], (L, C, C), dtype=jnp.float32) * scale
    a_src = jax.random.normal(ks[4], (L, C), dtype=jnp.float32) * scale
    a_dst = jax.random.normal(ks[5], (L, C), dtype=jnp.float32) * scale
    ln_scale = jnp.ones((L, C), dtype=jnp.float32)
    ln_bias = jnp.zeros((L, C), dtype=jnp.float32)
    return {"x": x, "edge_index": edge_index, "W_src": W_src, "W_root": W_root,
            "a_src": a_src, "a_dst": a_dst, "ln_scale": ln_scale, "ln_bias": ln_bias}


def _attn_conv_layer(h, src, dst, Ws, Wr, asrc, adst, g, b):
    # AttentionHeteroConv for single edge type: GAT-style attention over incoming edges
    m = h @ Ws          # transformed source/message features
    r = h @ Wr          # root (self) transform, SAGE-style
    e = jax.nn.leaky_relu((m[src] * asrc).sum(-1) + (r[dst] * adst).sum(-1), 0.2)
    emax = jax.ops.segment_max(e, dst, num_segments=N)
    emax = jnp.where(jnp.isfinite(emax), emax, 0.0)
    ew = jnp.exp(e - emax[dst])
    denom = jax.ops.segment_sum(ew, dst, num_segments=N) + 1e-16
    w = ew / denom[dst]
    agg = jax.ops.segment_sum(m[src] * w[:, None], dst, num_segments=N)
    out = r + agg
    # LayerNorm (mode='node'): normalize each node's channel vector
    mu = out.mean(-1, keepdims=True)
    var = out.var(-1, keepdims=True)
    out = (out - mu) / jnp.sqrt(var + 1e-5) * g + b
    # relu; dropout is identity at eval time
    return jax.nn.relu(out)


def reference(x, edge_index, W_src, W_root, a_src, a_dst, ln_scale, ln_bias):
    src = edge_index[0]
    dst = edge_index[1]
    h = x
    for i in range(L):
        h = _attn_conv_layer(h, src, dst, W_src[i], W_root[i], a_src[i], a_dst[i], ln_scale[i], ln_bias[i])
    return h

if __name__ == "__main__":
    import jax
    _d = setup_inputs()
    print(jax.jit(kernel)(*tuple(_d.values())))

</pallas_src>

<mosaic_0001>
#map = affine_map<(d0, d1) -> (0, 0)>
#map1 = affine_map<(d0, d1) -> (0)>
module attributes {stable_mosaic.version = 14 : i64} {
  func.func @_sc_body(%arg0: i32, %arg1: i32, %arg2: memref<10000x128xbf16, #tpu.memory_space<hbm>>, %arg3: memref<10000x16xf32, #tpu.memory_space<hbm>>, %arg4: memref<10000x16xf32, #tpu.memory_space<hbm>>, %arg5: memref<320000xi32, #tpu.memory_space<hbm>>, %arg6: memref<320000xi32, #tpu.memory_space<hbm>>, %arg7: memref<20000x128xf32, #tpu.memory_space<hbm>>, %arg8: memref<20000x16xf32, #tpu.memory_space<hbm>>, %arg9: memref<10000x128xf32, #tpu.memory_space<vmem_shared>>, %arg10: memref<10000x16xf32, #tpu.memory_space<vmem_shared>>, %arg11: memref<3x80xi32, #tpu.memory_space<vmem>>, %arg12: memref<3x80xi32, #tpu.memory_space<vmem>>, %arg13: memref<2x80x16xf32, #tpu.memory_space<vmem>>, %arg14: memref<2x80x16xf32, #tpu.memory_space<vmem>>, %arg15: memref<2x80x16xf32, #tpu.memory_space<vmem>>, %arg16: memref<2x80x128xbf16, #tpu.memory_space<vmem>>, %arg17: memref<2x80x128xf32, #tpu.memory_space<vmem>>, %arg18: memref<2x!tpu.dma_semaphore, #tpu.memory_space<semaphore_mem>>, %arg19: memref<2x!tpu.dma_semaphore, #tpu.memory_space<semaphore_mem>>, %arg20: memref<2x!tpu.dma_semaphore, #tpu.memory_space<semaphore_mem>>, %arg21: memref<2x!tpu.dma_semaphore, #tpu.memory_space<semaphore_mem>>, %arg22: memref<3x!tpu.dma_semaphore, #tpu.memory_space<semaphore_mem>>, %arg23: memref<3x!tpu.dma_semaphore, #tpu.memory_space<semaphore_mem>>) attributes {dimension_semantics = [#tpu.dimension_semantics<core_parallel>, #tpu.dimension_semantics<subcore_parallel>], iteration_bounds = array<i64: 2, 16>, scalar_prefetch = 0 : i64, scratch_operands = 15 : i64, tpu.core_type = #tpu.core_type<sc_vector_subcore>, window_params = [{transform_indices = #map}, {transform_indices = #map}, {transform_indices = #map}, {transform_indices = #map1}, {transform_indices = #map1}, {transform_indices = #map}, {transform_indices = #map}]} {
    %mul3A = arith.constant 16 : i32
    %mul3A_0 = arith.muli %arg0, %mul3A : i32
    %add3A = arith.addi %mul3A_0, %arg1 : i32
    %scan3A = arith.constant 0 : i32
    %scan3A_1 = arith.constant 0 : i32
    %scan3A_2 = arith.constant 80 : i32
    %scan3A_3 = arith.addi %scan3A_1, %scan3A_2 : i32
    %scan3A_4 = arith.constant 1 : i32
    %scan3A_5 = scf.for %scan3A_250 = %scan3A_1 to %scan3A_3 step %scan3A_4 iter_args(%scan3A_251 = %scan3A) -> (i32)  : i32 {
      %broadcast_in_dim3A = arith.constant 0.000000e+00 : f32
      %broadcast_in_dim3A_252 = vector.broadcast %broadcast_in_dim3A : f32 to vector<16xf32>
      %swap3A = arith.constant 0 : i32
      %swap3A_253 = arith.index_cast %swap3A : i32 to index
      %swap3A_254 = arith.index_cast %scan3A_250 : i32 to index
      %swap3A_255 = arith.constant 0 : index
      %swap3A_256 = tpu.vector_load %arg17[%swap3A_253, %swap3A_254, %swap3A_255] {strides = array<i32>} : memref<2x80x128xf32, #tpu.memory_space<vmem>>, vector<16xf32>,
      tpu.vector_store %arg17[%swap3A_253, %swap3A_254, %swap3A_255], %broadcast_in_dim3A_252 {strides = array<i32>} : memref<2x80x128xf32, #tpu.memory_space<vmem>>, vector<16xf32>,
      %broadcast_in_dim3A_257 = arith.constant 0.000000e+00 : f32
      %broadcast_in_dim3A_258 = vector.broadcast %broadcast_in_dim3A_257 : f32 to vector<16xf32>
      %swap3A_259 = arith.constant 1 : i32
      %swap3A_260 = arith.index_cast %swap3A_259 : i32 to index
      %swap3A_261 = arith.index_cast %scan3A_250 : i32 to index
      %swap3A_262 = arith.constant 0 : index
      %swap3A_263 = tpu.vector_load %arg17[%swap3A_260, %swap3A_261, %swap3A_262] {strides = array<i32>} : memref<2x80x128xf32, #tpu.memory_space<vmem>>, vector<16xf32>,
      tpu.vector_store %arg17[%swap3A_260, %swap3A_261, %swap3A_262], %broadcast_in_dim3A_258 {strides = array<i32>} : memref<2x80x128xf32, #tpu.memory_space<vmem>>, vector<16xf32>,
      %broadcast_in_dim3A_264 = arith.constant 0.000000e+00 : f32
      %broadcast_in_dim3A_265 = vector.broadcast %broadcast_in_dim3A_264 : f32 to vector<16xf32>
      %swap3A_266 = arith.constant 0 : i32
      %swap3A_267 = arith.index_cast %swap3A_266 : i32 to index
      %swap3A_268 = arith.index_cast %scan3A_250 : i32 to index
      %swap3A_269 = arith.constant 16 : index
      %swap3A_270 = tpu.vector_load %arg17[%swap3A_267, %swap3A_268, %swap3A_269] {strides = array<i32>} : memref<2x80x128xf32, #tpu.memory_space<vmem>>, vector<16xf32>,
      tpu.vector_store %arg17[%swap3A_267, %swap3A_268, %swap3A_269], %broadcast_in_dim3A_265 {strides = array<i32>} : memref<2x80x128xf32, #tpu.memory_space<vmem>>, vector<16xf32>,
      %broadcast_in_dim3A_271 = arith.constant 0.000000e+00 : f32
      %broadcast_in_dim3A_272 = vector.broadcast %broadcast_in_dim3A_271 : f32 to vector<16xf32>
      %swap3A_273 = arith.constant 1 : i32
      %swap3A_274 = arith.index_cast %swap3A_273 : i32 to index
      %swap3A_275 = arith.index_cast %scan3A_250 : i32 to index
      %swap3A_276 = arith.constant 16 : index
      %swap3A_277 = tpu.vector_load %arg17[%swap3A_274, %swap3A_275, %swap3A_276] {strides = array<i32>} : memref<2x80x128xf32, #tpu.memory_space<vmem>>, vector<16xf32>,
      tpu.vector_store %arg17[%swap3A_274, %swap3A_275, %swap3A_276], %broadcast_in_dim3A_272 {strides = array<i32>} : memref<2x80x128xf32, #tpu.memory_space<vmem>>, vector<16xf32>,
      %broadcast_in_dim3A_278 = arith.constant 0.000000e+00 : f32
      %broadcast_in_dim3A_279 = vector.broadcast %broadcast_in_dim3A_278 : f32 to vector<16xf32>
      %swap3A_280 = arith.constant 0 : i32
      %swap3A_281 = arith.index_cast %swap3A_280 : i32 to index
      %swap3A_282 = arith.index_cast %scan3A_250 : i32 to index
      %swap3A_283 = arith.constant 32 : index
      %swap3A_284 = tpu.vector_load %arg17[%swap3A_281, %swap3A_282, %swap3A_283] {strides = array<i32>} : memref<2x80x128xf32, #tpu.memory_space<vmem>>, vector<16xf32>,
      tpu.vector_store %arg17[%swap3A_281, %swap3A_282, %swap3A_283], %broadcast_in_dim3A_279 {strides = array<i32>} : memref<2x80x128xf32, #tpu.memory_space<vmem>>, vector<16xf32>,
      %broadcast_in_dim3A_285 = arith.constant 0.000000e+00 : f32
      %broadcast_in_dim3A_286 = vector.broadcast %broadcast_in_dim3A_285 : f32 to vector<16xf32>
      %swap3A_287 = arith.constant 1 : i32
      %swap3A_288 = arith.index_cast %swap3A_287 : i32 to index
      %swap3A_289 = arith.index_cast %scan3A_250 : i32 to index
      %swap3A_290 = arith.constant 32 : index
      %swap3A_291 = tpu.vector_load %arg17[%swap3A_288, %swap3A_289, %swap3A_290] {strides = array<i32>} : memref<2x80x128xf32, #tpu.memory_space<vmem>>, vector<16xf32>,
      tpu.vector_store %arg17[%swap3A_288, %swap3A_289, %swap3A_290], %broadcast_in_dim3A_286 {strides = array<i32>} : memref<2x80x128xf32, #tpu.memory_space<vmem>>, vector<16xf32>,
      %broadcast_in_dim3A_292 = arith.constant 0.000000e+00 : f32
      %broadcast_in_dim3A_293 = vector.broadcast %broadcast_in_dim3A_292 : f32 to vector<16xf32>
      %swap3A_294 = arith.constant 0 : i32
      %swap3A_295 = arith.index_cast %swap3A_294 : i32 to index
      %swap3A_296 = arith.index_cast %scan3A_250 : i32 to index
      %swap3A_297 = arith.constant 48 : index
      %swap3A_298 = tpu.vector_load %arg17[%swap3A_295, %swap3A_296, %swap3A_297] {strides = array<i32>} : memref<2x80x128xf32, #tpu.memory_space<vmem>>, vector<16xf32>,
      tpu.vector_store %arg17[%swap3A_295, %swap3A_296, %swap3A_297], %broadcast_in_dim3A_293 {strides = array<i32>} : memref<2x80x128xf32, #tpu.memory_space<vmem>>, vector<16xf32>,
      %broadcast_in_dim3A_299 = arith.constant 0.000000e+00 : f32
      %broadcast_in_dim3A_300 = vector.broadcast %broadcast_in_dim3A_299 : f32 to vector<16xf32>
      %swap3A_301 = arith.constant 1 : i32
      %swap3A_302 = arith.index_cast %swap3A_301 : i32 to index
      %swap3A_303 = arith.index_cast %scan3A_250 : i32 to index
      %swap3A_304 = arith.constant 48 : index
      %swap3A_305 = tpu.vector_load %arg17[%swap3A_302, %swap3A_303, %swap3A_304] {strides = array<i32>} : memref<2x80x128xf32, #tpu.memory_space<vmem>>, vector<16xf32>,
      tpu.vector_store %arg17[%swap3A_302, %swap3A_303, %swap3A_304], %broadcast_in_dim3A_300 {strides = array<i32>} : memref<2x80x128xf32, #tpu.memory_space<vmem>>, vector<16xf32>,
      %broadcast_in_dim3A_306 = arith.constant 0.000000e+00 : f32
      %broadcast_in_dim3A_307 = vector.broadcast %broadcast_in_dim3A_306 : f32 to vector<16xf32>
      %swap3A_308 = arith.constant 0 : i32
      %swap3A_309 = arith.index_cast %swap3A_308 : i32 to index
      %swap3A_310 = arith.index_cast %scan3A_250 : i32 to index
      %swap3A_311 = arith.constant 64 : index
      %swap3A_312 = tpu.vector_load %arg17[%swap3A_309, %swap3A_310, %swap3A_311] {strides = array<i32>} : memref<2x80x128xf32, #tpu.memory_space<vmem>>, vector<16xf32>,
      tpu.vector_store %arg17[%swap3A_309, %swap3A_310, %swap3A_311], %broadcast_in_dim3A_307 {strides = array<i32>} : memref<2x80x128xf32, #tpu.memory_space<vmem>>, vector<16xf32>,
      %broadcast_in_dim3A_313 = arith.constant 0.000000e+00 : f32
      %broadcast_in_dim3A_314 = vector.broadcast %broadcast_in_dim3A_313 : f32 to vector<16xf32>
      %swap3A_315 = arith.constant 1 : i32
      %swap3A_316 = arith.index_cast %swap3A_315 : i32 to index
      %swap3A_317 = arith.index_cast %scan3A_250 : i32 to index
      %swap3A_318 = arith.constant 64 : index
      %swap3A_319 = tpu.vector_load %arg17[%swap3A_316, %swap3A_317, %swap3A_318] {strides = array<i32>} : memref<2x80x128xf32, #tpu.memory_space<vmem>>, vector<16xf32>,
      tpu.vector_store %arg17[%swap3A_316, %swap3A_317, %swap3A_318], %broadcast_in_dim3A_314 {strides = array<i32>} : memref<2x80x128xf32, #tpu.memory_space<vmem>>, vector<16xf32>,
      %broadcast_in_dim3A_320 = arith.constant 0.000000e+00 : f32
      %broadcast_in_dim3A_321 = vector.broadcast %broadcast_in_dim3A_320 : f32 to vector<16xf32>
      %swap3A_322 = arith.constant 0 : i32
      %swap3A_323 = arith.index_cast %swap3A_322 : i32 to index
      %swap3A_324 = arith.index_cast %scan3A_250 : i32 to index
      %swap3A_325 = arith.constant 80 : index
      %swap3A_326 = tpu.vector_load %arg17[%swap3A_323, %swap3A_324, %swap3A_325] {strides = array<i32>} : memref<2x80x128xf32, #tpu.memory_space<vmem>>, vector<16xf32>,
      tpu.vector_store %arg17[%swap3A_323, %swap3A_324, %swap3A_325], %broadcast_in_dim3A_321 {strides = array<i32>} : memref<2x80x128xf32, #tpu.memory_space<vmem>>, vector<16xf32>,
      %broadcast_in_dim3A_327 = arith.constant 0.000000e+00 : f32
      %broadcast_in_dim3A_328 = vector.broadcast %broadcast_in_dim3A_327 : f32 to vector<16xf32>
      %swap3A_329 = arith.constant 1 : i32
      %swap3A_330 = arith.index_cast %swap3A_329 : i32 to index
      %swap3A_331 = arith.index_cast %scan3A_250 : i32 to index
      %swap3A_332 = arith.constant 80 : index
      %swap3A_333 = tpu.vector_load %arg17[%swap3A_330, %swap3A_331, %swap3A_332] {strides = array<i32>} : memref<2x80x128xf32, #tpu.memory_space<vmem>>, vector<16xf32>,
      tpu.vector_store %arg17[%swap3A_330, %swap3A_331, %swap3A_332], %broadcast_in_dim3A_328 {strides = array<i32>} : memref<2x80x128xf32, #tpu.memory_space<vmem>>, vector<16xf32>,
      %broadcast_in_dim3A_334 = arith.constant 0.000000e+00 : f32
      %broadcast_in_dim3A_335 = vector.broadcast %broadcast_in_dim3A_334 : f32 to vector<16xf32>
      %swap3A_336 = arith.constant 0 : i32
      %swap3A_337 = arith.index_cast %swap3A_336 : i32 to index
      %swap3A_338 = arith.index_cast %scan3A_250 : i32 to index
      %swap3A_339 = arith.constant 96 : index
      %swap3A_340 = tpu.vector_load %arg17[%swap3A_337, %swap3A_338, %swap3A_339] {strides = array<i32>} : memref<2x80x128xf32, #tpu.memory_space<vmem>>, vector<16xf32>,
      tpu.vector_store %arg17[%swap3A_337, %swap3A_338, %swap3A_339], %broadcast_in_dim3A_335 {strides = array<i32>} : memref<2x80x128xf32, #tpu.memory_space<vmem>>, vector<16xf32>,
      %broadcast_in_dim3A_341 = arith.constant 0.000000e+00 : f32
      %broadcast_in_dim3A_342 = vector.broadcast %broadcast_in_dim3A_341 : f32 to vector<16xf32>
      %swap3A_343 = arith.constant 1 : i32
      %swap3A_344 = arith.index_cast %swap3A_343 : i32 to index
      %swap3A_345 = arith.index_cast %scan3A_250 : i32 to index
      %swap3A_346 = arith.constant 96 : index
      %swap3A_347 = tpu.vector_load %arg17[%swap3A_344, %swap3A_345, %swap3A_346] {strides = array<i32>} : memref<2x80x128xf32, #tpu.memory_space<vmem>>, vector<16xf32>,
      tpu.vector_store %arg17[%swap3A_344, %swap3A_345, %swap3A_346], %broadcast_in_dim3A_342 {strides = array<i32>} : memref<2x80x128xf32, #tpu.memory_space<vmem>>, vector<16xf32>,
      %broadcast_in_dim3A_348 = arith.constant 0.000000e+00 : f32
      %broadcast_in_dim3A_349 = vector.broadcast %broadcast_in_dim3A_348 : f32 to vector<16xf32>
      %swap3A_350 = arith.constant 0 : i32
      %swap3A_351 = arith.index_cast %swap3A_350 : i32 to index
      %swap3A_352 = arith.index_cast %scan3A_250 : i32 to index
      %swap3A_353 = arith.constant 112 : index
      %swap3A_354 = tpu.vector_load %arg17[%swap3A_351, %swap3A_352, %swap3A_353] {strides = array<i32>} : memref<2x80x128xf32, #tpu.memory_space<vmem>>, vector<16xf32>,
      tpu.vector_store %arg17[%swap3A_351, %swap3A_352, %swap3A_353], %broadcast_in_dim3A_349 {strides = array<i32>} : memref<2x80x128xf32, #tpu.memory_space<vmem>>, vector<16xf32>,
      %broadcast_in_dim3A_355 = arith.constant 0.000000e+00 : f32
      %broadcast_in_dim3A_356 = vector.broadcast %broadcast_in_dim3A_355 : f32 to vector<16xf32>
      %swap3A_357 = arith.constant 1 : i32
      %swap3A_358 = arith.index_cast %swap3A_357 : i32 to index
      %swap3A_359 = arith.index_cast %scan3A_250 : i32 to index
      %swap3A_360 = arith.constant 112 : index
      %swap3A_361 = tpu.vector_load %arg17[%swap3A_358, %swap3A_359, %swap3A_360] {strides = array<i32>} : memref<2x80x128xf32, #tpu.memory_space<vmem>>, vector<16xf32>,
      tpu.vector_store %arg17[%swap3A_358, %swap3A_359, %swap3A_360], %broadcast_in_dim3A_356 {strides = array<i32>} : memref<2x80x128xf32, #tpu.memory_space<vmem>>, vector<16xf32>,
      %broadcast_in_dim3A_362 = arith.constant 0.000000e+00 : f32
      %broadcast_in_dim3A_363 = vector.broadcast %broadcast_in_dim3A_362 : f32 to vector<16xf32>
      %swap3A_364 = arith.constant 0 : i32
      %swap3A_365 = arith.index_cast %swap3A_364 : i32 to index
      %swap3A_366 = arith.index_cast %scan3A_250 : i32 to index
      %swap3A_367 = arith.constant 0 : index
      %swap3A_368 = tpu.vector_load %arg15[%swap3A_365, %swap3A_366, %swap3A_367] {strides = array<i32>} : memref<2x80x16xf32, #tpu.memory_space<vmem>>, vector<16xf32>,
      tpu.vector_store %arg15[%swap3A_365, %swap3A_366, %swap3A_367], %broadcast_in_dim3A_363 {strides = array<i32>} : memref<2x80x16xf32, #tpu.memory_space<vmem>>, vector<16xf32>,
      %broadcast_in_dim3A_369 = arith.constant 0.000000e+00 : f32
      %broadcast_in_dim3A_370 = vector.broadcast %broadcast_in_dim3A_369 : f32 to vector<16xf32>
      %swap3A_371 = arith.constant 1 : i32
      %swap3A_372 = arith.index_cast %swap3A_371 : i32 to index
      %swap3A_373 = arith.index_cast %scan3A_250 : i32 to index
      %swap3A_374 = arith.constant 0 : index
      %swap3A_375 = tpu.vector_load %arg15[%swap3A_372, %swap3A_373, %swap3A_374] {strides = array<i32>} : memref<2x80x16xf32, #tpu.memory_space<vmem>>, vector<16xf32>,
      tpu.vector_store %arg15[%swap3A_372, %swap3A_373, %swap3A_374], %broadcast_in_dim3A_370 {strides = array<i32>} : memref<2x80x16xf32, #tpu.memory_space<vmem>>, vector<16xf32>,
      %scan3A_376 = arith.constant 0 : i32
      scf.yield %scan3A_376 : i32
    }
    %scan3A_6 = arith.constant 80 : i32
    %mul3A_7 = arith.constant 7 : i32
    %mul3A_8 = arith.muli %arg1, %mul3A_7 : i32
    %min3A = arith.constant 13 : i32
    %min3A_9 = arith.minsi %arg1, %min3A : i32
    %add3A_10 = arith.addi %mul3A_8, %min3A_9 : i32
    %lt3A = arith.constant 13 : i32
    %lt3A_11 = arith.cmpi slt, %arg1, %lt3A : i32
    %convert_element_type3A = arith.extui %lt3A_11 : i1 to i32
    %add3A_12 = arith.constant 7 : i32
    %add3A_13 = arith.addi %add3A_12, %convert_element_type3A : i32
    %while3A = arith.constant 0 : i32
    %while3A_14 = arith.constant 0 : i32
    %while3A_15 = arith.subi %add3A_13, %while3A : i32
    %while3A_16 = arith.addi %while3A, %while3A_15 : i32
    %while3A_17 = arith.constant 1 : i32
    %while3A_18 = arith.divsi %while3A_15, %while3A_17 : i32
    %while3A_19 = arith.muli %while3A_18, %while3A_17 : i32
    %while3A_20 = arith.addi %while3A, %while3A_19 : i32
    %while3A_21 = arith.constant 1 : i32
    %while3A_22 = scf.for %while3A_250 = %while3A to %while3A_20 step %while3A_21 iter_args(%while3A_251 = %while3A_14) -> (i32)  : i32 {
      %add3A_252 = arith.addi %add3A_10, %while3A_250 : i32
      %mul3A_253 = arith.constant 80 : i32
      %mul3A_254 = arith.muli %add3A_252, %mul3A_253 : i32
      %run_scoped3A_255 = arith.constant 0 : i32
      "tpu.region"() ({
        %run_scoped3A_260 = tpu.sem_alloc : memref<!tpu.dma_semaphore, #tpu.memory_space<semaphore_mem>>
        %dma_start3A_261 = arith.constant 0 : i32
        %dma_start3A_262 = arith.constant 0 : i32
        %dma_start3A_263 = tpu.memref_slice %arg17[%run_scoped3A_255, %dma_start3A_261, %dma_start3A_262] : memref<2x80x128xf32, #tpu.memory_space<vmem>> -> memref<1x80x128xf32, #tpu.memory_space<vmem>>
        %dma_start3A_264 = tpu.memref_squeeze %dma_start3A_263 : memref<1x80x128xf32, #tpu.memory_space<vmem>> -> memref<80x128xf32, #tpu.memory_space<vmem>>
        %dma_start3A_265 = arith.constant 0 : i32
        %dma_start3A_266 = tpu.memref_slice %arg9[%mul3A_254, %dma_start3A_265] : memref<10000x128xf32, #tpu.memory_space<vmem_shared>> -> memref<80x128xf32, #tpu.memory_space<vmem_shared>>
        %dma_start3A_267 = arith.constant 0 : i32
        %dma_start3A_268 = tpu.memref_slice %arg9[%mul3A_254, %dma_start3A_267] : memref<10000x128xf32, #tpu.memory_space<vmem_shared>> -> memref<80x128xf32, #tpu.memory_space<vmem_shared>>
        %dma_start3A_269 = arith.constant 0 : i32
        %dma_start3A_270 = arith.constant 0 : i32
        %dma_start3A_271 = tpu.memref_slice %arg17[%run_scoped3A_255, %dma_start3A_269, %dma_start3A_270] : memref<2x80x128xf32, #tpu.memory_space<vmem>> -> memref<1x80x128xf32, #tpu.memory_space<vmem>>
        %dma_start3A_272 = tpu.memref_squeeze %dma_start3A_271 : memref<1x80x128xf32, #tpu.memory_space<vmem>> -> memref<80x128xf32, #tpu.memory_space<vmem>>
        tpu.enqueue_dma source(%dma_start3A_272 : memref<80x128xf32, #tpu.memory_space<vmem>>) target(%dma_start3A_268 : memref<80x128xf32, #tpu.memory_space<vmem_shared>>) target_semaphore(%run_scoped3A_260 : memref<!tpu.dma_semaphore, #tpu.memory_space<semaphore_mem>>)
        %dma_wait3A_273 = arith.constant 0 : i32
        %dma_wait3A_274 = arith.constant 0 : i32
        %dma_wait3A_275 = tpu.memref_slice %arg17[%run_scoped3A_255, %dma_wait3A_273, %dma_wait3A_274] : memref<2x80x128xf32, #tpu.memory_space<vmem>> -> memref<1x80x128xf32, #tpu.memory_space<vmem>>
        %dma_wait3A_276 = tpu.memref_squeeze %dma_wait3A_275 : memref<1x80x128xf32, #tpu.memory_space<vmem>> -> memref<80x128xf32, #tpu.memory_space<vmem>>
        %dma_wait3A_277 = arith.constant 0 : i32
        %dma_wait3A_278 = tpu.memref_slice %arg9[%mul3A_254, %dma_wait3A_277] : memref<10000x128xf32, #tpu.memory_space<vmem_shared>> -> memref<80x128xf32, #tpu.memory_space<vmem_shared>>
        %dma_wait3A_279 = arith.constant 0 : i32
        %dma_wait3A_280 = tpu.memref_slice %arg9[%mul3A_254, %dma_wait3A_279] : memref<10000x128xf32, #tpu.memory_space<vmem_shared>> -> memref<80x128xf32, #tpu.memory_space<vmem_shared>>
        %dma_wait3A_281 = arith.constant 0 : i32
        %dma_wait3A_282 = arith.constant 0 : i32
        %dma_wait3A_283 = tpu.memref_slice %arg17[%run_scoped3A_255, %dma_wait3A_281, %dma_wait3A_282] : memref<2x80x128xf32, #tpu.memory_space<vmem>> -> memref<1x80x128xf32, #tpu.memory_space<vmem>>
        %dma_wait3A_284 = tpu.memref_squeeze %dma_wait3A_283 : memref<1x80x128xf32, #tpu.memory_space<vmem>> -> memref<80x128xf32, #tpu.memory_space<vmem>>
        tpu.wait_dma2 semaphore(%run_scoped3A_260 : memref<!tpu.dma_semaphore, #tpu.memory_space<semaphore_mem>>) src(%dma_wait3A_284 : memref<80x128xf32, #tpu.memory_space<vmem>>) dst(%dma_wait3A_280 : memref<80x128xf32, #tpu.memory_space<vmem_shared>>)
        tpu.yield
      }) : () -> ()
      %mul3A_256 = arith.constant 80 : i32
      %mul3A_257 = arith.muli %add3A_252, %mul3A_256 : i32
      %run_scoped3A_258 = arith.constant 0 : i32
      "tpu.region"() ({
        %run_scoped3A_260 = tpu.sem_alloc : memref<!tpu.dma_semaphore, #tpu.memory_space<semaphore_mem>>
        %dma_start3A_261 = arith.constant 0 : i32
        %dma_start3A_262 = arith.constant 0 : i32
        %dma_start3A_263 = tpu.memref_slice %arg15[%run_scoped3A_258, %dma_start3A_261, %dma_start3A_262] : memref<2x80x16xf32, #tpu.memory_space<vmem>> -> memref<1x80x16xf32, #tpu.memory_space<vmem>>
        %dma_start3A_264 = tpu.memref_squeeze %dma_start3A_263 : memref<1x80x16xf32, #tpu.memory_space<vmem>> -> memref<80x16xf32, #tpu.memory_space<vmem>>
        %dma_start3A_265 = arith.constant 0 : i32
        %dma_start3A_266 = tpu.memref_slice %arg10[%mul3A_257, %dma_start3A_265] : memref<10000x16xf32, #tpu.memory_space<vmem_shared>> -> memref<80x16xf32, #tpu.memory_space<vmem_shared>>
        %dma_start3A_267 = arith.constant 0 : i32
        %dma_start3A_268 = tpu.memref_slice %arg10[%mul3A_257, %dma_start3A_267] : memref<10000x16xf32, #tpu.memory_space<vmem_shared>> -> memref<80x16xf32, #tpu.memory_space<vmem_shared>>
        %dma_start3A_269 = arith.constant 0 : i32
        %dma_start3A_270 = arith.constant 0 : i32
        %dma_start3A_271 = tpu.memref_slice %arg15[%run_scoped3A_258, %dma_start3A_269, %dma_start3A_270] : memref<2x80x16xf32, #tpu.memory_space<vmem>> -> memref<1x80x16xf32, #tpu.memory_space<vmem>>
        %dma_start3A_272 = tpu.memref_squeeze %dma_start3A_271 : memref<1x80x16xf32, #tpu.memory_space<vmem>> -> memref<80x16xf32, #tpu.memory_space<vmem>>
        tpu.enqueue_dma source(%dma_start3A_272 : memref<80x16xf32, #tpu.memory_space<vmem>>) target(%dma_start3A_268 : memref<80x16xf32, #tpu.memory_space<vmem_shared>>) target_semaphore(%run_scoped3A_260 : memref<!tpu.dma_semaphore, #tpu.memory_space<semaphore_mem>>)
        %dma_wait3A_273 = arith.constant 0 : i32
        %dma_wait3A_274 = arith.constant 0 : i32
        %dma_wait3A_275 = tpu.memref_slice %arg15[%run_scoped3A_258, %dma_wait3A_273, %dma_wait3A_274] : memref<2x80x16xf32, #tpu.memory_space<vmem>> -> memref<1x80x16xf32, #tpu.memory_space<vmem>>
        %dma_wait3A_276 = tpu.memref_squeeze %dma_wait3A_275 : memref<1x80x16xf32, #tpu.memory_space<vmem>> -> memref<80x16xf32, #tpu.memory_space<vmem>>
        %dma_wait3A_277 = arith.constant 0 : i32
        %dma_wait3A_278 = tpu.memref_slice %arg10[%mul3A_257, %dma_wait3A_277] : memref<10000x16xf32, #tpu.memory_space<vmem_shared>> -> memref<80x16xf32, #tpu.memory_space<vmem_shared>>
        %dma_wait3A_279 = arith.constant 0 : i32
        %dma_wait3A_280 = tpu.memref_slice %arg10[%mul3A_257, %dma_wait3A_279] : memref<10000x16xf32, #tpu.memory_space<vmem_shared>> -> memref<80x16xf32, #tpu.memory_space<vmem_shared>>
        %dma_wait3A_281 = arith.constant 0 : i32
        %dma_wait3A_282 = arith.constant 0 : i32
        %dma_wait3A_283 = tpu.memref_slice %arg15[%run_scoped3A_258, %dma_wait3A_281, %dma_wait3A_282] : memref<2x80x16xf32, #tpu.memory_space<vmem>> -> memref<1x80x16xf32, #tpu.memory_space<vmem>>
        %dma_wait3A_284 = tpu.memref_squeeze %dma_wait3A_283 : memref<1x80x16xf32, #tpu.memory_space<vmem>> -> memref<80x16xf32, #tpu.memory_space<vmem>>
        tpu.wait_dma2 semaphore(%run_scoped3A_260 : memref<!tpu.dma_semaphore, #tpu.memory_space<semaphore_mem>>) src(%dma_wait3A_284 : memref<80x16xf32, #tpu.memory_space<vmem>>) dst(%dma_wait3A_280 : memref<80x16xf32, #tpu.memory_space<vmem_shared>>)
        tpu.yield
      }) : () -> ()
      %while3A_259 = arith.constant 0 : i32
      scf.yield %while3A_259 : i32
    }
    %while3A_23 = arith.constant 1 : i32
    %while3A_24 = scf.for %while3A_250 = %while3A_20 to %while3A_16 step %while3A_23 iter_args(%while3A_251 = %while3A_22) -> (i32)  : i32 {
      %add3A_252 = arith.addi %add3A_10, %while3A_250 : i32
      %mul3A_253 = arith.constant 80 : i32
      %mul3A_254 = arith.muli %add3A_252, %mul3A_253 : i32
      %run_scoped3A_255 = arith.constant 0 : i32
      "tpu.region"() ({
        %run_scoped3A_260 = tpu.sem_alloc : memref<!tpu.dma_semaphore, #tpu.memory_space<semaphore_mem>>
        %dma_start3A_261 = arith.constant 0 : i32
        %dma_start3A_262 = arith.constant 0 : i32
        %dma_start3A_263 = tpu.memref_slice %arg17[%run_scoped3A_255, %dma_start3A_261, %dma_start3A_262] : memref<2x80x128xf32, #tpu.memory_space<vmem>> -> memref<1x80x128xf32, #tpu.memory_space<vmem>>
        %dma_start3A_264 = tpu.memref_squeeze %dma_start3A_263 : memref<1x80x128xf32, #tpu.memory_space<vmem>> -> memref<80x128xf32, #tpu.memory_space<vmem>>
        %dma_start3A_265 = arith.constant 0 : i32
        %dma_start3A_266 = tpu.memref_slice %arg9[%mul3A_254, %dma_start3A_265] : memref<10000x128xf32, #tpu.memory_space<vmem_shared>> -> memref<80x128xf32, #tpu.memory_space<vmem_shared>>
        %dma_start3A_267 = arith.constant 0 : i32
        %dma_start3A_268 = tpu.memref_slice %arg9[%mul3A_254, %dma_start3A_267] : memref<10000x128xf32, #tpu.memory_space<vmem_shared>> -> memref<80x128xf32, #tpu.memory_space<vmem_shared>>
        %dma_start3A_269 = arith.constant 0 : i32
        %dma_start3A_270 = arith.constant 0 : i32
        %dma_start3A_271 = tpu.memref_slice %arg17[%run_scoped3A_255, %dma_start3A_269, %dma_start3A_270] : memref<2x80x128xf32, #tpu.memory_space<vmem>> -> memref<1x80x128xf32, #tpu.memory_space<vmem>>
        %dma_start3A_272 = tpu.memref_squeeze %dma_start3A_271 : memref<1x80x128xf32, #tpu.memory_space<vmem>> -> memref<80x128xf32, #tpu.memory_space<vmem>>
        tpu.enqueue_dma source(%dma_start3A_272 : memref<80x128xf32, #tpu.memory_space<vmem>>) target(%dma_start3A_268 : memref<80x128xf32, #tpu.memory_space<vmem_shared>>) target_semaphore(%run_scoped3A_260 : memref<!tpu.dma_semaphore, #tpu.memory_space<semaphore_mem>>)
        %dma_wait3A_273 = arith.constant 0 : i32
        %dma_wait3A_274 = arith.constant 0 : i32
        %dma_wait3A_275 = tpu.memref_slice %arg17[%run_scoped3A_255, %dma_wait3A_273, %dma_wait3A_274] : memref<2x80x128xf32, #tpu.memory_space<vmem>> -> memref<1x80x128xf32, #tpu.memory_space<vmem>>
        %dma_wait3A_276 = tpu.memref_squeeze %dma_wait3A_275 : memref<1x80x128xf32, #tpu.memory_space<vmem>> -> memref<80x128xf32, #tpu.memory_space<vmem>>
        %dma_wait3A_277 = arith.constant 0 : i32
        %dma_wait3A_278 = tpu.memref_slice %arg9[%mul3A_254, %dma_wait3A_277] : memref<10000x128xf32, #tpu.memory_space<vmem_shared>> -> memref<80x128xf32, #tpu.memory_space<vmem_shared>>
        %dma_wait3A_279 = arith.constant 0 : i32
        %dma_wait3A_280 = tpu.memref_slice %arg9[%mul3A_254, %dma_wait3A_279] : memref<10000x128xf32, #tpu.memory_space<vmem_shared>> -> memref<80x128xf32, #tpu.memory_space<vmem_shared>>
        %dma_wait3A_281 = arith.constant 0 : i32
        %dma_wait3A_282 = arith.constant 0 : i32
        %dma_wait3A_283 = tpu.memref_slice %arg17[%run_scoped3A_255, %dma_wait3A_281, %dma_wait3A_282] : memref<2x80x128xf32, #tpu.memory_space<vmem>> -> memref<1x80x128xf32, #tpu.memory_space<vmem>>
        %dma_wait3A_284 = tpu.memref_squeeze %dma_wait3A_283 : memref<1x80x128xf32, #tpu.memory_space<vmem>> -> memref<80x128xf32, #tpu.memory_space<vmem>>
        tpu.wait_dma2 semaphore(%run_scoped3A_260 : memref<!tpu.dma_semaphore, #tpu.memory_space<semaphore_mem>>) src(%dma_wait3A_284 : memref<80x128xf32, #tpu.memory_space<vmem>>) dst(%dma_wait3A_280 : memref<80x128xf32, #tpu.memory_space<vmem_shared>>)
        tpu.yield
      }) : () -> ()
      %mul3A_256 = arith.constant 80 : i32
      %mul3A_257 = arith.muli %add3A_252, %mul3A_256 : i32
      %run_scoped3A_258 = arith.constant 0 : i32
      "tpu.region"() ({
        %run_scoped3A_260 = tpu.sem_alloc : memref<!tpu.dma_semaphore, #tpu.memory_space<semaphore_mem>>
        %dma_start3A_261 = arith.constant 0 : i32
        %dma_start3A_262 = arith.constant 0 : i32
        %dma_start3A_263 = tpu.memref_slice %arg15[%run_scoped3A_258, %dma_start3A_261, %dma_start3A_262] : memref<2x80x16xf32, #tpu.memory_space<vmem>> -> memref<1x80x16xf32, #tpu.memory_space<vmem>>
        %dma_start3A_264 = tpu.memref_squeeze %dma_start3A_263 : memref<1x80x16xf32, #tpu.memory_space<vmem>> -> memref<80x16xf32, #tpu.memory_space<vmem>>
        %dma_start3A_265 = arith.constant 0 : i32
        %dma_start3A_266 = tpu.memref_slice %arg10[%mul3A_257, %dma_start3A_265] : memref<10000x16xf32, #tpu.memory_space<vmem_shared>> -> memref<80x16xf32, #tpu.memory_space<vmem_shared>>
        %dma_start3A_267 = arith.constant 0 : i32
        %dma_start3A_268 = tpu.memref_slice %arg10[%mul3A_257, %dma_start3A_267] : memref<10000x16xf32, #tpu.memory_space<vmem_shared>> -> memref<80x16xf32, #tpu.memory_space<vmem_shared>>
        %dma_start3A_269 = arith.constant 0 : i32
        %dma_start3A_270 = arith.constant 0 : i32
        %dma_start3A_271 = tpu.memref_slice %arg15[%run_scoped3A_258, %dma_start3A_269, %dma_start3A_270] : memref<2x80x16xf32, #tpu.memory_space<vmem>> -> memref<1x80x16xf32, #tpu.memory_space<vmem>>
        %dma_start3A_272 = tpu.memref_squeeze %dma_start3A_271 : memref<1x80x16xf32, #tpu.memory_space<vmem>> -> memref<80x16xf32, #tpu.memory_space<vmem>>
        tpu.enqueue_dma source(%dma_start3A_272 : memref<80x16xf32, #tpu.memory_space<vmem>>) target(%dma_start3A_268 : memref<80x16xf32, #tpu.memory_space<vmem_shared>>) target_semaphore(%run_scoped3A_260 : memref<!tpu.dma_semaphore, #tpu.memory_space<semaphore_mem>>)
        %dma_wait3A_273 = arith.constant 0 : i32
        %dma_wait3A_274 = arith.constant 0 : i32
        %dma_wait3A_275 = tpu.memref_slice %arg15[%run_scoped3A_258, %dma_wait3A_273, %dma_wait3A_274] : memref<2x80x16xf32, #tpu.memory_space<vmem>> -> memref<1x80x16xf32, #tpu.memory_space<vmem>>
        %dma_wait3A_276 = tpu.memref_squeeze %dma_wait3A_275 : memref<1x80x16xf32, #tpu.memory_space<vmem>> -> memref<80x16xf32, #tpu.memory_space<vmem>>
        %dma_wait3A_277 = arith.constant 0 : i32
        %dma_wait3A_278 = tpu.memref_slice %arg10[%mul3A_257, %dma_wait3A_277] : memref<10000x16xf32, #tpu.memory_space<vmem_shared>> -> memref<80x16xf32, #tpu.memory_space<vmem_shared>>
        %dma_wait3A_279 = arith.constant 0 : i32
        %dma_wait3A_280 = tpu.memref_slice %arg10[%mul3A_257, %dma_wait3A_279] : memref<10000x16xf32, #tpu.memory_space<vmem_shared>> -> memref<80x16xf32, #tpu.memory_space<vmem_shared>>
        %dma_wait3A_281 = arith.constant 0 : i32
        %dma_wait3A_282 = arith.constant 0 : i32
        %dma_wait3A_283 = tpu.memref_slice %arg15[%run_scoped3A_258, %dma_wait3A_281, %dma_wait3A_282] : memref<2x80x16xf32, #tpu.memory_space<vmem>> -> memref<1x80x16xf32, #tpu.memory_space<vmem>>
        %dma_wait3A_284 = tpu.memref_squeeze %dma_wait3A_283 : memref<1x80x16xf32, #tpu.memory_space<vmem>> -> memref<80x16xf32, #tpu.memory_space<vmem>>
        tpu.wait_dma2 semaphore(%run_scoped3A_260 : memref<!tpu.dma_semaphore, #tpu.memory_space<semaphore_mem>>) src(%dma_wait3A_284 : memref<80x16xf32, #tpu.memory_space<vmem>>) dst(%dma_wait3A_280 : memref<80x16xf32, #tpu.memory_space<vmem_shared>>)
        tpu.yield
      }) : () -> ()
      %while3A_259 = arith.constant 0 : i32
      scf.yield %while3A_259 : i32
    }
    %barrier3A = arith.constant 0 : index
    tpu.barrier barrier_id(%barrier3A)
    %mul3A_25 = arith.constant 125 : i32
    %mul3A_26 = arith.muli %add3A, %mul3A_25 : i32
    %mul3A_27 = arith.constant 80 : i32
    %mul3A_28 = arith.muli %mul3A_26, %mul3A_27 : i32
    %run_scoped3A = arith.constant 0 : i32
    "tpu.region"() ({
      %run_scoped3A_250 = tpu.sem_alloc : memref<!tpu.dma_semaphore, #tpu.memory_space<semaphore_mem>>
      %dma_start3A_251 = arith.constant 0 : i32
      %dma_start3A_252 = tpu.memref_slice %arg11[%run_scoped3A, %dma_start3A_251] : memref<3x80xi32, #tpu.memory_space<vmem>> -> memref<1x80xi32, #tpu.memory_space<vmem>>
      %dma_start3A_253 = tpu.memref_squeeze %dma_start3A_252 : memref<1x80xi32, #tpu.memory_space<vmem>> -> memref<80xi32, #tpu.memory_space<vmem>>
      %dma_start3A_254 = tpu.memref_slice %arg5[%mul3A_28] : memref<320000xi32, #tpu.memory_space<hbm>> -> memref<80xi32, #tpu.memory_space<hbm>>
      %dma_start3A_255 = arith.constant 0 : i32
      %dma_start3A_256 = tpu.memref_slice %arg11[%run_scoped3A, %dma_start3A_255] : memref<3x80xi32, #tpu.memory_space<vmem>> -> memref<1x80xi32, #tpu.memory_space<vmem>>
      %dma_start3A_257 = tpu.memref_squeeze %dma_start3A_256 : memref<1x80xi32, #tpu.memory_space<vmem>> -> memref<80xi32, #tpu.memory_space<vmem>>
      %dma_start3A_258 = tpu.memref_slice %arg5[%mul3A_28] : memref<320000xi32, #tpu.memory_space<hbm>> -> memref<80xi32, #tpu.memory_space<hbm>>
      tpu.enqueue_dma source(%dma_start3A_258 : memref<80xi32, #tpu.memory_space<hbm>>) target(%dma_start3A_257 : memref<80xi32, #tpu.memory_space<vmem>>) target_semaphore(%run_scoped3A_250 : memref<!tpu.dma_semaphore, #tpu.memory_space<semaphore_mem>>)
      %dma_wait3A_259 = arith.constant 0 : i32
      %dma_wait3A_260 = tpu.memref_slice %arg11[%run_scoped3A, %dma_wait3A_259] : memref<3x80xi32, #tpu.memory_space<vmem>> -> memref<1x80xi32, #tpu.memory_space<vmem>>
      %dma_wait3A_261 = tpu.memref_squeeze %dma_wait3A_260 : memref<1x80xi32, #tpu.memory_space<vmem>> -> memref<80xi32, #tpu.memory_space<vmem>>
      %dma_wait3A_262 = tpu.memref_slice %arg5[%mul3A_28] : memref<320000xi32, #tpu.memory_space<hbm>> -> memref<80xi32, #tpu.memory_space<hbm>>
      %dma_wait3A_263 = arith.constant 0 : i32
      %dma_wait3A_264 = tpu.memref_slice %arg11[%run_scoped3A, %dma_wait3A_263] : memref<3x80xi32, #tpu.memory_space<vmem>> -> memref<1x80xi32, #tpu.memory_space<vmem>>
      %dma_wait3A_265 = tpu.memref_squeeze %dma_wait3A_264 : memref<1x80xi32, #tpu.memory_space<vmem>> -> memref<80xi32, #tpu.memory_space<vmem>>
      %dma_wait3A_266 = tpu.memref_slice %arg5[%mul3A_28] : memref<320000xi32, #tpu.memory_space<hbm>> -> memref<80xi32, #tpu.memory_space<hbm>>
      tpu.wait_dma2 semaphore(%run_scoped3A_250 : memref<!tpu.dma_semaphore, #tpu.memory_space<semaphore_mem>>) src(%dma_wait3A_266 : memref<80xi32, #tpu.memory_space<hbm>>) dst(%dma_wait3A_265 : memref<80xi32, #tpu.memory_space<vmem>>)
      tpu.yield
    }) : () -> ()
    %mul3A_29 = arith.constant 80 : i32
    %mul3A_30 = arith.muli %mul3A_26, %mul3A_29 : i32
    %run_scoped3A_31 = arith.constant 0 : i32
    "tpu.region"() ({
      %run_scoped3A_250 = tpu.sem_alloc : memref<!tpu.dma_semaphore, #tpu.memory_space<semaphore_mem>>
      %dma_start3A_251 = arith.constant 0 : i32
      %dma_start3A_252 = tpu.memref_slice %arg12[%run_scoped3A_31, %dma_start3A_251] : memref<3x80xi32, #tpu.memory_space<vmem>> -> memref<1x80xi32, #tpu.memory_space<vmem>>
      %dma_start3A_253 = tpu.memref_squeeze %dma_start3A_252 : memref<1x80xi32, #tpu.memory_space<vmem>> -> memref<80xi32, #tpu.memory_space<vmem>>
      %dma_start3A_254 = tpu.memref_slice %arg6[%mul3A_30] : memref<320000xi32, #tpu.memory_space<hbm>> -> memref<80xi32, #tpu.memory_space<hbm>>
      %dma_start3A_255 = arith.constant 0 : i32
      %dma_start3A_256 = tpu.memref_slice %arg12[%run_scoped3A_31, %dma_start3A_255] : memref<3x80xi32, #tpu.memory_space<vmem>> -> memref<1x80xi32, #tpu.memory_space<vmem>>
      %dma_start3A_257 = tpu.memref_squeeze %dma_start3A_256 : memref<1x80xi32, #tpu.memory_space<vmem>> -> memref<80xi32, #tpu.memory_space<vmem>>
      %dma_start3A_258 = tpu.memref_slice %arg6[%mul3A_30] : memref<320000xi32, #tpu.memory_space<hbm>> -> memref<80xi32, #tpu.memory_space<hbm>>
      tpu.enqueue_dma source(%dma_start3A_258 : memref<80xi32, #tpu.memory_space<hbm>>) target(%dma_start3A_257 : memref<80xi32, #tpu.memory_space<vmem>>) target_semaphore(%run_scoped3A_250 : memref<!tpu.dma_semaphore, #tpu.memory_space<semaphore_mem>>)
      %dma_wait3A_259 = arith.constant 0 : i32
      %dma_wait3A_260 = tpu.memref_slice %arg12[%run_scoped3A_31, %dma_wait3A_259] : memref<3x80xi32, #tpu.memory_space<vmem>> -> memref<1x80xi32, #tpu.memory_space<vmem>>
      %dma_wait3A_261 = tpu.memref_squeeze %dma_wait3A_260 : memref<1x80xi32, #tpu.memory_space<vmem>> -> memref<80xi32, #tpu.memory_space<vmem>>
      %dma_wait3A_262 = tpu.memref_slice %arg6[%mul3A_30] : memref<320000xi32, #tpu.memory_space<hbm>> -> memref<80xi32, #tpu.memory_space<hbm>>
      %dma_wait3A_263 = arith.constant 0 : i32
      %dma_wait3A_264 = tpu.memref_slice %arg12[%run_scoped3A_31, %dma_wait3A_263] : memref<3x80xi32, #tpu.memory_space<vmem>> -> memref<1x80xi32, #tpu.memory_space<vmem>>
      %dma_wait3A_265 = tpu.memref_squeeze %dma_wait3A_264 : memref<1x80xi32, #tpu.memory_space<vmem>> -> memref<80xi32, #tpu.memory_space<vmem>>
      %dma_wait3A_266 = tpu.memref_slice %arg6[%mul3A_30] : memref<320000xi32, #tpu.memory_space<hbm>> -> memref<80xi32, #tpu.memory_space<hbm>>
      tpu.wait_dma2 semaphore(%run_scoped3A_250 : memref<!tpu.dma_semaphore, #tpu.memory_space<semaphore_mem>>) src(%dma_wait3A_266 : memref<80xi32, #tpu.memory_space<hbm>>) dst(%dma_wait3A_265 : memref<80xi32, #tpu.memory_space<vmem>>)
      tpu.yield
    }) : () -> ()
    %dma_start3A = arith.constant 1 : i32
    %dma_start3A_32 = arith.constant 0 : i32
    %dma_start3A_33 = arith.constant 1 : i32
    %dma_start3A_34 = arith.constant 0 : i32
    %dma_start3A_35 = arith.constant 0 : i32
    %dma_start3A_36 = tpu.memref_slice %arg17[%dma_start3A, %dma_start3A_34, %dma_start3A_35] : memref<2x80x128xf32, #tpu.memory_space<vmem>> -> memref<1x80x128xf32, #tpu.memory_space<vmem>>
    %dma_start3A_37 = tpu.memref_squeeze %dma_start3A_36 : memref<1x80x128xf32, #tpu.memory_space<vmem>> -> memref<80x128xf32, #tpu.memory_space<vmem>>
    %dma_start3A_38 = arith.constant 0 : i32
    %dma_start3A_39 = tpu.memref_slice %arg12[%dma_start3A_32, %dma_start3A_38] : memref<3x80xi32, #tpu.memory_space<vmem>> -> memref<1x80xi32, #tpu.memory_space<vmem>>
    %dma_start3A_40 = tpu.memref_squeeze %dma_start3A_39 : memref<1x80xi32, #tpu.memory_space<vmem>> -> memref<80xi32, #tpu.memory_space<vmem>>
    %dma_start3A_41 = arith.constant 0 : i32
    %dma_start3A_42 = arith.constant 0 : i32
    %dma_start3A_43 = tpu.memref_slice %arg9[%dma_start3A_41, %dma_start3A_42] : memref<10000x128xf32, #tpu.memory_space<vmem_shared>> -> memref<10000x128xf32, #tpu.memory_space<vmem_shared>>
    %dma_start3A_44 = tpu.memref_slice %arg21[%dma_start3A_33] : memref<2x!tpu.dma_semaphore, #tpu.memory_space<semaphore_mem>> -> memref<1x!tpu.dma_semaphore, #tpu.memory_space<semaphore_mem>>
    %dma_start3A_45 = tpu.memref_squeeze %dma_start3A_44 : memref<1x!tpu.dma_semaphore, #tpu.memory_space<semaphore_mem>> -> memref<!tpu.dma_semaphore, #tpu.memory_space<semaphore_mem>>
    tpu.enqueue_indirect_dma source(%dma_start3A_37 : memref<80x128xf32, #tpu.memory_space<vmem>>) target(%dma_start3A_43 : memref<10000x128xf32, #tpu.memory_space<vmem_shared>>) offsets(%dma_start3A_40 : memref<80xi32, #tpu.memory_space<vmem>>) semaphore(%dma_start3A_45 : memref<!tpu.dma_semaphore, #tpu.memory_space<semaphore_mem>>) {add = true}
    %dma_start3A_46 = arith.constant 1 : i32
    %dma_start3A_47 = arith.constant 0 : i32
    %dma_start3A_48 = arith.constant 1 : i32
    %dma_start3A_49 = arith.constant 0 : i32
    %dma_start3A_50 = arith.constant 0 : i32
    %dma_start3A_51 = tpu.memref_slice %arg15[%dma_start3A_46, %dma_start3A_49, %dma_start3A_50] : memref<2x80x16xf32, #tpu.memory_space<vmem>> -> memref<1x80x16xf32, #tpu.memory_space<vmem>>
    %dma_start3A_52 = tpu.memref_squeeze %dma_start3A_51 : memref<1x80x16xf32, #tpu.memory_space<vmem>> -> memref<80x16xf32, #tpu.memory_space<vmem>>
    %dma_start3A_53 = arith.constant 0 : i32
    %dma_start3A_54 = tpu.memref_slice %arg12[%dma_start3A_47, %dma_start3A_53] : memref<3x80xi32, #tpu.memory_space<vmem>> -> memref<1x80xi32, #tpu.memory_space<vmem>>
    %dma_start3A_55 = tpu.memref_squeeze %dma_start3A_54 : memref<1x80xi32, #tpu.memory_space<vmem>> -> memref<80xi32, #tpu.memory_space<vmem>>
    %dma_start3A_56 = arith.constant 0 : i32
    %dma_start3A_57 = arith.constant 0 : i32
    %dma_start3A_58 = tpu.memref_slice %arg10[%dma_start3A_56, %dma_start3A_57] : memref<10000x16xf32, #tpu.memory_space<vmem_shared>> -> memref<10000x16xf32, #tpu.memory_space<vmem_shared>>
    %dma_start3A_59 = tpu.memref_slice %arg21[%dma_start3A_48] : memref<2x!tpu.dma_semaphore, #tpu.memory_space<semaphore_mem>> -> memref<1x!tpu.dma_semaphore, #tpu.memory_space<semaphore_mem>>
    %dma_start3A_60 = tpu.memref_squeeze %dma_start3A_59 : memref<1x!tpu.dma_semaphore, #tpu.memory_space<semaphore_mem>> -> memref<!tpu.dma_semaphore, #tpu.memory_space<semaphore_mem>>
    tpu.enqueue_indirect_dma source(%dma_start3A_52 : memref<80x16xf32, #tpu.memory_space<vmem>>) target(%dma_start3A_58 : memref<10000x16xf32, #tpu.memory_space<vmem_shared>>) offsets(%dma_start3A_55 : memref<80xi32, #tpu.memory_space<vmem>>) semaphore(%dma_start3A_60 : memref<!tpu.dma_semaphore, #tpu.memory_space<semaphore_mem>>) {add = true}
    %dma_start3A_61 = arith.constant 0 : i32
    %dma_start3A_62 = arith.constant 0 : i32
    %dma_start3A_63 = arith.constant 0 : i32
    %dma_start3A_64 = arith.constant 0 : i32
    %dma_start3A_65 = arith.constant 0 : i32
    %dma_start3A_66 = tpu.memref_slice %arg16[%dma_start3A_62, %dma_start3A_64, %dma_start3A_65] : memref<2x80x128xbf16, #tpu.memory_space<vmem>> -> memref<1x80x128xbf16, #tpu.memory_space<vmem>>
    %dma_start3A_67 = tpu.memref_squeeze %dma_start3A_66 : memref<1x80x128xbf16, #tpu.memory_space<vmem>> -> memref<80x128xbf16, #tpu.memory_space<vmem>>
    %dma_start3A_68 = arith.constant 0 : i32
    %dma_start3A_69 = tpu.memref_slice %arg11[%dma_start3A_61, %dma_start3A_68] : memref<3x80xi32, #tpu.memory_space<vmem>> -> memref<1x80xi32, #tpu.memory_space<vmem>>
    %dma_start3A_70 = tpu.memref_squeeze %dma_start3A_69 : memref<1x80xi32, #tpu.memory_space<vmem>> -> memref<80xi32, #tpu.memory_space<vmem>>
    %dma_start3A_71 = arith.constant 0 : i32
    %dma_start3A_72 = arith.constant 0 : i32
    %dma_start3A_73 = tpu.memref_slice %arg2[%dma_start3A_71, %dma_start3A_72] : memref<10000x128xbf16, #tpu.memory_space<hbm>> -> memref<10000x128xbf16, #tpu.memory_space<hbm>>
    %dma_start3A_74 = tpu.memref_slice %arg18[%dma_start3A_63] : memref<2x!tpu.dma_semaphore, #tpu.memory_space<semaphore_mem>> -> memref<1x!tpu.dma_semaphore, #tpu.memory_space<semaphore_mem>>
    %dma_start3A_75 = tpu.memref_squeeze %dma_start3A_74 : memref<1x!tpu.dma_semaphore, #tpu.memory_space<semaphore_mem>> -> memref<!tpu.dma_semaphore, #tpu.memory_space<semaphore_mem>>
    tpu.enqueue_indirect_dma source(%dma_start3A_73 : memref<10000x128xbf16, #tpu.memory_space<hbm>>) target(%dma_start3A_67 : memref<80x128xbf16, #tpu.memory_space<vmem>>) offsets(%dma_start3A_70 : memref<80xi32, #tpu.memory_space<vmem>>) semaphore(%dma_start3A_75 : memref<!tpu.dma_semaphore, #tpu.memory_space<semaphore_mem>>)
    %dma_start3A_76 = arith.constant 0 : i32
    %dma_start3A_77 = arith.constant 0 : i32
    %dma_start3A_78 = arith.constant 0 : i32
    %dma_start3A_79 = arith.constant 0 : i32
    %dma_start3A_80 = arith.constant 0 : i32
    %dma_start3A_81 = tpu.memref_slice %arg13[%dma_start3A_77, %dma_start3A_79, %dma_start3A_80] : memref<2x80x16xf32, #tpu.memory_space<vmem>> -> memref<1x80x16xf32, #tpu.memory_space<vmem>>
    %dma_start3A_82 = tpu.memref_squeeze %dma_start3A_81 : memref<1x80x16xf32, #tpu.memory_space<vmem>> -> memref<80x16xf32, #tpu.memory_space<vmem>>
    %dma_start3A_83 = arith.constant 0 : i32
    %dma_start3A_84 = tpu.memref_slice %arg11[%dma_start3A_76, %dma_start3A_83] : memref<3x80xi32, #tpu.memory_space<vmem>> -> memref<1x80xi32, #tpu.memory_space<vmem>>
    %dma_start3A_85 = tpu.memref_squeeze %dma_start3A_84 : memref<1x80xi32, #tpu.memory_space<vmem>> -> memref<80xi32, #tpu.memory_space<vmem>>
    %dma_start3A_86 = arith.constant 0 : i32
    %dma_start3A_87 = arith.constant 0 : i32
    %dma_start3A_88 = tpu.memref_slice %arg3[%dma_start3A_86, %dma_start3A_87] : memref<10000x16xf32, #tpu.memory_space<hbm>> -> memref<10000x16xf32, #tpu.memory_space<hbm>>
    %dma_start3A_89 = tpu.memref_slice %arg19[%dma_start3A_78] : memref<2x!tpu.dma_semaphore, #tpu.memory_space<semaphore_mem>> -> memref<1x!tpu.dma_semaphore, #tpu.memory_space<semaphore_mem>>
    %dma_start3A_90 = tpu.memref_squeeze %dma_start3A_89 : memref<1x!tpu.dma_semaphore, #tpu.memory_space<semaphore_mem>> -> memref<!tpu.dma_semaphore, #tpu.memory_space<semaphore_mem>>
    tpu.enqueue_indirect_dma source(%dma_start3A_88 : memref<10000x16xf32, #tpu.memory_space<hbm>>) target(%dma_start3A_82 : memref<80x16xf32, #tpu.memory_space<vmem>>) offsets(%dma_start3A_85 : memref<80xi32, #tpu.memory_space<vmem>>) semaphore(%dma_start3A_90 : memref<!tpu.dma_semaphore, #tpu.memory_space<semaphore_mem>>)
    %dma_start3A_91 = arith.constant 0 : i32
    %dma_start3A_92 = arith.constant 0 : i32
    %dma_start3A_93 = arith.constant 0 : i32
    %dma_start3A_94 = arith.constant 0 : i32
    %dma_start3A_95 = arith.constant 0 : i32
    %dma_start3A_96 = tpu.memref_slice %arg14[%dma_start3A_92, %dma_start3A_94, %dma_start3A_95] : memref<2x80x16xf32, #tpu.memory_space<vmem>> -> memref<1x80x16xf32, #tpu.memory_space<vmem>>
    %dma_start3A_97 = tpu.memref_squeeze %dma_start3A_96 : memref<1x80x16xf32, #tpu.memory_space<vmem>> -> memref<80x16xf32, #tpu.memory_space<vmem>>
    %dma_start3A_98 = arith.constant 0 : i32
    %dma_start3A_99 = tpu.memref_slice %arg12[%dma_start3A_91, %dma_start3A_98] : memref<3x80xi32, #tpu.memory_space<vmem>> -> memref<1x80xi32, #tpu.memory_space<vmem>>
    %dma_start3A_100 = tpu.memref_squeeze %dma_start3A_99 : memref<1x80xi32, #tpu.memory_space<vmem>> -> memref<80xi32, #tpu.memory_space<vmem>>
    %dma_start3A_101 = arith.constant 0 : i32
    %dma_start3A_102 = arith.constant 0 : i32
    %dma_start3A_103 = tpu.memref_slice %arg4[%dma_start3A_101, %dma_start3A_102] : memref<10000x16xf32, #tpu.memory_space<hbm>> -> memref<10000x16xf32, #tpu.memory_space<hbm>>
    %dma_start3A_104 = tpu.memref_slice %arg20[%dma_start3A_93] : memref<2x!tpu.dma_semaphore, #tpu.memory_space<semaphore_mem>> -> memref<1x!tpu.dma_semaphore, #tpu.memory_space<semaphore_mem>>
    %dma_start3A_105 = tpu.memref_squeeze %dma_start3A_104 : memref<1x!tpu.dma_semaphore, #tpu.memory_space<semaphore_mem>> -> memref<!tpu.dma_semaphore, #tpu.memory_space<semaphore_mem>>
    tpu.enqueue_indirect_dma source(%dma_start3A_103 : memref<10000x16xf32, #tpu.memory_space<hbm>>) target(%dma_start3A_97 : memref<80x16xf32, #tpu.memory_space<vmem>>) offsets(%dma_start3A_100 : memref<80xi32, #tpu.memory_space<vmem>>) semaphore(%dma_start3A_105 : memref<!tpu.dma_semaphore, #tpu.memory_space<semaphore_mem>>)
    %add3A_106 = arith.constant 1 : i32
    %add3A_107 = arith.addi %mul3A_26, %add3A_106 : i32
    %mul3A_108 = arith.constant 80 : i32
    %mul3A_109 = arith.muli %add3A_107, %mul3A_108 : i32
    %dma_start3A_110 = arith.constant 1 : i32
    %dma_start3A_111 = arith.constant 1 : i32
    %dma_start3A_112 = arith.constant 0 : i32
    %dma_start3A_113 = tpu.memref_slice %arg11[%dma_start3A_110, %dma_start3A_112] : memref<3x80xi32, #tpu.memory_space<vmem>> -> memref<1x80xi32, #tpu.memory_space<vmem>>
    %dma_start3A_114 = tpu.memref_squeeze %dma_start3A_113 : memref<1x80xi32, #tpu.memory_space<vmem>> -> memref<80xi32, #tpu.memory_space<vmem>>
    %dma_start3A_115 = tpu.memref_slice %arg5[%mul3A_109] : memref<320000xi32, #tpu.memory_space<hbm>> -> memref<80xi32, #tpu.memory_space<hbm>>
    %dma_start3A_116 = tpu.memref_slice %arg22[%dma_start3A_111] : memref<3x!tpu.dma_semaphore, #tpu.memory_space<semaphore_mem>> -> memref<1x!tpu.dma_semaphore, #tpu.memory_space<semaphore_mem>>
    %dma_start3A_117 = tpu.memref_squeeze %dma_start3A_116 : memref<1x!tpu.dma_semaphore, #tpu.memory_space<semaphore_mem>> -> memref<!tpu.dma_semaphore, #tpu.memory_space<semaphore_mem>>
    %dma_start3A_118 = arith.constant 0 : i32
    %dma_start3A_119 = tpu.memref_slice %arg11[%dma_start3A_110, %dma_start3A_118] : memref<3x80xi32, #tpu.memory_space<vmem>> -> memref<1x80xi32, #tpu.memory_space<vmem>>
    %dma_start3A_120 = tpu.memref_squeeze %dma_start3A_119 : memref<1x80xi32, #tpu.memory_space<vmem>> -> memref<80xi32, #tpu.memory_space<vmem>>
    %dma_start3A_121 = tpu.memref_slice %arg5[%mul3A_109] : memref<320000xi32, #tpu.memory_space<hbm>> -> memref<80xi32, #tpu.memory_space<hbm>>
    tpu.enqueue_dma source(%dma_start3A_121 : memref<80xi32, #tpu.memory_space<hbm>>) target(%dma_start3A_120 : memref<80xi32, #tpu.memory_space<vmem>>) target_semaphore(%dma_start3A_117 : memref<!tpu.dma_semaphore, #tpu.memory_space<semaphore_mem>>)
    %dma_start3A_122 = arith.constant 1 : i32
    %dma_start3A_123 = arith.constant 1 : i32
    %dma_start3A_124 = arith.constant 0 : i32
    %dma_start3A_125 = tpu.memref_slice %arg12[%dma_start3A_122, %dma_start3A_124] : memref<3x80xi32, #tpu.memory_space<vmem>> -> memref<1x80xi32, #tpu.memory_space<vmem>>
    %dma_start3A_126 = tpu.memref_squeeze %dma_start3A_125 : memref<1x80xi32, #tpu.memory_space<vmem>> -> memref<80xi32, #tpu.memory_space<vmem>>
    %dma_start3A_127 = tpu.memref_slice %arg6[%mul3A_109] : memref<320000xi32, #tpu.memory_space<hbm>> -> memref<80xi32, #tpu.memory_space<hbm>>
    %dma_start3A_128 = tpu.memref_slice %arg23[%dma_start3A_123] : memref<3x!tpu.dma_semaphore, #tpu.memory_space<semaphore_mem>> -> memref<1x!tpu.dma_semaphore, #tpu.memory_space<semaphore_mem>>
    %dma_start3A_129 = tpu.memref_squeeze %dma_start3A_128 : memref<1x!tpu.dma_semaphore, #tpu.memory_space<semaphore_mem>> -> memref<!tpu.dma_semaphore, #tpu.memory_space<semaphore_mem>>
    %dma_start3A_130 = arith.constant 0 : i32
    %dma_start3A_131 = tpu.memref_slice %arg12[%dma_start3A_122, %dma_start3A_130] : memref<3x80xi32, #tpu.memory_space<vmem>> -> memref<1x80xi32, #tpu.memory_space<vmem>>
    %dma_start3A_132 = tpu.memref_squeeze %dma_start3A_131 : memref<1x80xi32, #tpu.memory_space<vmem>> -> memref<80xi32, #tpu.memory_space<vmem>>
    %dma_start3A_133 = tpu.memref_slice %arg6[%mul3A_109] : memref<320000xi32, #tpu.memory_space<hbm>> -> memref<80xi32, #tpu.memory_space<hbm>>
    tpu.enqueue_dma source(%dma_start3A_133 : memref<80xi32, #tpu.memory_space<hbm>>) target(%dma_start3A_132 : memref<80xi32, #tpu.memory_space<vmem>>) target_semaphore(%dma_start3A_129 : memref<!tpu.dma_semaphore, #tpu.memory_space<semaphore_mem>>)
    %scan3A_134 = arith.constant 0 : i32
    %scan3A_135 = arith.constant 0 : i32
    %scan3A_136 = arith.constant 125 : i32
    %scan3A_137 = arith.addi %scan3A_135, %scan3A_136 : i32
    %scan3A_138 = arith.constant 1 : i32
    %scan3A_139 = scf.for %scan3A_250 = %scan3A_135 to %scan3A_137 step %scan3A_138 iter_args(%scan3A_251 = %scan3A_134) -> (i32)  : i32 {
      %rem3A_252 = arith.constant 2 : i32
      %rem3A_253 = arith.remsi %scan3A_250, %rem3A_252 : i32
      %sub3A = arith.constant 1 : i32
      %sub3A_254 = arith.subi %sub3A, %rem3A_253 : i32
      %add3A_255 = arith.constant 1 : i32
      %add3A_256 = arith.addi %scan3A_250, %add3A_255 : i32
      %rem3A_257 = arith.constant 3 : i32
      %rem3A_258 = arith.remsi %add3A_256, %rem3A_257 : i32
      %add3A_259 = arith.constant 2 : i32
      %add3A_260 = arith.addi %scan3A_250, %add3A_259 : i32
      %rem3A_261 = arith.constant 3 : i32
      %rem3A_262 = arith.remsi %add3A_260, %rem3A_261 : i32
      %dma_wait3A_263 = arith.constant 0 : i32
      %dma_wait3A_264 = arith.constant 0 : i32
      %dma_wait3A_265 = arith.constant 0 : i32
      %dma_wait3A_266 = tpu.memref_slice %arg16[%rem3A_253, %dma_wait3A_264, %dma_wait3A_265] : memref<2x80x128xbf16, #tpu.memory_space<vmem>> -> memref<1x80x128xbf16, #tpu.memory_space<vmem>>
      %dma_wait3A_267 = tpu.memref_squeeze %dma_wait3A_266 : memref<1x80x128xbf16, #tpu.memory_space<vmem>> -> memref<80x128xbf16, #tpu.memory_space<vmem>>
      %dma_wait3A_268 = arith.constant 0 : i32
      %dma_wait3A_269 = tpu.memref_slice %arg11[%dma_wait3A_263, %dma_wait3A_268] : memref<3x80xi32, #tpu.memory_space<vmem>> -> memref<1x80xi32, #tpu.memory_space<vmem>>
      %dma_wait3A_270 = tpu.memref_squeeze %dma_wait3A_269 : memref<1x80xi32, #tpu.memory_space<vmem>> -> memref<80xi32, #tpu.memory_space<vmem>>
      %dma_wait3A_271 = arith.constant 0 : i32
      %dma_wait3A_272 = arith.constant 0 : i32
      %dma_wait3A_273 = tpu.memref_slice %arg2[%dma_wait3A_271, %dma_wait3A_272] : memref<10000x128xbf16, #tpu.memory_space<hbm>> -> memref<10000x128xbf16, #tpu.memory_space<hbm>>
      %dma_wait3A_274 = tpu.memref_slice %arg18[%rem3A_253] : memref<2x!tpu.dma_semaphore, #tpu.memory_space<semaphore_mem>> -> memref<1x!tpu.dma_semaphore, #tpu.memory_space<semaphore_mem>>
      %dma_wait3A_275 = tpu.memref_squeeze %dma_wait3A_274 : memref<1x!tpu.dma_semaphore, #tpu.memory_space<semaphore_mem>> -> memref<!tpu.dma_semaphore, #tpu.memory_space<semaphore_mem>>
      tpu.wait_indirect_dma semaphore(%dma_wait3A_275 : memref<!tpu.dma_semaphore, #tpu.memory_space<semaphore_mem>>) src(%dma_wait3A_273 : memref<10000x128xbf16, #tpu.memory_space<hbm>>) dst(%dma_wait3A_267 : memref<80x128xbf16, #tpu.memory_space<vmem>>)
      %dma_wait3A_276 = arith.constant 0 : i32
      %dma_wait3A_277 = arith.constant 0 : i32
      %dma_wait3A_278 = arith.constant 0 : i32
      %dma_wait3A_279 = tpu.memref_slice %arg13[%rem3A_253, %dma_wait3A_277, %dma_wait3A_278] : memref<2x80x16xf32, #tpu.memory_space<vmem>> -> memref<1x80x16xf32, #tpu.memory_space<vmem>>
      %dma_wait3A_280 = tpu.memref_squeeze %dma_wait3A_279 : memref<1x80x16xf32, #tpu.memory_space<vmem>> -> memref<80x16xf32, #tpu.memory_space<vmem>>
      %dma_wait3A_281 = arith.constant 0 : i32
      %dma_wait3A_282 = tpu.memref_slice %arg11[%dma_wait3A_276, %dma_wait3A_281] : memref<3x80xi32, #tpu.memory_space<vmem>> -> memref<1x80xi32, #tpu.memory_space<vmem>>
      %dma_wait3A_283 = tpu.memref_squeeze %dma_wait3A_282 : memref<1x80xi32, #tpu.memory_space<vmem>> -> memref<80xi32, #tpu.memory_space<vmem>>
      %dma_wait3A_284 = arith.constant 0 : i32
      %dma_wait3A_285 = arith.constant 0 : i32
      %dma_wait3A_286 = tpu.memref_slice %arg3[%dma_wait3A_284, %dma_wait3A_285] : memref<10000x16xf32, #tpu.memory_space<hbm>> -> memref<10000x16xf32, #tpu.memory_space<hbm>>
      %dma_wait3A_287 = tpu.memref_slice %arg19[%rem3A_253] : memref<2x!tpu.dma_semaphore, #tpu.memory_space<semaphore_mem>> -> memref<1x!tpu.dma_semaphore, #tpu.memory_space<semaphore_mem>>
      %dma_wait3A_288 = tpu.memref_squeeze %dma_wait3A_287 : memref<1x!tpu.dma_semaphore, #tpu.memory_space<semaphore_mem>> -> memref<!tpu.dma_semaphore, #tpu.memory_space<semaphore_mem>>
      tpu.wait_indirect_dma semaphore(%dma_wait3A_288 : memref<!tpu.dma_semaphore, #tpu.memory_space<semaphore_mem>>) src(%dma_wait3A_286 : memref<10000x16xf32, #tpu.memory_space<hbm>>) dst(%dma_wait3A_280 : memref<80x16xf32, #tpu.memory_space<vmem>>)
      %dma_wait3A_289 = arith.constant 0 : i32
      %dma_wait3A_290 = arith.constant 0 : i32
      %dma_wait3A_291 = arith.constant 0 : i32
      %dma_wait3A_292 = tpu.memref_slice %arg14[%rem3A_253, %dma_wait3A_290, %dma_wait3A_291] : memref<2x80x16xf32, #tpu.memory_space<vmem>> -> memref<1x80x16xf32, #tpu.memory_space<vmem>>
      %dma_wait3A_293 = tpu.memref_squeeze %dma_wait3A_292 : memref<1x80x16xf32, #tpu.memory_space<vmem>> -> memref<80x16xf32, #tpu.memory_space<vmem>>
      %dma_wait3A_294 = arith.constant 0 : i32
      %dma_wait3A_295 = tpu.memref_slice %arg12[%dma_wait3A_289, %dma_wait3A_294] : memref<3x80xi32, #tpu.memory_space<vmem>> -> memref<1x80xi32, #tpu.memory_space<vmem>>
      %dma_wait3A_296 = tpu.memref_squeeze %dma_wait3A_295 : memref<1x80xi32, #tpu.memory_space<vmem>> -> memref<80xi32, #tpu.memory_space<vmem>>
      %dma_wait3A_297 = arith.constant 0 : i32
      %dma_wait3A_298 = arith.constant 0 : i32
      %dma_wait3A_299 = tpu.memref_slice %arg4[%dma_wait3A_297, %dma_wait3A_298] : memref<10000x16xf32, #tpu.memory_space<hbm>> -> memref<10000x16xf32, #tpu.memory_space<hbm>>
      %dma_wait3A_300 = tpu.memref_slice %arg20[%rem3A_253] : memref<2x!tpu.dma_semaphore, #tpu.memory_space<semaphore_mem>> -> memref<1x!tpu.dma_semaphore, #tpu.memory_space<semaphore_mem>>
      %dma_wait3A_301 = tpu.memref_squeeze %dma_wait3A_300 : memref<1x!tpu.dma_semaphore, #tpu.memory_space<semaphore_mem>> -> memref<!tpu.dma_semaphore, #tpu.memory_space<semaphore_mem>>
      tpu.wait_indirect_dma semaphore(%dma_wait3A_301 : memref<!tpu.dma_semaphore, #tpu.memory_space<semaphore_mem>>) src(%dma_wait3A_299 : memref<10000x16xf32, #tpu.memory_space<hbm>>) dst(%dma_wait3A_293 : memref<80x16xf32, #tpu.memory_space<vmem>>)
      %dma_wait3A_302 = arith.constant 0 : i32
      %dma_wait3A_303 = tpu.memref_slice %arg11[%rem3A_258, %dma_wait3A_302] : memref<3x80xi32, #tpu.memory_space<vmem>> -> memref<1x80xi32, #tpu.memory_space<vmem>>
      %dma_wait3A_304 = tpu.memref_squeeze %dma_wait3A_303 : memref<1x80xi32, #tpu.memory_space<vmem>> -> memref<80xi32, #tpu.memory_space<vmem>>
      %dma_wait3A_305 = arith.constant 0 : i32
      %dma_wait3A_306 = tpu.memref_slice %arg5[%dma_wait3A_305] : memref<320000xi32, #tpu.memory_space<hbm>> -> memref<80xi32, #tpu.memory_space<hbm>>
      %dma_wait3A_307 = tpu.memref_slice %arg22[%rem3A_258] : memref<3x!tpu.dma_semaphore, #tpu.memory_space<semaphore_mem>> -> memref<1x!tpu.dma_semaphore, #tpu.memory_space<semaphore_mem>>
      %dma_wait3A_308 = tpu.memref_squeeze %dma_wait3A_307 : memref<1x!tpu.dma_semaphore, #tpu.memory_space<semaphore_mem>> -> memref<!tpu.dma_semaphore, #tpu.memory_space<semaphore_mem>>
      %dma_wait3A_309 = arith.constant 0 : i32
      %dma_wait3A_310 = tpu.memref_slice %arg11[%rem3A_258, %dma_wait3A_309] : memref<3x80xi32, #tpu.memory_space<vmem>> -> memref<1x80xi32, #tpu.memory_space<vmem>>
      %dma_wait3A_311 = tpu.memref_squeeze %dma_wait3A_310 : memref<1x80xi32, #tpu.memory_space<vmem>> -> memref<80xi32, #tpu.memory_space<vmem>>
      %dma_wait3A_312 = arith.constant 0 : i32
      %dma_wait3A_313 = tpu.memref_slice %arg5[%dma_wait3A_312] : memref<320000xi32, #tpu.memory_space<hbm>> -> memref<80xi32, #tpu.memory_space<hbm>>
      tpu.wait_dma2 semaphore(%dma_wait3A_308 : memref<!tpu.dma_semaphore, #tpu.memory_space<semaphore_mem>>) src(%dma_wait3A_313 : memref<80xi32, #tpu.memory_space<hbm>>) dst(%dma_wait3A_311 : memref<80xi32, #tpu.memory_space<vmem>>)
      %dma_wait3A_314 = arith.constant 0 : i32
      %dma_wait3A_315 = tpu.memref_slice %arg12[%rem3A_258, %dma_wait3A_314] : memref<3x80xi32, #tpu.memory_space<vmem>> -> memref<1x80xi32, #tpu.memory_space<vmem>>
      %dma_wait3A_316 = tpu.memref_squeeze %dma_wait3A_315 : memref<1x80xi32, #tpu.memory_space<vmem>> -> memref<80xi32, #tpu.memory_space<vmem>>
      %dma_wait3A_317 = arith.constant 0 : i32
      %dma_wait3A_318 = tpu.memref_slice %arg6[%dma_wait3A_317] : memref<320000xi32, #tpu.memory_space<hbm>> -> memref<80xi32, #tpu.memory_space<hbm>>
      %dma_wait3A_319 = tpu.memref_slice %arg23[%rem3A_258] : memref<3x!tpu.dma_semaphore, #tpu.memory_space<semaphore_mem>> -> memref<1x!tpu.dma_semaphore, #tpu.memory_space<semaphore_mem>>
      %dma_wait3A_320 = tpu.memref_squeeze %dma_wait3A_319 : memref<1x!tpu.dma_semaphore, #tpu.memory_space<semaphore_mem>> -> memref<!tpu.dma_semaphore, #tpu.memory_space<semaphore_mem>>
      %dma_wait3A_321 = arith.constant 0 : i32
      %dma_wait3A_322 = tpu.memref_slice %arg12[%rem3A_258, %dma_wait3A_321] : memref<3x80xi32, #tpu.memory_space<vmem>> -> memref<1x80xi32, #tpu.memory_space<vmem>>
      %dma_wait3A_323 = tpu.memref_squeeze %dma_wait3A_322 : memref<1x80xi32, #tpu.memory_space<vmem>> -> memref<80xi32, #tpu.memory_space<vmem>>
      %dma_wait3A_324 = arith.constant 0 : i32
      %dma_wait3A_325 = tpu.memref_slice %arg6[%dma_wait3A_324] : memref<320000xi32, #tpu.memory_space<hbm>> -> memref<80xi32, #tpu.memory_space<hbm>>
      tpu.wait_dma2 semaphore(%dma_wait3A_320 : memref<!tpu.dma_semaphore, #tpu.memory_space<semaphore_mem>>) src(%dma_wait3A_325 : memref<80xi32, #tpu.memory_space<hbm>>) dst(%dma_wait3A_323 : memref<80xi32, #tpu.memory_space<vmem>>)
      %dma_wait3A_326 = arith.constant 0 : i32
      %dma_wait3A_327 = arith.constant 0 : i32
      %dma_wait3A_328 = arith.constant 0 : i32
      %dma_wait3A_329 = tpu.memref_slice %arg17[%sub3A_254, %dma_wait3A_327, %dma_wait3A_328] : memref<2x80x128xf32, #tpu.memory_space<vmem>> -> memref<1x80x128xf32, #tpu.memory_space<vmem>>
      %dma_wait3A_330 = tpu.memref_squeeze %dma_wait3A_329 : memref<1x80x128xf32, #tpu.memory_space<vmem>> -> memref<80x128xf32, #tpu.memory_space<vmem>>
      %dma_wait3A_331 = arith.constant 0 : i32
      %dma_wait3A_332 = tpu.memref_slice %arg12[%dma_wait3A_326, %dma_wait3A_331] : memref<3x80xi32, #tpu.memory_space<vmem>> -> memref<1x80xi32, #tpu.memory_space<vmem>>
      %dma_wait3A_333 = tpu.memref_squeeze %dma_wait3A_332 : memref<1x80xi32, #tpu.memory_space<vmem>> -> memref<80xi32, #tpu.memory_space<vmem>>
      %dma_wait3A_334 = arith.constant 0 : i32
      %dma_wait3A_335 = arith.constant 0 : i32
      %dma_wait3A_336 = tpu.memref_slice %arg9[%dma_wait3A_334, %dma_wait3A_335] : memref<10000x128xf32, #tpu.memory_space<vmem_shared>> -> memref<10000x128xf32, #tpu.memory_space<vmem_shared>>
      %dma_wait3A_337 = tpu.memref_slice %arg21[%sub3A_254] : memref<2x!tpu.dma_semaphore, #tpu.memory_space<semaphore_mem>> -> memref<1x!tpu.dma_semaphore, #tpu.memory_space<semaphore_mem>>
      %dma_wait3A_338 = tpu.memref_squeeze %dma_wait3A_337 : memref<1x!tpu.dma_semaphore, #tpu.memory_space<semaphore_mem>> -> memref<!tpu.dma_semaphore, #tpu.memory_space<semaphore_mem>>
      tpu.wait_indirect_dma semaphore(%dma_wait3A_338 : memref<!tpu.dma_semaphore, #tpu.memory_space<semaphore_mem>>) src(%dma_wait3A_330 : memref<80x128xf32, #tpu.memory_space<vmem>>) dst(%dma_wait3A_336 : memref<10000x128xf32, #tpu.memory_space<vmem_shared>>)
      %dma_wait3A_339 = arith.constant 0 : i32
      %dma_wait3A_340 = arith.constant 0 : i32
      %dma_wait3A_341 = arith.constant 0 : i32
      %dma_wait3A_342 = tpu.memref_slice %arg15[%sub3A_254, %dma_wait3A_340, %dma_wait3A_341] : memref<2x80x16xf32, #tpu.memory_space<vmem>> -> memref<1x80x16xf32, #tpu.memory_space<vmem>>
      %dma_wait3A_343 = tpu.memref_squeeze %dma_wait3A_342 : memref<1x80x16xf32, #tpu.memory_space<vmem>> -> memref<80x16xf32, #tpu.memory_space<vmem>>
      %dma_wait3A_344 = arith.constant 0 : i32
      %dma_wait3A_345 = tpu.memref_slice %arg12[%dma_wait3A_339, %dma_wait3A_344] : memref<3x80xi32, #tpu.memory_space<vmem>> -> memref<1x80xi32, #tpu.memory_space<vmem>>
      %dma_wait3A_346 = tpu.memref_squeeze %dma_wait3A_345 : memref<1x80xi32, #tpu.memory_space<vmem>> -> memref<80xi32, #tpu.memory_space<vmem>>
      %dma_wait3A_347 = arith.constant 0 : i32
      %dma_wait3A_348 = arith.constant 0 : i32
      %dma_wait3A_349 = tpu.memref_slice %arg10[%dma_wait3A_347, %dma_wait3A_348] : memref<10000x16xf32, #tpu.memory_space<vmem_shared>> -> memref<10000x16xf32, #tpu.memory_space<vmem_shared>>
      %dma_wait3A_350 = tpu.memref_slice %arg21[%sub3A_254] : memref<2x!tpu.dma_semaphore, #tpu.memory_space<semaphore_mem>> -> memref<1x!tpu.dma_semaphore, #tpu.memory_space<semaphore_mem>>
      %dma_wait3A_351 = tpu.memref_squeeze %dma_wait3A_350 : memref<1x!tpu.dma_semaphore, #tpu.memory_space<semaphore_mem>> -> memref<!tpu.dma_semaphore, #tpu.memory_space<semaphore_mem>>
      tpu.wait_indirect_dma semaphore(%dma_wait3A_351 : memref<!tpu.dma_semaphore, #tpu.memory_space<semaphore_mem>>) src(%dma_wait3A_343 : memref<80x16xf32, #tpu.memory_space<vmem>>) dst(%dma_wait3A_349 : memref<10000x16xf32, #tpu.memory_space<vmem_shared>>)
      %dma_start3A_352 = arith.constant 0 : i32
      %dma_start3A_353 = arith.constant 0 : i32
      %dma_start3A_354 = tpu.memref_slice %arg16[%sub3A_254, %dma_start3A_352, %dma_start3A_353] : memref<2x80x128xbf16, #tpu.memory_space<vmem>> -> memref<1x80x128xbf16, #tpu.memory_space<vmem>>
      %dma_start3A_355 = tpu.memref_squeeze %dma_start3A_354 : memref<1x80x128xbf16, #tpu.memory_space<vmem>> -> memref<80x128xbf16, #tpu.memory_space<vmem>>
      %dma_start3A_356 = arith.constant 0 : i32
      %dma_start3A_357 = tpu.memref_slice %arg11[%rem3A_258, %dma_start3A_356] : memref<3x80xi32, #tpu.memory_space<vmem>> -> memref<1x80xi32, #tpu.memory_space<vmem>>
      %dma_start3A_358 = tpu.memref_squeeze %dma_start3A_357 : memref<1x80xi32, #tpu.memory_space<vmem>> -> memref<80xi32, #tpu.memory_space<vmem>>
      %dma_start3A_359 = arith.constant 0 : i32
      %dma_start3A_360 = arith.constant 0 : i32
      %dma_start3A_361 = tpu.memref_slice %arg2[%dma_start3A_359, %dma_start3A_360] : memref<10000x128xbf16, #tpu.memory_space<hbm>> -> memref<10000x128xbf16, #tpu.memory_space<hbm>>
      %dma_start3A_362 = tpu.memref_slice %arg18[%sub3A_254] : memref<2x!tpu.dma_semaphore, #tpu.memory_space<semaphore_mem>> -> memref<1x!tpu.dma_semaphore, #tpu.memory_space<semaphore_mem>>
      %dma_start3A_363 = tpu.memref_squeeze %dma_start3A_362 : memref<1x!tpu.dma_semaphore, #tpu.memory_space<semaphore_mem>> -> memref<!tpu.dma_semaphore, #tpu.memory_space<semaphore_mem>>
      tpu.enqueue_indirect_dma source(%dma_start3A_361 : memref<10000x128xbf16, #tpu.memory_space<hbm>>) target(%dma_start3A_355 : memref<80x128xbf16, #tpu.memory_space<vmem>>) offsets(%dma_start3A_358 : memref<80xi32, #tpu.memory_space<vmem>>) semaphore(%dma_start3A_363 : memref<!tpu.dma_semaphore, #tpu.memory_space<semaphore_mem>>)
      %dma_start3A_364 = arith.constant 0 : i32
      %dma_start3A_365 = arith.constant 0 : i32
      %dma_start3A_366 = tpu.memref_slice %arg13[%sub3A_254, %dma_start3A_364, %dma_start3A_365] : memref<2x80x16xf32, #tpu.memory_space<vmem>> -> memref<1x80x16xf32, #tpu.memory_space<vmem>>
      %dma_start3A_367 = tpu.memref_squeeze %dma_start3A_366 : memref<1x80x16xf32, #tpu.memory_space<vmem>> -> memref<80x16xf32, #tpu.memory_space<vmem>>
      %dma_start3A_368 = arith.constant 0 : i32
      %dma_start3A_369 = tpu.memref_slice %arg11[%rem3A_258, %dma_start3A_368] : memref<3x80xi32, #tpu.memory_space<vmem>> -> memref<1x80xi32, #tpu.memory_space<vmem>>
      %dma_start3A_370 = tpu.memref_squeeze %dma_start3A_369 : memref<1x80xi32, #tpu.memory_space<vmem>> -> memref<80xi32, #tpu.memory_space<vmem>>
      %dma_start3A_371 = arith.constant 0 : i32
      %dma_start3A_372 = arith.constant 0 : i32
      %dma_start3A_373 = tpu.memref_slice %arg3[%dma_start3A_371, %dma_start3A_372] : memref<10000x16xf32, #tpu.memory_space<hbm>> -> memref<10000x16xf32, #tpu.memory_space<hbm>>
      %dma_start3A_374 = tpu.memref_slice %arg19[%sub3A_254] : memref<2x!tpu.dma_semaphore, #tpu.memory_space<semaphore_mem>> -> memref<1x!tpu.dma_semaphore, #tpu.memory_space<semaphore_mem>>
      %dma_start3A_375 = tpu.memref_squeeze %dma_start3A_374 : memref<1x!tpu.dma_semaphore, #tpu.memory_space<semaphore_mem>> -> memref<!tpu.dma_semaphore, #tpu.memory_space<semaphore_mem>>
      tpu.enqueue_indirect_dma source(%dma_start3A_373 : memref<10000x16xf32, #tpu.memory_space<hbm>>) target(%dma_start3A_367 : memref<80x16xf32, #tpu.memory_space<vmem>>) offsets(%dma_start3A_370 : memref<80xi32, #tpu.memory_space<vmem>>) semaphore(%dma_start3A_375 : memref<!tpu.dma_semaphore, #tpu.memory_space<semaphore_mem>>)
      %dma_start3A_376 = arith.constant 0 : i32
      %dma_start3A_377 = arith.constant 0 : i32
      %dma_start3A_378 = tpu.memref_slice %arg14[%sub3A_254, %dma_start3A_376, %dma_start3A_377] : memref<2x80x16xf32, #tpu.memory_space<vmem>> -> memref<1x80x16xf32, #tpu.memory_space<vmem>>
      %dma_start3A_379 = tpu.memref_squeeze %dma_start3A_378 : memref<1x80x16xf32, #tpu.memory_space<vmem>> -> memref<80x16xf32, #tpu.memory_space<vmem>>
      %dma_start3A_380 = arith.constant 0 : i32
      %dma_start3A_381 = tpu.memref_slice %arg12[%rem3A_258, %dma_start3A_380] : memref<3x80xi32, #tpu.memory_space<vmem>> -> memref<1x80xi32, #tpu.memory_space<vmem>>
      %dma_start3A_382 = tpu.memref_squeeze %dma_start3A_381 : memref<1x80xi32, #tpu.memory_space<vmem>> -> memref<80xi32, #tpu.memory_space<vmem>>
      %dma_start3A_383 = arith.constant 0 : i32
      %dma_start3A_384 = arith.constant 0 : i32
      %dma_start3A_385 = tpu.memref_slice %arg4[%dma_start3A_383, %dma_start3A_384] : memref<10000x16xf32, #tpu.memory_space<hbm>> -> memref<10000x16xf32, #tpu.memory_space<hbm>>
      %dma_start3A_386 = tpu.memref_slice %arg20[%sub3A_254] : memref<2x!tpu.dma_semaphore, #tpu.memory_space<semaphore_mem>> -> memref<1x!tpu.dma_semaphore, #tpu.memory_space<semaphore_mem>>
      %dma_start3A_387 = tpu.memref_squeeze %dma_start3A_386 : memref<1x!tpu.dma_semaphore, #tpu.memory_space<semaphore_mem>> -> memref<!tpu.dma_semaphore, #tpu.memory_space<semaphore_mem>>
      tpu.enqueue_indirect_dma source(%dma_start3A_385 : memref<10000x16xf32, #tpu.memory_space<hbm>>) target(%dma_start3A_379 : memref<80x16xf32, #tpu.memory_space<vmem>>) offsets(%dma_start3A_382 : memref<80xi32, #tpu.memory_space<vmem>>) semaphore(%dma_start3A_387 : memref<!tpu.dma_semaphore, #tpu.memory_space<semaphore_mem>>)
      %add3A_388 = arith.constant 2 : i32
      %add3A_389 = arith.addi %scan3A_250, %add3A_388 : i32
      %min3A_390 = arith.constant 124 : i32
      %min3A_391 = arith.minsi %add3A_389, %min3A_390 : i32
      %add3A_392 = arith.addi %mul3A_26, %min3A_391 : i32
      %mul3A_393 = arith.constant 80 : i32
      %mul3A_394 = arith.muli %add3A_392, %mul3A_393 : i32
      %dma_start3A_395 = arith.constant 0 : i32
      %dma_start3A_396 = tpu.memref_slice %arg11[%rem3A_262, %dma_start3A_395] : memref<3x80xi32, #tpu.memory_space<vmem>> -> memref<1x80xi32, #tpu.memory_space<vmem>>
      %dma_start3A_397 = tpu.memref_squeeze %dma_start3A_396 : memref<1x80xi32, #tpu.memory_space<vmem>> -> memref<80xi32, #tpu.memory_space<vmem>>
      %dma_start3A_398 = tpu.memref_slice %arg5[%mul3A_394] : memref<320000xi32, #tpu.memory_space<hbm>> -> memref<80xi32, #tpu.memory_space<hbm>>
      %dma_start3A_399 = tpu.memref_slice %arg22[%rem3A_262] : memref<3x!tpu.dma_semaphore, #tpu.memory_space<semaphore_mem>> -> memref<1x!tpu.dma_semaphore, #tpu.memory_space<semaphore_mem>>
      %dma_start3A_400 = tpu.memref_squeeze %dma_start3A_399 : memref<1x!tpu.dma_semaphore, #tpu.memory_space<semaphore_mem>> -> memref<!tpu.dma_semaphore, #tpu.memory_space<semaphore_mem>>
      %dma_start3A_401 = arith.constant 0 : i32
      %dma_start3A_402 = tpu.memref_slice %arg11[%rem3A_262, %dma_start3A_401] : memref<3x80xi32, #tpu.memory_space<vmem>> -> memref<1x80xi32, #tpu.memory_space<vmem>>
      %dma_start3A_403 = tpu.memref_squeeze %dma_start3A_402 : memref<1x80xi32, #tpu.memory_space<vmem>> -> memref<80xi32, #tpu.memory_space<vmem>>
      %dma_start3A_404 = tpu.memref_slice %arg5[%mul3A_394] : memref<320000xi32, #tpu.memory_space<hbm>> -> memref<80xi32, #tpu.memory_space<hbm>>
      tpu.enqueue_dma source(%dma_start3A_404 : memref<80xi32, #tpu.memory_space<hbm>>) target(%dma_start3A_403 : memref<80xi32, #tpu.memory_space<vmem>>) target_semaphore(%dma_start3A_400 : memref<!tpu.dma_semaphore, #tpu.memory_space<semaphore_mem>>)
      %dma_start3A_405 = arith.constant 0 : i32
      %dma_start3A_406 = tpu.memref_slice %arg12[%rem3A_262, %dma_start3A_405] : memref<3x80xi32, #tpu.memory_space<vmem>> -> memref<1x80xi32, #tpu.memory_space<vmem>>
      %dma_start3A_407 = tpu.memref_squeeze %dma_start3A_406 : memref<1x80xi32, #tpu.memory_space<vmem>> -> memref<80xi32, #tpu.memory_space<vmem>>
      %dma_start3A_408 = tpu.memref_slice %arg6[%mul3A_394] : memref<320000xi32, #tpu.memory_space<hbm>> -> memref<80xi32, #tpu.memory_space<hbm>>
      %dma_start3A_409 = tpu.memref_slice %arg23[%rem3A_262] : memref<3x!tpu.dma_semaphore, #tpu.memory_space<semaphore_mem>> -> memref<1x!tpu.dma_semaphore, #tpu.memory_space<semaphore_mem>>
      %dma_start3A_410 = tpu.memref_squeeze %dma_start3A_409 : memref<1x!tpu.dma_semaphore, #tpu.memory_space<semaphore_mem>> -> memref<!tpu.dma_semaphore, #tpu.memory_space<semaphore_mem>>
      %dma_start3A_411 = arith.constant 0 : i32
      %dma_start3A_412 = tpu.memref_slice %arg12[%rem3A_262, %dma_start3A_411] : memref<3x80xi32, #tpu.memory_space<vmem>> -> memref<1x80xi32, #tpu.memory_space<vmem>>
      %dma_start3A_413 = tpu.memref_squeeze %dma_start3A_412 : memref<1x80xi32, #tpu.memory_space<vmem>> -> memref<80xi32, #tpu.memory_space<vmem>>
      %dma_start3A_414 = tpu.memref_slice %arg6[%mul3A_394] : memref<320000xi32, #tpu.memory_space<hbm>> -> memref<80xi32, #tpu.memory_space<hbm>>
      tpu.enqueue_dma source(%dma_start3A_414 : memref<80xi32, #tpu.memory_space<hbm>>) target(%dma_start3A_413 : memref<80xi32, #tpu.memory_space<vmem>>) target_semaphore(%dma_start3A_410 : memref<!tpu.dma_semaphore, #tpu.memory_space<semaphore_mem>>)
      %parallel_loop3A = arith.constant 0 : i32
      %parallel_loop3A_415 = arith.constant 80 : i32
      %parallel_loop3A_416 = arith.constant 1 : i32
      scf.for %parallel_loop3A_444 = %parallel_loop3A to %parallel_loop3A_415 step %parallel_loop3A_416  : i32 {
        %parallel_loop3A_445 = arith.index_cast %rem3A_253 : i32 to index
        %parallel_loop3A_446 = arith.index_cast %parallel_loop3A_444 : i32 to index
        %parallel_loop3A_447 = arith.constant 0 : index
        %parallel_loop3A_448 = tpu.vector_load %arg13[%parallel_loop3A_445, %parallel_loop3A_446, %parallel_loop3A_447] {strides = array<i32>} : memref<2x80x16xf32, #tpu.memory_space<vmem>>, vector<16xf32>,
        %parallel_loop3A_449 = arith.index_cast %rem3A_253 : i32 to index
        %parallel_loop3A_450 = arith.index_cast %parallel_loop3A_444 : i32 to index
        %parallel_loop3A_451 = arith.constant 0 : index
        %parallel_loop3A_452 = tpu.vector_load %arg14[%parallel_loop3A_449, %parallel_loop3A_450, %parallel_loop3A_451] {strides = array<i32>} : memref<2x80x16xf32, #tpu.memory_space<vmem>>, vector<16xf32>,
        %parallel_loop3A_453 = arith.addf %parallel_loop3A_448, %parallel_loop3A_452 : vector<16xf32>
        %parallel_loop3A_454 = arith.constant 2.000000e-01 : f32
        %parallel_loop3A_455 = vector.broadcast %parallel_loop3A_454 : f32 to vector<16xf32>
        %parallel_loop3A_456 = arith.mulf %parallel_loop3A_455, %parallel_loop3A_453 : vector<16xf32>
        %parallel_loop3A_457 = arith.maximumf %parallel_loop3A_453, %parallel_loop3A_456 : vector<16xf32>
        %parallel_loop3A_458 = math.exp %parallel_loop3A_457 : vector<16xf32>
        %parallel_loop3A_459 = arith.index_cast %rem3A_253 : i32 to index
        %parallel_loop3A_460 = arith.index_cast %parallel_loop3A_444 : i32 to index
        %parallel_loop3A_461 = arith.constant 0 : index
        %parallel_loop3A_462 = tpu.vector_load %arg15[%parallel_loop3A_459, %parallel_loop3A_460, %parallel_loop3A_461] {strides = array<i32>} : memref<2x80x16xf32, #tpu.memory_space<vmem>>, vector<16xf32>,
        tpu.vector_store %arg15[%parallel_loop3A_459, %parallel_loop3A_460, %parallel_loop3A_461], %parallel_loop3A_458 {strides = array<i32>} : memref<2x80x16xf32, #tpu.memory_space<vmem>>, vector<16xf32>,
        %parallel_loop3A_463 = arith.index_cast %rem3A_253 : i32 to index
        %parallel_loop3A_464 = arith.index_cast %parallel_loop3A_444 : i32 to index
        %parallel_loop3A_465 = arith.constant 0 : index
        %parallel_loop3A_466 = tpu.vector_load %arg16[%parallel_loop3A_463, %parallel_loop3A_464, %parallel_loop3A_465] {strides = array<i32>} : memref<2x80x128xbf16, #tpu.memory_space<vmem>>, vector<32xbf16>,
        %parallel_loop3A_467 = tpu.unpack_subelements %parallel_loop3A_466, 0 {pack_format = #tpu.pack_format<interleaved>} : vector<32xbf16> -> vector<16xf32>
        %parallel_loop3A_468 = tpu.unpack_subelements %parallel_loop3A_466, 1 {pack_format = #tpu.pack_format<interleaved>} : vector<32xbf16> -> vector<16xf32>
        %parallel_loop3A_469 = arith.mulf %parallel_loop3A_467, %parallel_loop3A_458 : vector<16xf32>
        %parallel_loop3A_470 = arith.index_cast %rem3A_253 : i32 to index
        %parallel_loop3A_471 = arith.index_cast %parallel_loop3A_444 : i32 to index
        %parallel_loop3A_472 = arith.constant 0 : index
        %parallel_loop3A_473 = tpu.vector_load %arg17[%parallel_loop3A_470, %parallel_loop3A_471, %parallel_loop3A_472] {strides = array<i32>} : memref<2x80x128xf32, #tpu.memory_space<vmem>>, vector<16xf32>,
        tpu.vector_store %arg17[%parallel_loop3A_470, %parallel_loop3A_471, %parallel_loop3A_472], %parallel_loop3A_469 {strides = array<i32>} : memref<2x80x128xf32, #tpu.memory_space<vmem>>, vector<16xf32>,
        %parallel_loop3A_474 = arith.mulf %parallel_loop3A_468, %parallel_loop3A_458 : vector<16xf32>
        %parallel_loop3A_475 = arith.index_cast %rem3A_253 : i32 to index
        %parallel_loop3A_476 = arith.index_cast %parallel_loop3A_444 : i32 to index
        %parallel_loop3A_477 = arith.constant 16 : index
        %parallel_loop3A_478 = tpu.vector_load %arg17[%parallel_loop3A_475, %parallel_loop3A_476, %parallel_loop3A_477] {strides = array<i32>} : memref<2x80x128xf32, #tpu.memory_space<vmem>>, vector<16xf32>,
        tpu.vector_store %arg17[%parallel_loop3A_475, %parallel_loop3A_476, %parallel_loop3A_477], %parallel_loop3A_474 {strides = array<i32>} : memref<2x80x128xf32, #tpu.memory_space<vmem>>, vector<16xf32>,
        %parallel_loop3A_479 = arith.index_cast %rem3A_253 : i32 to index
        %parallel_loop3A_480 = arith.index_cast %parallel_loop3A_444 : i32 to index
        %parallel_loop3A_481 = arith.constant 32 : index
        %parallel_loop3A_482 = tpu.vector_load %arg16[%parallel_loop3A_479, %parallel_loop3A_480, %parallel_loop3A_481] {strides = array<i32>} : memref<2x80x128xbf16, #tpu.memory_space<vmem>>, vector<32xbf16>,
        %parallel_loop3A_483 = tpu.unpack_subelements %parallel_loop3A_482, 0 {pack_format = #tpu.pack_format<interleaved>} : vector<32xbf16> -> vector<16xf32>
        %parallel_loop3A_484 = tpu.unpack_subelements %parallel_loop3A_482, 1 {pack_format = #tpu.pack_format<interleaved>} : vector<32xbf16> -> vector<16xf32>
        %parallel_loop3A_485 = arith.mulf %parallel_loop3A_483, %parallel_loop3A_458 : vector<16xf32>
        %parallel_loop3A_486 = arith.index_cast %rem3A_253 : i32 to index
        %parallel_loop3A_487 = arith.index_cast %parallel_loop3A_444 : i32 to index
        %parallel_loop3A_488 = arith.constant 32 : index
        %parallel_loop3A_489 = tpu.vector_load %arg17[%parallel_loop3A_486, %parallel_loop3A_487, %parallel_loop3A_488] {strides = array<i32>} : memref<2x80x128xf32, #tpu.memory_space<vmem>>, vector<16xf32>,
        tpu.vector_store %arg17[%parallel_loop3A_486, %parallel_loop3A_487, %parallel_loop3A_488], %parallel_loop3A_485 {strides = array<i32>} : memref<2x80x128xf32, #tpu.memory_space<vmem>>, vector<16xf32>,
        %parallel_loop3A_490 = arith.mulf %parallel_loop3A_484, %parallel_loop3A_458 : vector<16xf32>
        %parallel_loop3A_491 = arith.index_cast %rem3A_253 : i32 to index
        %parallel_loop3A_492 = arith.index_cast %parallel_loop3A_444 : i32 to index
        %parallel_loop3A_493 = arith.constant 48 : index
        %parallel_loop3A_494 = tpu.vector_load %arg17[%parallel_loop3A_491, %parallel_loop3A_492, %parallel_loop3A_493] {strides = array<i32>} : memref<2x80x128xf32, #tpu.memory_space<vmem>>, vector<16xf32>,
        tpu.vector_store %arg17[%parallel_loop3A_491, %parallel_loop3A_492, %parallel_loop3A_493], %parallel_loop3A_490 {strides = array<i32>} : memref<2x80x128xf32, #tpu.memory_space<vmem>>, vector<16xf32>,
        %parallel_loop3A_495 = arith.index_cast %rem3A_253 : i32 to index
        %parallel_loop3A_496 = arith.index_cast %parallel_loop3A_444 : i32 to index
        %parallel_loop3A_497 = arith.constant 64 : index
        %parallel_loop3A_498 = tpu.vector_load %arg16[%parallel_loop3A_495, %parallel_loop3A_496, %parallel_loop3A_497] {strides = array<i32>} : memref<2x80x128xbf16, #tpu.memory_space<vmem>>, vector<32xbf16>,
        %parallel_loop3A_499 = tpu.unpack_subelements %parallel_loop3A_498, 0 {pack_format = #tpu.pack_format<interleaved>} : vector<32xbf16> -> vector<16xf32>
        %parallel_loop3A_500 = tpu.unpack_subelements %parallel_loop3A_498, 1 {pack_format = #tpu.pack_format<interleaved>} : vector<32xbf16> -> vector<16xf32>
        %parallel_loop3A_501 = arith.mulf %parallel_loop3A_499, %parallel_loop3A_458 : vector<16xf32>
        %parallel_loop3A_502 = arith.index_cast %rem3A_253 : i32 to index
        %parallel_loop3A_503 = arith.index_cast %parallel_loop3A_444 : i32 to index
        %parallel_loop3A_504 = arith.constant 64 : index
        %parallel_loop3A_505 = tpu.vector_load %arg17[%parallel_loop3A_502, %parallel_loop3A_503, %parallel_loop3A_504] {strides = array<i32>} : memref<2x80x128xf32, #tpu.memory_space<vmem>>, vector<16xf32>,
        tpu.vector_store %arg17[%parallel_loop3A_502, %parallel_loop3A_503, %parallel_loop3A_504], %parallel_loop3A_501 {strides = array<i32>} : memref<2x80x128xf32, #tpu.memory_space<vmem>>, vector<16xf32>,
        %parallel_loop3A_506 = arith.mulf %parallel_loop3A_500, %parallel_loop3A_458 : vector<16xf32>
        %parallel_loop3A_507 = arith.index_cast %rem3A_253 : i32 to index
        %parallel_loop3A_508 = arith.index_cast %parallel_loop3A_444 : i32 to index
        %parallel_loop3A_509 = arith.constant 80 : index
        %parallel_loop3A_510 = tpu.vector_load %arg17[%parallel_loop3A_507, %parallel_loop3A_508, %parallel_loop3A_509] {strides = array<i32>} : memref<2x80x128xf32, #tpu.memory_space<vmem>>, vector<16xf32>,
        tpu.vector_store %arg17[%parallel_loop3A_507, %parallel_loop3A_508, %parallel_loop3A_509], %parallel_loop3A_506 {strides = array<i32>} : memref<2x80x128xf32, #tpu.memory_space<vmem>>, vector<16xf32>,
        %parallel_loop3A_511 = arith.index_cast %rem3A_253 : i32 to index
        %parallel_loop3A_512 = arith.index_cast %parallel_loop3A_444 : i32 to index
        %parallel_loop3A_513 = arith.constant 96 : index
        %parallel_loop3A_514 = tpu.vector_load %arg16[%parallel_loop3A_511, %parallel_loop3A_512, %parallel_loop3A_513] {strides = array<i32>} : memref<2x80x128xbf16, #tpu.memory_space<vmem>>, vector<32xbf16>,
        %parallel_loop3A_515 = tpu.unpack_subelements %parallel_loop3A_514, 0 {pack_format = #tpu.pack_format<interleaved>} : vector<32xbf16> -> vector<16xf32>
        %parallel_loop3A_516 = tpu.unpack_subelements %parallel_loop3A_514, 1 {pack_format = #tpu.pack_format<interleaved>} : vector<32xbf16> -> vector<16xf32>
        %parallel_loop3A_517 = arith.mulf %parallel_loop3A_515, %parallel_loop3A_458 : vector<16xf32>
        %parallel_loop3A_518 = arith.index_cast %rem3A_253 : i32 to index
        %parallel_loop3A_519 = arith.index_cast %parallel_loop3A_444 : i32 to index
        %parallel_loop3A_520 = arith.constant 96 : index
        %parallel_loop3A_521 = tpu.vector_load %arg17[%parallel_loop3A_518, %parallel_loop3A_519, %parallel_loop3A_520] {strides = array<i32>} : memref<2x80x128xf32, #tpu.memory_space<vmem>>, vector<16xf32>,
        tpu.vector_store %arg17[%parallel_loop3A_518, %parallel_loop3A_519, %parallel_loop3A_520], %parallel_loop3A_517 {strides = array<i32>} : memref<2x80x128xf32, #tpu.memory_space<vmem>>, vector<16xf32>,
        %parallel_loop3A_522 = arith.mulf %parallel_loop3A_516, %parallel_loop3A_458 : vector<16xf32>
        %parallel_loop3A_523 = arith.index_cast %rem3A_253 : i32 to index
        %parallel_loop3A_524 = arith.index_cast %parallel_loop3A_444 : i32 to index
        %parallel_loop3A_525 = arith.constant 112 : index
        %parallel_loop3A_526 = tpu.vector_load %arg17[%parallel_loop3A_523, %parallel_loop3A_524, %parallel_loop3A_525] {strides = array<i32>} : memref<2x80x128xf32, #tpu.memory_space<vmem>>, vector<16xf32>,
        tpu.vector_store %arg17[%parallel_loop3A_523, %parallel_loop3A_524, %parallel_loop3A_525], %parallel_loop3A_522 {strides = array<i32>} : memref<2x80x128xf32, #tpu.memory_space<vmem>>, vector<16xf32>,
      } {sc.loop_unroll_factor = 4 : i64, sc.parallel_access}
      %rem3A_417 = arith.constant 3 : i32
      %rem3A_418 = arith.remsi %scan3A_250, %rem3A_417 : i32
      %dma_start3A_419 = arith.constant 0 : i32
      %dma_start3A_420 = arith.constant 0 : i32
      %dma_start3A_421 = tpu.memref_slice %arg17[%rem3A_253, %dma_start3A_419, %dma_start3A_420] : memref<2x80x128xf32, #tpu.memory_space<vmem>> -> memref<1x80x128xf32, #tpu.memory_space<vmem>>
      %dma_start3A_422 = tpu.memref_squeeze %dma_start3A_421 : memref<1x80x128xf32, #tpu.memory_space<vmem>> -> memref<80x128xf32, #tpu.memory_space<vmem>>
      %dma_start3A_423 = arith.constant 0 : i32
      %dma_start3A_424 = tpu.memref_slice %arg12[%rem3A_418, %dma_start3A_423] : memref<3x80xi32, #tpu.memory_space<vmem>> -> memref<1x80xi32, #tpu.memory_space<vmem>>
      %dma_start3A_425 = tpu.memref_squeeze %dma_start3A_424 : memref<1x80xi32, #tpu.memory_space<vmem>> -> memref<80xi32, #tpu.memory_space<vmem>>
      %dma_start3A_426 = arith.constant 0 : i32
      %dma_start3A_427 = arith.constant 0 : i32
      %dma_start3A_428 = tpu.memref_slice %arg9[%dma_start3A_426, %dma_start3A_427] : memref<10000x128xf32, #tpu.memory_space<vmem_shared>> -> memref<10000x128xf32, #tpu.memory_space<vmem_shared>>
      %dma_start3A_429 = tpu.memref_slice %arg21[%rem3A_253] : memref<2x!tpu.dma_semaphore, #tpu.memory_space<semaphore_mem>> -> memref<1x!tpu.dma_semaphore, #tpu.memory_space<semaphore_mem>>
      %dma_start3A_430 = tpu.memref_squeeze %dma_start3A_429 : memref<1x!tpu.dma_semaphore, #tpu.memory_space<semaphore_mem>> -> memref<!tpu.dma_semaphore, #tpu.memory_space<semaphore_mem>>
      tpu.enqueue_indirect_dma source(%dma_start3A_422 : memref<80x128xf32, #tpu.memory_space<vmem>>) target(%dma_start3A_428 : memref<10000x128xf32, #tpu.memory_space<vmem_shared>>) offsets(%dma_start3A_425 : memref<80xi32, #tpu.memory_space<vmem>>) semaphore(%dma_start3A_430 : memref<!tpu.dma_semaphore, #tpu.memory_space<semaphore_mem>>) {add = true}
      %dma_start3A_431 = arith.constant 0 : i32
      %dma_start3A_432 = arith.constant 0 : i32
      %dma_start3A_433 = tpu.memref_slice %arg15[%rem3A_253, %dma_start3A_431, %dma_start3A_432] : memref<2x80x16xf32, #tpu.memory_space<vmem>> -> memref<1x80x16xf32, #tpu.memory_space<vmem>>
      %dma_start3A_434 = tpu.memref_squeeze %dma_start3A_433 : memref<1x80x16xf32, #tpu.memory_space<vmem>> -> memref<80x16xf32, #tpu.memory_space<vmem>>
      %dma_start3A_435 = arith.constant 0 : i32
      %dma_start3A_436 = tpu.memref_slice %arg12[%rem3A_418, %dma_start3A_435] : memref<3x80xi32, #tpu.memory_space<vmem>> -> memref<1x80xi32, #tpu.memory_space<vmem>>
      %dma_start3A_437 = tpu.memref_squeeze %dma_start3A_436 : memref<1x80xi32, #tpu.memory_space<vmem>> -> memref<80xi32, #tpu.memory_space<vmem>>
      %dma_start3A_438 = arith.constant 0 : i32
      %dma_start3A_439 = arith.constant 0 : i32
      %dma_start3A_440 = tpu.memref_slice %arg10[%dma_start3A_438, %dma_start3A_439] : memref<10000x16xf32, #tpu.memory_space<vmem_shared>> -> memref<10000x16xf32, #tpu.memory_space<vmem_shared>>
      %dma_start3A_441 = tpu.memref_slice %arg21[%rem3A_253] : memref<2x!tpu.dma_semaphore, #tpu.memory_space<semaphore_mem>> -> memref<1x!tpu.dma_semaphore, #tpu.memory_space<semaphore_mem>>
      %dma_start3A_442 = tpu.memref_squeeze %dma_start3A_441 : memref<1x!tpu.dma_semaphore, #tpu.memory_space<semaphore_mem>> -> memref<!tpu.dma_semaphore, #tpu.memory_space<semaphore_mem>>
      tpu.enqueue_indirect_dma source(%dma_start3A_434 : memref<80x16xf32, #tpu.memory_space<vmem>>) target(%dma_start3A_440 : memref<10000x16xf32, #tpu.memory_space<vmem_shared>>) offsets(%dma_start3A_437 : memref<80xi32, #tpu.memory_space<vmem>>) semaphore(%dma_start3A_442 : memref<!tpu.dma_semaphore, #tpu.memory_space<semaphore_mem>>) {add = true}
      %scan3A_443 = arith.constant 0 : i32
      scf.yield %scan3A_443 : i32
    }
    %scan3A_140 = arith.constant 125 : i32
    %rem3A = arith.constant 124 : i32
    %rem3A_141 = arith.constant 2 : i32
    %rem3A_142 = arith.remsi %rem3A, %rem3A_141 : i32
    %dma_wait3A = arith.constant 0 : i32
    %dma_wait3A_143 = arith.constant 0 : i32
    %dma_wait3A_144 = arith.constant 0 : i32
    %dma_wait3A_145 = tpu.memref_slice %arg17[%rem3A_142, %dma_wait3A_143, %dma_wait3A_144] : memref<2x80x128xf32, #tpu.memory_space<vmem>> -> memref<1x80x128xf32, #tpu.memory_space<vmem>>
    %dma_wait3A_146 = tpu.memref_squeeze %dma_wait3A_145 : memref<1x80x128xf32, #tpu.memory_space<vmem>> -> memref<80x128xf32, #tpu.memory_space<vmem>>
    %dma_wait3A_147 = arith.constant 0 : i32
    %dma_wait3A_148 = tpu.memref_slice %arg12[%dma_wait3A, %dma_wait3A_147] : memref<3x80xi32, #tpu.memory_space<vmem>> -> memref<1x80xi32, #tpu.memory_space<vmem>>
    %dma_wait3A_149 = tpu.memref_squeeze %dma_wait3A_148 : memref<1x80xi32, #tpu.memory_space<vmem>> -> memref<80xi32, #tpu.memory_space<vmem>>
    %dma_wait3A_150 = arith.constant 0 : i32
    %dma_wait3A_151 = arith.constant 0 : i32
    %dma_wait3A_152 = tpu.memref_slice %arg9[%dma_wait3A_150, %dma_wait3A_151] : memref<10000x128xf32, #tpu.memory_space<vmem_shared>> -> memref<10000x128xf32, #tpu.memory_space<vmem_shared>>
    %dma_wait3A_153 = tpu.memref_slice %arg21[%rem3A_142] : memref<2x!tpu.dma_semaphore, #tpu.memory_space<semaphore_mem>> -> memref<1x!tpu.dma_semaphore, #tpu.memory_space<semaphore_mem>>
    %dma_wait3A_154 = tpu.memref_squeeze %dma_wait3A_153 : memref<1x!tpu.dma_semaphore, #tpu.memory_space<semaphore_mem>> -> memref<!tpu.dma_semaphore, #tpu.memory_space<semaphore_mem>>
    tpu.wait_indirect_dma semaphore(%dma_wait3A_154 : memref<!tpu.dma_semaphore, #tpu.memory_space<semaphore_mem>>) src(%dma_wait3A_146 : memref<80x128xf32, #tpu.memory_space<vmem>>) dst(%dma_wait3A_152 : memref<10000x128xf32, #tpu.memory_space<vmem_shared>>)
    %dma_wait3A_155 = arith.constant 0 : i32
    %dma_wait3A_156 = arith.constant 0 : i32
    %dma_wait3A_157 = arith.constant 0 : i32
    %dma_wait3A_158 = tpu.memref_slice %arg15[%rem3A_142, %dma_wait3A_156, %dma_wait3A_157] : memref<2x80x16xf32, #tpu.memory_space<vmem>> -> memref<1x80x16xf32, #tpu.memory_space<vmem>>
    %dma_wait3A_159 = tpu.memref_squeeze %dma_wait3A_158 : memref<1x80x16xf32, #tpu.memory_space<vmem>> -> memref<80x16xf32, #tpu.memory_space<vmem>>
    %dma_wait3A_160 = arith.constant 0 : i32
    %dma_wait3A_161 = tpu.memref_slice %arg12[%dma_wait3A_155, %dma_wait3A_160] : memref<3x80xi32, #tpu.memory_space<vmem>> -> memref<1x80xi32, #tpu.memory_space<vmem>>
    %dma_wait3A_162 = tpu.memref_squeeze %dma_wait3A_161 : memref<1x80xi32, #tpu.memory_space<vmem>> -> memref<80xi32, #tpu.memory_space<vmem>>
    %dma_wait3A_163 = arith.constant 0 : i32
    %dma_wait3A_164 = arith.constant 0 : i32
    %dma_wait3A_165 = tpu.memref_slice %arg10[%dma_wait3A_163, %dma_wait3A_164] : memref<10000x16xf32, #tpu.memory_space<vmem_shared>> -> memref<10000x16xf32, #tpu.memory_space<vmem_shared>>
    %dma_wait3A_166 = tpu.memref_slice %arg21[%rem3A_142] : memref<2x!tpu.dma_semaphore, #tpu.memory_space<semaphore_mem>> -> memref<1x!tpu.dma_semaphore, #tpu.memory_space<semaphore_mem>>
    %dma_wait3A_167 = tpu.memref_squeeze %dma_wait3A_166 : memref<1x!tpu.dma_semaphore, #tpu.memory_space<semaphore_mem>> -> memref<!tpu.dma_semaphore, #tpu.memory_space<semaphore_mem>>
    tpu.wait_indirect_dma semaphore(%dma_wait3A_167 : memref<!tpu.dma_semaphore, #tpu.memory_space<semaphore_mem>>) src(%dma_wait3A_159 : memref<80x16xf32, #tpu.memory_space<vmem>>) dst(%dma_wait3A_165 : memref<10000x16xf32, #tpu.memory_space<vmem_shared>>)
    %rem3A_168 = arith.constant 125 : i32
    %rem3A_169 = arith.constant 2 : i32
    %rem3A_170 = arith.remsi %rem3A_168, %rem3A_169 : i32
    %dma_wait3A_171 = arith.constant 0 : i32
    %dma_wait3A_172 = arith.constant 0 : i32
    %dma_wait3A_173 = arith.constant 0 : i32
    %dma_wait3A_174 = tpu.memref_slice %arg16[%rem3A_170, %dma_wait3A_172, %dma_wait3A_173] : memref<2x80x128xbf16, #tpu.memory_space<vmem>> -> memref<1x80x128xbf16, #tpu.memory_space<vmem>>
    %dma_wait3A_175 = tpu.memref_squeeze %dma_wait3A_174 : memref<1x80x128xbf16, #tpu.memory_space<vmem>> -> memref<80x128xbf16, #tpu.memory_space<vmem>>
    %dma_wait3A_176 = arith.constant 0 : i32
    %dma_wait3A_177 = tpu.memref_slice %arg11[%dma_wait3A_171, %dma_wait3A_176] : memref<3x80xi32, #tpu.memory_space<vmem>> -> memref<1x80xi32, #tpu.memory_space<vmem>>
    %dma_wait3A_178 = tpu.memref_squeeze %dma_wait3A_177 : memref<1x80xi32, #tpu.memory_space<vmem>> -> memref<80xi32, #tpu.memory_space<vmem>>
    %dma_wait3A_179 = arith.constant 0 : i32
    %dma_wait3A_180 = arith.constant 0 : i32
    %dma_wait3A_181 = tpu.memref_slice %arg2[%dma_wait3A_179, %dma_wait3A_180] : memref<10000x128xbf16, #tpu.memory_space<hbm>> -> memref<10000x128xbf16, #tpu.memory_space<hbm>>
    %dma_wait3A_182 = tpu.memref_slice %arg18[%rem3A_170] : memref<2x!tpu.dma_semaphore, #tpu.memory_space<semaphore_mem>> -> memref<1x!tpu.dma_semaphore, #tpu.memory_space<semaphore_mem>>
    %dma_wait3A_183 = tpu.memref_squeeze %dma_wait3A_182 : memref<1x!tpu.dma_semaphore, #tpu.memory_space<semaphore_mem>> -> memref<!tpu.dma_semaphore, #tpu.memory_space<semaphore_mem>>
    tpu.wait_indirect_dma semaphore(%dma_wait3A_183 : memref<!tpu.dma_semaphore, #tpu.memory_space<semaphore_mem>>) src(%dma_wait3A_181 : memref<10000x128xbf16, #tpu.memory_space<hbm>>) dst(%dma_wait3A_175 : memref<80x128xbf16, #tpu.memory_space<vmem>>)
    %dma_wait3A_184 = arith.constant 0 : i32
    %dma_wait3A_185 = arith.constant 0 : i32
    %dma_wait3A_186 = arith.constant 0 : i32
    %dma_wait3A_187 = tpu.memref_slice %arg13[%rem3A_170, %dma_wait3A_185, %dma_wait3A_186] : memref<2x80x16xf32, #tpu.memory_space<vmem>> -> memref<1x80x16xf32, #tpu.memory_space<vmem>>
    %dma_wait3A_188 = tpu.memref_squeeze %dma_wait3A_187 : memref<1x80x16xf32, #tpu.memory_space<vmem>> -> memref<80x16xf32, #tpu.memory_space<vmem>>
    %dma_wait3A_189 = arith.constant 0 : i32
    %dma_wait3A_190 = tpu.memref_slice %arg11[%dma_wait3A_184, %dma_wait3A_189] : memref<3x80xi32, #tpu.memory_space<vmem>> -> memref<1x80xi32, #tpu.memory_space<vmem>>
    %dma_wait3A_191 = tpu.memref_squeeze %dma_wait3A_190 : memref<1x80xi32, #tpu.memory_space<vmem>> -> memref<80xi32, #tpu.memory_space<vmem>>
    %dma_wait3A_192 = arith.constant 0 : i32
    %dma_wait3A_193 = arith.constant 0 : i32
    %dma_wait3A_194 = tpu.memref_slice %arg3[%dma_wait3A_192, %dma_wait3A_193] : memref<10000x16xf32, #tpu.memory_space<hbm>> -> memref<10000x16xf32, #tpu.memory_space<hbm>>
    %dma_wait3A_195 = tpu.memref_slice %arg19[%rem3A_170] : memref<2x!tpu.dma_semaphore, #tpu.memory_space<semaphore_mem>> -> memref<1x!tpu.dma_semaphore, #tpu.memory_space<semaphore_mem>>
    %dma_wait3A_196 = tpu.memref_squeeze %dma_wait3A_195 : memref<1x!tpu.dma_semaphore, #tpu.memory_space<semaphore_mem>> -> memref<!tpu.dma_semaphore, #tpu.memory_space<semaphore_mem>>
    tpu.wait_indirect_dma semaphore(%dma_wait3A_196 : memref<!tpu.dma_semaphore, #tpu.memory_space<semaphore_mem>>) src(%dma_wait3A_194 : memref<10000x16xf32, #tpu.memory_space<hbm>>) dst(%dma_wait3A_188 : memref<80x16xf32, #tpu.memory_space<vmem>>)
    %dma_wait3A_197 = arith.constant 0 : i32
    %dma_wait3A_198 = arith.constant 0 : i32
    %dma_wait3A_199 = arith.constant 0 : i32
    %dma_wait3A_200 = tpu.memref_slice %arg14[%rem3A_170, %dma_wait3A_198, %dma_wait3A_199] : memref<2x80x16xf32, #tpu.memory_space<vmem>> -> memref<1x80x16xf32, #tpu.memory_space<vmem>>
    %dma_wait3A_201 = tpu.memref_squeeze %dma_wait3A_200 : memref<1x80x16xf32, #tpu.memory_space<vmem>> -> memref<80x16xf32, #tpu.memory_space<vmem>>
    %dma_wait3A_202 = arith.constant 0 : i32
    %dma_wait3A_203 = tpu.memref_slice %arg12[%dma_wait3A_197, %dma_wait3A_202] : memref<3x80xi32, #tpu.memory_space<vmem>> -> memref<1x80xi32, #tpu.memory_space<vmem>>
    %dma_wait3A_204 = tpu.memref_squeeze %dma_wait3A_203 : memref<1x80xi32, #tpu.memory_space<vmem>> -> memref<80xi32, #tpu.memory_space<vmem>>
    %dma_wait3A_205 = arith.constant 0 : i32
    %dma_wait3A_206 = arith.constant 0 : i32
    %dma_wait3A_207 = tpu.memref_slice %arg4[%dma_wait3A_205, %dma_wait3A_206] : memref<10000x16xf32, #tpu.memory_space<hbm>> -> memref<10000x16xf32, #tpu.memory_space<hbm>>
    %dma_wait3A_208 = tpu.memref_slice %arg20[%rem3A_170] : memref<2x!tpu.dma_semaphore, #tpu.memory_space<semaphore_mem>> -> memref<1x!tpu.dma_semaphore, #tpu.memory_space<semaphore_mem>>
    %dma_wait3A_209 = tpu.memref_squeeze %dma_wait3A_208 : memref<1x!tpu.dma_semaphore, #tpu.memory_space<semaphore_mem>> -> memref<!tpu.dma_semaphore, #tpu.memory_space<semaphore_mem>>
    tpu.wait_indirect_dma semaphore(%dma_wait3A_209 : memref<!tpu.dma_semaphore, #tpu.memory_space<semaphore_mem>>) src(%dma_wait3A_207 : memref<10000x16xf32, #tpu.memory_space<hbm>>) dst(%dma_wait3A_201 : memref<80x16xf32, #tpu.memory_space<vmem>>)
    %rem3A_210 = arith.constant 126 : i32
    %rem3A_211 = arith.constant 3 : i32
    %rem3A_212 = arith.remsi %rem3A_210, %rem3A_211 : i32
    %dma_wait3A_213 = arith.constant 0 : i32
    %dma_wait3A_214 = tpu.memref_slice %arg11[%rem3A_212, %dma_wait3A_213] : memref<3x80xi32, #tpu.memory_space<vmem>> -> memref<1x80xi32, #tpu.memory_space<vmem>>
    %dma_wait3A_215 = tpu.memref_squeeze %dma_wait3A_214 : memref<1x80xi32, #tpu.memory_space<vmem>> -> memref<80xi32, #tpu.memory_space<vmem>>
    %dma_wait3A_216 = arith.constant 0 : i32
    %dma_wait3A_217 = tpu.memref_slice %arg5[%dma_wait3A_216] : memref<320000xi32, #tpu.memory_space<hbm>> -> memref<80xi32, #tpu.memory_space<hbm>>
    %dma_wait3A_218 = tpu.memref_slice %arg22[%rem3A_212] : memref<3x!tpu.dma_semaphore, #tpu.memory_space<semaphore_mem>> -> memref<1x!tpu.dma_semaphore, #tpu.memory_space<semaphore_mem>>
    %dma_wait3A_219 = tpu.memref_squeeze %dma_wait3A_218 : memref<1x!tpu.dma_semaphore, #tpu.memory_space<semaphore_mem>> -> memref<!tpu.dma_semaphore, #tpu.memory_space<semaphore_mem>>
    %dma_wait3A_220 = arith.constant 0 : i32
    %dma_wait3A_221 = tpu.memref_slice %arg11[%rem3A_212, %dma_wait3A_220] : memref<3x80xi32, #tpu.memory_space<vmem>> -> memref<1x80xi32, #tpu.memory_space<vmem>>
    %dma_wait3A_222 = tpu.memref_squeeze %dma_wait3A_221 : memref<1x80xi32, #tpu.memory_space<vmem>> -> memref<80xi32, #tpu.memory_space<vmem>>
    %dma_wait3A_223 = arith.constant 0 : i32
    %dma_wait3A_224 = tpu.memref_slice %arg5[%dma_wait3A_223] : memref<320000xi32, #tpu.memory_space<hbm>> -> memref<80xi32, #tpu.memory_space<hbm>>
    tpu.wait_dma2 semaphore(%dma_wait3A_219 : memref<!tpu.dma_semaphore, #tpu.memory_space<semaphore_mem>>) src(%dma_wait3A_224 : memref<80xi32, #tpu.memory_space<hbm>>) dst(%dma_wait3A_222 : memref<80xi32, #tpu.memory_space<vmem>>)
    %dma_wait3A_225 = arith.constant 0 : i32
    %dma_wait3A_226 = tpu.memref_slice %arg12[%rem3A_212, %dma_wait3A_225] : memref<3x80xi32, #tpu.memory_space<vmem>> -> memref<1x80xi32, #tpu.memory_space<vmem>>
    %dma_wait3A_227 = tpu.memref_squeeze %dma_wait3A_226 : memref<1x80xi32, #tpu.memory_space<vmem>> -> memref<80xi32, #tpu.memory_space<vmem>>
    %dma_wait3A_228 = arith.constant 0 : i32
    %dma_wait3A_229 = tpu.memref_slice %arg6[%dma_wait3A_228] : memref<320000xi32, #tpu.memory_space<hbm>> -> memref<80xi32, #tpu.memory_space<hbm>>
    %dma_wait3A_230 = tpu.memref_slice %arg23[%rem3A_212] : memref<3x!tpu.dma_semaphore, #tpu.memory_space<semaphore_mem>> -> memref<1x!tpu.dma_semaphore, #tpu.memory_space<semaphore_mem>>
    %dma_wait3A_231 = tpu.memref_squeeze %dma_wait3A_230 : memref<1x!tpu.dma_semaphore, #tpu.memory_space<semaphore_mem>> -> memref<!tpu.dma_semaphore, #tpu.memory_space<semaphore_mem>>
    %dma_wait3A_232 = arith.constant 0 : i32
    %dma_wait3A_233 = tpu.memref_slice %arg12[%rem3A_212, %dma_wait3A_232] : memref<3x80xi32, #tpu.memory_space<vmem>> -> memref<1x80xi32, #tpu.memory_space<vmem>>
    %dma_wait3A_234 = tpu.memref_squeeze %dma_wait3A_233 : memref<1x80xi32, #tpu.memory_space<vmem>> -> memref<80xi32, #tpu.memory_space<vmem>>
    %dma_wait3A_235 = arith.constant 0 : i32
    %dma_wait3A_236 = tpu.memref_slice %arg6[%dma_wait3A_235] : memref<320000xi32, #tpu.memory_space<hbm>> -> memref<80xi32, #tpu.memory_space<hbm>>
    tpu.wait_dma2 semaphore(%dma_wait3A_231 : memref<!tpu.dma_semaphore, #tpu.memory_space<semaphore_mem>>) src(%dma_wait3A_236 : memref<80xi32, #tpu.memory_space<hbm>>) dst(%dma_wait3A_234 : memref<80xi32, #tpu.memory_space<vmem>>)
    %barrier3A_237 = arith.constant 0 : index
    tpu.barrier barrier_id(%barrier3A_237)
    %while3A_238 = arith.constant 0 : i32
    %while3A_239 = arith.constant 0 : i32
    %while3A_240 = arith.subi %add3A_13, %while3A_238 : i32
    %while3A_241 = arith.addi %while3A_238, %while3A_240 : i32
    %while3A_242 = arith.constant 1 : i32
    %while3A_243 = arith.divsi %while3A_240, %while3A_242 : i32
    %while3A_244 = arith.muli %while3A_243, %while3A_242 : i32
    %while3A_245 = arith.addi %while3A_238, %while3A_244 : i32
    %while3A_246 = arith.constant 1 : i32
    %while3A_247 = scf.for %while3A_250 = %while3A_238 to %while3A_245 step %while3A_246 iter_args(%while3A_251 = %while3A_239) -> (i32)  : i32 {
      %add3A_252 = arith.addi %add3A_10, %while3A_250 : i32
      %mul3A_253 = arith.constant 80 : i32
      %mul3A_254 = arith.muli %add3A_252, %mul3A_253 : i32
      %run_scoped3A_255 = arith.constant 0 : i32
      "tpu.region"() ({
        %run_scoped3A_272 = tpu.sem_alloc : memref<!tpu.dma_semaphore, #tpu.memory_space<semaphore_mem>>
        %dma_start3A_273 = arith.constant 0 : i32
        %dma_start3A_274 = arith.constant 0 : i32
        %dma_start3A_275 = tpu.memref_slice %arg17[%run_scoped3A_255, %dma_start3A_273, %dma_start3A_274] : memref<2x80x128xf32, #tpu.memory_space<vmem>> -> memref<1x80x128xf32, #tpu.memory_space<vmem>>
        %dma_start3A_276 = tpu.memref_squeeze %dma_start3A_275 : memref<1x80x128xf32, #tpu.memory_space<vmem>> -> memref<80x128xf32, #tpu.memory_space<vmem>>
        %dma_start3A_277 = arith.constant 0 : i32
        %dma_start3A_278 = tpu.memref_slice %arg9[%mul3A_254, %dma_start3A_277] : memref<10000x128xf32, #tpu.memory_space<vmem_shared>> -> memref<80x128xf32, #tpu.memory_space<vmem_shared>>
        %dma_start3A_279 = arith.constant 0 : i32
        %dma_start3A_280 = arith.constant 0 : i32
        %dma_start3A_281 = tpu.memref_slice %arg17[%run_scoped3A_255, %dma_start3A_279, %dma_start3A_280] : memref<2x80x128xf32, #tpu.memory_space<vmem>> -> memref<1x80x128xf32, #tpu.memory_space<vmem>>
        %dma_start3A_282 = tpu.memref_squeeze %dma_start3A_281 : memref<1x80x128xf32, #tpu.memory_space<vmem>> -> memref<80x128xf32, #tpu.memory_space<vmem>>
        %dma_start3A_283 = arith.constant 0 : i32
        %dma_start3A_284 = tpu.memref_slice %arg9[%mul3A_254, %dma_start3A_283] : memref<10000x128xf32, #tpu.memory_space<vmem_shared>> -> memref<80x128xf32, #tpu.memory_space<vmem_shared>>
        tpu.enqueue_dma source(%dma_start3A_284 : memref<80x128xf32, #tpu.memory_space<vmem_shared>>) target(%dma_start3A_282 : memref<80x128xf32, #tpu.memory_space<vmem>>) target_semaphore(%run_scoped3A_272 : memref<!tpu.dma_semaphore, #tpu.memory_space<semaphore_mem>>)
        %dma_wait3A_285 = arith.constant 0 : i32
        %dma_wait3A_286 = arith.constant 0 : i32
        %dma_wait3A_287 = tpu.memref_slice %arg17[%run_scoped3A_255, %dma_wait3A_285, %dma_wait3A_286] : memref<2x80x128xf32, #tpu.memory_space<vmem>> -> memref<1x80x128xf32, #tpu.memory_space<vmem>>
        %dma_wait3A_288 = tpu.memref_squeeze %dma_wait3A_287 : memref<1x80x128xf32, #tpu.memory_space<vmem>> -> memref<80x128xf32, #tpu.memory_space<vmem>>
        %dma_wait3A_289 = arith.constant 0 : i32
        %dma_wait3A_290 = tpu.memref_slice %arg9[%mul3A_254, %dma_wait3A_289] : memref<10000x128xf32, #tpu.memory_space<vmem_shared>> -> memref<80x128xf32, #tpu.memory_space<vmem_shared>>
        %dma_wait3A_291 = arith.constant 0 : i32
        %dma_wait3A_292 = arith.constant 0 : i32
        %dma_wait3A_293 = tpu.memref_slice %arg17[%run_scoped3A_255, %dma_wait3A_291, %dma_wait3A_292] : memref<2x80x128xf32, #tpu.memory_space<vmem>> -> memref<1x80x128xf32, #tpu.memory_space<vmem>>
        %dma_wait3A_294 = tpu.memref_squeeze %dma_wait3A_293 : memref<1x80x128xf32, #tpu.memory_space<vmem>> -> memref<80x128xf32, #tpu.memory_space<vmem>>
        %dma_wait3A_295 = arith.constant 0 : i32
        %dma_wait3A_296 = tpu.memref_slice %arg9[%mul3A_254, %dma_wait3A_295] : memref<10000x128xf32, #tpu.memory_space<vmem_shared>> -> memref<80x128xf32, #tpu.memory_space<vmem_shared>>
        tpu.wait_dma2 semaphore(%run_scoped3A_272 : memref<!tpu.dma_semaphore, #tpu.memory_space<semaphore_mem>>) src(%dma_wait3A_296 : memref<80x128xf32, #tpu.memory_space<vmem_shared>>) dst(%dma_wait3A_294 : memref<80x128xf32, #tpu.memory_space<vmem>>)
        tpu.yield
      }) : () -> ()
      %mul3A_256 = arith.constant 10000 : i32
      %mul3A_257 = arith.muli %arg0, %mul3A_256 : i32
      %mul3A_258 = arith.constant 80 : i32
      %mul3A_259 = arith.muli %add3A_252, %mul3A_258 : i32
      %add3A_260 = arith.addi %mul3A_257, %mul3A_259 : i32
      %run_scoped3A_261 = arith.constant 0 : i32
      "tpu.region"() ({
        %run_scoped3A_272 = tpu.sem_alloc : memref<!tpu.dma_semaphore, #tpu.memory_space<semaphore_mem>>
        %dma_start3A_273 = arith.constant 0 : i32
        %dma_start3A_274 = arith.constant 0 : i32
        %dma_start3A_275 = tpu.memref_slice %arg17[%run_scoped3A_261, %dma_start3A_273, %dma_start3A_274] : memref<2x80x128xf32, #tpu.memory_space<vmem>> -> memref<1x80x128xf32, #tpu.memory_space<vmem>>
        %dma_start3A_276 = tpu.memref_squeeze %dma_start3A_275 : memref<1x80x128xf32, #tpu.memory_space<vmem>> -> memref<80x128xf32, #tpu.memory_space<vmem>>
        %dma_start3A_277 = arith.constant 0 : i32
        %dma_start3A_278 = tpu.memref_slice %arg7[%add3A_260, %dma_start3A_277] : memref<20000x128xf32, #tpu.memory_space<hbm>> -> memref<80x128xf32, #tpu.memory_space<hbm>>
        %dma_start3A_279 = arith.constant 0 : i32
        %dma_start3A_280 = tpu.memref_slice %arg7[%add3A_260, %dma_start3A_279] : memref<20000x128xf32, #tpu.memory_space<hbm>> -> memref<80x128xf32, #tpu.memory_space<hbm>>
        %dma_start3A_281 = arith.constant 0 : i32
        %dma_start3A_282 = arith.constant 0 : i32
        %dma_start3A_283 = tpu.memref_slice %arg17[%run_scoped3A_261, %dma_start3A_281, %dma_start3A_282] : memref<2x80x128xf32, #tpu.memory_space<vmem>> -> memref<1x80x128xf32, #tpu.memory_space<vmem>>
        %dma_start3A_284 = tpu.memref_squeeze %dma_start3A_283 : memref<1x80x128xf32, #tpu.memory_space<vmem>> -> memref<80x128xf32, #tpu.memory_space<vmem>>
        tpu.enqueue_dma source(%dma_start3A_284 : memref<80x128xf32, #tpu.memory_space<vmem>>) target(%dma_start3A_280 : memref<80x128xf32, #tpu.memory_space<hbm>>) target_semaphore(%run_scoped3A_272 : memref<!tpu.dma_semaphore, #tpu.memory_space<semaphore_mem>>)
        %dma_wait3A_285 = arith.constant 0 : i32
        %dma_wait3A_286 = arith.constant 0 : i32
        %dma_wait3A_287 = tpu.memref_slice %arg17[%run_scoped3A_261, %dma_wait3A_285, %dma_wait3A_286] : memref<2x80x128xf32, #tpu.memory_space<vmem>> -> memref<1x80x128xf32, #tpu.memory_space<vmem>>
        %dma_wait3A_288 = tpu.memref_squeeze %dma_wait3A_287 : memref<1x80x128xf32, #tpu.memory_space<vmem>> -> memref<80x128xf32, #tpu.memory_space<vmem>>
        %dma_wait3A_289 = arith.constant 0 : i32
        %dma_wait3A_290 = tpu.memref_slice %arg7[%add3A_260, %dma_wait3A_289] : memref<20000x128xf32, #tpu.memory_space<hbm>> -> memref<80x128xf32, #tpu.memory_space<hbm>>
        %dma_wait3A_291 = arith.constant 0 : i32
        %dma_wait3A_292 = tpu.memref_slice %arg7[%add3A_260, %dma_wait3A_291] : memref<20000x128xf32, #tpu.memory_space<hbm>> -> memref<80x128xf32, #tpu.memory_space<hbm>>
        %dma_wait3A_293 = arith.constant 0 : i32
        %dma_wait3A_294 = arith.constant 0 : i32
        %dma_wait3A_295 = tpu.memref_slice %arg17[%run_scoped3A_261, %dma_wait3A_293, %dma_wait3A_294] : memref<2x80x128xf32, #tpu.memory_space<vmem>> -> memref<1x80x128xf32, #tpu.memory_space<vmem>>
        %dma_wait3A_296 = tpu.memref_squeeze %dma_wait3A_295 : memref<1x80x128xf32, #tpu.memory_space<vmem>> -> memref<80x128xf32, #tpu.memory_space<vmem>>
        tpu.wait_dma2 semaphore(%run_scoped3A_272 : memref<!tpu.dma_semaphore, #tpu.memory_space<semaphore_mem>>) src(%dma_wait3A_296 : memref<80x128xf32, #tpu.memory_space<vmem>>) dst(%dma_wait3A_292 : memref<80x128xf32, #tpu.memory_space<hbm>>)
        tpu.yield
      }) : () -> ()
      %mul3A_262 = arith.constant 80 : i32
      %mul3A_263 = arith.muli %add3A_252, %mul3A_262 : i32
      %run_scoped3A_264 = arith.constant 0 : i32
      "tpu.region"() ({
        %run_scoped3A_272 = tpu.sem_alloc : memref<!tpu.dma_semaphore, #tpu.memory_space<semaphore_mem>>
        %dma_start3A_273 = arith.constant 0 : i32
        %dma_start3A_274 = arith.constant 0 : i32
        %dma_start3A_275 = tpu.memref_slice %arg15[%run_scoped3A_264, %dma_start3A_273, %dma_start3A_274] : memref<2x80x16xf32, #tpu.memory_space<vmem>> -> memref<1x80x16xf32, #tpu.memory_space<vmem>>
        %dma_start3A_276 = tpu.memref_squeeze %dma_start3A_275 : memref<1x80x16xf32, #tpu.memory_space<vmem>> -> memref<80x16xf32, #tpu.memory_space<vmem>>
        %dma_start3A_277 = arith.constant 0 : i32
        %dma_start3A_278 = tpu.memref_slice %arg10[%mul3A_263, %dma_start3A_277] : memref<10000x16xf32, #tpu.memory_space<vmem_shared>> -> memref<80x16xf32, #tpu.memory_space<vmem_shared>>
        %dma_start3A_279 = arith.constant 0 : i32
        %dma_start3A_280 = arith.constant 0 : i32
        %dma_start3A_281 = tpu.memref_slice %arg15[%run_scoped3A_264, %dma_start3A_279, %dma_start3A_280] : memref<2x80x16xf32, #tpu.memory_space<vmem>> -> memref<1x80x16xf32, #tpu.memory_space<vmem>>
        %dma_start3A_282 = tpu.memref_squeeze %dma_start3A_281 : memref<1x80x16xf32, #tpu.memory_space<vmem>> -> memref<80x16xf32, #tpu.memory_space<vmem>>
        %dma_start3A_283 = arith.constant 0 : i32
        %dma_start3A_284 = tpu.memref_slice %arg10[%mul3A_263, %dma_start3A_283] : memref<10000x16xf32, #tpu.memory_space<vmem_shared>> -> memref<80x16xf32, #tpu.memory_space<vmem_shared>>
        tpu.enqueue_dma source(%dma_start3A_284 : memref<80x16xf32, #tpu.memory_space<vmem_shared>>) target(%dma_start3A_282 : memref<80x16xf32, #tpu.memory_space<vmem>>) target_semaphore(%run_scoped3A_272 : memref<!tpu.dma_semaphore, #tpu.memory_space<semaphore_mem>>)
        %dma_wait3A_285 = arith.constant 0 : i32
        %dma_wait3A_286 = arith.constant 0 : i32
        %dma_wait3A_287 = tpu.memref_slice %arg15[%run_scoped3A_264, %dma_wait3A_285, %dma_wait3A_286] : memref<2x80x16xf32, #tpu.memory_space<vmem>> -> memref<1x80x16xf32, #tpu.memory_space<vmem>>
        %dma_wait3A_288 = tpu.memref_squeeze %dma_wait3A_287 : memref<1x80x16xf32, #tpu.memory_space<vmem>> -> memref<80x16xf32, #tpu.memory_space<vmem>>
        %dma_wait3A_289 = arith.constant 0 : i32
        %dma_wait3A_290 = tpu.memref_slice %arg10[%mul3A_263, %dma_wait3A_289] : memref<10000x16xf32, #tpu.memory_space<vmem_shared>> -> memref<80x16xf32, #tpu.memory_space<vmem_shared>>
        %dma_wait3A_291 = arith.constant 0 : i32
        %dma_wait3A_292 = arith.constant 0 : i32
        %dma_wait3A_293 = tpu.memref_slice %arg15[%run_scoped3A_264, %dma_wait3A_291, %dma_wait3A_292] : memref<2x80x16xf32, #tpu.memory_space<vmem>> -> memref<1x80x16xf32, #tpu.memory_space<vmem>>
        %dma_wait3A_294 = tpu.memref_squeeze %dma_wait3A_293 : memref<1x80x16xf32, #tpu.memory_space<vmem>> -> memref<80x16xf32, #tpu.memory_space<vmem>>
        %dma_wait3A_295 = arith.constant 0 : i32
        %dma_wait3A_296 = tpu.memref_slice %arg10[%mul3A_263, %dma_wait3A_295] : memref<10000x16xf32, #tpu.memory_space<vmem_shared>> -> memref<80x16xf32, #tpu.memory_space<vmem_shared>>
        tpu.wait_dma2 semaphore(%run_scoped3A_272 : memref<!tpu.dma_semaphore, #tpu.memory_space<semaphore_mem>>) src(%dma_wait3A_296 : memref<80x16xf32, #tpu.memory_space<vmem_shared>>) dst(%dma_wait3A_294 : memref<80x16xf32, #tpu.memory_space<vmem>>)
        tpu.yield
      }) : () -> ()
      %mul3A_265 = arith.constant 10000 : i32
      %mul3A_266 = arith.muli %arg0, %mul3A_265 : i32
      %mul3A_267 = arith.constant 80 : i32
      %mul3A_268 = arith.muli %add3A_252, %mul3A_267 : i32
      %add3A_269 = arith.addi %mul3A_266, %mul3A_268 : i32
      %run_scoped3A_270 = arith.constant 0 : i32
      "tpu.region"() ({
        %run_scoped3A_272 = tpu.sem_alloc : memref<!tpu.dma_semaphore, #tpu.memory_space<semaphore_mem>>
        %dma_start3A_273 = arith.constant 0 : i32
        %dma_start3A_274 = arith.constant 0 : i32
        %dma_start3A_275 = tpu.memref_slice %arg15[%run_scoped3A_270, %dma_start3A_273, %dma_start3A_274] : memref<2x80x16xf32, #tpu.memory_space<vmem>> -> memref<1x80x16xf32, #tpu.memory_space<vmem>>
        %dma_start3A_276 = tpu.memref_squeeze %dma_start3A_275 : memref<1x80x16xf32, #tpu.memory_space<vmem>> -> memref<80x16xf32, #tpu.memory_space<vmem>>
        %dma_start3A_277 = arith.constant 0 : i32
        %dma_start3A_278 = tpu.memref_slice %arg8[%add3A_269, %dma_start3A_277] : memref<20000x16xf32, #tpu.memory_space<hbm>> -> memref<80x16xf32, #tpu.memory_space<hbm>>
        %dma_start3A_279 = arith.constant 0 : i32
        %dma_start3A_280 = tpu.memref_slice %arg8[%add3A_269, %dma_start3A_279] : memref<20000x16xf32, #tpu.memory_space<hbm>> -> memref<80x16xf32, #tpu.memory_space<hbm>>
        %dma_start3A_281 = arith.constant 0 : i32
        %dma_start3A_282 = arith.constant 0 : i32
        %dma_start3A_283 = tpu.memref_slice %arg15[%run_scoped3A_270, %dma_start3A_281, %dma_start3A_282] : memref<2x80x16xf32, #tpu.memory_space<vmem>> -> memref<1x80x16xf32, #tpu.memory_space<vmem>>
        %dma_start3A_284 = tpu.memref_squeeze %dma_start3A_283 : memref<1x80x16xf32, #tpu.memory_space<vmem>> -> memref<80x16xf32, #tpu.memory_space<vmem>>
        tpu.enqueue_dma source(%dma_start3A_284 : memref<80x16xf32, #tpu.memory_space<vmem>>) target(%dma_start3A_280 : memref<80x16xf32, #tpu.memory_space<hbm>>) target_semaphore(%run_scoped3A_272 : memref<!tpu.dma_semaphore, #tpu.memory_space<semaphore_mem>>)
        %dma_wait3A_285 = arith.constant 0 : i32
        %dma_wait3A_286 = arith.constant 0 : i32
        %dma_wait3A_287 = tpu.memref_slice %arg15[%run_scoped3A_270, %dma_wait3A_285, %dma_wait3A_286] : memref<2x80x16xf32, #tpu.memory_space<vmem>> -> memref<1x80x16xf32, #tpu.memory_space<vmem>>
        %dma_wait3A_288 = tpu.memref_squeeze %dma_wait3A_287 : memref<1x80x16xf32, #tpu.memory_space<vmem>> -> memref<80x16xf32, #tpu.memory_space<vmem>>
        %dma_wait3A_289 = arith.constant 0 : i32
        %dma_wait3A_290 = tpu.memref_slice %arg8[%add3A_269, %dma_wait3A_289] : memref<20000x16xf32, #tpu.memory_space<hbm>> -> memref<80x16xf32, #tpu.memory_space<hbm>>
        %dma_wait3A_291 = arith.constant 0 : i32
        %dma_wait3A_292 = tpu.memref_slice %arg8[%add3A_269, %dma_wait3A_291] : memref<20000x16xf32, #tpu.memory_space<hbm>> -> memref<80x16xf32, #tpu.memory_space<hbm>>
        %dma_wait3A_293 = arith.constant 0 : i32
        %dma_wait3A_294 = arith.constant 0 : i32
        %dma_wait3A_295 = tpu.memref_slice %arg15[%run_scoped3A_270, %dma_wait3A_293, %dma_wait3A_294] : memref<2x80x16xf32, #tpu.memory_space<vmem>> -> memref<1x80x16xf32, #tpu.memory_space<vmem>>
        %dma_wait3A_296 = tpu.memref_squeeze %dma_wait3A_295 : memref<1x80x16xf32, #tpu.memory_space<vmem>> -> memref<80x16xf32, #tpu.memory_space<vmem>>
        tpu.wait_dma2 semaphore(%run_scoped3A_272 : memref<!tpu.dma_semaphore, #tpu.memory_space<semaphore_mem>>) src(%dma_wait3A_296 : memref<80x16xf32, #tpu.memory_space<vmem>>) dst(%dma_wait3A_292 : memref<80x16xf32, #tpu.memory_space<hbm>>)
        tpu.yield
      }) : () -> ()
      %while3A_271 = arith.constant 0 : i32
      scf.yield %while3A_271 : i32
    }
    %while3A_248 = arith.constant 1 : i32
    %while3A_249 = scf.for %while3A_250 = %while3A_245 to %while3A_241 step %while3A_248 iter_args(%while3A_251 = %while3A_247) -> (i32)  : i32 {
      %add3A_252 = arith.addi %add3A_10, %while3A_250 : i32
      %mul3A_253 = arith.constant 80 : i32
      %mul3A_254 = arith.muli %add3A_252, %mul3A_253 : i32
      %run_scoped3A_255 = arith.constant 0 : i32
      "tpu.region"() ({
        %run_scoped3A_272 = tpu.sem_alloc : memref<!tpu.dma_semaphore, #tpu.memory_space<semaphore_mem>>
        %dma_start3A_273 = arith.constant 0 : i32
        %dma_start3A_274 = arith.constant 0 : i32
        %dma_start3A_275 = tpu.memref_slice %arg17[%run_scoped3A_255, %dma_start3A_273, %dma_start3A_274] : memref<2x80x128xf32, #tpu.memory_space<vmem>> -> memref<1x80x128xf32, #tpu.memory_space<vmem>>
        %dma_start3A_276 = tpu.memref_squeeze %dma_start3A_275 : memref<1x80x128xf32, #tpu.memory_space<vmem>> -> memref<80x128xf32, #tpu.memory_space<vmem>>
        %dma_start3A_277 = arith.constant 0 : i32
        %dma_start3A_278 = tpu.memref_slice %arg9[%mul3A_254, %dma_start3A_277] : memref<10000x128xf32, #tpu.memory_space<vmem_shared>> -> memref<80x128xf32, #tpu.memory_space<vmem_shared>>
        %dma_start3A_279 = arith.constant 0 : i32
        %dma_start3A_280 = arith.constant 0 : i32
        %dma_start3A_281 = tpu.memref_slice %arg17[%run_scoped3A_255, %dma_start3A_279, %dma_start3A_280] : memref<2x80x128xf32, #tpu.memory_space<vmem>> -> memref<1x80x128xf32, #tpu.memory_space<vmem>>
        %dma_start3A_282 = tpu.memref_squeeze %dma_start3A_281 : memref<1x80x128xf32, #tpu.memory_space<vmem>> -> memref<80x128xf32, #tpu.memory_space<vmem>>
        %dma_start3A_283 = arith.constant 0 : i32
        %dma_start3A_284 = tpu.memref_slice %arg9[%mul3A_254, %dma_start3A_283] : memref<10000x128xf32, #tpu.memory_space<vmem_shared>> -> memref<80x128xf32, #tpu.memory_space<vmem_shared>>
        tpu.enqueue_dma source(%dma_start3A_284 : memref<80x128xf32, #tpu.memory_space<vmem_shared>>) target(%dma_start3A_282 : memref<80x128xf32, #tpu.memory_space<vmem>>) target_semaphore(%run_scoped3A_272 : memref<!tpu.dma_semaphore, #tpu.memory_space<semaphore_mem>>)
        %dma_wait3A_285 = arith.constant 0 : i32
        %dma_wait3A_286 = arith.constant 0 : i32
        %dma_wait3A_287 = tpu.memref_slice %arg17[%run_scoped3A_255, %dma_wait3A_285, %dma_wait3A_286] : memref<2x80x128xf32, #tpu.memory_space<vmem>> -> memref<1x80x128xf32, #tpu.memory_space<vmem>>
        %dma_wait3A_288 = tpu.memref_squeeze %dma_wait3A_287 : memref<1x80x128xf32, #tpu.memory_space<vmem>> -> memref<80x128xf32, #tpu.memory_space<vmem>>
        %dma_wait3A_289 = arith.constant 0 : i32
        %dma_wait3A_290 = tpu.memref_slice %arg9[%mul3A_254, %dma_wait3A_289] : memref<10000x128xf32, #tpu.memory_space<vmem_shared>> -> memref<80x128xf32, #tpu.memory_space<vmem_shared>>
        %dma_wait3A_291 = arith.constant 0 : i32
        %dma_wait3A_292 = arith.constant 0 : i32
        %dma_wait3A_293 = tpu.memref_slice %arg17[%run_scoped3A_255, %dma_wait3A_291, %dma_wait3A_292] : memref<2x80x128xf32, #tpu.memory_space<vmem>> -> memref<1x80x128xf32, #tpu.memory_space<vmem>>
        %dma_wait3A_294 = tpu.memref_squeeze %dma_wait3A_293 : memref<1x80x128xf32, #tpu.memory_space<vmem>> -> memref<80x128xf32, #tpu.memory_space<vmem>>
        %dma_wait3A_295 = arith.constant 0 : i32
        %dma_wait3A_296 = tpu.memref_slice %arg9[%mul3A_254, %dma_wait3A_295] : memref<10000x128xf32, #tpu.memory_space<vmem_shared>> -> memref<80x128xf32, #tpu.memory_space<vmem_shared>>
        tpu.wait_dma2 semaphore(%run_scoped3A_272 : memref<!tpu.dma_semaphore, #tpu.memory_space<semaphore_mem>>) src(%dma_wait3A_296 : memref<80x128xf32, #tpu.memory_space<vmem_shared>>) dst(%dma_wait3A_294 : memref<80x128xf32, #tpu.memory_space<vmem>>)
        tpu.yield
      }) : () -> ()
      %mul3A_256 = arith.constant 10000 : i32
      %mul3A_257 = arith.muli %arg0, %mul3A_256 : i32
      %mul3A_258 = arith.constant 80 : i32
      %mul3A_259 = arith.muli %add3A_252, %mul3A_258 : i32
      %add3A_260 = arith.addi %mul3A_257, %mul3A_259 : i32
      %run_scoped3A_261 = arith.constant 0 : i32
      "tpu.region"() ({
        %run_scoped3A_272 = tpu.sem_alloc : memref<!tpu.dma_semaphore, #tpu.memory_space<semaphore_mem>>
        %dma_start3A_273 = arith.constant 0 : i32
        %dma_start3A_274 = arith.constant 0 : i32
        %dma_start3A_275 = tpu.memref_slice %arg17[%run_scoped3A_261, %dma_start3A_273, %dma_start3A_274] : memref<2x80x128xf32, #tpu.memory_space<vmem>> -> memref<1x80x128xf32, #tpu.memory_space<vmem>>
        %dma_start3A_276 = tpu.memref_squeeze %dma_start3A_275 : memref<1x80x128xf32, #tpu.memory_space<vmem>> -> memref<80x128xf32, #tpu.memory_space<vmem>>
        %dma_start3A_277 = arith.constant 0 : i32
        %dma_start3A_278 = tpu.memref_slice %arg7[%add3A_260, %dma_start3A_277] : memref<20000x128xf32, #tpu.memory_space<hbm>> -> memref<80x128xf32, #tpu.memory_space<hbm>>
        %dma_start3A_279 = arith.constant 0 : i32
        %dma_start3A_280 = tpu.memref_slice %arg7[%add3A_260, %dma_start3A_279] : memref<20000x128xf32, #tpu.memory_space<hbm>> -> memref<80x128xf32, #tpu.memory_space<hbm>>
        %dma_start3A_281 = arith.constant 0 : i32
        %dma_start3A_282 = arith.constant 0 : i32
        %dma_start3A_283 = tpu.memref_slice %arg17[%run_scoped3A_261, %dma_start3A_281, %dma_start3A_282] : memref<2x80x128xf32, #tpu.memory_space<vmem>> -> memref<1x80x128xf32, #tpu.memory_space<vmem>>
        %dma_start3A_284 = tpu.memref_squeeze %dma_start3A_283 : memref<1x80x128xf32, #tpu.memory_space<vmem>> -> memref<80x128xf32, #tpu.memory_space<vmem>>
        tpu.enqueue_dma source(%dma_start3A_284 : memref<80x128xf32, #tpu.memory_space<vmem>>) target(%dma_start3A_280 : memref<80x128xf32, #tpu.memory_space<hbm>>) target_semaphore(%run_scoped3A_272 : memref<!tpu.dma_semaphore, #tpu.memory_space<semaphore_mem>>)
        %dma_wait3A_285 = arith.constant 0 : i32
        %dma_wait3A_286 = arith.constant 0 : i32
        %dma_wait3A_287 = tpu.memref_slice %arg17[%run_scoped3A_261, %dma_wait3A_285, %dma_wait3A_286] : memref<2x80x128xf32, #tpu.memory_space<vmem>> -> memref<1x80x128xf32, #tpu.memory_space<vmem>>
        %dma_wait3A_288 = tpu.memref_squeeze %dma_wait3A_287 : memref<1x80x128xf32, #tpu.memory_space<vmem>> -> memref<80x128xf32, #tpu.memory_space<vmem>>
        %dma_wait3A_289 = arith.constant 0 : i32
        %dma_wait3A_290 = tpu.memref_slice %arg7[%add3A_260, %dma_wait3A_289] : memref<20000x128xf32, #tpu.memory_space<hbm>> -> memref<80x128xf32, #tpu.memory_space<hbm>>
        %dma_wait3A_291 = arith.constant 0 : i32
        %dma_wait3A_292 = tpu.memref_slice %arg7[%add3A_260, %dma_wait3A_291] : memref<20000x128xf32, #tpu.memory_space<hbm>> -> memref<80x128xf32, #tpu.memory_space<hbm>>
        %dma_wait3A_293 = arith.constant 0 : i32
        %dma_wait3A_294 = arith.constant 0 : i32
        %dma_wait3A_295 = tpu.memref_slice %arg17[%run_scoped3A_261, %dma_wait3A_293, %dma_wait3A_294] : memref<2x80x128xf32, #tpu.memory_space<vmem>> -> memref<1x80x128xf32, #tpu.memory_space<vmem>>
        %dma_wait3A_296 = tpu.memref_squeeze %dma_wait3A_295 : memref<1x80x128xf32, #tpu.memory_space<vmem>> -> memref<80x128xf32, #tpu.memory_space<vmem>>
        tpu.wait_dma2 semaphore(%run_scoped3A_272 : memref<!tpu.dma_semaphore, #tpu.memory_space<semaphore_mem>>) src(%dma_wait3A_296 : memref<80x128xf32, #tpu.memory_space<vmem>>) dst(%dma_wait3A_292 : memref<80x128xf32, #tpu.memory_space<hbm>>)
        tpu.yield
      }) : () -> ()
      %mul3A_262 = arith.constant 80 : i32
      %mul3A_263 = arith.muli %add3A_252, %mul3A_262 : i32
      %run_scoped3A_264 = arith.constant 0 : i32
      "tpu.region"() ({
        %run_scoped3A_272 = tpu.sem_alloc : memref<!tpu.dma_semaphore, #tpu.memory_space<semaphore_mem>>
        %dma_start3A_273 = arith.constant 0 : i32
        %dma_start3A_274 = arith.constant 0 : i32
        %dma_start3A_275 = tpu.memref_slice %arg15[%run_scoped3A_264, %dma_start3A_273, %dma_start3A_274] : memref<2x80x16xf32, #tpu.memory_space<vmem>> -> memref<1x80x16xf32, #tpu.memory_space<vmem>>
        %dma_start3A_276 = tpu.memref_squeeze %dma_start3A_275 : memref<1x80x16xf32, #tpu.memory_space<vmem>> -> memref<80x16xf32, #tpu.memory_space<vmem>>
        %dma_start3A_277 = arith.constant 0 : i32
        %dma_start3A_278 = tpu.memref_slice %arg10[%mul3A_263, %dma_start3A_277] : memref<10000x16xf32, #tpu.memory_space<vmem_shared>> -> memref<80x16xf32, #tpu.memory_space<vmem_shared>>
        %dma_start3A_279 = arith.constant 0 : i32
        %dma_start3A_280 = arith.constant 0 : i32
        %dma_start3A_281 = tpu.memref_slice %arg15[%run_scoped3A_264, %dma_start3A_279, %dma_start3A_280] : memref<2x80x16xf32, #tpu.memory_space<vmem>> -> memref<1x80x16xf32, #tpu.memory_space<vmem>>
        %dma_start3A_282 = tpu.memref_squeeze %dma_start3A_281 : memref<1x80x16xf32, #tpu.memory_space<vmem>> -> memref<80x16xf32, #tpu.memory_space<vmem>>
        %dma_start3A_283 = arith.constant 0 : i32
        %dma_start3A_284 = tpu.memref_slice %arg10[%mul3A_263, %dma_start3A_283] : memref<10000x16xf32, #tpu.memory_space<vmem_shared>> -> memref<80x16xf32, #tpu.memory_space<vmem_shared>>
        tpu.enqueue_dma source(%dma_start3A_284 : memref<80x16xf32, #tpu.memory_space<vmem_shared>>) target(%dma_start3A_282 : memref<80x16xf32, #tpu.memory_space<vmem>>) target_semaphore(%run_scoped3A_272 : memref<!tpu.dma_semaphore, #tpu.memory_space<semaphore_mem>>)
        %dma_wait3A_285 = arith.constant 0 : i32
        %dma_wait3A_286 = arith.constant 0 : i32
        %dma_wait3A_287 = tpu.memref_slice %arg15[%run_scoped3A_264, %dma_wait3A_285, %dma_wait3A_286] : memref<2x80x16xf32, #tpu.memory_space<vmem>> -> memref<1x80x16xf32, #tpu.memory_space<vmem>>
        %dma_wait3A_288 = tpu.memref_squeeze %dma_wait3A_287 : memref<1x80x16xf32, #tpu.memory_space<vmem>> -> memref<80x16xf32, #tpu.memory_space<vmem>>
        %dma_wait3A_289 = arith.constant 0 : i32
        %dma_wait3A_290 = tpu.memref_slice %arg10[%mul3A_263, %dma_wait3A_289] : memref<10000x16xf32, #tpu.memory_space<vmem_shared>> -> memref<80x16xf32, #tpu.memory_space<vmem_shared>>
        %dma_wait3A_291 = arith.constant 0 : i32
        %dma_wait3A_292 = arith.constant 0 : i32
        %dma_wait3A_293 = tpu.memref_slice %arg15[%run_scoped3A_264, %dma_wait3A_291, %dma_wait3A_292] : memref<2x80x16xf32, #tpu.memory_space<vmem>> -> memref<1x80x16xf32, #tpu.memory_space<vmem>>
        %dma_wait3A_294 = tpu.memref_squeeze %dma_wait3A_293 : memref<1x80x16xf32, #tpu.memory_space<vmem>> -> memref<80x16xf32, #tpu.memory_space<vmem>>
        %dma_wait3A_295 = arith.constant 0 : i32
        %dma_wait3A_296 = tpu.memref_slice %arg10[%mul3A_263, %dma_wait3A_295] : memref<10000x16xf32, #tpu.memory_space<vmem_shared>> -> memref<80x16xf32, #tpu.memory_space<vmem_shared>>
        tpu.wait_dma2 semaphore(%run_scoped3A_272 : memref<!tpu.dma_semaphore, #tpu.memory_space<semaphore_mem>>) src(%dma_wait3A_296 : memref<80x16xf32, #tpu.memory_space<vmem_shared>>) dst(%dma_wait3A_294 : memref<80x16xf32, #tpu.memory_space<vmem>>)
        tpu.yield
      }) : () -> ()
      %mul3A_265 = arith.constant 10000 : i32
      %mul3A_266 = arith.muli %arg0, %mul3A_265 : i32
      %mul3A_267 = arith.constant 80 : i32
      %mul3A_268 = arith.muli %add3A_252, %mul3A_267 : i32
      %add3A_269 = arith.addi %mul3A_266, %mul3A_268 : i32
      %run_scoped3A_270 = arith.constant 0 : i32
      "tpu.region"() ({
        %run_scoped3A_272 = tpu.sem_alloc : memref<!tpu.dma_semaphore, #tpu.memory_space<semaphore_mem>>
        %dma_start3A_273 = arith.constant 0 : i32
        %dma_start3A_274 = arith.constant 0 : i32
        %dma_start3A_275 = tpu.memref_slice %arg15[%run_scoped3A_270, %dma_start3A_273, %dma_start3A_274] : memref<2x80x16xf32, #tpu.memory_space<vmem>> -> memref<1x80x16xf32, #tpu.memory_space<vmem>>
        %dma_start3A_276 = tpu.memref_squeeze %dma_start3A_275 : memref<1x80x16xf32, #tpu.memory_space<vmem>> -> memref<80x16xf32, #tpu.memory_space<vmem>>
        %dma_start3A_277 = arith.constant 0 : i32
        %dma_start3A_278 = tpu.memref_slice %arg8[%add3A_269, %dma_start3A_277] : memref<20000x16xf32, #tpu.memory_space<hbm>> -> memref<80x16xf32, #tpu.memory_space<hbm>>
        %dma_start3A_279 = arith.constant 0 : i32
        %dma_start3A_280 = tpu.memref_slice %arg8[%add3A_269, %dma_start3A_279] : memref<20000x16xf32, #tpu.memory_space<hbm>> -> memref<80x16xf32, #tpu.memory_space<hbm>>
        %dma_start3A_281 = arith.constant 0 : i32
        %dma_start3A_282 = arith.constant 0 : i32
        %dma_start3A_283 = tpu.memref_slice %arg15[%run_scoped3A_270, %dma_start3A_281, %dma_start3A_282] : memref<2x80x16xf32, #tpu.memory_space<vmem>> -> memref<1x80x16xf32, #tpu.memory_space<vmem>>
        %dma_start3A_284 = tpu.memref_squeeze %dma_start3A_283 : memref<1x80x16xf32, #tpu.memory_space<vmem>> -> memref<80x16xf32, #tpu.memory_space<vmem>>
        tpu.enqueue_dma source(%dma_start3A_284 : memref<80x16xf32, #tpu.memory_space<vmem>>) target(%dma_start3A_280 : memref<80x16xf32, #tpu.memory_space<hbm>>) target_semaphore(%run_scoped3A_272 : memref<!tpu.dma_semaphore, #tpu.memory_space<semaphore_mem>>)
        %dma_wait3A_285 = arith.constant 0 : i32
        %dma_wait3A_286 = arith.constant 0 : i32
        %dma_wait3A_287 = tpu.memref_slice %arg15[%run_scoped3A_270, %dma_wait3A_285, %dma_wait3A_286] : memref<2x80x16xf32, #tpu.memory_space<vmem>> -> memref<1x80x16xf32, #tpu.memory_space<vmem>>
        %dma_wait3A_288 = tpu.memref_squeeze %dma_wait3A_287 : memref<1x80x16xf32, #tpu.memory_space<vmem>> -> memref<80x16xf32, #tpu.memory_space<vmem>>
        %dma_wait3A_289 = arith.constant 0 : i32
        %dma_wait3A_290 = tpu.memref_slice %arg8[%add3A_269, %dma_wait3A_289] : memref<20000x16xf32, #tpu.memory_space<hbm>> -> memref<80x16xf32, #tpu.memory_space<hbm>>
        %dma_wait3A_291 = arith.constant 0 : i32
        %dma_wait3A_292 = tpu.memref_slice %arg8[%add3A_269, %dma_wait3A_291] : memref<20000x16xf32, #tpu.memory_space<hbm>> -> memref<80x16xf32, #tpu.memory_space<hbm>>
        %dma_wait3A_293 = arith.constant 0 : i32
        %dma_wait3A_294 = arith.constant 0 : i32
        %dma_wait3A_295 = tpu.memref_slice %arg15[%run_scoped3A_270, %dma_wait3A_293, %dma_wait3A_294] : memref<2x80x16xf32, #tpu.memory_space<vmem>> -> memref<1x80x16xf32, #tpu.memory_space<vmem>>
        %dma_wait3A_296 = tpu.memref_squeeze %dma_wait3A_295 : memref<1x80x16xf32, #tpu.memory_space<vmem>> -> memref<80x16xf32, #tpu.memory_space<vmem>>
        tpu.wait_dma2 semaphore(%run_scoped3A_272 : memref<!tpu.dma_semaphore, #tpu.memory_space<semaphore_mem>>) src(%dma_wait3A_296 : memref<80x16xf32, #tpu.memory_space<vmem>>) dst(%dma_wait3A_292 : memref<80x16xf32, #tpu.memory_space<hbm>>)
        tpu.yield
      }) : () -> ()
      %while3A_271 = arith.constant 0 : i32
      scf.yield %while3A_271 : i32
    }
    return
  }
}

#map = affine_map<(d0, d1) -> (0, 0)>
#map1 = affine_map<(d0, d1) -> (0)>
module attributes {stable_mosaic.version = 14 : i64} {
  func.func @_sc_body(%arg0: i32, %arg1: i32, %arg2: memref<10000x128xbf16, #tpu.memory_space<hbm>>, %arg3: memref<10000x16xf32, #tpu.memory_space<hbm>>, %arg4: memref<10000x16xf32, #tpu.memory_space<hbm>>, %arg5: memref<320000xi32, #tpu.memory_space<hbm>>, %arg6: memref<320000xi32, #tpu.memory_space<hbm>>, %arg7: memref<20000x128xf32, #tpu.memory_space<hbm>>, %arg8: memref<20000x16xf32, #tpu.memory_space<hbm>>, %arg9: memref<10000x128xf32, #tpu.memory_space<vmem_shared>>, %arg10: memref<10000x16xf32, #tpu.memory_space<vmem_shared>>, %arg11: memref<3x80xi32, #tpu.memory_space<vmem>>, %arg12: memref<3x80xi32, #tpu.memory_space<vmem>>, %arg13: memref<2x80x16xf32, #tpu.memory_space<vmem>>, %arg14: memref<2x80x16xf32, #tpu.memory_space<vmem>>, %arg15: memref<2x80x16xf32, #tpu.memory_space<vmem>>, %arg16: memref<2x80x128xbf16, #tpu.memory_space<vmem>>, %arg17: memref<2x80x128xf32, #tpu.memory_space<vmem>>, %arg18: memref<2x!tpu.dma_semaphore, #tpu.memory_space<semaphore_mem>>, %arg19: memref<2x!tpu.dma_semaphore, #tpu.memory_space<semaphore_mem>>, %arg20: memref<2x!tpu.dma_semaphore, #tpu.memory_space<semaphore_mem>>, %arg21: memref<2x!tpu.dma_semaphore, #tpu.memory_space<semaphore_mem>>, %arg22: memref<3x!tpu.dma_semaphore, #tpu.memory_space<semaphore_mem>>, %arg23: memref<3x!tpu.dma_semaphore, #tpu.memory_space<semaphore_mem>>) attributes {dimension_semantics = [#tpu.dimension_semantics<core_parallel>, #tpu.dimension_semantics<subcore_parallel>], iteration_bounds = array<i64: 2, 16>, scalar_prefetch = 0 : i64, scratch_operands = 15 : i64, tpu.core_type = #tpu.core_type<sc_vector_subcore>, window_params = [{transform_indices = #map}, {transform_indices = #map}, {transform_indices = #map}, {transform_indices = #map1}, {transform_indices = #map1}, {transform_indices = #map}, {transform_indices = #map}]} {
    %mul3A = arith.constant 16 : i32
    %mul3A_0 = arith.muli %arg0, %mul3A : i32
    %add3A = arith.addi %mul3A_0, %arg1 : i32
    %scan3A = arith.constant 0 : i32
    %scan3A_1 = arith.constant 0 : i32
    %scan3A_2 = arith.constant 80 : i32
    %scan3A_3 = arith.addi %scan3A_1, %scan3A_2 : i32
    %scan3A_4 = arith.constant 1 : i32
    %scan3A_5 = scf.for %scan3A_250 = %scan3A_1 to %scan3A_3 step %scan3A_4 iter_args(%scan3A_251 = %scan3A) -> (i32)  : i32 {
      %broadcast_in_dim3A = arith.constant 0.000000e+00 : f32
      %broadcast_in_dim3A_252 = vector.broadcast %broadcast_in_dim3A : f32 to vector<16xf32>
      %swap3A = arith.constant 0 : i32
      %swap3A_253 = arith.index_cast %swap3A : i32 to index
      %swap3A_254 = arith.index_cast %scan3A_250 : i32 to index
      %swap3A_255 = arith.constant 0 : index
      %swap3A_256 = tpu.vector_load %arg17[%swap3A_253, %swap3A_254, %swap3A_255] {strides = array<i32>} : memref<2x80x128xf32, #tpu.memory_space<vmem>>, vector<16xf32>,
      tpu.vector_store %arg17[%swap3A_253, %swap3A_254, %swap3A_255], %broadcast_in_dim3A_252 {strides = array<i32>} : memref<2x80x128xf32, #tpu.memory_space<vmem>>, vector<16xf32>,
      %broadcast_in_dim3A_257 = arith.constant 0.000000e+00 : f32
      %broadcast_in_dim3A_258 = vector.broadcast %broadcast_in_dim3A_257 : f32 to vector<16xf32>
      %swap3A_259 = arith.constant 1 : i32
      %swap3A_260 = arith.index_cast %swap3A_259 : i32 to index
      %swap3A_261 = arith.index_cast %scan3A_250 : i32 to index
      %swap3A_262 = arith.constant 0 : index
      %swap3A_263 = tpu.vector_load %arg17[%swap3A_260, %swap3A_261, %swap3A_262] {strides = array<i32>} : memref<2x80x128xf32, #tpu.memory_space<vmem>>, vector<16xf32>,
      tpu.vector_store %arg17[%swap3A_260, %swap3A_261, %swap3A_262], %broadcast_in_dim3A_258 {strides = array<i32>} : memref<2x80x128xf32, #tpu.memory_space<vmem>>, vector<16xf32>,
      %broadcast_in_dim3A_264 = arith.constant 0.000000e+00 : f32
      %broadcast_in_dim3A_265 = vector.broadcast %broadcast_in_dim3A_264 : f32 to vector<16xf32>
      %swap3A_266 = arith.constant 0 : i32
      %swap3A_267 = arith.index_cast %swap3A_266 : i32 to index
      %swap3A_268 = arith.index_cast %scan3A_250 : i32 to index
      %swap3A_269 = arith.constant 16 : index
      %swap3A_270 = tpu.vector_load %arg17[%swap3A_267, %swap3A_268, %swap3A_269] {strides = array<i32>} : memref<2x80x128xf32, #tpu.memory_space<vmem>>, vector<16xf32>,
      tpu.vector_store %arg17[%swap3A_267, %swap3A_268, %swap3A_269], %broadcast_in_dim3A_265 {strides = array<i32>} : memref<2x80x128xf32, #tpu.memory_space<vmem>>, vector<16xf32>,
      %broadcast_in_dim3A_271 = arith.constant 0.000000e+00 : f32
      %broadcast_in_dim3A_272 = vector.broadcast %broadcast_in_dim3A_271 : f32 to vector<16xf32>
      %swap3A_273 = arith.constant 1 : i32
      %swap3A_274 = arith.index_cast %swap3A_273 : i32 to index
      %swap3A_275 = arith.index_cast %scan3A_250 : i32 to index
      %swap3A_276 = arith.constant 16 : index
      %swap3A_277 = tpu.vector_load %arg17[%swap3A_274, %swap3A_275, %swap3A_276] {strides = array<i32>} : memref<2x80x128xf32, #tpu.memory_space<vmem>>, vector<16xf32>,
      tpu.vector_store %arg17[%swap3A_274, %swap3A_275, %swap3A_276], %broadcast_in_dim3A_272 {strides = array<i32>} : memref<2x80x128xf32, #tpu.memory_space<vmem>>, vector<16xf32>,
      %broadcast_in_dim3A_278 = arith.constant 0.000000e+00 : f32
      %broadcast_in_dim3A_279 = vector.broadcast %broadcast_in_dim3A_278 : f32 to vector<16xf32>
      %swap3A_280 = arith.constant 0 : i32
      %swap3A_281 = arith.index_cast %swap3A_280 : i32 to index
      %swap3A_282 = arith.index_cast %scan3A_250 : i32 to index
      %swap3A_283 = arith.constant 32 : index
      %swap3A_284 = tpu.vector_load %arg17[%swap3A_281, %swap3A_282, %swap3A_283] {strides = array<i32>} : memref<2x80x128xf32, #tpu.memory_space<vmem>>, vector<16xf32>,
      tpu.vector_store %arg17[%swap3A_281, %swap3A_282, %swap3A_283], %broadcast_in_dim3A_279 {strides = array<i32>} : memref<2x80x128xf32, #tpu.memory_space<vmem>>, vector<16xf32>,
      %broadcast_in_dim3A_285 = arith.constant 0.000000e+00 : f32
      %broadcast_in_dim3A_286 = vector.broadcast %broadcast_in_dim3A_285 : f32 to vector<16xf32>
      %swap3A_287 = arith.constant 1 : i32
      %swap3A_288 = arith.index_cast %swap3A_287 : i32 to index
      %swap3A_289 = arith.index_cast %scan3A_250 : i32 to index
      %swap3A_290 = arith.constant 32 : index
      %swap3A_291 = tpu.vector_load %arg17[%swap3A_288, %swap3A_289, %swap3A_290] {strides = array<i32>} : memref<2x80x128xf32, #tpu.memory_space<vmem>>, vector<16xf32>,
      tpu.vector_store %arg17[%swap3A_288, %swap3A_289, %swap3A_290], %broadcast_in_dim3A_286 {strides = array<i32>} : memref<2x80x128xf32, #tpu.memory_space<vmem>>, vector<16xf32>,
      %broadcast_in_dim3A_292 = arith.constant 0.000000e+00 : f32
      %broadcast_in_dim3A_293 = vector.broadcast %broadcast_in_dim3A_292 : f32 to vector<16xf32>
      %swap3A_294 = arith.constant 0 : i32
      %swap3A_295 = arith.index_cast %swap3A_294 : i32 to index
      %swap3A_296 = arith.index_cast %scan3A_250 : i32 to index
      %swap3A_297 = arith.constant 48 : index
      %swap3A_298 = tpu.vector_load %arg17[%swap3A_295, %swap3A_296, %swap3A_297] {strides = array<i32>} : memref<2x80x128xf32, #tpu.memory_space<vmem>>, vector<16xf32>,
      tpu.vector_store %arg17[%swap3A_295, %swap3A_296, %swap3A_297], %broadcast_in_dim3A_293 {strides = array<i32>} : memref<2x80x128xf32, #tpu.memory_space<vmem>>, vector<16xf32>,
      %broadcast_in_dim3A_299 = arith.constant 0.000000e+00 : f32
      %broadcast_in_dim3A_300 = vector.broadcast %broadcast_in_dim3A_299 : f32 to vector<16xf32>
      %swap3A_301 = arith.constant 1 : i32
      %swap3A_302 = arith.index_cast %swap3A_301 : i32 to index
      %swap3A_303 = arith.index_cast %scan3A_250 : i32 to index
      %swap3A_304 = arith.constant 48 : index
      %swap3A_305 = tpu.vector_load %arg17[%swap3A_302, %swap3A_303, %swap3A_304] {strides = array<i32>} : memref<2x80x128xf32, #tpu.memory_space<vmem>>, vector<16xf32>,
      tpu.vector_store %arg17[%swap3A_302, %swap3A_303, %swap3A_304], %broadcast_in_dim3A_300 {strides = array<i32>} : memref<2x80x128xf32, #tpu.memory_space<vmem>>, vector<16xf32>,
      %broadcast_in_dim3A_306 = arith.constant 0.000000e+00 : f32
      %broadcast_in_dim3A_307 = vector.broadcast %broadcast_in_dim3A_306 : f32 to vector<16xf32>
      %swap3A_308 = arith.constant 0 : i32
      %swap3A_309 = arith.index_cast %swap3A_308 : i32 to index
      %swap3A_310 = arith.index_cast %scan3A_250 : i32 to index
      %swap3A_311 = arith.constant 64 : index
      %swap3A_312 = tpu.vector_load %arg17[%swap3A_309, %swap3A_310, %swap3A_311] {strides = array<i32>} : memref<2x80x128xf32, #tpu.memory_space<vmem>>, vector<16xf32>,
      tpu.vector_store %arg17[%swap3A_309, %swap3A_310, %swap3A_311], %broadcast_in_dim3A_307 {strides = array<i32>} : memref<2x80x128xf32, #tpu.memory_space<vmem>>, vector<16xf32>,
      %broadcast_in_dim3A_313 = arith.constant 0.000000e+00 : f32
      %broadcast_in_dim3A_314 = vector.broadcast %broadcast_in_dim3A_313 : f32 to vector<16xf32>
      %swap3A_315 = arith.constant 1 : i32
      %swap3A_316 = arith.index_cast %swap3A_315 : i32 to index
      %swap3A_317 = arith.index_cast %scan3A_250 : i32 to index
      %swap3A_318 = arith.constant 64 : index
      %swap3A_319 = tpu.vector_load %arg17[%swap3A_316, %swap3A_317, %swap3A_318] {strides = array<i32>} : memref<2x80x128xf32, #tpu.memory_space<vmem>>, vector<16xf32>,
      tpu.vector_store %arg17[%swap3A_316, %swap3A_317, %swap3A_318], %broadcast_in_dim3A_314 {strides = array<i32>} : memref<2x80x128xf32, #tpu.memory_space<vmem>>, vector<16xf32>,
      %broadcast_in_dim3A_320 = arith.constant 0.000000e+00 : f32
      %broadcast_in_dim3A_321 = vector.broadcast %broadcast_in_dim3A_320 : f32 to vector<16xf32>
      %swap3A_322 = arith.constant 0 : i32
      %swap3A_323 = arith.index_cast %swap3A_322 : i32 to index
      %swap3A_324 = arith.index_cast %scan3A_250 : i32 to index
      %swap3A_325 = arith.constant 80 : index
      %swap3A_326 = tpu.vector_load %arg17[%swap3A_323, %swap3A_324, %swap3A_325] {strides = array<i32>} : memref<2x80x128xf32, #tpu.memory_space<vmem>>, vector<16xf32>,
      tpu.vector_store %arg17[%swap3A_323, %swap3A_324, %swap3A_325], %broadcast_in_dim3A_321 {strides = array<i32>} : memref<2x80x128xf32, #tpu.memory_space<vmem>>, vector<16xf32>,
      %broadcast_in_dim3A_327 = arith.constant 0.000000e+00 : f32
      %broadcast_in_dim3A_328 = vector.broadcast %broadcast_in_dim3A_327 : f32 to vector<16xf32>
      %swap3A_329 = arith.constant 1 : i32
      %swap3A_330 = arith.index_cast %swap3A_329 : i32 to index
      %swap3A_331 = arith.index_cast %scan3A_250 : i32 to index
      %swap3A_332 = arith.constant 80 : index
      %swap3A_333 = tpu.vector_load %arg17[%swap3A_330, %swap3A_331, %swap3A_332] {strides = array<i32>} : memref<2x80x128xf32, #tpu.memory_space<vmem>>, vector<16xf32>,
      tpu.vector_store %arg17[%swap3A_330, %swap3A_331, %swap3A_332], %broadcast_in_dim3A_328 {strides = array<i32>} : memref<2x80x128xf32, #tpu.memory_space<vmem>>, vector<16xf32>,
      %broadcast_in_dim3A_334 = arith.constant 0.000000e+00 : f32
      %broadcast_in_dim3A_335 = vector.broadcast %broadcast_in_dim3A_334 : f32 to vector<16xf32>
      %swap3A_336 = arith.constant 0 : i32
      %swap3A_337 = arith.index_cast %swap3A_336 : i32 to index
      %swap3A_338 = arith.index_cast %scan3A_250 : i32 to index
      %swap3A_339 = arith.constant 96 : index
      %swap3A_340 = tpu.vector_load %arg17[%swap3A_337, %swap3A_338, %swap3A_339] {strides = array<i32>} : memref<2x80x128xf32, #tpu.memory_space<vmem>>, vector<16xf32>,
      tpu.vector_store %arg17[%swap3A_337, %swap3A_338, %swap3A_339], %broadcast_in_dim3A_335 {strides = array<i32>} : memref<2x80x128xf32, #tpu.memory_space<vmem>>, vector<16xf32>,
      %broadcast_in_dim3A_341 = arith.constant 0.000000e+00 : f32
      %broadcast_in_dim3A_342 = vector.broadcast %broadcast_in_dim3A_341 : f32 to vector<16xf32>
      %swap3A_343 = arith.constant 1 : i32
      %swap3A_344 = arith.index_cast %swap3A_343 : i32 to index
      %swap3A_345 = arith.index_cast %scan3A_250 : i32 to index
      %swap3A_346 = arith.constant 96 : index
      %swap3A_347 = tpu.vector_load %arg17[%swap3A_344, %swap3A_345, %swap3A_346] {strides = array<i32>} : memref<2x80x128xf32, #tpu.memory_space<vmem>>, vector<16xf32>,
      tpu.vector_store %arg17[%swap3A_344, %swap3A_345, %swap3A_346], %broadcast_in_dim3A_342 {strides = array<i32>} : memref<2x80x128xf32, #tpu.memory_space<vmem>>, vector<16xf32>,
      %broadcast_in_dim3A_348 = arith.constant 0.000000e+00 : f32
      %broadcast_in_dim3A_349 = vector.broadcast %broadcast_in_dim3A_348 : f32 to vector<16xf32>
      %swap3A_350 = arith.constant 0 : i32
      %swap3A_351 = arith.index_cast %swap3A_350 : i32 to index
      %swap3A_352 = arith.index_cast %scan3A_250 : i32 to index
      %swap3A_353 = arith.constant 112 : index
      %swap3A_354 = tpu.vector_load %arg17[%swap3A_351, %swap3A_352, %swap3A_353] {strides = array<i32>} : memref<2x80x128xf32, #tpu.memory_space<vmem>>, vector<16xf32>,
      tpu.vector_store %arg17[%swap3A_351, %swap3A_352, %swap3A_353], %broadcast_in_dim3A_349 {strides = array<i32>} : memref<2x80x128xf32, #tpu.memory_space<vmem>>, vector<16xf32>,
      %broadcast_in_dim3A_355 = arith.constant 0.000000e+00 : f32
      %broadcast_in_dim3A_356 = vector.broadcast %broadcast_in_dim3A_355 : f32 to vector<16xf32>
      %swap3A_357 = arith.constant 1 : i32
      %swap3A_358 = arith.index_cast %swap3A_357 : i32 to index
      %swap3A_359 = arith.index_cast %scan3A_250 : i32 to index
      %swap3A_360 = arith.constant 112 : index
      %swap3A_361 = tpu.vector_load %arg17[%swap3A_358, %swap3A_359, %swap3A_360] {strides = array<i32>} : memref<2x80x128xf32, #tpu.memory_space<vmem>>, vector<16xf32>,
      tpu.vector_store %arg17[%swap3A_358, %swap3A_359, %swap3A_360], %broadcast_in_dim3A_356 {strides = array<i32>} : memref<2x80x128xf32, #tpu.memory_space<vmem>>, vector<16xf32>,
      %broadcast_in_dim3A_362 = arith.constant 0.000000e+00 : f32
      %broadcast_in_dim3A_363 = vector.broadcast %broadcast_in_dim3A_362 : f32 to vector<16xf32>
      %swap3A_364 = arith.constant 0 : i32
      %swap3A_365 = arith.index_cast %swap3A_364 : i32 to index
      %swap3A_366 = arith.index_cast %scan3A_250 : i32 to index
      %swap3A_367 = arith.constant 0 : index
      %swap3A_368 = tpu.vector_load %arg15[%swap3A_365, %swap3A_366, %swap3A_367] {strides = array<i32>} : memref<2x80x16xf32, #tpu.memory_space<vmem>>, vector<16xf32>,
      tpu.vector_store %arg15[%swap3A_365, %swap3A_366, %swap3A_367], %broadcast_in_dim3A_363 {strides = array<i32>} : memref<2x80x16xf32, #tpu.memory_space<vmem>>, vector<16xf32>,
      %broadcast_in_dim3A_369 = arith.constant 0.000000e+00 : f32
      %broadcast_in_dim3A_370 = vector.broadcast %broadcast_in_dim3A_369 : f32 to vector<16xf32>
      %swap3A_371 = arith.constant 1 : i32
      %swap3A_372 = arith.index_cast %swap3A_371 : i32 to index
      %swap3A_373 = arith.index_cast %scan3A_250 : i32 to index
      %swap3A_374 = arith.constant 0 : index
      %swap3A_375 = tpu.vector_load %arg15[%swap3A_372, %swap3A_373, %swap3A_374] {strides = array<i32>} : memref<2x80x16xf32, #tpu.memory_space<vmem>>, vector<16xf32>,
      tpu.vector_store %arg15[%swap3A_372, %swap3A_373, %swap3A_374], %broadcast_in_dim3A_370 {strides = array<i32>} : memref<2x80x16xf32, #tpu.memory_space<vmem>>, vector<16xf32>,
      %scan3A_376 = arith.constant 0 : i32
      scf.yield %scan3A_376 : i32
    }
    %scan3A_6 = arith.constant 80 : i32
    %mul3A_7 = arith.constant 7 : i32
    %mul3A_8 = arith.muli %arg1, %mul3A_7 : i32
    %min3A = arith.constant 13 : i32
    %min3A_9 = arith.minsi %arg1, %min3A : i32
    %add3A_10 = arith.addi %mul3A_8, %min3A_9 : i32
    %lt3A = arith.constant 13 : i32
    %lt3A_11 = arith.cmpi slt, %arg1, %lt3A : i32
    %convert_element_type3A = arith.extui %lt3A_11 : i1 to i32
    %add3A_12 = arith.constant 7 : i32
    %add3A_13 = arith.addi %add3A_12, %convert_element_type3A : i32
    %while3A = arith.constant 0 : i32
    %while3A_14 = arith.constant 0 : i32
    %while3A_15 = arith.subi %add3A_13, %while3A : i32
    %while3A_16 = arith.addi %while3A, %while3A_15 : i32
    %while3A_17 = arith.constant 1 : i32
    %while3A_18 = arith.divsi %while3A_15, %while3A_17 : i32
    %while3A_19 = arith.muli %while3A_18, %while3A_17 : i32
    %while3A_20 = arith.addi %while3A, %while3A_19 : i32
    %while3A_21 = arith.constant 1 : i32
    %while3A_22 = scf.for %while3A_250 = %while3A to %while3A_20 step %while3A_21 iter_args(%while3A_251 = %while3A_14) -> (i32)  : i32 {
      %add3A_252 = arith.addi %add3A_10, %while3A_250 : i32
      %mul3A_253 = arith.constant 80 : i32
      %mul3A_254 = arith.muli %add3A_252, %mul3A_253 : i32
      %run_scoped3A_255 = arith.constant 0 : i32
      "tpu.region"() ({
        %run_scoped3A_260 = tpu.sem_alloc : memref<!tpu.dma_semaphore, #tpu.memory_space<semaphore_mem>>
        %dma_start3A_261 = arith.constant 0 : i32
        %dma_start3A_262 = arith.constant 0 : i32
        %dma_start3A_263 = tpu.memref_slice %arg17[%run_scoped3A_255, %dma_start3A_261, %dma_start3A_262] : memref<2x80x128xf32, #tpu.memory_space<vmem>> -> memref<1x80x128xf32, #tpu.memory_space<vmem>>
        %dma_start3A_264 = tpu.memref_squeeze %dma_start3A_263 : memref<1x80x128xf32, #tpu.memory_space<vmem>> -> memref<80x128xf32, #tpu.memory_space<vmem>>
        %dma_start3A_265 = arith.constant 0 : i32
        %dma_start3A_266 = tpu.memref_slice %arg9[%mul3A_254, %dma_start3A_265] : memref<10000x128xf32, #tpu.memory_space<vmem_shared>> -> memref<80x128xf32, #tpu.memory_space<vmem_shared>>
        %dma_start3A_267 = arith.constant 0 : i32
        %dma_start3A_268 = tpu.memref_slice %arg9[%mul3A_254, %dma_start3A_267] : memref<10000x128xf32, #tpu.memory_space<vmem_shared>> -> memref<80x128xf32, #tpu.memory_space<vmem_shared>>
        %dma_start3A_269 = arith.constant 0 : i32
        %dma_start3A_270 = arith.constant 0 : i32
        %dma_start3A_271 = tpu.memref_slice %arg17[%run_scoped3A_255, %dma_start3A_269, %dma_start3A_270] : memref<2x80x128xf32, #tpu.memory_space<vmem>> -> memref<1x80x128xf32, #tpu.memory_space<vmem>>
        %dma_start3A_272 = tpu.memref_squeeze %dma_start3A_271 : memref<1x80x128xf32, #tpu.memory_space<vmem>> -> memref<80x128xf32, #tpu.memory_space<vmem>>
        tpu.enqueue_dma source(%dma_start3A_272 : memref<80x128xf32, #tpu.memory_space<vmem>>) target(%dma_start3A_268 : memref<80x128xf32, #tpu.memory_space<vmem_shared>>) target_semaphore(%run_scoped3A_260 : memref<!tpu.dma_semaphore, #tpu.memory_space<semaphore_mem>>)
        %dma_wait3A_273 = arith.constant 0 : i32
        %dma_wait3A_274 = arith.constant 0 : i32
        %dma_wait3A_275 = tpu.memref_slice %arg17[%run_scoped3A_255, %dma_wait3A_273, %dma_wait3A_274] : memref<2x80x128xf32, #tpu.memory_space<vmem>> -> memref<1x80x128xf32, #tpu.memory_space<vmem>>
        %dma_wait3A_276 = tpu.memref_squeeze %dma_wait3A_275 : memref<1x80x128xf32, #tpu.memory_space<vmem>> -> memref<80x128xf32, #tpu.memory_space<vmem>>
        %dma_wait3A_277 = arith.constant 0 : i32
        %dma_wait3A_278 = tpu.memref_slice %arg9[%mul3A_254, %dma_wait3A_277] : memref<10000x128xf32, #tpu.memory_space<vmem_shared>> -> memref<80x128xf32, #tpu.memory_space<vmem_shared>>
        %dma_wait3A_279 = arith.constant 0 : i32
        %dma_wait3A_280 = tpu.memref_slice %arg9[%mul3A_254, %dma_wait3A_279] : memref<10000x128xf32, #tpu.memory_space<vmem_shared>> -> memref<80x128xf32, #tpu.memory_space<vmem_shared>>
        %dma_wait3A_281 = arith.constant 0 : i32
        %dma_wait3A_282 = arith.constant 0 : i32
        %dma_wait3A_283 = tpu.memref_slice %arg17[%run_scoped3A_255, %dma_wait3A_281, %dma_wait3A_282] : memref<2x80x128xf32, #tpu.memory_space<vmem>> -> memref<1x80x128xf32, #tpu.memory_space<vmem>>
        %dma_wait3A_284 = tpu.memref_squeeze %dma_wait3A_283 : memref<1x80x128xf32, #tpu.memory_space<vmem>> -> memref<80x128xf32, #tpu.memory_space<vmem>>
        tpu.wait_dma2 semaphore(%run_scoped3A_260 : memref<!tpu.dma_semaphore, #tpu.memory_space<semaphore_mem>>) src(%dma_wait3A_284 : memref<80x128xf32, #tpu.memory_space<vmem>>) dst(%dma_wait3A_280 : memref<80x128xf32, #tpu.memory_space<vmem_shared>>)
        tpu.yield
      }) : () -> ()
      %mul3A_256 = arith.constant 80 : i32
      %mul3A_257 = arith.muli %add3A_252, %mul3A_256 : i32
      %run_scoped3A_258 = arith.constant 0 : i32
      "tpu.region"() ({
        %run_scoped3A_260 = tpu.sem_alloc : memref<!tpu.dma_semaphore, #tpu.memory_space<semaphore_mem>>
        %dma_start3A_261 = arith.constant 0 : i32
        %dma_start3A_262 = arith.constant 0 : i32
        %dma_start3A_263 = tpu.memref_slice %arg15[%run_scoped3A_258, %dma_start3A_261, %dma_start3A_262] : memref<2x80x16xf32, #tpu.memory_space<vmem>> -> memref<1x80x16xf32, #tpu.memory_space<vmem>>
        %dma_start3A_264 = tpu.memref_squeeze %dma_start3A_263 : memref<1x80x16xf32, #tpu.memory_space<vmem>> -> memref<80x16xf32, #tpu.memory_space<vmem>>
        %dma_start3A_265 = arith.constant 0 : i32
        %dma_start3A_266 = tpu.memref_slice %arg10[%mul3A_257, %dma_start3A_265] : memref<10000x16xf32, #tpu.memory_space<vmem_shared>> -> memref<80x16xf32, #tpu.memory_space<vmem_shared>>
        %dma_start3A_267 = arith.constant 0 : i32
        %dma_start3A_268 = tpu.memref_slice %arg10[%mul3A_257, %dma_start3A_267] : memref<10000x16xf32, #tpu.memory_space<vmem_shared>> -> memref<80x16xf32, #tpu.memory_space<vmem_shared>>
        %dma_start3A_269 = arith.constant 0 : i32
        %dma_start3A_270 = arith.constant 0 : i32
        %dma_start3A_271 = tpu.memref_slice %arg15[%run_scoped3A_258, %dma_start3A_269, %dma_start3A_270] : memref<2x80x16xf32, #tpu.memory_space<vmem>> -> memref<1x80x16xf32, #tpu.memory_space<vmem>>
        %dma_start3A_272 = tpu.memref_squeeze %dma_start3A_271 : memref<1x80x16xf32, #tpu.memory_space<vmem>> -> memref<80x16xf32, #tpu.memory_space<vmem>>
        tpu.enqueue_dma source(%dma_start3A_272 : memref<80x16xf32, #tpu.memory_space<vmem>>) target(%dma_start3A_268 : memref<80x16xf32, #tpu.memory_space<vmem_shared>>) target_semaphore(%run_scoped3A_260 : memref<!tpu.dma_semaphore, #tpu.memory_space<semaphore_mem>>)
        %dma_wait3A_273 = arith.constant 0 : i32
        %dma_wait3A_274 = arith.constant 0 : i32
        %dma_wait3A_275 = tpu.memref_slice %arg15[%run_scoped3A_258, %dma_wait3A_273, %dma_wait3A_274] : memref<2x80x16xf32, #tpu.memory_space<vmem>> -> memref<1x80x16xf32, #tpu.memory_space<vmem>>
        %dma_wait3A_276 = tpu.memref_squeeze %dma_wait3A_275 : memref<1x80x16xf32, #tpu.memory_space<vmem>> -> memref<80x16xf32, #tpu.memory_space<vmem>>
        %dma_wait3A_277 = arith.constant 0 : i32
        %dma_wait3A_278 = tpu.memref_slice %arg10[%mul3A_257, %dma_wait3A_277] : memref<10000x16xf32, #tpu.memory_space<vmem_shared>> -> memref<80x16xf32, #tpu.memory_space<vmem_shared>>
        %dma_wait3A_279 = arith.constant 0 : i32
        %dma_wait3A_280 = tpu.memref_slice %arg10[%mul3A_257, %dma_wait3A_279] : memref<10000x16xf32, #tpu.memory_space<vmem_shared>> -> memref<80x16xf32, #tpu.memory_space<vmem_shared>>
        %dma_wait3A_281 = arith.constant 0 : i32
        %dma_wait3A_282 = arith.constant 0 : i32
        %dma_wait3A_283 = tpu.memref_slice %arg15[%run_scoped3A_258, %dma_wait3A_281, %dma_wait3A_282] : memref<2x80x16xf32, #tpu.memory_space<vmem>> -> memref<1x80x16xf32, #tpu.memory_space<vmem>>
        %dma_wait3A_284 = tpu.memref_squeeze %dma_wait3A_283 : memref<1x80x16xf32, #tpu.memory_space<vmem>> -> memref<80x16xf32, #tpu.memory_space<vmem>>
        tpu.wait_dma2 semaphore(%run_scoped3A_260 : memref<!tpu.dma_semaphore, #tpu.memory_space<semaphore_mem>>) src(%dma_wait3A_284 : memref<80x16xf32, #tpu.memory_space<vmem>>) dst(%dma_wait3A_280 : memref<80x16xf32, #tpu.memory_space<vmem_shared>>)
        tpu.yield
      }) : () -> ()
      %while3A_259 = arith.constant 0 : i32
      scf.yield %while3A_259 : i32
    }
    %while3A_23 = arith.constant 1 : i32
    %while3A_24 = scf.for %while3A_250 = %while3A_20 to %while3A_16 step %while3A_23 iter_args(%while3A_251 = %while3A_22) -> (i32)  : i32 {
      %add3A_252 = arith.addi %add3A_10, %while3A_250 : i32
      %mul3A_253 = arith.constant 80 : i32
      %mul3A_254 = arith.muli %add3A_252, %mul3A_253 : i32
      %run_scoped3A_255 = arith.constant 0 : i32
      "tpu.region"() ({
        %run_scoped3A_260 = tpu.sem_alloc : memref<!tpu.dma_semaphore, #tpu.memory_space<semaphore_mem>>
        %dma_start3A_261 = arith.constant 0 : i32
        %dma_start3A_262 = arith.constant 0 : i32
        %dma_start3A_263 = tpu.memref_slice %arg17[%run_scoped3A_255, %dma_start3A_261, %dma_start3A_262] : memref<2x80x128xf32, #tpu.memory_space<vmem>> -> memref<1x80x128xf32, #tpu.memory_space<vmem>>
        %dma_start3A_264 = tpu.memref_squeeze %dma_start3A_263 : memref<1x80x128xf32, #tpu.memory_space<vmem>> -> memref<80x128xf32, #tpu.memory_space<vmem>>
        %dma_start3A_265 = arith.constant 0 : i32
        %dma_start3A_266 = tpu.memref_slice %arg9[%mul3A_254, %dma_start3A_265] : memref<10000x128xf32, #tpu.memory_space<vmem_shared>> -> memref<80x128xf32, #tpu.memory_space<vmem_shared>>
        %dma_start3A_267 = arith.constant 0 : i32
        %dma_start3A_268 = tpu.memref_slice %arg9[%mul3A_254, %dma_start3A_267] : memref<10000x128xf32, #tpu.memory_space<vmem_shared>> -> memref<80x128xf32, #tpu.memory_space<vmem_shared>>
        %dma_start3A_269 = arith.constant 0 : i32
        %dma_start3A_270 = arith.constant 0 : i32
        %dma_start3A_271 = tpu.memref_slice %arg17[%run_scoped3A_255, %dma_start3A_269, %dma_start3A_270] : memref<2x80x128xf32, #tpu.memory_space<vmem>> -> memref<1x80x128xf32, #tpu.memory_space<vmem>>
        %dma_start3A_272 = tpu.memref_squeeze %dma_start3A_271 : memref<1x80x128xf32, #tpu.memory_space<vmem>> -> memref<80x128xf32, #tpu.memory_space<vmem>>
        tpu.enqueue_dma source(%dma_start3A_272 : memref<80x128xf32, #tpu.memory_space<vmem>>) target(%dma_start3A_268 : memref<80x128xf32, #tpu.memory_space<vmem_shared>>) target_semaphore(%run_scoped3A_260 : memref<!tpu.dma_semaphore, #tpu.memory_space<semaphore_mem>>)
        %dma_wait3A_273 = arith.constant 0 : i32
        %dma_wait3A_274 = arith.constant 0 : i32
        %dma_wait3A_275 = tpu.memref_slice %arg17[%run_scoped3A_255, %dma_wait3A_273, %dma_wait3A_274] : memref<2x80x128xf32, #tpu.memory_space<vmem>> -> memref<1x80x128xf32, #tpu.memory_space<vmem>>
        %dma_wait3A_276 = tpu.memref_squeeze %dma_wait3A_275 : memref<1x80x128xf32, #tpu.memory_space<vmem>> -> memref<80x128xf32, #tpu.memory_space<vmem>>
        %dma_wait3A_277 = arith.constant 0 : i32
        %dma_wait3A_278 = tpu.memref_slice %arg9[%mul3A_254, %dma_wait3A_277] : memref<10000x128xf32, #tpu.memory_space<vmem_shared>> -> memref<80x128xf32, #tpu.memory_space<vmem_shared>>
        %dma_wait3A_279 = arith.constant 0 : i32
        %dma_wait3A_280 = tpu.memref_slice %arg9[%mul3A_254, %dma_wait3A_279] : memref<10000x128xf32, #tpu.memory_space<vmem_shared>> -> memref<80x128xf32, #tpu.memory_space<vmem_shared>>
        %dma_wait3A_281 = arith.constant 0 : i32
        %dma_wait3A_282 = arith.constant 0 : i32
        %dma_wait3A_283 = tpu.memref_slice %arg17[%run_scoped3A_255, %dma_wait3A_281, %dma_wait3A_282] : memref<2x80x128xf32, #tpu.memory_space<vmem>> -> memref<1x80x128xf32, #tpu.memory_space<vmem>>
        %dma_wait3A_284 = tpu.memref_squeeze %dma_wait3A_283 : memref<1x80x128xf32, #tpu.memory_space<vmem>> -> memref<80x128xf32, #tpu.memory_space<vmem>>
        tpu.wait_dma2 semaphore(%run_scoped3A_260 : memref<!tpu.dma_semaphore, #tpu.memory_space<semaphore_mem>>) src(%dma_wait3A_284 : memref<80x128xf32, #tpu.memory_space<vmem>>) dst(%dma_wait3A_280 : memref<80x128xf32, #tpu.memory_space<vmem_shared>>)
        tpu.yield
      }) : () -> ()
      %mul3A_256 = arith.constant 80 : i32
      %mul3A_257 = arith.muli %add3A_252, %mul3A_256 : i32
      %run_scoped3A_258 = arith.constant 0 : i32
      "tpu.region"() ({
        %run_scoped3A_260 = tpu.sem_alloc : memref<!tpu.dma_semaphore, #tpu.memory_space<semaphore_mem>>
        %dma_start3A_261 = arith.constant 0 : i32
        %dma_start3A_262 = arith.constant 0 : i32
        %dma_start3A_263 = tpu.memref_slice %arg15[%run_scoped3A_258, %dma_start3A_261, %dma_start3A_262] : memref<2x80x16xf32, #tpu.memory_space<vmem>> -> memref<1x80x16xf32, #tpu.memory_space<vmem>>
        %dma_start3A_264 = tpu.memref_squeeze %dma_start3A_263 : memref<1x80x16xf32, #tpu.memory_space<vmem>> -> memref<80x16xf32, #tpu.memory_space<vmem>>
        %dma_start3A_265 = arith.constant 0 : i32
        %dma_start3A_266 = tpu.memref_slice %arg10[%mul3A_257, %dma_start3A_265] : memref<10000x16xf32, #tpu.memory_space<vmem_shared>> -> memref<80x16xf32, #tpu.memory_space<vmem_shared>>
        %dma_start3A_267 = arith.constant 0 : i32
        %dma_start3A_268 = tpu.memref_slice %arg10[%mul3A_257, %dma_start3A_267] : memref<10000x16xf32, #tpu.memory_space<vmem_shared>> -> memref<80x16xf32, #tpu.memory_space<vmem_shared>>
        %dma_start3A_269 = arith.constant 0 : i32
        %dma_start3A_270 = arith.constant 0 : i32
        %dma_start3A_271 = tpu.memref_slice %arg15[%run_scoped3A_258, %dma_start3A_269, %dma_start3A_270] : memref<2x80x16xf32, #tpu.memory_space<vmem>> -> memref<1x80x16xf32, #tpu.memory_space<vmem>>
        %dma_start3A_272 = tpu.memref_squeeze %dma_start3A_271 : memref<1x80x16xf32, #tpu.memory_space<vmem>> -> memref<80x16xf32, #tpu.memory_space<vmem>>
        tpu.enqueue_dma source(%dma_start3A_272 : memref<80x16xf32, #tpu.memory_space<vmem>>) target(%dma_start3A_268 : memref<80x16xf32, #tpu.memory_space<vmem_shared>>) target_semaphore(%run_scoped3A_260 : memref<!tpu.dma_semaphore, #tpu.memory_space<semaphore_mem>>)
        %dma_wait3A_273 = arith.constant 0 : i32
        %dma_wait3A_274 = arith.constant 0 : i32
        %dma_wait3A_275 = tpu.memref_slice %arg15[%run_scoped3A_258, %dma_wait3A_273, %dma_wait3A_274] : memref<2x80x16xf32, #tpu.memory_space<vmem>> -> memref<1x80x16xf32, #tpu.memory_space<vmem>>
        %dma_wait3A_276 = tpu.memref_squeeze %dma_wait3A_275 : memref<1x80x16xf32, #tpu.memory_space<vmem>> -> memref<80x16xf32, #tpu.memory_space<vmem>>
        %dma_wait3A_277 = arith.constant 0 : i32
        %dma_wait3A_278 = tpu.memref_slice %arg10[%mul3A_257, %dma_wait3A_277] : memref<10000x16xf32, #tpu.memory_space<vmem_shared>> -> memref<80x16xf32, #tpu.memory_space<vmem_shared>>
        %dma_wait3A_279 = arith.constant 0 : i32
        %dma_wait3A_280 = tpu.memref_slice %arg10[%mul3A_257, %dma_wait3A_279] : memref<10000x16xf32, #tpu.memory_space<vmem_shared>> -> memref<80x16xf32, #tpu.memory_space<vmem_shared>>
        %dma_wait3A_281 = arith.constant 0 : i32
        %dma_wait3A_282 = arith.constant 0 : i32
        %dma_wait3A_283 = tpu.memref_slice %arg15[%run_scoped3A_258, %dma_wait3A_281, %dma_wait3A_282] : memref<2x80x16xf32, #tpu.memory_space<vmem>> -> memref<1x80x16xf32, #tpu.memory_space<vmem>>
        %dma_wait3A_284 = tpu.memref_squeeze %dma_wait3A_283 : memref<1x80x16xf32, #tpu.memory_space<vmem>> -> memref<80x16xf32, #tpu.memory_space<vmem>>
        tpu.wait_dma2 semaphore(%run_scoped3A_260 : memref<!tpu.dma_semaphore, #tpu.memory_space<semaphore_mem>>) src(%dma_wait3A_284 : memref<80x16xf32, #tpu.memory_space<vmem>>) dst(%dma_wait3A_280 : memref<80x16xf32, #tpu.memory_space<vmem_shared>>)
        tpu.yield
      }) : () -> ()
      %while3A_259 = arith.constant 0 : i32
      scf.yield %while3A_259 : i32
    }
    %barrier3A = arith.constant 0 : index
    tpu.barrier barrier_id(%barrier3A)
    %mul3A_25 = arith.constant 125 : i32
    %mul3A_26 = arith.muli %add3A, %mul3A_25 : i32
    %mul3A_27 = arith.constant 80 : i32
    %mul3A_28 = arith.muli %mul3A_26, %mul3A_27 : i32
    %run_scoped3A = arith.constant 0 : i32
    "tpu.region"() ({
      %run_scoped3A_250 = tpu.sem_alloc : memref<!tpu.dma_semaphore, #tpu.memory_space<semaphore_mem>>
      %dma_start3A_251 = arith.constant 0 : i32
      %dma_start3A_252 = tpu.memref_slice %arg11[%run_scoped3A, %dma_start3A_251] : memref<3x80xi32, #tpu.memory_space<vmem>> -> memref<1x80xi32, #tpu.memory_space<vmem>>
      %dma_start3A_253 = tpu.memref_squeeze %dma_start3A_252 : memref<1x80xi32, #tpu.memory_space<vmem>> -> memref<80xi32, #tpu.memory_space<vmem>>
      %dma_start3A_254 = tpu.memref_slice %arg5[%mul3A_28] : memref<320000xi32, #tpu.memory_space<hbm>> -> memref<80xi32, #tpu.memory_space<hbm>>
      %dma_start3A_255 = arith.constant 0 : i32
      %dma_start3A_256 = tpu.memref_slice %arg11[%run_scoped3A, %dma_start3A_255] : memref<3x80xi32, #tpu.memory_space<vmem>> -> memref<1x80xi32, #tpu.memory_space<vmem>>
      %dma_start3A_257 = tpu.memref_squeeze %dma_start3A_256 : memref<1x80xi32, #tpu.memory_space<vmem>> -> memref<80xi32, #tpu.memory_space<vmem>>
      %dma_start3A_258 = tpu.memref_slice %arg5[%mul3A_28] : memref<320000xi32, #tpu.memory_space<hbm>> -> memref<80xi32, #tpu.memory_space<hbm>>
      tpu.enqueue_dma source(%dma_start3A_258 : memref<80xi32, #tpu.memory_space<hbm>>) target(%dma_start3A_257 : memref<80xi32, #tpu.memory_space<vmem>>) target_semaphore(%run_scoped3A_250 : memref<!tpu.dma_semaphore, #tpu.memory_space<semaphore_mem>>)
      %dma_wait3A_259 = arith.constant 0 : i32
      %dma_wait3A_260 = tpu.memref_slice %arg11[%run_scoped3A, %dma_wait3A_259] : memref<3x80xi32, #tpu.memory_space<vmem>> -> memref<1x80xi32, #tpu.memory_space<vmem>>
      %dma_wait3A_261 = tpu.memref_squeeze %dma_wait3A_260 : memref<1x80xi32, #tpu.memory_space<vmem>> -> memref<80xi32, #tpu.memory_space<vmem>>
      %dma_wait3A_262 = tpu.memref_slice %arg5[%mul3A_28] : memref<320000xi32, #tpu.memory_space<hbm>> -> memref<80xi32, #tpu.memory_space<hbm>>
      %dma_wait3A_263 = arith.constant 0 : i32
      %dma_wait3A_264 = tpu.memref_slice %arg11[%run_scoped3A, %dma_wait3A_263] : memref<3x80xi32, #tpu.memory_space<vmem>> -> memref<1x80xi32, #tpu.memory_space<vmem>>
      %dma_wait3A_265 = tpu.memref_squeeze %dma_wait3A_264 : memref<1x80xi32, #tpu.memory_space<vmem>> -> memref<80xi32, #tpu.memory_space<vmem>>
      %dma_wait3A_266 = tpu.memref_slice %arg5[%mul3A_28] : memref<320000xi32, #tpu.memory_space<hbm>> -> memref<80xi32, #tpu.memory_space<hbm>>
      tpu.wait_dma2 semaphore(%run_scoped3A_250 : memref<!tpu.dma_semaphore, #tpu.memory_space<semaphore_mem>>) src(%dma_wait3A_266 : memref<80xi32, #tpu.memory_space<hbm>>) dst(%dma_wait3A_265 : memref<80xi32, #tpu.memory_space<vmem>>)
      tpu.yield
    }) : () -> ()
    %mul3A_29 = arith.constant 80 : i32
    %mul3A_30 = arith.muli %mul3A_26, %mul3A_29 : i32
    %run_scoped3A_31 = arith.constant 0 : i32
    "tpu.region"() ({
      %run_scoped3A_250 = tpu.sem_alloc : memref<!tpu.dma_semaphore, #tpu.memory_space<semaphore_mem>>
      %dma_start3A_251 = arith.constant 0 : i32
      %dma_start3A_252 = tpu.memref_slice %arg12[%run_scoped3A_31, %dma_start3A_251] : memref<3x80xi32, #tpu.memory_space<vmem>> -> memref<1x80xi32, #tpu.memory_space<vmem>>
      %dma_start3A_253 = tpu.memref_squeeze %dma_start3A_252 : memref<1x80xi32, #tpu.memory_space<vmem>> -> memref<80xi32, #tpu.memory_space<vmem>>
      %dma_start3A_254 = tpu.memref_slice %arg6[%mul3A_30] : memref<320000xi32, #tpu.memory_space<hbm>> -> memref<80xi32, #tpu.memory_space<hbm>>
      %dma_start3A_255 = arith.constant 0 : i32
      %dma_start3A_256 = tpu.memref_slice %arg12[%run_scoped3A_31, %dma_start3A_255] : memref<3x80xi32, #tpu.memory_space<vmem>> -> memref<1x80xi32, #tpu.memory_space<vmem>>
      %dma_start3A_257 = tpu.memref_squeeze %dma_start3A_256 : memref<1x80xi32, #tpu.memory_space<vmem>> -> memref<80xi32, #tpu.memory_space<vmem>>
      %dma_start3A_258 = tpu.memref_slice %arg6[%mul3A_30] : memref<320000xi32, #tpu.memory_space<hbm>> -> memref<80xi32, #tpu.memory_space<hbm>>
      tpu.enqueue_dma source(%dma_start3A_258 : memref<80xi32, #tpu.memory_space<hbm>>) target(%dma_start3A_257 : memref<80xi32, #tpu.memory_space<vmem>>) target_semaphore(%run_scoped3A_250 : memref<!tpu.dma_semaphore, #tpu.memory_space<semaphore_mem>>)
      %dma_wait3A_259 = arith.constant 0 : i32
      %dma_wait3A_260 = tpu.memref_slice %arg12[%run_scoped3A_31, %dma_wait3A_259] : memref<3x80xi32, #tpu.memory_space<vmem>> -> memref<1x80xi32, #tpu.memory_space<vmem>>
      %dma_wait3A_261 = tpu.memref_squeeze %dma_wait3A_260 : memref<1x80xi32, #tpu.memory_space<vmem>> -> memref<80xi32, #tpu.memory_space<vmem>>
      %dma_wait3A_262 = tpu.memref_slice %arg6[%mul3A_30] : memref<320000xi32, #tpu.memory_space<hbm>> -> memref<80xi32, #tpu.memory_space<hbm>>
      %dma_wait3A_263 = arith.constant 0 : i32
      %dma_wait3A_264 = tpu.memref_slice %arg12[%run_scoped3A_31, %dma_wait3A_263] : memref<3x80xi32, #tpu.memory_space<vmem>> -> memref<1x80xi32, #tpu.memory_space<vmem>>
      %dma_wait3A_265 = tpu.memref_squeeze %dma_wait3A_264 : memref<1x80xi32, #tpu.memory_space<vmem>> -> memref<80xi32, #tpu.memory_space<vmem>>
      %dma_wait3A_266 = tpu.memref_slice %arg6[%mul3A_30] : memref<320000xi32, #tpu.memory_space<hbm>> -> memref<80xi32, #tpu.memory_space<hbm>>
      tpu.wait_dma2 semaphore(%run_scoped3A_250 : memref<!tpu.dma_semaphore, #tpu.memory_space<semaphore_mem>>) src(%dma_wait3A_266 : memref<80xi32, #tpu.memory_space<hbm>>) dst(%dma_wait3A_265 : memref<80xi32, #tpu.memory_space<vmem>>)
      tpu.yield
    }) : () -> ()
    %dma_start3A = arith.constant 1 : i32
    %dma_start3A_32 = arith.constant 0 : i32
    %dma_start3A_33 = arith.constant 1 : i32
    %dma_start3A_34 = arith.constant 0 : i32
    %dma_start3A_35 = arith.constant 0 : i32
    %dma_start3A_36 = tpu.memref_slice %arg17[%dma_start3A, %dma_start3A_34, %dma_start3A_35] : memref<2x80x128xf32, #tpu.memory_space<vmem>> -> memref<1x80x128xf32, #tpu.memory_space<vmem>>
    %dma_start3A_37 = tpu.memref_squeeze %dma_start3A_36 : memref<1x80x128xf32, #tpu.memory_space<vmem>> -> memref<80x128xf32, #tpu.memory_space<vmem>>
    %dma_start3A_38 = arith.constant 0 : i32
    %dma_start3A_39 = tpu.memref_slice %arg12[%dma_start3A_32, %dma_start3A_38] : memref<3x80xi32, #tpu.memory_space<vmem>> -> memref<1x80xi32, #tpu.memory_space<vmem>>
    %dma_start3A_40 = tpu.memref_squeeze %dma_start3A_39 : memref<1x80xi32, #tpu.memory_space<vmem>> -> memref<80xi32, #tpu.memory_space<vmem>>
    %dma_start3A_41 = arith.constant 0 : i32
    %dma_start3A_42 = arith.constant 0 : i32
    %dma_start3A_43 = tpu.memref_slice %arg9[%dma_start3A_41, %dma_start3A_42] : memref<10000x128xf32, #tpu.memory_space<vmem_shared>> -> memref<10000x128xf32, #tpu.memory_space<vmem_shared>>
    %dma_start3A_44 = tpu.memref_slice %arg21[%dma_start3A_33] : memref<2x!tpu.dma_semaphore, #tpu.memory_space<semaphore_mem>> -> memref<1x!tpu.dma_semaphore, #tpu.memory_space<semaphore_mem>>
    %dma_start3A_45 = tpu.memref_squeeze %dma_start3A_44 : memref<1x!tpu.dma_semaphore, #tpu.memory_space<semaphore_mem>> -> memref<!tpu.dma_semaphore, #tpu.memory_space<semaphore_mem>>
    tpu.enqueue_indirect_dma source(%dma_start3A_37 : memref<80x128xf32, #tpu.memory_space<vmem>>) target(%dma_start3A_43 : memref<10000x128xf32, #tpu.memory_space<vmem_shared>>) offsets(%dma_start3A_40 : memref<80xi32, #tpu.memory_space<vmem>>) semaphore(%dma_start3A_45 : memref<!tpu.dma_semaphore, #tpu.memory_space<semaphore_mem>>) {add = true}
    %dma_start3A_46 = arith.constant 1 : i32
    %dma_start3A_47 = arith.constant 0 : i32
    %dma_start3A_48 = arith.constant 1 : i32
    %dma_start3A_49 = arith.constant 0 : i32
    %dma_start3A_50 = arith.constant 0 : i32
    %dma_start3A_51 = tpu.memref_slice %arg15[%dma_start3A_46, %dma_start3A_49, %dma_start3A_50] : memref<2x80x16xf32, #tpu.memory_space<vmem>> -> memref<1x80x16xf32, #tpu.memory_space<vmem>>
    %dma_start3A_52 = tpu.memref_squeeze %dma_start3A_51 : memref<1x80x16xf32, #tpu.memory_space<vmem>> -> memref<80x16xf32, #tpu.memory_space<vmem>>
    %dma_start3A_53 = arith.constant 0 : i32
    %dma_start3A_54 = tpu.memref_slice %arg12[%dma_start3A_47, %dma_start3A_53] : memref<3x80xi32, #tpu.memory_space<vmem>> -> memref<1x80xi32, #tpu.memory_space<vmem>>
    %dma_start3A_55 = tpu.memref_squeeze %dma_start3A_54 : memref<1x80xi32, #tpu.memory_space<vmem>> -> memref<80xi32, #tpu.memory_space<vmem>>
    %dma_start3A_56 = arith.constant 0 : i32
    %dma_start3A_57 = arith.constant 0 : i32
    %dma_start3A_58 = tpu.memref_slice %arg10[%dma_start3A_56, %dma_start3A_57] : memref<10000x16xf32, #tpu.memory_space<vmem_shared>> -> memref<10000x16xf32, #tpu.memory_space<vmem_shared>>
    %dma_start3A_59 = tpu.memref_slice %arg21[%dma_start3A_48] : memref<2x!tpu.dma_semaphore, #tpu.memory_space<semaphore_mem>> -> memref<1x!tpu.dma_semaphore, #tpu.memory_space<semaphore_mem>>
    %dma_start3A_60 = tpu.memref_squeeze %dma_start3A_59 : memref<1x!tpu.dma_semaphore, #tpu.memory_space<semaphore_mem>> -> memref<!tpu.dma_semaphore, #tpu.memory_space<semaphore_mem>>
    tpu.enqueue_indirect_dma source(%dma_start3A_52 : memref<80x16xf32, #tpu.memory_space<vmem>>) target(%dma_start3A_58 : memref<10000x16xf32, #tpu.memory_space<vmem_shared>>) offsets(%dma_start3A_55 : memref<80xi32, #tpu.memory_space<vmem>>) semaphore(%dma_start3A_60 : memref<!tpu.dma_semaphore, #tpu.memory_space<semaphore_mem>>) {add = true}
    %dma_start3A_61 = arith.constant 0 : i32
    %dma_start3A_62 = arith.constant 0 : i32
    %dma_start3A_63 = arith.constant 0 : i32
    %dma_start3A_64 = arith.constant 0 : i32
    %dma_start3A_65 = arith.constant 0 : i32
    %dma_start3A_66 = tpu.memref_slice %arg16[%dma_start3A_62, %dma_start3A_64, %dma_start3A_65] : memref<2x80x128xbf16, #tpu.memory_space<vmem>> -> memref<1x80x128xbf16, #tpu.memory_space<vmem>>
    %dma_start3A_67 = tpu.memref_squeeze %dma_start3A_66 : memref<1x80x128xbf16, #tpu.memory_space<vmem>> -> memref<80x128xbf16, #tpu.memory_space<vmem>>
    %dma_start3A_68 = arith.constant 0 : i32
    %dma_start3A_69 = tpu.memref_slice %arg11[%dma_start3A_61, %dma_start3A_68] : memref<3x80xi32, #tpu.memory_space<vmem>> -> memref<1x80xi32, #tpu.memory_space<vmem>>
    %dma_start3A_70 = tpu.memref_squeeze %dma_start3A_69 : memref<1x80xi32, #tpu.memory_space<vmem>> -> memref<80xi32, #tpu.memory_space<vmem>>
    %dma_start3A_71 = arith.constant 0 : i32
    %dma_start3A_72 = arith.constant 0 : i32
    %dma_start3A_73 = tpu.memref_slice %arg2[%dma_start3A_71, %dma_start3A_72] : memref<10000x128xbf16, #tpu.memory_space<hbm>> -> memref<10000x128xbf16, #tpu.memory_space<hbm>>
    %dma_start3A_74 = tpu.memref_slice %arg18[%dma_start3A_63] : memref<2x!tpu.dma_semaphore, #tpu.memory_space<semaphore_mem>> -> memref<1x!tpu.dma_semaphore, #tpu.memory_space<semaphore_mem>>
    %dma_start3A_75 = tpu.memref_squeeze %dma_start3A_74 : memref<1x!tpu.dma_semaphore, #tpu.memory_space<semaphore_mem>> -> memref<!tpu.dma_semaphore, #tpu.memory_space<semaphore_mem>>
    tpu.enqueue_indirect_dma source(%dma_start3A_73 : memref<10000x128xbf16, #tpu.memory_space<hbm>>) target(%dma_start3A_67 : memref<80x128xbf16, #tpu.memory_space<vmem>>) offsets(%dma_start3A_70 : memref<80xi32, #tpu.memory_space<vmem>>) semaphore(%dma_start3A_75 : memref<!tpu.dma_semaphore, #tpu.memory_space<semaphore_mem>>)
    %dma_start3A_76 = arith.constant 0 : i32
    %dma_start3A_77 = arith.constant 0 : i32
    %dma_start3A_78 = arith.constant 0 : i32
    %dma_start3A_79 = arith.constant 0 : i32
    %dma_start3A_80 = arith.constant 0 : i32
    %dma_start3A_81 = tpu.memref_slice %arg13[%dma_start3A_77, %dma_start3A_79, %dma_start3A_80] : memref<2x80x16xf32, #tpu.memory_space<vmem>> -> memref<1x80x16xf32, #tpu.memory_space<vmem>>
    %dma_start3A_82 = tpu.memref_squeeze %dma_start3A_81 : memref<1x80x16xf32, #tpu.memory_space<vmem>> -> memref<80x16xf32, #tpu.memory_space<vmem>>
    %dma_start3A_83 = arith.constant 0 : i32
    %dma_start3A_84 = tpu.memref_slice %arg11[%dma_start3A_76, %dma_start3A_83] : memref<3x80xi32, #tpu.memory_space<vmem>> -> memref<1x80xi32, #tpu.memory_space<vmem>>
    %dma_start3A_85 = tpu.memref_squeeze %dma_start3A_84 : memref<1x80xi32, #tpu.memory_space<vmem>> -> memref<80xi32, #tpu.memory_space<vmem>>
    %dma_start3A_86 = arith.constant 0 : i32
    %dma_start3A_87 = arith.constant 0 : i32
    %dma_start3A_88 = tpu.memref_slice %arg3[%dma_start3A_86, %dma_start3A_87] : memref<10000x16xf32, #tpu.memory_space<hbm>> -> memref<10000x16xf32, #tpu.memory_space<hbm>>
    %dma_start3A_89 = tpu.memref_slice %arg19[%dma_start3A_78] : memref<2x!tpu.dma_semaphore, #tpu.memory_space<semaphore_mem>> -> memref<1x!tpu.dma_semaphore, #tpu.memory_space<semaphore_mem>>
    %dma_start3A_90 = tpu.memref_squeeze %dma_start3A_89 : memref<1x!tpu.dma_semaphore, #tpu.memory_space<semaphore_mem>> -> memref<!tpu.dma_semaphore, #tpu.memory_space<semaphore_mem>>
    tpu.enqueue_indirect_dma source(%dma_start3A_88 : memref<10000x16xf32, #tpu.memory_space<hbm>>) target(%dma_start3A_82 : memref<80x16xf32, #tpu.memory_space<vmem>>) offsets(%dma_start3A_85 : memref<80xi32, #tpu.memory_space<vmem>>) semaphore(%dma_start3A_90 : memref<!tpu.dma_semaphore, #tpu.memory_space<semaphore_mem>>)
    %dma_start3A_91 = arith.constant 0 : i32
    %dma_start3A_92 = arith.constant 0 : i32
    %dma_start3A_93 = arith.constant 0 : i32
    %dma_start3A_94 = arith.constant 0 : i32
    %dma_start3A_95 = arith.constant 0 : i32
    %dma_start3A_96 = tpu.memref_slice %arg14[%dma_start3A_92, %dma_start3A_94, %dma_start3A_95] : memref<2x80x16xf32, #tpu.memory_space<vmem>> -> memref<1x80x16xf32, #tpu.memory_space<vmem>>
    %dma_start3A_97 = tpu.memref_squeeze %dma_start3A_96 : memref<1x80x16xf32, #tpu.memory_space<vmem>> -> memref<80x16xf32, #tpu.memory_space<vmem>>
    %dma_start3A_98 = arith.constant 0 : i32
    %dma_start3A_99 = tpu.memref_slice %arg12[%dma_start3A_91, %dma_start3A_98] : memref<3x80xi32, #tpu.memory_space<vmem>> -> memref<1x80xi32, #tpu.memory_space<vmem>>
    %dma_start3A_100 = tpu.memref_squeeze %dma_start3A_99 : memref<1x80xi32, #tpu.memory_space<vmem>> -> memref<80xi32, #tpu.memory_space<vmem>>
    %dma_start3A_101 = arith.constant 0 : i32
    %dma_start3A_102 = arith.constant 0 : i32
    %dma_start3A_103 = tpu.memref_slice %arg4[%dma_start3A_101, %dma_start3A_102] : memref<10000x16xf32, #tpu.memory_space<hbm>> -> memref<10000x16xf32, #tpu.memory_space<hbm>>
    %dma_start3A_104 = tpu.memref_slice %arg20[%dma_start3A_93] : memref<2x!tpu.dma_semaphore, #tpu.memory_space<semaphore_mem>> -> memref<1x!tpu.dma_semaphore, #tpu.memory_space<semaphore_mem>>
    %dma_start3A_105 = tpu.memref_squeeze %dma_start3A_104 : memref<1x!tpu.dma_semaphore, #tpu.memory_space<semaphore_mem>> -> memref<!tpu.dma_semaphore, #tpu.memory_space<semaphore_mem>>
    tpu.enqueue_indirect_dma source(%dma_start3A_103 : memref<10000x16xf32, #tpu.memory_space<hbm>>) target(%dma_start3A_97 : memref<80x16xf32, #tpu.memory_space<vmem>>) offsets(%dma_start3A_100 : memref<80xi32, #tpu.memory_space<vmem>>) semaphore(%dma_start3A_105 : memref<!tpu.dma_semaphore, #tpu.memory_space<semaphore_mem>>)
    %add3A_106 = arith.constant 1 : i32
    %add3A_107 = arith.addi %mul3A_26, %add3A_106 : i32
    %mul3A_108 = arith.constant 80 : i32
    %mul3A_109 = arith.muli %add3A_107, %mul3A_108 : i32
    %dma_start3A_110 = arith.constant 1 : i32
    %dma_start3A_111 = arith.constant 1 : i32
    %dma_start3A_112 = arith.constant 0 : i32
    %dma_start3A_113 = tpu.memref_slice %arg11[%dma_start3A_110, %dma_start3A_112] : memref<3x80xi32, #tpu.memory_space<vmem>> -> memref<1x80xi32, #tpu.memory_space<vmem>>
    %dma_start3A_114 = tpu.memref_squeeze %dma_start3A_113 : memref<1x80xi32, #tpu.memory_space<vmem>> -> memref<80xi32, #tpu.memory_space<vmem>>
    %dma_start3A_115 = tpu.memref_slice %arg5[%mul3A_109] : memref<320000xi32, #tpu.memory_space<hbm>> -> memref<80xi32, #tpu.memory_space<hbm>>
    %dma_start3A_116 = tpu.memref_slice %arg22[%dma_start3A_111] : memref<3x!tpu.dma_semaphore, #tpu.memory_space<semaphore_mem>> -> memref<1x!tpu.dma_semaphore, #tpu.memory_space<semaphore_mem>>
    %dma_start3A_117 = tpu.memref_squeeze %dma_start3A_116 : memref<1x!tpu.dma_semaphore, #tpu.memory_space<semaphore_mem>> -> memref<!tpu.dma_semaphore, #tpu.memory_space<semaphore_mem>>
    %dma_start3A_118 = arith.constant 0 : i32
    %dma_start3A_119 = tpu.memref_slice %arg11[%dma_start3A_110, %dma_start3A_118] : memref<3x80xi32, #tpu.memory_space<vmem>> -> memref<1x80xi32, #tpu.memory_space<vmem>>
    %dma_start3A_120 = tpu.memref_squeeze %dma_start3A_119 : memref<1x80xi32, #tpu.memory_space<vmem>> -> memref<80xi32, #tpu.memory_space<vmem>>
    %dma_start3A_121 = tpu.memref_slice %arg5[%mul3A_109] : memref<320000xi32, #tpu.memory_space<hbm>> -> memref<80xi32, #tpu.memory_space<hbm>>
    tpu.enqueue_dma source(%dma_start3A_121 : memref<80xi32, #tpu.memory_space<hbm>>) target(%dma_start3A_120 : memref<80xi32, #tpu.memory_space<vmem>>) target_semaphore(%dma_start3A_117 : memref<!tpu.dma_semaphore, #tpu.memory_space<semaphore_mem>>)
    %dma_start3A_122 = arith.constant 1 : i32
    %dma_start3A_123 = arith.constant 1 : i32
    %dma_start3A_124 = arith.constant 0 : i32
    %dma_start3A_125 = tpu.memref_slice %arg12[%dma_start3A_122, %dma_start3A_124] : memref<3x80xi32, #tpu.memory_space<vmem>> -> memref<1x80xi32, #tpu.memory_space<vmem>>
    %dma_start3A_126 = tpu.memref_squeeze %dma_start3A_125 : memref<1x80xi32, #tpu.memory_space<vmem>> -> memref<80xi32, #tpu.memory_space<vmem>>
    %dma_start3A_127 = tpu.memref_slice %arg6[%mul3A_109] : memref<320000xi32, #tpu.memory_space<hbm>> -> memref<80xi32, #tpu.memory_space<hbm>>
    %dma_start3A_128 = tpu.memref_slice %arg23[%dma_start3A_123] : memref<3x!tpu.dma_semaphore, #tpu.memory_space<semaphore_mem>> -> memref<1x!tpu.dma_semaphore, #tpu.memory_space<semaphore_mem>>
    %dma_start3A_129 = tpu.memref_squeeze %dma_start3A_128 : memref<1x!tpu.dma_semaphore, #tpu.memory_space<semaphore_mem>> -> memref<!tpu.dma_semaphore, #tpu.memory_space<semaphore_mem>>
    %dma_start3A_130 = arith.constant 0 : i32
    %dma_start3A_131 = tpu.memref_slice %arg12[%dma_start3A_122, %dma_start3A_130] : memref<3x80xi32, #tpu.memory_space<vmem>> -> memref<1x80xi32, #tpu.memory_space<vmem>>
    %dma_start3A_132 = tpu.memref_squeeze %dma_start3A_131 : memref<1x80xi32, #tpu.memory_space<vmem>> -> memref<80xi32, #tpu.memory_space<vmem>>
    %dma_start3A_133 = tpu.memref_slice %arg6[%mul3A_109] : memref<320000xi32, #tpu.memory_space<hbm>> -> memref<80xi32, #tpu.memory_space<hbm>>
    tpu.enqueue_dma source(%dma_start3A_133 : memref<80xi32, #tpu.memory_space<hbm>>) target(%dma_start3A_132 : memref<80xi32, #tpu.memory_space<vmem>>) target_semaphore(%dma_start3A_129 : memref<!tpu.dma_semaphore, #tpu.memory_space<semaphore_mem>>)
    %scan3A_134 = arith.constant 0 : i32
    %scan3A_135 = arith.constant 0 : i32
    %scan3A_136 = arith.constant 125 : i32
    %scan3A_137 = arith.addi %scan3A_135, %scan3A_136 : i32
    %scan3A_138 = arith.constant 1 : i32
    %scan3A_139 = scf.for %scan3A_250 = %scan3A_135 to %scan3A_137 step %scan3A_138 iter_args(%scan3A_251 = %scan3A_134) -> (i32)  : i32 {
      %rem3A_252 = arith.constant 2 : i32
      %rem3A_253 = arith.remsi %scan3A_250, %rem3A_252 : i32
      %sub3A = arith.constant 1 : i32
      %sub3A_254 = arith.subi %sub3A, %rem3A_253 : i32
      %add3A_255 = arith.constant 1 : i32
      %add3A_256 = arith.addi %scan3A_250, %add3A_255 : i32
      %rem3A_257 = arith.constant 3 : i32
      %rem3A_258 = arith.remsi %add3A_256, %rem3A_257 : i32
      %add3A_259 = arith.constant 2 : i32
      %add3A_260 = arith.addi %scan3A_250, %add3A_259 : i32
      %rem3A_261 = arith.constant 3 : i32
      %rem3A_262 = arith.remsi %add3A_260, %rem3A_261 : i32
      %dma_wait3A_263 = arith.constant 0 : i32
      %dma_wait3A_264 = arith.constant 0 : i32
      %dma_wait3A_265 = arith.constant 0 : i32
      %dma_wait3A_266 = tpu.memref_slice %arg16[%rem3A_253, %dma_wait3A_264, %dma_wait3A_265] : memref<2x80x128xbf16, #tpu.memory_space<vmem>> -> memref<1x80x128xbf16, #tpu.memory_space<vmem>>
      %dma_wait3A_267 = tpu.memref_squeeze %dma_wait3A_266 : memref<1x80x128xbf16, #tpu.memory_space<vmem>> -> memref<80x128xbf16, #tpu.memory_space<vmem>>
      %dma_wait3A_268 = arith.constant 0 : i32
      %dma_wait3A_269 = tpu.memref_slice %arg11[%dma_wait3A_263, %dma_wait3A_268] : memref<3x80xi32, #tpu.memory_space<vmem>> -> memref<1x80xi32, #tpu.memory_space<vmem>>
      %dma_wait3A_270 = tpu.memref_squeeze %dma_wait3A_269 : memref<1x80xi32, #tpu.memory_space<vmem>> -> memref<80xi32, #tpu.memory_space<vmem>>
      %dma_wait3A_271 = arith.constant 0 : i32
      %dma_wait3A_272 = arith.constant 0 : i32
      %dma_wait3A_273 = tpu.memref_slice %arg2[%dma_wait3A_271, %dma_wait3A_272] : memref<10000x128xbf16, #tpu.memory_space<hbm>> -> memref<10000x128xbf16, #tpu.memory_space<hbm>>
      %dma_wait3A_274 = tpu.memref_slice %arg18[%rem3A_253] : memref<2x!tpu.dma_semaphore, #tpu.memory_space<semaphore_mem>> -> memref<1x!tpu.dma_semaphore, #tpu.memory_space<semaphore_mem>>
      %dma_wait3A_275 = tpu.memref_squeeze %dma_wait3A_274 : memref<1x!tpu.dma_semaphore, #tpu.memory_space<semaphore_mem>> -> memref<!tpu.dma_semaphore, #tpu.memory_space<semaphore_mem>>
      tpu.wait_indirect_dma semaphore(%dma_wait3A_275 : memref<!tpu.dma_semaphore, #tpu.memory_space<semaphore_mem>>) src(%dma_wait3A_273 : memref<10000x128xbf16, #tpu.memory_space<hbm>>) dst(%dma_wait3A_267 : memref<80x128xbf16, #tpu.memory_space<vmem>>)
      %dma_wait3A_276 = arith.constant 0 : i32
      %dma_wait3A_277 = arith.constant 0 : i32
      %dma_wait3A_278 = arith.constant 0 : i32
      %dma_wait3A_279 = tpu.memref_slice %arg13[%rem3A_253, %dma_wait3A_277, %dma_wait3A_278] : memref<2x80x16xf32, #tpu.memory_space<vmem>> -> memref<1x80x16xf32, #tpu.memory_space<vmem>>
      %dma_wait3A_280 = tpu.memref_squeeze %dma_wait3A_279 : memref<1x80x16xf32, #tpu.memory_space<vmem>> -> memref<80x16xf32, #tpu.memory_space<vmem>>
      %dma_wait3A_281 = arith.constant 0 : i32
      %dma_wait3A_282 = tpu.memref_slice %arg11[%dma_wait3A_276, %dma_wait3A_281] : memref<3x80xi32, #tpu.memory_space<vmem>> -> memref<1x80xi32, #tpu.memory_space<vmem>>
      %dma_wait3A_283 = tpu.memref_squeeze %dma_wait3A_282 : memref<1x80xi32, #tpu.memory_space<vmem>> -> memref<80xi32, #tpu.memory_space<vmem>>
      %dma_wait3A_284 = arith.constant 0 : i32
      %dma_wait3A_285 = arith.constant 0 : i32
      %dma_wait3A_286 = tpu.memref_slice %arg3[%dma_wait3A_284, %dma_wait3A_285] : memref<10000x16xf32, #tpu.memory_space<hbm>> -> memref<10000x16xf32, #tpu.memory_space<hbm>>
      %dma_wait3A_287 = tpu.memref_slice %arg19[%rem3A_253] : memref<2x!tpu.dma_semaphore, #tpu.memory_space<semaphore_mem>> -> memref<1x!tpu.dma_semaphore, #tpu.memory_space<semaphore_mem>>
      %dma_wait3A_288 = tpu.memref_squeeze %dma_wait3A_287 : memref<1x!tpu.dma_semaphore, #tpu.memory_space<semaphore_mem>> -> memref<!tpu.dma_semaphore, #tpu.memory_space<semaphore_mem>>
      tpu.wait_indirect_dma semaphore(%dma_wait3A_288 : memref<!tpu.dma_semaphore, #tpu.memory_space<semaphore_mem>>) src(%dma_wait3A_286 : memref<10000x16xf32, #tpu.memory_space<hbm>>) dst(%dma_wait3A_280 : memref<80x16xf32, #tpu.memory_space<vmem>>)
      %dma_wait3A_289 = arith.constant 0 : i32
      %dma_wait3A_290 = arith.constant 0 : i32
      %dma_wait3A_291 = arith.constant 0 : i32
      %dma_wait3A_292 = tpu.memref_slice %arg14[%rem3A_253, %dma_wait3A_290, %dma_wait3A_291] : memref<2x80x16xf32, #tpu.memory_space<vmem>> -> memref<1x80x16xf32, #tpu.memory_space<vmem>>
      %dma_wait3A_293 = tpu.memref_squeeze %dma_wait3A_292 : memref<1x80x16xf32, #tpu.memory_space<vmem>> -> memref<80x16xf32, #tpu.memory_space<vmem>>
      %dma_wait3A_294 = arith.constant 0 : i32
      %dma_wait3A_295 = tpu.memref_slice %arg12[%dma_wait3A_289, %dma_wait3A_294] : memref<3x80xi32, #tpu.memory_space<vmem>> -> memref<1x80xi32, #tpu.memory_space<vmem>>
      %dma_wait3A_296 = tpu.memref_squeeze %dma_wait3A_295 : memref<1x80xi32, #tpu.memory_space<vmem>> -> memref<80xi32, #tpu.memory_space<vmem>>
      %dma_wait3A_297 = arith.constant 0 : i32
      %dma_wait3A_298 = arith.constant 0 : i32
      %dma_wait3A_299 = tpu.memref_slice %arg4[%dma_wait3A_297, %dma_wait3A_298] : memref<10000x16xf32, #tpu.memory_space<hbm>> -> memref<10000x16xf32, #tpu.memory_space<hbm>>
      %dma_wait3A_300 = tpu.memref_slice %arg20[%rem3A_253] : memref<2x!tpu.dma_semaphore, #tpu.memory_space<semaphore_mem>> -> memref<1x!tpu.dma_semaphore, #tpu.memory_space<semaphore_mem>>
      %dma_wait3A_301 = tpu.memref_squeeze %dma_wait3A_300 : memref<1x!tpu.dma_semaphore, #tpu.memory_space<semaphore_mem>> -> memref<!tpu.dma_semaphore, #tpu.memory_space<semaphore_mem>>
      tpu.wait_indirect_dma semaphore(%dma_wait3A_301 : memref<!tpu.dma_semaphore, #tpu.memory_space<semaphore_mem>>) src(%dma_wait3A_299 : memref<10000x16xf32, #tpu.memory_space<hbm>>) dst(%dma_wait3A_293 : memref<80x16xf32, #tpu.memory_space<vmem>>)
      %dma_wait3A_302 = arith.constant 0 : i32
      %dma_wait3A_303 = tpu.memref_slice %arg11[%rem3A_258, %dma_wait3A_302] : memref<3x80xi32, #tpu.memory_space<vmem>> -> memref<1x80xi32, #tpu.memory_space<vmem>>
      %dma_wait3A_304 = tpu.memref_squeeze %dma_wait3A_303 : memref<1x80xi32, #tpu.memory_space<vmem>> -> memref<80xi32, #tpu.memory_space<vmem>>
      %dma_wait3A_305 = arith.constant 0 : i32
      %dma_wait3A_306 = tpu.memref_slice %arg5[%dma_wait3A_305] : memref<320000xi32, #tpu.memory_space<hbm>> -> memref<80xi32, #tpu.memory_space<hbm>>
      %dma_wait3A_307 = tpu.memref_slice %arg22[%rem3A_258] : memref<3x!tpu.dma_semaphore, #tpu.memory_space<semaphore_mem>> -> memref<1x!tpu.dma_semaphore, #tpu.memory_space<semaphore_mem>>
      %dma_wait3A_308 = tpu.memref_squeeze %dma_wait3A_307 : memref<1x!tpu.dma_semaphore, #tpu.memory_space<semaphore_mem>> -> memref<!tpu.dma_semaphore, #tpu.memory_space<semaphore_mem>>
      %dma_wait3A_309 = arith.constant 0 : i32
      %dma_wait3A_310 = tpu.memref_slice %arg11[%rem3A_258, %dma_wait3A_309] : memref<3x80xi32, #tpu.memory_space<vmem>> -> memref<1x80xi32, #tpu.memory_space<vmem>>
      %dma_wait3A_311 = tpu.memref_squeeze %dma_wait3A_310 : memref<1x80xi32, #tpu.memory_space<vmem>> -> memref<80xi32, #tpu.memory_space<vmem>>
      %dma_wait3A_312 = arith.constant 0 : i32
      %dma_wait3A_313 = tpu.memref_slice %arg5[%dma_wait3A_312] : memref<320000xi32, #tpu.memory_space<hbm>> -> memref<80xi32, #tpu.memory_space<hbm>>
      tpu.wait_dma2 semaphore(%dma_wait3A_308 : memref<!tpu.dma_semaphore, #tpu.memory_space<semaphore_mem>>) src(%dma_wait3A_313 : memref<80xi32, #tpu.memory_space<hbm>>) dst(%dma_wait3A_311 : memref<80xi32, #tpu.memory_space<vmem>>)
      %dma_wait3A_314 = arith.constant 0 : i32
      %dma_wait3A_315 = tpu.memref_slice %arg12[%rem3A_258, %dma_wait3A_314] : memref<3x80xi32, #tpu.memory_space<vmem>> -> memref<1x80xi32, #tpu.memory_space<vmem>>
      %dma_wait3A_316 = tpu.memref_squeeze %dma_wait3A_315 : memref<1x80xi32, #tpu.memory_space<vmem>> -> memref<80xi32, #tpu.memory_space<vmem>>
      %dma_wait3A_317 = arith.constant 0 : i32
      %dma_wait3A_318 = tpu.memref_slice %arg6[%dma_wait3A_317] : memref<320000xi32, #tpu.memory_space<hbm>> -> memref<80xi32, #tpu.memory_space<hbm>>
      %dma_wait3A_319 = tpu.memref_slice %arg23[%rem3A_258] : memref<3x!tpu.dma_semaphore, #tpu.memory_space<semaphore_mem>> -> memref<1x!tpu.dma_semaphore, #tpu.memory_space<semaphore_mem>>
      %dma_wait3A_320 = tpu.memref_squeeze %dma_wait3A_319 : memref<1x!tpu.dma_semaphore, #tpu.memory_space<semaphore_mem>> -> memref<!tpu.dma_semaphore, #tpu.memory_space<semaphore_mem>>
      %dma_wait3A_321 = arith.constant 0 : i32
      %dma_wait3A_322 = tpu.memref_slice %arg12[%rem3A_258, %dma_wait3A_321] : memref<3x80xi32, #tpu.memory_space<vmem>> -> memref<1x80xi32, #tpu.memory_space<vmem>>
      %dma_wait3A_323 = tpu.memref_squeeze %dma_wait3A_322 : memref<1x80xi32, #tpu.memory_space<vmem>> -> memref<80xi32, #tpu.memory_space<vmem>>
      %dma_wait3A_324 = arith.constant 0 : i32
      %dma_wait3A_325 = tpu.memref_slice %arg6[%dma_wait3A_324] : memref<320000xi32, #tpu.memory_space<hbm>> -> memref<80xi32, #tpu.memory_space<hbm>>
      tpu.wait_dma2 semaphore(%dma_wait3A_320 : memref<!tpu.dma_semaphore, #tpu.memory_space<semaphore_mem>>) src(%dma_wait3A_325 : memref<80xi32, #tpu.memory_space<hbm>>) dst(%dma_wait3A_323 : memref<80xi32, #tpu.memory_space<vmem>>)
      %dma_wait3A_326 = arith.constant 0 : i32
      %dma_wait3A_327 = arith.constant 0 : i32
      %dma_wait3A_328 = arith.constant 0 : i32
      %dma_wait3A_329 = tpu.memref_slice %arg17[%sub3A_254, %dma_wait3A_327, %dma_wait3A_328] : memref<2x80x128xf32, #tpu.memory_space<vmem>> -> memref<1x80x128xf32, #tpu.memory_space<vmem>>
      %dma_wait3A_330 = tpu.memref_squeeze %dma_wait3A_329 : memref<1x80x128xf32, #tpu.memory_space<vmem>> -> memref<80x128xf32, #tpu.memory_space<vmem>>
      %dma_wait3A_331 = arith.constant 0 : i32
      %dma_wait3A_332 = tpu.memref_slice %arg12[%dma_wait3A_326, %dma_wait3A_331] : memref<3x80xi32, #tpu.memory_space<vmem>> -> memref<1x80xi32, #tpu.memory_space<vmem>>
      %dma_wait3A_333 = tpu.memref_squeeze %dma_wait3A_332 : memref<1x80xi32, #tpu.memory_space<vmem>> -> memref<80xi32, #tpu.memory_space<vmem>>
      %dma_wait3A_334 = arith.constant 0 : i32
      %dma_wait3A_335 = arith.constant 0 : i32
      %dma_wait3A_336 = tpu.memref_slice %arg9[%dma_wait3A_334, %dma_wait3A_335] : memref<10000x128xf32, #tpu.memory_space<vmem_shared>> -> memref<10000x128xf32, #tpu.memory_space<vmem_shared>>
      %dma_wait3A_337 = tpu.memref_slice %arg21[%sub3A_254] : memref<2x!tpu.dma_semaphore, #tpu.memory_space<semaphore_mem>> -> memref<1x!tpu.dma_semaphore, #tpu.memory_space<semaphore_mem>>
      %dma_wait3A_338 = tpu.memref_squeeze %dma_wait3A_337 : memref<1x!tpu.dma_semaphore, #tpu.memory_space<semaphore_mem>> -> memref<!tpu.dma_semaphore, #tpu.memory_space<semaphore_mem>>
      tpu.wait_indirect_dma semaphore(%dma_wait3A_338 : memref<!tpu.dma_semaphore, #tpu.memory_space<semaphore_mem>>) src(%dma_wait3A_330 : memref<80x128xf32, #tpu.memory_space<vmem>>) dst(%dma_wait3A_336 : memref<10000x128xf32, #tpu.memory_space<vmem_shared>>)
      %dma_wait3A_339 = arith.constant 0 : i32
      %dma_wait3A_340 = arith.constant 0 : i32
      %dma_wait3A_341 = arith.constant 0 : i32
      %dma_wait3A_342 = tpu.memref_slice %arg15[%sub3A_254, %dma_wait3A_340, %dma_wait3A_341] : memref<2x80x16xf32, #tpu.memory_space<vmem>> -> memref<1x80x16xf32, #tpu.memory_space<vmem>>
      %dma_wait3A_343 = tpu.memref_squeeze %dma_wait3A_342 : memref<1x80x16xf32, #tpu.memory_space<vmem>> -> memref<80x16xf32, #tpu.memory_space<vmem>>
      %dma_wait3A_344 = arith.constant 0 : i32
      %dma_wait3A_345 = tpu.memref_slice %arg12[%dma_wait3A_339, %dma_wait3A_344] : memref<3x80xi32, #tpu.memory_space<vmem>> -> memref<1x80xi32, #tpu.memory_space<vmem>>
      %dma_wait3A_346 = tpu.memref_squeeze %dma_wait3A_345 : memref<1x80xi32, #tpu.memory_space<vmem>> -> memref<80xi32, #tpu.memory_space<vmem>>
      %dma_wait3A_347 = arith.constant 0 : i32
      %dma_wait3A_348 = arith.constant 0 : i32
      %dma_wait3A_349 = tpu.memref_slice %arg10[%dma_wait3A_347, %dma_wait3A_348] : memref<10000x16xf32, #tpu.memory_space<vmem_shared>> -> memref<10000x16xf32, #tpu.memory_space<vmem_shared>>
      %dma_wait3A_350 = tpu.memref_slice %arg21[%sub3A_254] : memref<2x!tpu.dma_semaphore, #tpu.memory_space<semaphore_mem>> -> memref<1x!tpu.dma_semaphore, #tpu.memory_space<semaphore_mem>>
      %dma_wait3A_351 = tpu.memref_squeeze %dma_wait3A_350 : memref<1x!tpu.dma_semaphore, #tpu.memory_space<semaphore_mem>> -> memref<!tpu.dma_semaphore, #tpu.memory_space<semaphore_mem>>
      tpu.wait_indirect_dma semaphore(%dma_wait3A_351 : memref<!tpu.dma_semaphore, #tpu.memory_space<semaphore_mem>>) src(%dma_wait3A_343 : memref<80x16xf32, #tpu.memory_space<vmem>>) dst(%dma_wait3A_349 : memref<10000x16xf32, #tpu.memory_space<vmem_shared>>)
      %dma_start3A_352 = arith.constant 0 : i32
      %dma_start3A_353 = arith.constant 0 : i32
      %dma_start3A_354 = tpu.memref_slice %arg16[%sub3A_254, %dma_start3A_352, %dma_start3A_353] : memref<2x80x128xbf16, #tpu.memory_space<vmem>> -> memref<1x80x128xbf16, #tpu.memory_space<vmem>>
      %dma_start3A_355 = tpu.memref_squeeze %dma_start3A_354 : memref<1x80x128xbf16, #tpu.memory_space<vmem>> -> memref<80x128xbf16, #tpu.memory_space<vmem>>
      %dma_start3A_356 = arith.constant 0 : i32
      %dma_start3A_357 = tpu.memref_slice %arg11[%rem3A_258, %dma_start3A_356] : memref<3x80xi32, #tpu.memory_space<vmem>> -> memref<1x80xi32, #tpu.memory_space<vmem>>
      %dma_start3A_358 = tpu.memref_squeeze %dma_start3A_357 : memref<1x80xi32, #tpu.memory_space<vmem>> -> memref<80xi32, #tpu.memory_space<vmem>>
      %dma_start3A_359 = arith.constant 0 : i32
      %dma_start3A_360 = arith.constant 0 : i32
      %dma_start3A_361 = tpu.memref_slice %arg2[%dma_start3A_359, %dma_start3A_360] : memref<10000x128xbf16, #tpu.memory_space<hbm>> -> memref<10000x128xbf16, #tpu.memory_space<hbm>>
      %dma_start3A_362 = tpu.memref_slice %arg18[%sub3A_254] : memref<2x!tpu.dma_semaphore, #tpu.memory_space<semaphore_mem>> -> memref<1x!tpu.dma_semaphore, #tpu.memory_space<semaphore_mem>>
      %dma_start3A_363 = tpu.memref_squeeze %dma_start3A_362 : memref<1x!tpu.dma_semaphore, #tpu.memory_space<semaphore_mem>> -> memref<!tpu.dma_semaphore, #tpu.memory_space<semaphore_mem>>
      tpu.enqueue_indirect_dma source(%dma_start3A_361 : memref<10000x128xbf16, #tpu.memory_space<hbm>>) target(%dma_start3A_355 : memref<80x128xbf16, #tpu.memory_space<vmem>>) offsets(%dma_start3A_358 : memref<80xi32, #tpu.memory_space<vmem>>) semaphore(%dma_start3A_363 : memref<!tpu.dma_semaphore, #tpu.memory_space<semaphore_mem>>)
      %dma_start3A_364 = arith.constant 0 : i32
      %dma_start3A_365 = arith.constant 0 : i32
      %dma_start3A_366 = tpu.memref_slice %arg13[%sub3A_254, %dma_start3A_364, %dma_start3A_365] : memref<2x80x16xf32, #tpu.memory_space<vmem>> -> memref<1x80x16xf32, #tpu.memory_space<vmem>>
      %dma_start3A_367 = tpu.memref_squeeze %dma_start3A_366 : memref<1x80x16xf32, #tpu.memory_space<vmem>> -> memref<80x16xf32, #tpu.memory_space<vmem>>
      %dma_start3A_368 = arith.constant 0 : i32
      %dma_start3A_369 = tpu.memref_slice %arg11[%rem3A_258, %dma_start3A_368] : memref<3x80xi32, #tpu.memory_space<vmem>> -> memref<1x80xi32, #tpu.memory_space<vmem>>
      %dma_start3A_370 = tpu.memref_squeeze %dma_start3A_369 : memref<1x80xi32, #tpu.memory_space<vmem>> -> memref<80xi32, #tpu.memory_space<vmem>>
      %dma_start3A_371 = arith.constant 0 : i32
      %dma_start3A_372 = arith.constant 0 : i32
      %dma_start3A_373 = tpu.memref_slice %arg3[%dma_start3A_371, %dma_start3A_372] : memref<10000x16xf32, #tpu.memory_space<hbm>> -> memref<10000x16xf32, #tpu.memory_space<hbm>>
      %dma_start3A_374 = tpu.memref_slice %arg19[%sub3A_254] : memref<2x!tpu.dma_semaphore, #tpu.memory_space<semaphore_mem>> -> memref<1x!tpu.dma_semaphore, #tpu.memory_space<semaphore_mem>>
      %dma_start3A_375 = tpu.memref_squeeze %dma_start3A_374 : memref<1x!tpu.dma_semaphore, #tpu.memory_space<semaphore_mem>> -> memref<!tpu.dma_semaphore, #tpu.memory_space<semaphore_mem>>
      tpu.enqueue_indirect_dma source(%dma_start3A_373 : memref<10000x16xf32, #tpu.memory_space<hbm>>) target(%dma_start3A_367 : memref<80x16xf32, #tpu.memory_space<vmem>>) offsets(%dma_start3A_370 : memref<80xi32, #tpu.memory_space<vmem>>) semaphore(%dma_start3A_375 : memref<!tpu.dma_semaphore, #tpu.memory_space<semaphore_mem>>)
      %dma_start3A_376 = arith.constant 0 : i32
      %dma_start3A_377 = arith.constant 0 : i32
      %dma_start3A_378 = tpu.memref_slice %arg14[%sub3A_254, %dma_start3A_376, %dma_start3A_377] : memref<2x80x16xf32, #tpu.memory_space<vmem>> -> memref<1x80x16xf32, #tpu.memory_space<vmem>>
      %dma_start3A_379 = tpu.memref_squeeze %dma_start3A_378 : memref<1x80x16xf32, #tpu.memory_space<vmem>> -> memref<80x16xf32, #tpu.memory_space<vmem>>
      %dma_start3A_380 = arith.constant 0 : i32
      %dma_start3A_381 = tpu.memref_slice %arg12[%rem3A_258, %dma_start3A_380] : memref<3x80xi32, #tpu.memory_space<vmem>> -> memref<1x80xi32, #tpu.memory_space<vmem>>
      %dma_start3A_382 = tpu.memref_squeeze %dma_start3A_381 : memref<1x80xi32, #tpu.memory_space<vmem>> -> memref<80xi32, #tpu.memory_space<vmem>>
      %dma_start3A_383 = arith.constant 0 : i32
      %dma_start3A_384 = arith.constant 0 : i32
      %dma_start3A_385 = tpu.memref_slice %arg4[%dma_start3A_383, %dma_start3A_384] : memref<10000x16xf32, #tpu.memory_space<hbm>> -> memref<10000x16xf32, #tpu.memory_space<hbm>>
      %dma_start3A_386 = tpu.memref_slice %arg20[%sub3A_254] : memref<2x!tpu.dma_semaphore, #tpu.memory_space<semaphore_mem>> -> memref<1x!tpu.dma_semaphore, #tpu.memory_space<semaphore_mem>>
      %dma_start3A_387 = tpu.memref_squeeze %dma_start3A_386 : memref<1x!tpu.dma_semaphore, #tpu.memory_space<semaphore_mem>> -> memref<!tpu.dma_semaphore, #tpu.memory_space<semaphore_mem>>
      tpu.enqueue_indirect_dma source(%dma_start3A_385 : memref<10000x16xf32, #tpu.memory_space<hbm>>) target(%dma_start3A_379 : memref<80x16xf32, #tpu.memory_space<vmem>>) offsets(%dma_start3A_382 : memref<80xi32, #tpu.memory_space<vmem>>) semaphore(%dma_start3A_387 : memref<!tpu.dma_semaphore, #tpu.memory_space<semaphore_mem>>)
      %add3A_388 = arith.constant 2 : i32
      %add3A_389 = arith.addi %scan3A_250, %add3A_388 : i32
      %min3A_390 = arith.constant 124 : i32
      %min3A_391 = arith.minsi %add3A_389, %min3A_390 : i32
      %add3A_392 = arith.addi %mul3A_26, %min3A_391 : i32
      %mul3A_393 = arith.constant 80 : i32
      %mul3A_394 = arith.muli %add3A_392, %mul3A_393 : i32
      %dma_start3A_395 = arith.constant 0 : i32
      %dma_start3A_396 = tpu.memref_slice %arg11[%rem3A_262, %dma_start3A_395] : memref<3x80xi32, #tpu.memory_space<vmem>> -> memref<1x80xi32, #tpu.memory_space<vmem>>
      %dma_start3A_397 = tpu.memref_squeeze %dma_start3A_396 : memref<1x80xi32, #tpu.memory_space<vmem>> -> memref<80xi32, #tpu.memory_space<vmem>>
      %dma_start3A_398 = tpu.memref_slice %arg5[%mul3A_394] : memref<320000xi32, #tpu.memory_space<hbm>> -> memref<80xi32, #tpu.memory_space<hbm>>
      %dma_start3A_399 = tpu.memref_slice %arg22[%rem3A_262] : memref<3x!tpu.dma_semaphore, #tpu.memory_space<semaphore_mem>> -> memref<1x!tpu.dma_semaphore, #tpu.memory_space<semaphore_mem>>
      %dma_start3A_400 = tpu.memref_squeeze %dma_start3A_399 : memref<1x!tpu.dma_semaphore, #tpu.memory_space<semaphore_mem>> -> memref<!tpu.dma_semaphore, #tpu.memory_space<semaphore_mem>>
      %dma_start3A_401 = arith.constant 0 : i32
      %dma_start3A_402 = tpu.memref_slice %arg11[%rem3A_262, %dma_start3A_401] : memref<3x80xi32, #tpu.memory_space<vmem>> -> memref<1x80xi32, #tpu.memory_space<vmem>>
      %dma_start3A_403 = tpu.memref_squeeze %dma_start3A_402 : memref<1x80xi32, #tpu.memory_space<vmem>> -> memref<80xi32, #tpu.memory_space<vmem>>
      %dma_start3A_404 = tpu.memref_slice %arg5[%mul3A_394] : memref<320000xi32, #tpu.memory_space<hbm>> -> memref<80xi32, #tpu.memory_space<hbm>>
      tpu.enqueue_dma source(%dma_start3A_404 : memref<80xi32, #tpu.memory_space<hbm>>) target(%dma_start3A_403 : memref<80xi32, #tpu.memory_space<vmem>>) target_semaphore(%dma_start3A_400 : memref<!tpu.dma_semaphore, #tpu.memory_space<semaphore_mem>>)
      %dma_start3A_405 = arith.constant 0 : i32
      %dma_start3A_406 = tpu.memref_slice %arg12[%rem3A_262, %dma_start3A_405] : memref<3x80xi32, #tpu.memory_space<vmem>> -> memref<1x80xi32, #tpu.memory_space<vmem>>
      %dma_start3A_407 = tpu.memref_squeeze %dma_start3A_406 : memref<1x80xi32, #tpu.memory_space<vmem>> -> memref<80xi32, #tpu.memory_space<vmem>>
      %dma_start3A_408 = tpu.memref_slice %arg6[%mul3A_394] : memref<320000xi32, #tpu.memory_space<hbm>> -> memref<80xi32, #tpu.memory_space<hbm>>
      %dma_start3A_409 = tpu.memref_slice %arg23[%rem3A_262] : memref<3x!tpu.dma_semaphore, #tpu.memory_space<semaphore_mem>> -> memref<1x!tpu.dma_semaphore, #tpu.memory_space<semaphore_mem>>
      %dma_start3A_410 = tpu.memref_squeeze %dma_start3A_409 : memref<1x!tpu.dma_semaphore, #tpu.memory_space<semaphore_mem>> -> memref<!tpu.dma_semaphore, #tpu.memory_space<semaphore_mem>>
      %dma_start3A_411 = arith.constant 0 : i32
      %dma_start3A_412 = tpu.memref_slice %arg12[%rem3A_262, %dma_start3A_411] : memref<3x80xi32, #tpu.memory_space<vmem>> -> memref<1x80xi32, #tpu.memory_space<vmem>>
      %dma_start3A_413 = tpu.memref_squeeze %dma_start3A_412 : memref<1x80xi32, #tpu.memory_space<vmem>> -> memref<80xi32, #tpu.memory_space<vmem>>
      %dma_start3A_414 = tpu.memref_slice %arg6[%mul3A_394] : memref<320000xi32, #tpu.memory_space<hbm>> -> memref<80xi32, #tpu.memory_space<hbm>>
      tpu.enqueue_dma source(%dma_start3A_414 : memref<80xi32, #tpu.memory_space<hbm>>) target(%dma_start3A_413 : memref<80xi32, #tpu.memory_space<vmem>>) target_semaphore(%dma_start3A_410 : memref<!tpu.dma_semaphore, #tpu.memory_space<semaphore_mem>>)
      %parallel_loop3A = arith.constant 0 : i32
      %parallel_loop3A_415 = arith.constant 80 : i32
      %parallel_loop3A_416 = arith.constant 1 : i32
      scf.for %parallel_loop3A_444 = %parallel_loop3A to %parallel_loop3A_415 step %parallel_loop3A_416  : i32 {
        %parallel_loop3A_445 = arith.index_cast %rem3A_253 : i32 to index
        %parallel_loop3A_446 = arith.index_cast %parallel_loop3A_444 : i32 to index
        %parallel_loop3A_447 = arith.constant 0 : index
        %parallel_loop3A_448 = tpu.vector_load %arg13[%parallel_loop3A_445, %parallel_loop3A_446, %parallel_loop3A_447] {strides = array<i32>} : memref<2x80x16xf32, #tpu.memory_space<vmem>>, vector<16xf32>,
        %parallel_loop3A_449 = arith.index_cast %rem3A_253 : i32 to index
        %parallel_loop3A_450 = arith.index_cast %parallel_loop3A_444 : i32 to index
        %parallel_loop3A_451 = arith.constant 0 : index
        %parallel_loop3A_452 = tpu.vector_load %arg14[%parallel_loop3A_449, %parallel_loop3A_450, %parallel_loop3A_451] {strides = array<i32>} : memref<2x80x16xf32, #tpu.memory_space<vmem>>, vector<16xf32>,
        %parallel_loop3A_453 = arith.addf %parallel_loop3A_448, %parallel_loop3A_452 : vector<16xf32>
        %parallel_loop3A_454 = arith.constant 2.000000e-01 : f32
        %parallel_loop3A_455 = vector.broadcast %parallel_loop3A_454 : f32 to vector<16xf32>
        %parallel_loop3A_456 = arith.mulf %parallel_loop3A_455, %parallel_loop3A_453 : vector<16xf32>
        %parallel_loop3A_457 = arith.maximumf %parallel_loop3A_453, %parallel_loop3A_456 : vector<16xf32>
        %parallel_loop3A_458 = math.exp %parallel_loop3A_457 : vector<16xf32>
        %parallel_loop3A_459 = arith.index_cast %rem3A_253 : i32 to index
        %parallel_loop3A_460 = arith.index_cast %parallel_loop3A_444 : i32 to index
        %parallel_loop3A_461 = arith.constant 0 : index
        %parallel_loop3A_462 = tpu.vector_load %arg15[%parallel_loop3A_459, %parallel_loop3A_460, %parallel_loop3A_461] {strides = array<i32>} : memref<2x80x16xf32, #tpu.memory_space<vmem>>, vector<16xf32>,
        tpu.vector_store %arg15[%parallel_loop3A_459, %parallel_loop3A_460, %parallel_loop3A_461], %parallel_loop3A_458 {strides = array<i32>} : memref<2x80x16xf32, #tpu.memory_space<vmem>>, vector<16xf32>,
        %parallel_loop3A_463 = arith.index_cast %rem3A_253 : i32 to index
        %parallel_loop3A_464 = arith.index_cast %parallel_loop3A_444 : i32 to index
        %parallel_loop3A_465 = arith.constant 0 : index
        %parallel_loop3A_466 = tpu.vector_load %arg16[%parallel_loop3A_463, %parallel_loop3A_464, %parallel_loop3A_465] {strides = array<i32>} : memref<2x80x128xbf16, #tpu.memory_space<vmem>>, vector<32xbf16>,
        %parallel_loop3A_467 = tpu.unpack_subelements %parallel_loop3A_466, 0 {pack_format = #tpu.pack_format<interleaved>} : vector<32xbf16> -> vector<16xf32>
        %parallel_loop3A_468 = tpu.unpack_subelements %parallel_loop3A_466, 1 {pack_format = #tpu.pack_format<interleaved>} : vector<32xbf16> -> vector<16xf32>
        %parallel_loop3A_469 = arith.mulf %parallel_loop3A_467, %parallel_loop3A_458 : vector<16xf32>
        %parallel_loop3A_470 = arith.index_cast %rem3A_253 : i32 to index
        %parallel_loop3A_471 = arith.index_cast %parallel_loop3A_444 : i32 to index
        %parallel_loop3A_472 = arith.constant 0 : index
        %parallel_loop3A_473 = tpu.vector_load %arg17[%parallel_loop3A_470, %parallel_loop3A_471, %parallel_loop3A_472] {strides = array<i32>} : memref<2x80x128xf32, #tpu.memory_space<vmem>>, vector<16xf32>,
        tpu.vector_store %arg17[%parallel_loop3A_470, %parallel_loop3A_471, %parallel_loop3A_472], %parallel_loop3A_469 {strides = array<i32>} : memref<2x80x128xf32, #tpu.memory_space<vmem>>, vector<16xf32>,
        %parallel_loop3A_474 = arith.mulf %parallel_loop3A_468, %parallel_loop3A_458 : vector<16xf32>
        %parallel_loop3A_475 = arith.index_cast %rem3A_253 : i32 to index
        %parallel_loop3A_476 = arith.index_cast %parallel_loop3A_444 : i32 to index
        %parallel_loop3A_477 = arith.constant 16 : index
        %parallel_loop3A_478 = tpu.vector_load %arg17[%parallel_loop3A_475, %parallel_loop3A_476, %parallel_loop3A_477] {strides = array<i32>} : memref<2x80x128xf32, #tpu.memory_space<vmem>>, vector<16xf32>,
        tpu.vector_store %arg17[%parallel_loop3A_475, %parallel_loop3A_476, %parallel_loop3A_477], %parallel_loop3A_474 {strides = array<i32>} : memref<2x80x128xf32, #tpu.memory_space<vmem>>, vector<16xf32>,
        %parallel_loop3A_479 = arith.index_cast %rem3A_253 : i32 to index
        %parallel_loop3A_480 = arith.index_cast %parallel_loop3A_444 : i32 to index
        %parallel_loop3A_481 = arith.constant 32 : index
        %parallel_loop3A_482 = tpu.vector_load %arg16[%parallel_loop3A_479, %parallel_loop3A_480, %parallel_loop3A_481] {strides = array<i32>} : memref<2x80x128xbf16, #tpu.memory_space<vmem>>, vector<32xbf16>,
        %parallel_loop3A_483 = tpu.unpack_subelements %parallel_loop3A_482, 0 {pack_format = #tpu.pack_format<interleaved>} : vector<32xbf16> -> vector<16xf32>
        %parallel_loop3A_484 = tpu.unpack_subelements %parallel_loop3A_482, 1 {pack_format = #tpu.pack_format<interleaved>} : vector<32xbf16> -> vector<16xf32>
        %parallel_loop3A_485 = arith.mulf %parallel_loop3A_483, %parallel_loop3A_458 : vector<16xf32>
        %parallel_loop3A_486 = arith.index_cast %rem3A_253 : i32 to index
        %parallel_loop3A_487 = arith.index_cast %parallel_loop3A_444 : i32 to index
        %parallel_loop3A_488 = arith.constant 32 : index
        %parallel_loop3A_489 = tpu.vector_load %arg17[%parallel_loop3A_486, %parallel_loop3A_487, %parallel_loop3A_488] {strides = array<i32>} : memref<2x80x128xf32, #tpu.memory_space<vmem>>, vector<16xf32>,
        tpu.vector_store %arg17[%parallel_loop3A_486, %parallel_loop3A_487, %parallel_loop3A_488], %parallel_loop3A_485 {strides = array<i32>} : memref<2x80x128xf32, #tpu.memory_space<vmem>>, vector<16xf32>,
        %parallel_loop3A_490 = arith.mulf %parallel_loop3A_484, %parallel_loop3A_458 : vector<16xf32>
        %parallel_loop3A_491 = arith.index_cast %rem3A_253 : i32 to index
        %parallel_loop3A_492 = arith.index_cast %parallel_loop3A_444 : i32 to index
        %parallel_loop3A_493 = arith.constant 48 : index
        %parallel_loop3A_494 = tpu.vector_load %arg17[%parallel_loop3A_491, %parallel_loop3A_492, %parallel_loop3A_493] {strides = array<i32>} : memref<2x80x128xf32, #tpu.memory_space<vmem>>, vector<16xf32>,
        tpu.vector_store %arg17[%parallel_loop3A_491, %parallel_loop3A_492, %parallel_loop3A_493], %parallel_loop3A_490 {strides = array<i32>} : memref<2x80x128xf32, #tpu.memory_space<vmem>>, vector<16xf32>,
        %parallel_loop3A_495 = arith.index_cast %rem3A_253 : i32 to index
        %parallel_loop3A_496 = arith.index_cast %parallel_loop3A_444 : i32 to index
        %parallel_loop3A_497 = arith.constant 64 : index
        %parallel_loop3A_498 = tpu.vector_load %arg16[%parallel_loop3A_495, %parallel_loop3A_496, %parallel_loop3A_497] {strides = array<i32>} : memref<2x80x128xbf16, #tpu.memory_space<vmem>>, vector<32xbf16>,
        %parallel_loop3A_499 = tpu.unpack_subelements %parallel_loop3A_498, 0 {pack_format = #tpu.pack_format<interleaved>} : vector<32xbf16> -> vector<16xf32>
        %parallel_loop3A_500 = tpu.unpack_subelements %parallel_loop3A_498, 1 {pack_format = #tpu.pack_format<interleaved>} : vector<32xbf16> -> vector<16xf32>
        %parallel_loop3A_501 = arith.mulf %parallel_loop3A_499, %parallel_loop3A_458 : vector<16xf32>
        %parallel_loop3A_502 = arith.index_cast %rem3A_253 : i32 to index
        %parallel_loop3A_503 = arith.index_cast %parallel_loop3A_444 : i32 to index
        %parallel_loop3A_504 = arith.constant 64 : index
        %parallel_loop3A_505 = tpu.vector_load %arg17[%parallel_loop3A_502, %parallel_loop3A_503, %parallel_loop3A_504] {strides = array<i32>} : memref<2x80x128xf32, #tpu.memory_space<vmem>>, vector<16xf32>,
        tpu.vector_store %arg17[%parallel_loop3A_502, %parallel_loop3A_503, %parallel_loop3A_504], %parallel_loop3A_501 {strides = array<i32>} : memref<2x80x128xf32, #tpu.memory_space<vmem>>, vector<16xf32>,
        %parallel_loop3A_506 = arith.mulf %parallel_loop3A_500, %parallel_loop3A_458 : vector<16xf32>
        %parallel_loop3A_507 = arith.index_cast %rem3A_253 : i32 to index
        %parallel_loop3A_508 = arith.index_cast %parallel_loop3A_444 : i32 to index
        %parallel_loop3A_509 = arith.constant 80 : index
        %parallel_loop3A_510 = tpu.vector_load %arg17[%parallel_loop3A_507, %parallel_loop3A_508, %parallel_loop3A_509] {strides = array<i32>} : memref<2x80x128xf32, #tpu.memory_space<vmem>>, vector<16xf32>,
        tpu.vector_store %arg17[%parallel_loop3A_507, %parallel_loop3A_508, %parallel_loop3A_509], %parallel_loop3A_506 {strides = array<i32>} : memref<2x80x128xf32, #tpu.memory_space<vmem>>, vector<16xf32>,
        %parallel_loop3A_511 = arith.index_cast %rem3A_253 : i32 to index
        %parallel_loop3A_512 = arith.index_cast %parallel_loop3A_444 : i32 to index
        %parallel_loop3A_513 = arith.constant 96 : index
        %parallel_loop3A_514 = tpu.vector_load %arg16[%parallel_loop3A_511, %parallel_loop3A_512, %parallel_loop3A_513] {strides = array<i32>} : memref<2x80x128xbf16, #tpu.memory_space<vmem>>, vector<32xbf16>,
        %parallel_loop3A_515 = tpu.unpack_subelements %parallel_loop3A_514, 0 {pack_format = #tpu.pack_format<interleaved>} : vector<32xbf16> -> vector<16xf32>
        %parallel_loop3A_516 = tpu.unpack_subelements %parallel_loop3A_514, 1 {pack_format = #tpu.pack_format<interleaved>} : vector<32xbf16> -> vector<16xf32>
        %parallel_loop3A_517 = arith.mulf %parallel_loop3A_515, %parallel_loop3A_458 : vector<16xf32>
        %parallel_loop3A_518 = arith.index_cast %rem3A_253 : i32 to index
        %parallel_loop3A_519 = arith.index_cast %parallel_loop3A_444 : i32 to index
        %parallel_loop3A_520 = arith.constant 96 : index
        %parallel_loop3A_521 = tpu.vector_load %arg17[%parallel_loop3A_518, %parallel_loop3A_519, %parallel_loop3A_520] {strides = array<i32>} : memref<2x80x128xf32, #tpu.memory_space<vmem>>, vector<16xf32>,
        tpu.vector_store %arg17[%parallel_loop3A_518, %parallel_loop3A_519, %parallel_loop3A_520], %parallel_loop3A_517 {strides = array<i32>} : memref<2x80x128xf32, #tpu.memory_space<vmem>>, vector<16xf32>,
        %parallel_loop3A_522 = arith.mulf %parallel_loop3A_516, %parallel_loop3A_458 : vector<16xf32>
        %parallel_loop3A_523 = arith.index_cast %rem3A_253 : i32 to index
        %parallel_loop3A_524 = arith.index_cast %parallel_loop3A_444 : i32 to index
        %parallel_loop3A_525 = arith.constant 112 : index
        %parallel_loop3A_526 = tpu.vector_load %arg17[%parallel_loop3A_523, %parallel_loop3A_524, %parallel_loop3A_525] {strides = array<i32>} : memref<2x80x128xf32, #tpu.memory_space<vmem>>, vector<16xf32>,
        tpu.vector_store %arg17[%parallel_loop3A_523, %parallel_loop3A_524, %parallel_loop3A_525], %parallel_loop3A_522 {strides = array<i32>} : memref<2x80x128xf32, #tpu.memory_space<vmem>>, vector<16xf32>,
      } {sc.loop_unroll_factor = 4 : i64, sc.parallel_access}
      %rem3A_417 = arith.constant 3 : i32
      %rem3A_418 = arith.remsi %scan3A_250, %rem3A_417 : i32
      %dma_start3A_419 = arith.constant 0 : i32
      %dma_start3A_420 = arith.constant 0 : i32
      %dma_start3A_421 = tpu.memref_slice %arg17[%rem3A_253, %dma_start3A_419, %dma_start3A_420] : memref<2x80x128xf32, #tpu.memory_space<vmem>> -> memref<1x80x128xf32, #tpu.memory_space<vmem>>
      %dma_start3A_422 = tpu.memref_squeeze %dma_start3A_421 : memref<1x80x128xf32, #tpu.memory_space<vmem>> -> memref<80x128xf32, #tpu.memory_space<vmem>>
      %dma_start3A_423 = arith.constant 0 : i32
      %dma_start3A_424 = tpu.memref_slice %arg12[%rem3A_418, %dma_start3A_423] : memref<3x80xi32, #tpu.memory_space<vmem>> -> memref<1x80xi32, #tpu.memory_space<vmem>>
      %dma_start3A_425 = tpu.memref_squeeze %dma_start3A_424 : memref<1x80xi32, #tpu.memory_space<vmem>> -> memref<80xi32, #tpu.memory_space<vmem>>
      %dma_start3A_426 = arith.constant 0 : i32
      %dma_start3A_427 = arith.constant 0 : i32
      %dma_start3A_428 = tpu.memref_slice %arg9[%dma_start3A_426, %dma_start3A_427] : memref<10000x128xf32, #tpu.memory_space<vmem_shared>> -> memref<10000x128xf32, #tpu.memory_space<vmem_shared>>
      %dma_start3A_429 = tpu.memref_slice %arg21[%rem3A_253] : memref<2x!tpu.dma_semaphore, #tpu.memory_space<semaphore_mem>> -> memref<1x!tpu.dma_semaphore, #tpu.memory_space<semaphore_mem>>
      %dma_start3A_430 = tpu.memref_squeeze %dma_start3A_429 : memref<1x!tpu.dma_semaphore, #tpu.memory_space<semaphore_mem>> -> memref<!tpu.dma_semaphore, #tpu.memory_space<semaphore_mem>>
      tpu.enqueue_indirect_dma source(%dma_start3A_422 : memref<80x128xf32, #tpu.memory_space<vmem>>) target(%dma_start3A_428 : memref<10000x128xf32, #tpu.memory_space<vmem_shared>>) offsets(%dma_start3A_425 : memref<80xi32, #tpu.memory_space<vmem>>) semaphore(%dma_start3A_430 : memref<!tpu.dma_semaphore, #tpu.memory_space<semaphore_mem>>) {add = true}
      %dma_start3A_431 = arith.constant 0 : i32
      %dma_start3A_432 = arith.constant 0 : i32
      %dma_start3A_433 = tpu.memref_slice %arg15[%rem3A_253, %dma_start3A_431, %dma_start3A_432] : memref<2x80x16xf32, #tpu.memory_space<vmem>> -> memref<1x80x16xf32, #tpu.memory_space<vmem>>
      %dma_start3A_434 = tpu.memref_squeeze %dma_start3A_433 : memref<1x80x16xf32, #tpu.memory_space<vmem>> -> memref<80x16xf32, #tpu.memory_space<vmem>>
      %dma_start3A_435 = arith.constant 0 : i32
      %dma_start3A_436 = tpu.memref_slice %arg12[%rem3A_418, %dma_start3A_435] : memref<3x80xi32, #tpu.memory_space<vmem>> -> memref<1x80xi32, #tpu.memory_space<vmem>>
      %dma_start3A_437 = tpu.memref_squeeze %dma_start3A_436 : memref<1x80xi32, #tpu.memory_space<vmem>> -> memref<80xi32, #tpu.memory_space<vmem>>
      %dma_start3A_438 = arith.constant 0 : i32
      %dma_start3A_439 = arith.constant 0 : i32
      %dma_start3A_440 = tpu.memref_slice %arg10[%dma_start3A_438, %dma_start3A_439] : memref<10000x16xf32, #tpu.memory_space<vmem_shared>> -> memref<10000x16xf32, #tpu.memory_space<vmem_shared>>
      %dma_start3A_441 = tpu.memref_slice %arg21[%rem3A_253] : memref<2x!tpu.dma_semaphore, #tpu.memory_space<semaphore_mem>> -> memref<1x!tpu.dma_semaphore, #tpu.memory_space<semaphore_mem>>
      %dma_start3A_442 = tpu.memref_squeeze %dma_start3A_441 : memref<1x!tpu.dma_semaphore, #tpu.memory_space<semaphore_mem>> -> memref<!tpu.dma_semaphore, #tpu.memory_space<semaphore_mem>>
      tpu.enqueue_indirect_dma source(%dma_start3A_434 : memref<80x16xf32, #tpu.memory_space<vmem>>) target(%dma_start3A_440 : memref<10000x16xf32, #tpu.memory_space<vmem_shared>>) offsets(%dma_start3A_437 : memref<80xi32, #tpu.memory_space<vmem>>) semaphore(%dma_start3A_442 : memref<!tpu.dma_semaphore, #tpu.memory_space<semaphore_mem>>) {add = true}
      %scan3A_443 = arith.constant 0 : i32
      scf.yield %scan3A_443 : i32
    }
    %scan3A_140 = arith.constant 125 : i32
    %rem3A = arith.constant 124 : i32
    %rem3A_141 = arith.constant 2 : i32
    %rem3A_142 = arith.remsi %rem3A, %rem3A_141 : i32
    %dma_wait3A = arith.constant 0 : i32
    %dma_wait3A_143 = arith.constant 0 : i32
    %dma_wait3A_144 = arith.constant 0 : i32
    %dma_wait3A_145 = tpu.memref_slice %arg17[%rem3A_142, %dma_wait3A_143, %dma_wait3A_144] : memref<2x80x128xf32, #tpu.memory_space<vmem>> -> memref<1x80x128xf32, #tpu.memory_space<vmem>>
    %dma_wait3A_146 = tpu.memref_squeeze %dma_wait3A_145 : memref<1x80x128xf32, #tpu.memory_space<vmem>> -> memref<80x128xf32, #tpu.memory_space<vmem>>
    %dma_wait3A_147 = arith.constant 0 : i32
    %dma_wait3A_148 = tpu.memref_slice %arg12[%dma_wait3A, %dma_wait3A_147] : memref<3x80xi32, #tpu.memory_space<vmem>> -> memref<1x80xi32, #tpu.memory_space<vmem>>
    %dma_wait3A_149 = tpu.memref_squeeze %dma_wait3A_148 : memref<1x80xi32, #tpu.memory_space<vmem>> -> memref<80xi32, #tpu.memory_space<vmem>>
    %dma_wait3A_150 = arith.constant 0 : i32
    %dma_wait3A_151 = arith.constant 0 : i32
    %dma_wait3A_152 = tpu.memref_slice %arg9[%dma_wait3A_150, %dma_wait3A_151] : memref<10000x128xf32, #tpu.memory_space<vmem_shared>> -> memref<10000x128xf32, #tpu.memory_space<vmem_shared>>
    %dma_wait3A_153 = tpu.memref_slice %arg21[%rem3A_142] : memref<2x!tpu.dma_semaphore, #tpu.memory_space<semaphore_mem>> -> memref<1x!tpu.dma_semaphore, #tpu.memory_space<semaphore_mem>>
    %dma_wait3A_154 = tpu.memref_squeeze %dma_wait3A_153 : memref<1x!tpu.dma_semaphore, #tpu.memory_space<semaphore_mem>> -> memref<!tpu.dma_semaphore, #tpu.memory_space<semaphore_mem>>
    tpu.wait_indirect_dma semaphore(%dma_wait3A_154 : memref<!tpu.dma_semaphore, #tpu.memory_space<semaphore_mem>>) src(%dma_wait3A_146 : memref<80x128xf32, #tpu.memory_space<vmem>>) dst(%dma_wait3A_152 : memref<10000x128xf32, #tpu.memory_space<vmem_shared>>)
    %dma_wait3A_155 = arith.constant 0 : i32
    %dma_wait3A_156 = arith.constant 0 : i32
    %dma_wait3A_157 = arith.constant 0 : i32
    %dma_wait3A_158 = tpu.memref_slice %arg15[%rem3A_142, %dma_wait3A_156, %dma_wait3A_157] : memref<2x80x16xf32, #tpu.memory_space<vmem>> -> memref<1x80x16xf32, #tpu.memory_space<vmem>>
    %dma_wait3A_159 = tpu.memref_squeeze %dma_wait3A_158 : memref<1x80x16xf32, #tpu.memory_space<vmem>> -> memref<80x16xf32, #tpu.memory_space<vmem>>
    %dma_wait3A_160 = arith.constant 0 : i32
    %dma_wait3A_161 = tpu.memref_slice %arg12[%dma_wait3A_155, %dma_wait3A_160] : memref<3x80xi32, #tpu.memory_space<vmem>> -> memref<1x80xi32, #tpu.memory_space<vmem>>
    %dma_wait3A_162 = tpu.memref_squeeze %dma_wait3A_161 : memref<1x80xi32, #tpu.memory_space<vmem>> -> memref<80xi32, #tpu.memory_space<vmem>>
    %dma_wait3A_163 = arith.constant 0 : i32
    %dma_wait3A_164 = arith.constant 0 : i32
    %dma_wait3A_165 = tpu.memref_slice %arg10[%dma_wait3A_163, %dma_wait3A_164] : memref<10000x16xf32, #tpu.memory_space<vmem_shared>> -> memref<10000x16xf32, #tpu.memory_space<vmem_shared>>
    %dma_wait3A_166 = tpu.memref_slice %arg21[%rem3A_142] : memref<2x!tpu.dma_semaphore, #tpu.memory_space<semaphore_mem>> -> memref<1x!tpu.dma_semaphore, #tpu.memory_space<semaphore_mem>>
    %dma_wait3A_167 = tpu.memref_squeeze %dma_wait3A_166 : memref<1x!tpu.dma_semaphore, #tpu.memory_space<semaphore_mem>> -> memref<!tpu.dma_semaphore, #tpu.memory_space<semaphore_mem>>
    tpu.wait_indirect_dma semaphore(%dma_wait3A_167 : memref<!tpu.dma_semaphore, #tpu.memory_space<semaphore_mem>>) src(%dma_wait3A_159 : memref<80x16xf32, #tpu.memory_space<vmem>>) dst(%dma_wait3A_165 : memref<10000x16xf32, #tpu.memory_space<vmem_shared>>)
    %rem3A_168 = arith.constant 125 : i32
    %rem3A_169 = arith.constant 2 : i32
    %rem3A_170 = arith.remsi %rem3A_168, %rem3A_169 : i32
    %dma_wait3A_171 = arith.constant 0 : i32
    %dma_wait3A_172 = arith.constant 0 : i32
    %dma_wait3A_173 = arith.constant 0 : i32
    %dma_wait3A_174 = tpu.memref_slice %arg16[%rem3A_170, %dma_wait3A_172, %dma_wait3A_173] : memref<2x80x128xbf16, #tpu.memory_space<vmem>> -> memref<1x80x128xbf16, #tpu.memory_space<vmem>>
    %dma_wait3A_175 = tpu.memref_squeeze %dma_wait3A_174 : memref<1x80x128xbf16, #tpu.memory_space<vmem>> -> memref<80x128xbf16, #tpu.memory_space<vmem>>
    %dma_wait3A_176 = arith.constant 0 : i32
    %dma_wait3A_177 = tpu.memref_slice %arg11[%dma_wait3A_171, %dma_wait3A_176] : memref<3x80xi32, #tpu.memory_space<vmem>> -> memref<1x80xi32, #tpu.memory_space<vmem>>
    %dma_wait3A_178 = tpu.memref_squeeze %dma_wait3A_177 : memref<1x80xi32, #tpu.memory_space<vmem>> -> memref<80xi32, #tpu.memory_space<vmem>>
    %dma_wait3A_179 = arith.constant 0 : i32
    %dma_wait3A_180 = arith.constant 0 : i32
    %dma_wait3A_181 = tpu.memref_slice %arg2[%dma_wait3A_179, %dma_wait3A_180] : memref<10000x128xbf16, #tpu.memory_space<hbm>> -> memref<10000x128xbf16, #tpu.memory_space<hbm>>
    %dma_wait3A_182 = tpu.memref_slice %arg18[%rem3A_170] : memref<2x!tpu.dma_semaphore, #tpu.memory_space<semaphore_mem>> -> memref<1x!tpu.dma_semaphore, #tpu.memory_space<semaphore_mem>>
    %dma_wait3A_183 = tpu.memref_squeeze %dma_wait3A_182 : memref<1x!tpu.dma_semaphore, #tpu.memory_space<semaphore_mem>> -> memref<!tpu.dma_semaphore, #tpu.memory_space<semaphore_mem>>
    tpu.wait_indirect_dma semaphore(%dma_wait3A_183 : memref<!tpu.dma_semaphore, #tpu.memory_space<semaphore_mem>>) src(%dma_wait3A_181 : memref<10000x128xbf16, #tpu.memory_space<hbm>>) dst(%dma_wait3A_175 : memref<80x128xbf16, #tpu.memory_space<vmem>>)
    %dma_wait3A_184 = arith.constant 0 : i32
    %dma_wait3A_185 = arith.constant 0 : i32
    %dma_wait3A_186 = arith.constant 0 : i32
    %dma_wait3A_187 = tpu.memref_slice %arg13[%rem3A_170, %dma_wait3A_185, %dma_wait3A_186] : memref<2x80x16xf32, #tpu.memory_space<vmem>> -> memref<1x80x16xf32, #tpu.memory_space<vmem>>
    %dma_wait3A_188 = tpu.memref_squeeze %dma_wait3A_187 : memref<1x80x16xf32, #tpu.memory_space<vmem>> -> memref<80x16xf32, #tpu.memory_space<vmem>>
    %dma_wait3A_189 = arith.constant 0 : i32
    %dma_wait3A_190 = tpu.memref_slice %arg11[%dma_wait3A_184, %dma_wait3A_189] : memref<3x80xi32, #tpu.memory_space<vmem>> -> memref<1x80xi32, #tpu.memory_space<vmem>>
    %dma_wait3A_191 = tpu.memref_squeeze %dma_wait3A_190 : memref<1x80xi32, #tpu.memory_space<vmem>> -> memref<80xi32, #tpu.memory_space<vmem>>
    %dma_wait3A_192 = arith.constant 0 : i32
    %dma_wait3A_193 = arith.constant 0 : i32
    %dma_wait3A_194 = tpu.memref_slice %arg3[%dma_wait3A_192, %dma_wait3A_193] : memref<10000x16xf32, #tpu.memory_space<hbm>> -> memref<10000x16xf32, #tpu.memory_space<hbm>>
    %dma_wait3A_195 = tpu.memref_slice %arg19[%rem3A_170] : memref<2x!tpu.dma_semaphore, #tpu.memory_space<semaphore_mem>> -> memref<1x!tpu.dma_semaphore, #tpu.memory_space<semaphore_mem>>
    %dma_wait3A_196 = tpu.memref_squeeze %dma_wait3A_195 : memref<1x!tpu.dma_semaphore, #tpu.memory_space<semaphore_mem>> -> memref<!tpu.dma_semaphore, #tpu.memory_space<semaphore_mem>>
    tpu.wait_indirect_dma semaphore(%dma_wait3A_196 : memref<!tpu.dma_semaphore, #tpu.memory_space<semaphore_mem>>) src(%dma_wait3A_194 : memref<10000x16xf32, #tpu.memory_space<hbm>>) dst(%dma_wait3A_188 : memref<80x16xf32, #tpu.memory_space<vmem>>)
    %dma_wait3A_197 = arith.constant 0 : i32
    %dma_wait3A_198 = arith.constant 0 : i32
    %dma_wait3A_199 = arith.constant 0 : i32
    %dma_wait3A_200 = tpu.memref_slice %arg14[%rem3A_170, %dma_wait3A_198, %dma_wait3A_199] : memref<2x80x16xf32, #tpu.memory_space<vmem>> -> memref<1x80x16xf32, #tpu.memory_space<vmem>>
    %dma_wait3A_201 = tpu.memref_squeeze %dma_wait3A_200 : memref<1x80x16xf32, #tpu.memory_space<vmem>> -> memref<80x16xf32, #tpu.memory_space<vmem>>
    %dma_wait3A_202 = arith.constant 0 : i32
    %dma_wait3A_203 = tpu.memref_slice %arg12[%dma_wait3A_197, %dma_wait3A_202] : memref<3x80xi32, #tpu.memory_space<vmem>> -> memref<1x80xi32, #tpu.memory_space<vmem>>
    %dma_wait3A_204 = tpu.memref_squeeze %dma_wait3A_203 : memref<1x80xi32, #tpu.memory_space<vmem>> -> memref<80xi32, #tpu.memory_space<vmem>>
    %dma_wait3A_205 = arith.constant 0 : i32
    %dma_wait3A_206 = arith.constant 0 : i32
    %dma_wait3A_207 = tpu.memref_slice %arg4[%dma_wait3A_205, %dma_wait3A_206] : memref<10000x16xf32, #tpu.memory_space<hbm>> -> memref<10000x16xf32, #tpu.memory_space<hbm>>
    %dma_wait3A_208 = tpu.memref_slice %arg20[%rem3A_170] : memref<2x!tpu.dma_semaphore, #tpu.memory_space<semaphore_mem>> -> memref<1x!tpu.dma_semaphore, #tpu.memory_space<semaphore_mem>>
    %dma_wait3A_209 = tpu.memref_squeeze %dma_wait3A_208 : memref<1x!tpu.dma_semaphore, #tpu.memory_space<semaphore_mem>> -> memref<!tpu.dma_semaphore, #tpu.memory_space<semaphore_mem>>
    tpu.wait_indirect_dma semaphore(%dma_wait3A_209 : memref<!tpu.dma_semaphore, #tpu.memory_space<semaphore_mem>>) src(%dma_wait3A_207 : memref<10000x16xf32, #tpu.memory_space<hbm>>) dst(%dma_wait3A_201 : memref<80x16xf32, #tpu.memory_space<vmem>>)
    %rem3A_210 = arith.constant 126 : i32
    %rem3A_211 = arith.constant 3 : i32
    %rem3A_212 = arith.remsi %rem3A_210, %rem3A_211 : i32
    %dma_wait3A_213 = arith.constant 0 : i32
    %dma_wait3A_214 = tpu.memref_slice %arg11[%rem3A_212, %dma_wait3A_213] : memref<3x80xi32, #tpu.memory_space<vmem>> -> memref<1x80xi32, #tpu.memory_space<vmem>>
    %dma_wait3A_215 = tpu.memref_squeeze %dma_wait3A_214 : memref<1x80xi32, #tpu.memory_space<vmem>> -> memref<80xi32, #tpu.memory_space<vmem>>
    %dma_wait3A_216 = arith.constant 0 : i32
    %dma_wait3A_217 = tpu.memref_slice %arg5[%dma_wait3A_216] : memref<320000xi32, #tpu.memory_space<hbm>> -> memref<80xi32, #tpu.memory_space<hbm>>
    %dma_wait3A_218 = tpu.memref_slice %arg22[%rem3A_212] : memref<3x!tpu.dma_semaphore, #tpu.memory_space<semaphore_mem>> -> memref<1x!tpu.dma_semaphore, #tpu.memory_space<semaphore_mem>>
    %dma_wait3A_219 = tpu.memref_squeeze %dma_wait3A_218 : memref<1x!tpu.dma_semaphore, #tpu.memory_space<semaphore_mem>> -> memref<!tpu.dma_semaphore, #tpu.memory_space<semaphore_mem>>
    %dma_wait3A_220 = arith.constant 0 : i32
    %dma_wait3A_221 = tpu.memref_slice %arg11[%rem3A_212, %dma_wait3A_220] : memref<3x80xi32, #tpu.memory_space<vmem>> -> memref<1x80xi32, #tpu.memory_space<vmem>>
    %dma_wait3A_222 = tpu.memref_squeeze %dma_wait3A_221 : memref<1x80xi32, #tpu.memory_space<vmem>> -> memref<80xi32, #tpu.memory_space<vmem>>
    %dma_wait3A_223 = arith.constant 0 : i32
    %dma_wait3A_224 = tpu.memref_slice %arg5[%dma_wait3A_223] : memref<320000xi32, #tpu.memory_space<hbm>> -> memref<80xi32, #tpu.memory_space<hbm>>
    tpu.wait_dma2 semaphore(%dma_wait3A_219 : memref<!tpu.dma_semaphore, #tpu.memory_space<semaphore_mem>>) src(%dma_wait3A_224 : memref<80xi32, #tpu.memory_space<hbm>>) dst(%dma_wait3A_222 : memref<80xi32, #tpu.memory_space<vmem>>)
    %dma_wait3A_225 = arith.constant 0 : i32
    %dma_wait3A_226 = tpu.memref_slice %arg12[%rem3A_212, %dma_wait3A_225] : memref<3x80xi32, #tpu.memory_space<vmem>> -> memref<1x80xi32, #tpu.memory_space<vmem>>
    %dma_wait3A_227 = tpu.memref_squeeze %dma_wait3A_226 : memref<1x80xi32, #tpu.memory_space<vmem>> -> memref<80xi32, #tpu.memory_space<vmem>>
    %dma_wait3A_228 = arith.constant 0 : i32
    %dma_wait3A_229 = tpu.memref_slice %arg6[%dma_wait3A_228] : memref<320000xi32, #tpu.memory_space<hbm>> -> memref<80xi32, #tpu.memory_space<hbm>>
    %dma_wait3A_230 = tpu.memref_slice %arg23[%rem3A_212] : memref<3x!tpu.dma_semaphore, #tpu.memory_space<semaphore_mem>> -> memref<1x!tpu.dma_semaphore, #tpu.memory_space<semaphore_mem>>
    %dma_wait3A_231 = tpu.memref_squeeze %dma_wait3A_230 : memref<1x!tpu.dma_semaphore, #tpu.memory_space<semaphore_mem>> -> memref<!tpu.dma_semaphore, #tpu.memory_space<semaphore_mem>>
    %dma_wait3A_232 = arith.constant 0 : i32
    %dma_wait3A_233 = tpu.memref_slice %arg12[%rem3A_212, %dma_wait3A_232] : memref<3x80xi32, #tpu.memory_space<vmem>> -> memref<1x80xi32, #tpu.memory_space<vmem>>
    %dma_wait3A_234 = tpu.memref_squeeze %dma_wait3A_233 : memref<1x80xi32, #tpu.memory_space<vmem>> -> memref<80xi32, #tpu.memory_space<vmem>>
    %dma_wait3A_235 = arith.constant 0 : i32
    %dma_wait3A_236 = tpu.memref_slice %arg6[%dma_wait3A_235] : memref<320000xi32, #tpu.memory_space<hbm>> -> memref<80xi32, #tpu.memory_space<hbm>>
    tpu.wait_dma2 semaphore(%dma_wait3A_231 : memref<!tpu.dma_semaphore, #tpu.memory_space<semaphore_mem>>) src(%dma_wait3A_236 : memref<80xi32, #tpu.memory_space<hbm>>) dst(%dma_wait3A_234 : memref<80xi32, #tpu.memory_space<vmem>>)
    %barrier3A_237 = arith.constant 0 : index
    tpu.barrier barrier_id(%barrier3A_237)
    %while3A_238 = arith.constant 0 : i32
    %while3A_239 = arith.constant 0 : i32
    %while3A_240 = arith.subi %add3A_13, %while3A_238 : i32
    %while3A_241 = arith.addi %while3A_238, %while3A_240 : i32
    %while3A_242 = arith.constant 1 : i32
    %while3A_243 = arith.divsi %while3A_240, %while3A_242 : i32
    %while3A_244 = arith.muli %while3A_243, %while3A_242 : i32
    %while3A_245 = arith.addi %while3A_238, %while3A_244 : i32
    %while3A_246 = arith.constant 1 : i32
    %while3A_247 = scf.for %while3A_250 = %while3A_238 to %while3A_245 step %while3A_246 iter_args(%while3A_251 = %while3A_239) -> (i32)  : i32 {
      %add3A_252 = arith.addi %add3A_10, %while3A_250 : i32
      %mul3A_253 = arith.constant 80 : i32
      %mul3A_254 = arith.muli %add3A_252, %mul3A_253 : i32
      %run_scoped3A_255 = arith.constant 0 : i32
      "tpu.region"() ({
        %run_scoped3A_272 = tpu.sem_alloc : memref<!tpu.dma_semaphore, #tpu.memory_space<semaphore_mem>>
        %dma_start3A_273 = arith.constant 0 : i32
        %dma_start3A_274 = arith.constant 0 : i32
        %dma_start3A_275 = tpu.memref_slice %arg17[%run_scoped3A_255, %dma_start3A_273, %dma_start3A_274] : memref<2x80x128xf32, #tpu.memory_space<vmem>> -> memref<1x80x128xf32, #tpu.memory_space<vmem>>
        %dma_start3A_276 = tpu.memref_squeeze %dma_start3A_275 : memref<1x80x128xf32, #tpu.memory_space<vmem>> -> memref<80x128xf32, #tpu.memory_space<vmem>>
        %dma_start3A_277 = arith.constant 0 : i32
        %dma_start3A_278 = tpu.memref_slice %arg9[%mul3A_254, %dma_start3A_277] : memref<10000x128xf32, #tpu.memory_space<vmem_shared>> -> memref<80x128xf32, #tpu.memory_space<vmem_shared>>
        %dma_start3A_279 = arith.constant 0 : i32
        %dma_start3A_280 = arith.constant 0 : i32
        %dma_start3A_281 = tpu.memref_slice %arg17[%run_scoped3A_255, %dma_start3A_279, %dma_start3A_280] : memref<2x80x128xf32, #tpu.memory_space<vmem>> -> memref<1x80x128xf32, #tpu.memory_space<vmem>>
        %dma_start3A_282 = tpu.memref_squeeze %dma_start3A_281 : memref<1x80x128xf32, #tpu.memory_space<vmem>> -> memref<80x128xf32, #tpu.memory_space<vmem>>
        %dma_start3A_283 = arith.constant 0 : i32
        %dma_start3A_284 = tpu.memref_slice %arg9[%mul3A_254, %dma_start3A_283] : memref<10000x128xf32, #tpu.memory_space<vmem_shared>> -> memref<80x128xf32, #tpu.memory_space<vmem_shared>>
        tpu.enqueue_dma source(%dma_start3A_284 : memref<80x128xf32, #tpu.memory_space<vmem_shared>>) target(%dma_start3A_282 : memref<80x128xf32, #tpu.memory_space<vmem>>) target_semaphore(%run_scoped3A_272 : memref<!tpu.dma_semaphore, #tpu.memory_space<semaphore_mem>>)
        %dma_wait3A_285 = arith.constant 0 : i32
        %dma_wait3A_286 = arith.constant 0 : i32
        %dma_wait3A_287 = tpu.memref_slice %arg17[%run_scoped3A_255, %dma_wait3A_285, %dma_wait3A_286] : memref<2x80x128xf32, #tpu.memory_space<vmem>> -> memref<1x80x128xf32, #tpu.memory_space<vmem>>
        %dma_wait3A_288 = tpu.memref_squeeze %dma_wait3A_287 : memref<1x80x128xf32, #tpu.memory_space<vmem>> -> memref<80x128xf32, #tpu.memory_space<vmem>>
        %dma_wait3A_289 = arith.constant 0 : i32
        %dma_wait3A_290 = tpu.memref_slice %arg9[%mul3A_254, %dma_wait3A_289] : memref<10000x128xf32, #tpu.memory_space<vmem_shared>> -> memref<80x128xf32, #tpu.memory_space<vmem_shared>>
        %dma_wait3A_291 = arith.constant 0 : i32
        %dma_wait3A_292 = arith.constant 0 : i32
        %dma_wait3A_293 = tpu.memref_slice %arg17[%run_scoped3A_255, %dma_wait3A_291, %dma_wait3A_292] : memref<2x80x128xf32, #tpu.memory_space<vmem>> -> memref<1x80x128xf32, #tpu.memory_space<vmem>>
        %dma_wait3A_294 = tpu.memref_squeeze %dma_wait3A_293 : memref<1x80x128xf32, #tpu.memory_space<vmem>> -> memref<80x128xf32, #tpu.memory_space<vmem>>
        %dma_wait3A_295 = arith.constant 0 : i32
        %dma_wait3A_296 = tpu.memref_slice %arg9[%mul3A_254, %dma_wait3A_295] : memref<10000x128xf32, #tpu.memory_space<vmem_shared>> -> memref<80x128xf32, #tpu.memory_space<vmem_shared>>
        tpu.wait_dma2 semaphore(%run_scoped3A_272 : memref<!tpu.dma_semaphore, #tpu.memory_space<semaphore_mem>>) src(%dma_wait3A_296 : memref<80x128xf32, #tpu.memory_space<vmem_shared>>) dst(%dma_wait3A_294 : memref<80x128xf32, #tpu.memory_space<vmem>>)
        tpu.yield
      }) : () -> ()
      %mul3A_256 = arith.constant 10000 : i32
      %mul3A_257 = arith.muli %arg0, %mul3A_256 : i32
      %mul3A_258 = arith.constant 80 : i32
      %mul3A_259 = arith.muli %add3A_252, %mul3A_258 : i32
      %add3A_260 = arith.addi %mul3A_257, %mul3A_259 : i32
      %run_scoped3A_261 = arith.constant 0 : i32
      "tpu.region"() ({
        %run_scoped3A_272 = tpu.sem_alloc : memref<!tpu.dma_semaphore, #tpu.memory_space<semaphore_mem>>
        %dma_start3A_273 = arith.constant 0 : i32
        %dma_start3A_274 = arith.constant 0 : i32
        %dma_start3A_275 = tpu.memref_slice %arg17[%run_scoped3A_261, %dma_start3A_273, %dma_start3A_274] : memref<2x80x128xf32, #tpu.memory_space<vmem>> -> memref<1x80x128xf32, #tpu.memory_space<vmem>>
        %dma_start3A_276 = tpu.memref_squeeze %dma_start3A_275 : memref<1x80x128xf32, #tpu.memory_space<vmem>> -> memref<80x128xf32, #tpu.memory_space<vmem>>
        %dma_start3A_277 = arith.constant 0 : i32
        %dma_start3A_278 = tpu.memref_slice %arg7[%add3A_260, %dma_start3A_277] : memref<20000x128xf32, #tpu.memory_space<hbm>> -> memref<80x128xf32, #tpu.memory_space<hbm>>
        %dma_start3A_279 = arith.constant 0 : i32
        %dma_start3A_280 = tpu.memref_slice %arg7[%add3A_260, %dma_start3A_279] : memref<20000x128xf32, #tpu.memory_space<hbm>> -> memref<80x128xf32, #tpu.memory_space<hbm>>
        %dma_start3A_281 = arith.constant 0 : i32
        %dma_start3A_282 = arith.constant 0 : i32
        %dma_start3A_283 = tpu.memref_slice %arg17[%run_scoped3A_261, %dma_start3A_281, %dma_start3A_282] : memref<2x80x128xf32, #tpu.memory_space<vmem>> -> memref<1x80x128xf32, #tpu.memory_space<vmem>>
        %dma_start3A_284 = tpu.memref_squeeze %dma_start3A_283 : memref<1x80x128xf32, #tpu.memory_space<vmem>> -> memref<80x128xf32, #tpu.memory_space<vmem>>
        tpu.enqueue_dma source(%dma_start3A_284 : memref<80x128xf32, #tpu.memory_space<vmem>>) target(%dma_start3A_280 : memref<80x128xf32, #tpu.memory_space<hbm>>) target_semaphore(%run_scoped3A_272 : memref<!tpu.dma_semaphore, #tpu.memory_space<semaphore_mem>>)
        %dma_wait3A_285 = arith.constant 0 : i32
        %dma_wait3A_286 = arith.constant 0 : i32
        %dma_wait3A_287 = tpu.memref_slice %arg17[%run_scoped3A_261, %dma_wait3A_285, %dma_wait3A_286] : memref<2x80x128xf32, #tpu.memory_space<vmem>> -> memref<1x80x128xf32, #tpu.memory_space<vmem>>
        %dma_wait3A_288 = tpu.memref_squeeze %dma_wait3A_287 : memref<1x80x128xf32, #tpu.memory_space<vmem>> -> memref<80x128xf32, #tpu.memory_space<vmem>>
        %dma_wait3A_289 = arith.constant 0 : i32
        %dma_wait3A_290 = tpu.memref_slice %arg7[%add3A_260, %dma_wait3A_289] : memref<20000x128xf32, #tpu.memory_space<hbm>> -> memref<80x128xf32, #tpu.memory_space<hbm>>
        %dma_wait3A_291 = arith.constant 0 : i32
        %dma_wait3A_292 = tpu.memref_slice %arg7[%add3A_260, %dma_wait3A_291] : memref<20000x128xf32, #tpu.memory_space<hbm>> -> memref<80x128xf32, #tpu.memory_space<hbm>>
        %dma_wait3A_293 = arith.constant 0 : i32
        %dma_wait3A_294 = arith.constant 0 : i32
        %dma_wait3A_295 = tpu.memref_slice %arg17[%run_scoped3A_261, %dma_wait3A_293, %dma_wait3A_294] : memref<2x80x128xf32, #tpu.memory_space<vmem>> -> memref<1x80x128xf32, #tpu.memory_space<vmem>>
        %dma_wait3A_296 = tpu.memref_squeeze %dma_wait3A_295 : memref<1x80x128xf32, #tpu.memory_space<vmem>> -> memref<80x128xf32, #tpu.memory_space<vmem>>
        tpu.wait_dma2 semaphore(%run_scoped3A_272 : memref<!tpu.dma_semaphore, #tpu.memory_space<semaphore_mem>>) src(%dma_wait3A_296 : memref<80x128xf32, #tpu.memory_space<vmem>>) dst(%dma_wait3A_292 : memref<80x128xf32, #tpu.memory_space<hbm>>)
        tpu.yield
      }) : () -> ()
      %mul3A_262 = arith.constant 80 : i32
      %mul3A_263 = arith.muli %add3A_252, %mul3A_262 : i32
      %run_scoped3A_264 = arith.constant 0 : i32
      "tpu.region"() ({
        %run_scoped3A_272 = tpu.sem_alloc : memref<!tpu.dma_semaphore, #tpu.memory_space<semaphore_mem>>
        %dma_start3A_273 = arith.constant 0 : i32
        %dma_start3A_274 = arith.constant 0 : i32
        %dma_start3A_275 = tpu.memref_slice %arg15[%run_scoped3A_264, %dma_start3A_273, %dma_start3A_274] : memref<2x80x16xf32, #tpu.memory_space<vmem>> -> memref<1x80x16xf32, #tpu.memory_space<vmem>>
        %dma_start3A_276 = tpu.memref_squeeze %dma_start3A_275 : memref<1x80x16xf32, #tpu.memory_space<vmem>> -> memref<80x16xf32, #tpu.memory_space<vmem>>
        %dma_start3A_277 = arith.constant 0 : i32
        %dma_start3A_278 = tpu.memref_slice %arg10[%mul3A_263, %dma_start3A_277] : memref<10000x16xf32, #tpu.memory_space<vmem_shared>> -> memref<80x16xf32, #tpu.memory_space<vmem_shared>>
        %dma_start3A_279 = arith.constant 0 : i32
        %dma_start3A_280 = arith.constant 0 : i32
        %dma_start3A_281 = tpu.memref_slice %arg15[%run_scoped3A_264, %dma_start3A_279, %dma_start3A_280] : memref<2x80x16xf32, #tpu.memory_space<vmem>> -> memref<1x80x16xf32, #tpu.memory_space<vmem>>
        %dma_start3A_282 = tpu.memref_squeeze %dma_start3A_281 : memref<1x80x16xf32, #tpu.memory_space<vmem>> -> memref<80x16xf32, #tpu.memory_space<vmem>>
        %dma_start3A_283 = arith.constant 0 : i32
        %dma_start3A_284 = tpu.memref_slice %arg10[%mul3A_263, %dma_start3A_283] : memref<10000x16xf32, #tpu.memory_space<vmem_shared>> -> memref<80x16xf32, #tpu.memory_space<vmem_shared>>
        tpu.enqueue_dma source(%dma_start3A_284 : memref<80x16xf32, #tpu.memory_space<vmem_shared>>) target(%dma_start3A_282 : memref<80x16xf32, #tpu.memory_space<vmem>>) target_semaphore(%run_scoped3A_272 : memref<!tpu.dma_semaphore, #tpu.memory_space<semaphore_mem>>)
        %dma_wait3A_285 = arith.constant 0 : i32
        %dma_wait3A_286 = arith.constant 0 : i32
        %dma_wait3A_287 = tpu.memref_slice %arg15[%run_scoped3A_264, %dma_wait3A_285, %dma_wait3A_286] : memref<2x80x16xf32, #tpu.memory_space<vmem>> -> memref<1x80x16xf32, #tpu.memory_space<vmem>>
        %dma_wait3A_288 = tpu.memref_squeeze %dma_wait3A_287 : memref<1x80x16xf32, #tpu.memory_space<vmem>> -> memref<80x16xf32, #tpu.memory_space<vmem>>
        %dma_wait3A_289 = arith.constant 0 : i32
        %dma_wait3A_290 = tpu.memref_slice %arg10[%mul3A_263, %dma_wait3A_289] : memref<10000x16xf32, #tpu.memory_space<vmem_shared>> -> memref<80x16xf32, #tpu.memory_space<vmem_shared>>
        %dma_wait3A_291 = arith.constant 0 : i32
        %dma_wait3A_292 = arith.constant 0 : i32
        %dma_wait3A_293 = tpu.memref_slice %arg15[%run_scoped3A_264, %dma_wait3A_291, %dma_wait3A_292] : memref<2x80x16xf32, #tpu.memory_space<vmem>> -> memref<1x80x16xf32, #tpu.memory_space<vmem>>
        %dma_wait3A_294 = tpu.memref_squeeze %dma_wait3A_293 : memref<1x80x16xf32, #tpu.memory_space<vmem>> -> memref<80x16xf32, #tpu.memory_space<vmem>>
        %dma_wait3A_295 = arith.constant 0 : i32
        %dma_wait3A_296 = tpu.memref_slice %arg10[%mul3A_263, %dma_wait3A_295] : memref<10000x16xf32, #tpu.memory_space<vmem_shared>> -> memref<80x16xf32, #tpu.memory_space<vmem_shared>>
        tpu.wait_dma2 semaphore(%run_scoped3A_272 : memref<!tpu.dma_semaphore, #tpu.memory_space<semaphore_mem>>) src(%dma_wait3A_296 : memref<80x16xf32, #tpu.memory_space<vmem_shared>>) dst(%dma_wait3A_294 : memref<80x16xf32, #tpu.memory_space<vmem>>)
        tpu.yield
      }) : () -> ()
      %mul3A_265 = arith.constant 10000 : i32
      %mul3A_266 = arith.muli %arg0, %mul3A_265 : i32
      %mul3A_267 = arith.constant 80 : i32
      %mul3A_268 = arith.muli %add3A_252, %mul3A_267 : i32
      %add3A_269 = arith.addi %mul3A_266, %mul3A_268 : i32
      %run_scoped3A_270 = arith.constant 0 : i32
      "tpu.region"() ({
        %run_scoped3A_272 = tpu.sem_alloc : memref<!tpu.dma_semaphore, #tpu.memory_space<semaphore_mem>>
        %dma_start3A_273 = arith.constant 0 : i32
        %dma_start3A_274 = arith.constant 0 : i32
        %dma_start3A_275 = tpu.memref_slice %arg15[%run_scoped3A_270, %dma_start3A_273, %dma_start3A_274] : memref<2x80x16xf32, #tpu.memory_space<vmem>> -> memref<1x80x16xf32, #tpu.memory_space<vmem>>
        %dma_start3A_276 = tpu.memref_squeeze %dma_start3A_275 : memref<1x80x16xf32, #tpu.memory_space<vmem>> -> memref<80x16xf32, #tpu.memory_space<vmem>>
        %dma_start3A_277 = arith.constant 0 : i32
        %dma_start3A_278 = tpu.memref_slice %arg8[%add3A_269, %dma_start3A_277] : memref<20000x16xf32, #tpu.memory_space<hbm>> -> memref<80x16xf32, #tpu.memory_space<hbm>>
        %dma_start3A_279 = arith.constant 0 : i32
        %dma_start3A_280 = tpu.memref_slice %arg8[%add3A_269, %dma_start3A_279] : memref<20000x16xf32, #tpu.memory_space<hbm>> -> memref<80x16xf32, #tpu.memory_space<hbm>>
        %dma_start3A_281 = arith.constant 0 : i32
        %dma_start3A_282 = arith.constant 0 : i32
        %dma_start3A_283 = tpu.memref_slice %arg15[%run_scoped3A_270, %dma_start3A_281, %dma_start3A_282] : memref<2x80x16xf32, #tpu.memory_space<vmem>> -> memref<1x80x16xf32, #tpu.memory_space<vmem>>
        %dma_start3A_284 = tpu.memref_squeeze %dma_start3A_283 : memref<1x80x16xf32, #tpu.memory_space<vmem>> -> memref<80x16xf32, #tpu.memory_space<vmem>>
        tpu.enqueue_dma source(%dma_start3A_284 : memref<80x16xf32, #tpu.memory_space<vmem>>) target(%dma_start3A_280 : memref<80x16xf32, #tpu.memory_space<hbm>>) target_semaphore(%run_scoped3A_272 : memref<!tpu.dma_semaphore, #tpu.memory_space<semaphore_mem>>)
        %dma_wait3A_285 = arith.constant 0 : i32
        %dma_wait3A_286 = arith.constant 0 : i32
        %dma_wait3A_287 = tpu.memref_slice %arg15[%run_scoped3A_270, %dma_wait3A_285, %dma_wait3A_286] : memref<2x80x16xf32, #tpu.memory_space<vmem>> -> memref<1x80x16xf32, #tpu.memory_space<vmem>>
        %dma_wait3A_288 = tpu.memref_squeeze %dma_wait3A_287 : memref<1x80x16xf32, #tpu.memory_space<vmem>> -> memref<80x16xf32, #tpu.memory_space<vmem>>
        %dma_wait3A_289 = arith.constant 0 : i32
        %dma_wait3A_290 = tpu.memref_slice %arg8[%add3A_269, %dma_wait3A_289] : memref<20000x16xf32, #tpu.memory_space<hbm>> -> memref<80x16xf32, #tpu.memory_space<hbm>>
        %dma_wait3A_291 = arith.constant 0 : i32
        %dma_wait3A_292 = tpu.memref_slice %arg8[%add3A_269, %dma_wait3A_291] : memref<20000x16xf32, #tpu.memory_space<hbm>> -> memref<80x16xf32, #tpu.memory_space<hbm>>
        %dma_wait3A_293 = arith.constant 0 : i32
        %dma_wait3A_294 = arith.constant 0 : i32
        %dma_wait3A_295 = tpu.memref_slice %arg15[%run_scoped3A_270, %dma_wait3A_293, %dma_wait3A_294] : memref<2x80x16xf32, #tpu.memory_space<vmem>> -> memref<1x80x16xf32, #tpu.memory_space<vmem>>
        %dma_wait3A_296 = tpu.memref_squeeze %dma_wait3A_295 : memref<1x80x16xf32, #tpu.memory_space<vmem>> -> memref<80x16xf32, #tpu.memory_space<vmem>>
        tpu.wait_dma2 semaphore(%run_scoped3A_272 : memref<!tpu.dma_semaphore, #tpu.memory_space<semaphore_mem>>) src(%dma_wait3A_296 : memref<80x16xf32, #tpu.memory_space<vmem>>) dst(%dma_wait3A_292 : memref<80x16xf32, #tpu.memory_space<hbm>>)
        tpu.yield
      }) : () -> ()
      %while3A_271 = arith.constant 0 : i32
      scf.yield %while3A_271 : i32
    }
    %while3A_248 = arith.constant 1 : i32
    %while3A_249 = scf.for %while3A_250 = %while3A_245 to %while3A_241 step %while3A_248 iter_args(%while3A_251 = %while3A_247) -> (i32)  : i32 {
      %add3A_252 = arith.addi %add3A_10, %while3A_250 : i32
      %mul3A_253 = arith.constant 80 : i32
      %mul3A_254 = arith.muli %add3A_252, %mul3A_253 : i32
      %run_scoped3A_255 = arith.constant 0 : i32
      "tpu.region"() ({
        %run_scoped3A_272 = tpu.sem_alloc : memref<!tpu.dma_semaphore, #tpu.memory_space<semaphore_mem>>
        %dma_start3A_273 = arith.constant 0 : i32
        %dma_start3A_274 = arith.constant 0 : i32
        %dma_start3A_275 = tpu.memref_slice %arg17[%run_scoped3A_255, %dma_start3A_273, %dma_start3A_274] : memref<2x80x128xf32, #tpu.memory_space<vmem>> -> memref<1x80x128xf32, #tpu.memory_space<vmem>>
        %dma_start3A_276 = tpu.memref_squeeze %dma_start3A_275 : memref<1x80x128xf32, #tpu.memory_space<vmem>> -> memref<80x128xf32, #tpu.memory_space<vmem>>
        %dma_start3A_277 = arith.constant 0 : i32
        %dma_start3A_278 = tpu.memref_slice %arg9[%mul3A_254, %dma_start3A_277] : memref<10000x128xf32, #tpu.memory_space<vmem_shared>> -> memref<80x128xf32, #tpu.memory_space<vmem_shared>>
        %dma_start3A_279 = arith.constant 0 : i32
        %dma_start3A_280 = arith.constant 0 : i32
        %dma_start3A_281 = tpu.memref_slice %arg17[%run_scoped3A_255, %dma_start3A_279, %dma_start3A_280] : memref<2x80x128xf32, #tpu.memory_space<vmem>> -> memref<1x80x128xf32, #tpu.memory_space<vmem>>
        %dma_start3A_282 = tpu.memref_squeeze %dma_start3A_281 : memref<1x80x128xf32, #tpu.memory_space<vmem>> -> memref<80x128xf32, #tpu.memory_space<vmem>>
        %dma_start3A_283 = arith.constant 0 : i32
        %dma_start3A_284 = tpu.memref_slice %arg9[%mul3A_254, %dma_start3A_283] : memref<10000x128xf32, #tpu.memory_space<vmem_shared>> -> memref<80x128xf32, #tpu.memory_space<vmem_shared>>
        tpu.enqueue_dma source(%dma_start3A_284 : memref<80x128xf32, #tpu.memory_space<vmem_shared>>) target(%dma_start3A_282 : memref<80x128xf32, #tpu.memory_space<vmem>>) target_semaphore(%run_scoped3A_272 : memref<!tpu.dma_semaphore, #tpu.memory_space<semaphore_mem>>)
        %dma_wait3A_285 = arith.constant 0 : i32
        %dma_wait3A_286 = arith.constant 0 : i32
        %dma_wait3A_287 = tpu.memref_slice %arg17[%run_scoped3A_255, %dma_wait3A_285, %dma_wait3A_286] : memref<2x80x128xf32, #tpu.memory_space<vmem>> -> memref<1x80x128xf32, #tpu.memory_space<vmem>>
        %dma_wait3A_288 = tpu.memref_squeeze %dma_wait3A_287 : memref<1x80x128xf32, #tpu.memory_space<vmem>> -> memref<80x128xf32, #tpu.memory_space<vmem>>
        %dma_wait3A_289 = arith.constant 0 : i32
        %dma_wait3A_290 = tpu.memref_slice %arg9[%mul3A_254, %dma_wait3A_289] : memref<10000x128xf32, #tpu.memory_space<vmem_shared>> -> memref<80x128xf32, #tpu.memory_space<vmem_shared>>
        %dma_wait3A_291 = arith.constant 0 : i32
        %dma_wait3A_292 = arith.constant 0 : i32
        %dma_wait3A_293 = tpu.memref_slice %arg17[%run_scoped3A_255, %dma_wait3A_291, %dma_wait3A_292] : memref<2x80x128xf32, #tpu.memory_space<vmem>> -> memref<1x80x128xf32, #tpu.memory_space<vmem>>
        %dma_wait3A_294 = tpu.memref_squeeze %dma_wait3A_293 : memref<1x80x128xf32, #tpu.memory_space<vmem>> -> memref<80x128xf32, #tpu.memory_space<vmem>>
        %dma_wait3A_295 = arith.constant 0 : i32
        %dma_wait3A_296 = tpu.memref_slice %arg9[%mul3A_254, %dma_wait3A_295] : memref<10000x128xf32, #tpu.memory_space<vmem_shared>> -> memref<80x128xf32, #tpu.memory_space<vmem_shared>>
        tpu.wait_dma2 semaphore(%run_scoped3A_272 : memref<!tpu.dma_semaphore, #tpu.memory_space<semaphore_mem>>) src(%dma_wait3A_296 : memref<80x128xf32, #tpu.memory_space<vmem_shared>>) dst(%dma_wait3A_294 : memref<80x128xf32, #tpu.memory_space<vmem>>)
        tpu.yield
      }) : () -> ()
      %mul3A_256 = arith.constant 10000 : i32
      %mul3A_257 = arith.muli %arg0, %mul3A_256 : i32
      %mul3A_258 = arith.constant 80 : i32
      %mul3A_259 = arith.muli %add3A_252, %mul3A_258 : i32
      %add3A_260 = arith.addi %mul3A_257, %mul3A_259 : i32
      %run_scoped3A_261 = arith.constant 0 : i32
      "tpu.region"() ({
        %run_scoped3A_272 = tpu.sem_alloc : memref<!tpu.dma_semaphore, #tpu.memory_space<semaphore_mem>>
        %dma_start3A_273 = arith.constant 0 : i32
        %dma_start3A_274 = arith.constant 0 : i32
        %dma_start3A_275 = tpu.memref_slice %arg17[%run_scoped3A_261, %dma_start3A_273, %dma_start3A_274] : memref<2x80x128xf32, #tpu.memory_space<vmem>> -> memref<1x80x128xf32, #tpu.memory_space<vmem>>
        %dma_start3A_276 = tpu.memref_squeeze %dma_start3A_275 : memref<1x80x128xf32, #tpu.memory_space<vmem>> -> memref<80x128xf32, #tpu.memory_space<vmem>>
        %dma_start3A_277 = arith.constant 0 : i32
        %dma_start3A_278 = tpu.memref_slice %arg7[%add3A_260, %dma_start3A_277] : memref<20000x128xf32, #tpu.memory_space<hbm>> -> memref<80x128xf32, #tpu.memory_space<hbm>>
        %dma_start3A_279 = arith.constant 0 : i32
        %dma_start3A_280 = tpu.memref_slice %arg7[%add3A_260, %dma_start3A_279] : memref<20000x128xf32, #tpu.memory_space<hbm>> -> memref<80x128xf32, #tpu.memory_space<hbm>>
        %dma_start3A_281 = arith.constant 0 : i32
        %dma_start3A_282 = arith.constant 0 : i32
        %dma_start3A_283 = tpu.memref_slice %arg17[%run_scoped3A_261, %dma_start3A_281, %dma_start3A_282] : memref<2x80x128xf32, #tpu.memory_space<vmem>> -> memref<1x80x128xf32, #tpu.memory_space<vmem>>
        %dma_start3A_284 = tpu.memref_squeeze %dma_start3A_283 : memref<1x80x128xf32, #tpu.memory_space<vmem>> -> memref<80x128xf32, #tpu.memory_space<vmem>>
        tpu.enqueue_dma source(%dma_start3A_284 : memref<80x128xf32, #tpu.memory_space<vmem>>) target(%dma_start3A_280 : memref<80x128xf32, #tpu.memory_space<hbm>>) target_semaphore(%run_scoped3A_272 : memref<!tpu.dma_semaphore, #tpu.memory_space<semaphore_mem>>)
        %dma_wait3A_285 = arith.constant 0 : i32
        %dma_wait3A_286 = arith.constant 0 : i32
        %dma_wait3A_287 = tpu.memref_slice %arg17[%run_scoped3A_261, %dma_wait3A_285, %dma_wait3A_286] : memref<2x80x128xf32, #tpu.memory_space<vmem>> -> memref<1x80x128xf32, #tpu.memory_space<vmem>>
        %dma_wait3A_288 = tpu.memref_squeeze %dma_wait3A_287 : memref<1x80x128xf32, #tpu.memory_space<vmem>> -> memref<80x128xf32, #tpu.memory_space<vmem>>
        %dma_wait3A_289 = arith.constant 0 : i32
        %dma_wait3A_290 = tpu.memref_slice %arg7[%add3A_260, %dma_wait3A_289] : memref<20000x128xf32, #tpu.memory_space<hbm>> -> memref<80x128xf32, #tpu.memory_space<hbm>>
        %dma_wait3A_291 = arith.constant 0 : i32
        %dma_wait3A_292 = tpu.memref_slice %arg7[%add3A_260, %dma_wait3A_291] : memref<20000x128xf32, #tpu.memory_space<hbm>> -> memref<80x128xf32, #tpu.memory_space<hbm>>
        %dma_wait3A_293 = arith.constant 0 : i32
        %dma_wait3A_294 = arith.constant 0 : i32
        %dma_wait3A_295 = tpu.memref_slice %arg17[%run_scoped3A_261, %dma_wait3A_293, %dma_wait3A_294] : memref<2x80x128xf32, #tpu.memory_space<vmem>> -> memref<1x80x128xf32, #tpu.memory_space<vmem>>
        %dma_wait3A_296 = tpu.memref_squeeze %dma_wait3A_295 : memref<1x80x128xf32, #tpu.memory_space<vmem>> -> memref<80x128xf32, #tpu.memory_space<vmem>>
        tpu.wait_dma2 semaphore(%run_scoped3A_272 : memref<!tpu.dma_semaphore, #tpu.memory_space<semaphore_mem>>) src(%dma_wait3A_296 : memref<80x128xf32, #tpu.memory_space<vmem>>) dst(%dma_wait3A_292 : memref<80x128xf32, #tpu.memory_space<hbm>>)
        tpu.yield
      }) : () -> ()
      %mul3A_262 = arith.constant 80 : i32
      %mul3A_263 = arith.muli %add3A_252, %mul3A_262 : i32
      %run_scoped3A_264 = arith.constant 0 : i32
      "tpu.region"() ({
        %run_scoped3A_272 = tpu.sem_alloc : memref<!tpu.dma_semaphore, #tpu.memory_space<semaphore_mem>>
        %dma_start3A_273 = arith.constant 0 : i32
        %dma_start3A_274 = arith.constant 0 : i32
        %dma_start3A_275 = tpu.memref_slice %arg15[%run_scoped3A_264, %dma_start3A_273, %dma_start3A_274] : memref<2x80x16xf32, #tpu.memory_space<vmem>> -> memref<1x80x16xf32, #tpu.memory_space<vmem>>
        %dma_start3A_276 = tpu.memref_squeeze %dma_start3A_275 : memref<1x80x16xf32, #tpu.memory_space<vmem>> -> memref<80x16xf32, #tpu.memory_space<vmem>>
        %dma_start3A_277 = arith.constant 0 : i32
        %dma_start3A_278 = tpu.memref_slice %arg10[%mul3A_263, %dma_start3A_277] : memref<10000x16xf32, #tpu.memory_space<vmem_shared>> -> memref<80x16xf32, #tpu.memory_space<vmem_shared>>
        %dma_start3A_279 = arith.constant 0 : i32
        %dma_start3A_280 = arith.constant 0 : i32
        %dma_start3A_281 = tpu.memref_slice %arg15[%run_scoped3A_264, %dma_start3A_279, %dma_start3A_280] : memref<2x80x16xf32, #tpu.memory_space<vmem>> -> memref<1x80x16xf32, #tpu.memory_space<vmem>>
        %dma_start3A_282 = tpu.memref_squeeze %dma_start3A_281 : memref<1x80x16xf32, #tpu.memory_space<vmem>> -> memref<80x16xf32, #tpu.memory_space<vmem>>
        %dma_start3A_283 = arith.constant 0 : i32
        %dma_start3A_284 = tpu.memref_slice %arg10[%mul3A_263, %dma_start3A_283] : memref<10000x16xf32, #tpu.memory_space<vmem_shared>> -> memref<80x16xf32, #tpu.memory_space<vmem_shared>>
        tpu.enqueue_dma source(%dma_start3A_284 : memref<80x16xf32, #tpu.memory_space<vmem_shared>>) target(%dma_start3A_282 : memref<80x16xf32, #tpu.memory_space<vmem>>) target_semaphore(%run_scoped3A_272 : memref<!tpu.dma_semaphore, #tpu.memory_space<semaphore_mem>>)
        %dma_wait3A_285 = arith.constant 0 : i32
        %dma_wait3A_286 = arith.constant 0 : i32
        %dma_wait3A_287 = tpu.memref_slice %arg15[%run_scoped3A_264, %dma_wait3A_285, %dma_wait3A_286] : memref<2x80x16xf32, #tpu.memory_space<vmem>> -> memref<1x80x16xf32, #tpu.memory_space<vmem>>
        %dma_wait3A_288 = tpu.memref_squeeze %dma_wait3A_287 : memref<1x80x16xf32, #tpu.memory_space<vmem>> -> memref<80x16xf32, #tpu.memory_space<vmem>>
        %dma_wait3A_289 = arith.constant 0 : i32
        %dma_wait3A_290 = tpu.memref_slice %arg10[%mul3A_263, %dma_wait3A_289] : memref<10000x16xf32, #tpu.memory_space<vmem_shared>> -> memref<80x16xf32, #tpu.memory_space<vmem_shared>>
        %dma_wait3A_291 = arith.constant 0 : i32
        %dma_wait3A_292 = arith.constant 0 : i32
        %dma_wait3A_293 = tpu.memref_slice %arg15[%run_scoped3A_264, %dma_wait3A_291, %dma_wait3A_292] : memref<2x80x16xf32, #tpu.memory_space<vmem>> -> memref<1x80x16xf32, #tpu.memory_space<vmem>>
        %dma_wait3A_294 = tpu.memref_squeeze %dma_wait3A_293 : memref<1x80x16xf32, #tpu.memory_space<vmem>> -> memref<80x16xf32, #tpu.memory_space<vmem>>
        %dma_wait3A_295 = arith.constant 0 : i32
        %dma_wait3A_296 = tpu.memref_slice %arg10[%mul3A_263, %dma_wait3A_295] : memref<10000x16xf32, #tpu.memory_space<vmem_shared>> -> memref<80x16xf32, #tpu.memory_space<vmem_shared>>
        tpu.wait_dma2 semaphore(%run_scoped3A_272 : memref<!tpu.dma_semaphore, #tpu.memory_space<semaphore_mem>>) src(%dma_wait3A_296 : memref<80x16xf32, #tpu.memory_space<vmem_shared>>) dst(%dma_wait3A_294 : memref<80x16xf32, #tpu.memory_space<vmem>>)
        tpu.yield
      }) : () -> ()
      %mul3A_265 = arith.constant 10000 : i32
      %mul3A_266 = arith.muli %arg0, %mul3A_265 : i32
      %mul3A_267 = arith.constant 80 : i32
      %mul3A_268 = arith.muli %add3A_252, %mul3A_267 : i32
      %add3A_269 = arith.addi %mul3A_266, %mul3A_268 : i32
      %run_scoped3A_270 = arith.constant 0 : i32
      "tpu.region"() ({
        %run_scoped3A_272 = tpu.sem_alloc : memref<!tpu.dma_semaphore, #tpu.memory_space<semaphore_mem>>
        %dma_start3A_273 = arith.constant 0 : i32
        %dma_start3A_274 = arith.constant 0 : i32
        %dma_start3A_275 = tpu.memref_slice %arg15[%run_scoped3A_270, %dma_start3A_273, %dma_start3A_274] : memref<2x80x16xf32, #tpu.memory_space<vmem>> -> memref<1x80x16xf32, #tpu.memory_space<vmem>>
        %dma_start3A_276 = tpu.memref_squeeze %dma_start3A_275 : memref<1x80x16xf32, #tpu.memory_space<vmem>> -> memref<80x16xf32, #tpu.memory_space<vmem>>
        %dma_start3A_277 = arith.constant 0 : i32
        %dma_start3A_278 = tpu.memref_slice %arg8[%add3A_269, %dma_start3A_277] : memref<20000x16xf32, #tpu.memory_space<hbm>> -> memref<80x16xf32, #tpu.memory_space<hbm>>
        %dma_start3A_279 = arith.constant 0 : i32
        %dma_start3A_280 = tpu.memref_slice %arg8[%add3A_269, %dma_start3A_279] : memref<20000x16xf32, #tpu.memory_space<hbm>> -> memref<80x16xf32, #tpu.memory_space<hbm>>
        %dma_start3A_281 = arith.constant 0 : i32
        %dma_start3A_282 = arith.constant 0 : i32
        %dma_start3A_283 = tpu.memref_slice %arg15[%run_scoped3A_270, %dma_start3A_281, %dma_start3A_282] : memref<2x80x16xf32, #tpu.memory_space<vmem>> -> memref<1x80x16xf32, #tpu.memory_space<vmem>>
        %dma_start3A_284 = tpu.memref_squeeze %dma_start3A_283 : memref<1x80x16xf32, #tpu.memory_space<vmem>> -> memref<80x16xf32, #tpu.memory_space<vmem>>
        tpu.enqueue_dma source(%dma_start3A_284 : memref<80x16xf32, #tpu.memory_space<vmem>>) target(%dma_start3A_280 : memref<80x16xf32, #tpu.memory_space<hbm>>) target_semaphore(%run_scoped3A_272 : memref<!tpu.dma_semaphore, #tpu.memory_space<semaphore_mem>>)
        %dma_wait3A_285 = arith.constant 0 : i32
        %dma_wait3A_286 = arith.constant 0 : i32
        %dma_wait3A_287 = tpu.memref_slice %arg15[%run_scoped3A_270, %dma_wait3A_285, %dma_wait3A_286] : memref<2x80x16xf32, #tpu.memory_space<vmem>> -> memref<1x80x16xf32, #tpu.memory_space<vmem>>
        %dma_wait3A_288 = tpu.memref_squeeze %dma_wait3A_287 : memref<1x80x16xf32, #tpu.memory_space<vmem>> -> memref<80x16xf32, #tpu.memory_space<vmem>>
        %dma_wait3A_289 = arith.constant 0 : i32
        %dma_wait3A_290 = tpu.memref_slice %arg8[%add3A_269, %dma_wait3A_289] : memref<20000x16xf32, #tpu.memory_space<hbm>> -> memref<80x16xf32, #tpu.memory_space<hbm>>
        %dma_wait3A_291 = arith.constant 0 : i32
        %dma_wait3A_292 = tpu.memref_slice %arg8[%add3A_269, %dma_wait3A_291] : memref<20000x16xf32, #tpu.memory_space<hbm>> -> memref<80x16xf32, #tpu.memory_space<hbm>>
        %dma_wait3A_293 = arith.constant 0 : i32
        %dma_wait3A_294 = arith.constant 0 : i32
        %dma_wait3A_295 = tpu.memref_slice %arg15[%run_scoped3A_270, %dma_wait3A_293, %dma_wait3A_294] : memref<2x80x16xf32, #tpu.memory_space<vmem>> -> memref<1x80x16xf32, #tpu.memory_space<vmem>>
        %dma_wait3A_296 = tpu.memref_squeeze %dma_wait3A_295 : memref<1x80x16xf32, #tpu.memory_space<vmem>> -> memref<80x16xf32, #tpu.memory_space<vmem>>
        tpu.wait_dma2 semaphore(%run_scoped3A_272 : memref<!tpu.dma_semaphore, #tpu.memory_space<semaphore_mem>>) src(%dma_wait3A_296 : memref<80x16xf32, #tpu.memory_space<vmem>>) dst(%dma_wait3A_292 : memref<80x16xf32, #tpu.memory_space<hbm>>)
        tpu.yield
      }) : () -> ()
      %while3A_271 = arith.constant 0 : i32
      scf.yield %while3A_271 : i32
    }
    return
  }
}

module attributes {stable_mosaic.version = 14 : i64} {
  func.func @_tf_body(%arg0: i32, %arg1: memref<1000x128xf32, #tpu.memory_space<vmem>>, %arg2: memref<128x128xf32, #tpu.memory_space<vmem>>, %arg3: memref<128x128xf32, #tpu.memory_space<vmem>>, %arg4: memref<128x16xf32, #tpu.memory_space<vmem>>, %arg5: memref<128x16xf32, #tpu.memory_space<vmem>>, %arg6: memref<1000x128xbf16, #tpu.memory_space<vmem>>, %arg7: memref<1000x128xf32, #tpu.memory_space<vmem>>, %arg8: memref<1000x16xf32, #tpu.memory_space<vmem>>, %arg9: memref<1000x16xf32, #tpu.memory_space<vmem>>) attributes {dimension_semantics = [#tpu.dimension_semantics<arbitrary>], iteration_bounds = array<i64: 10>, scalar_prefetch = 0 : i64, scratch_operands = 0 : i64, tpu.core_type = #tpu.core_type<tc>, window_params = [{transform_indices = @transform_0, window_bounds = array<i64: 1000, 128>}, {pipeline_mode = #tpu.pipeline_mode<synchronous>, transform_indices = @transform_1, window_bounds = array<i64: 128, 128>}, {pipeline_mode = #tpu.pipeline_mode<synchronous>, transform_indices = @transform_2, window_bounds = array<i64: 128, 128>}, {pipeline_mode = #tpu.pipeline_mode<synchronous>, transform_indices = @transform_3, window_bounds = array<i64: 128, 16>}, {pipeline_mode = #tpu.pipeline_mode<synchronous>, transform_indices = @transform_4, window_bounds = array<i64: 128, 16>}, {transform_indices = @transform_5, window_bounds = array<i64: 1000, 128>}, {transform_indices = @transform_6, window_bounds = array<i64: 1000, 128>}, {transform_indices = @transform_7, window_bounds = array<i64: 1000, 16>}, {transform_indices = @transform_8, window_bounds = array<i64: 1000, 16>}]} {
    %get3A = arith.constant 0 : index
    %get3A_0 = arith.constant 0 : index
    %get3A_1 = vector.load %arg1[%get3A, %get3A_0] : memref<1000x128xf32, #tpu.memory_space<vmem>>, vector<1000x128xf32>
    %get3A_2 = arith.constant 0 : index
    %get3A_3 = arith.constant 0 : index
    %get3A_4 = vector.load %arg2[%get3A_2, %get3A_3] : memref<128x128xf32, #tpu.memory_space<vmem>>, vector<128x128xf32>
    %dot_general3A = arith.constant dense<0.000000e+00> : vector<1000x128xf32>
    %dot_general3A_5 = tpu.matmul %get3A_1, %get3A_4, %dot_general3A {dimension_numbers = #tpu.dot_dimension_numbers<[1], [0], [0], [1], [0, 0, 1, 1], [], []>, transpose_lhs_hint = false} : vector<1000x128xf32>, vector<128x128xf32>, vector<1000x128xf32> -> vector<1000x128xf32>
    %convert_element_type3A = arith.truncf %dot_general3A_5 : vector<1000x128xf32> to vector<1000x128xbf16>
    %swap3A = arith.constant 0 : index
    %swap3A_6 = arith.constant 0 : index
    %swap3A_7 = vector.load %arg6[%swap3A, %swap3A_6] : memref<1000x128xbf16, #tpu.memory_space<vmem>>, vector<1000x128xbf16>
    tpu.vector_store %arg6[%swap3A, %swap3A_6], %convert_element_type3A {strides = array<i32>} : memref<1000x128xbf16, #tpu.memory_space<vmem>>, vector<1000x128xbf16>,
    %get3A_8 = arith.constant 0 : index
    %get3A_9 = arith.constant 0 : index
    %get3A_10 = vector.load %arg3[%get3A_8, %get3A_9] : memref<128x128xf32, #tpu.memory_space<vmem>>, vector<128x128xf32>
    %dot_general3A_11 = arith.constant dense<0.000000e+00> : vector<1000x128xf32>
    %dot_general3A_12 = tpu.matmul %get3A_1, %get3A_10, %dot_general3A_11 {dimension_numbers = #tpu.dot_dimension_numbers<[1], [0], [0], [1], [0, 0, 1, 1], [], []>, transpose_lhs_hint = false} : vector<1000x128xf32>, vector<128x128xf32>, vector<1000x128xf32> -> vector<1000x128xf32>
    %swap3A_13 = arith.constant 0 : index
    %swap3A_14 = arith.constant 0 : index
    %swap3A_15 = vector.load %arg7[%swap3A_13, %swap3A_14] : memref<1000x128xf32, #tpu.memory_space<vmem>>, vector<1000x128xf32>
    tpu.vector_store %arg7[%swap3A_13, %swap3A_14], %dot_general3A_12 {strides = array<i32>} : memref<1000x128xf32, #tpu.memory_space<vmem>>, vector<1000x128xf32>,
    %get3A_16 = arith.constant 0 : index
    %get3A_17 = arith.constant 0 : index
    %get3A_18 = vector.load %arg4[%get3A_16, %get3A_17] : memref<128x16xf32, #tpu.memory_space<vmem>>, vector<128x16xf32>
    %dot_general3A_19 = arith.constant dense<0.000000e+00> : vector<1000x16xf32>
    %dot_general3A_20 = tpu.matmul %get3A_1, %get3A_18, %dot_general3A_19 {dimension_numbers = #tpu.dot_dimension_numbers<[1], [0], [0], [1], [0, 0, 1, 1], [], []>, transpose_lhs_hint = false} : vector<1000x128xf32>, vector<128x16xf32>, vector<1000x16xf32> -> vector<1000x16xf32>
    %swap3A_21 = arith.constant 0 : index
    %swap3A_22 = arith.constant 0 : index
    %swap3A_23 = vector.load %arg8[%swap3A_21, %swap3A_22] : memref<1000x16xf32, #tpu.memory_space<vmem>>, vector<1000x16xf32>
    tpu.vector_store %arg8[%swap3A_21, %swap3A_22], %dot_general3A_20 {strides = array<i32>} : memref<1000x16xf32, #tpu.memory_space<vmem>>, vector<1000x16xf32>,
    %get3A_24 = arith.constant 0 : index
    %get3A_25 = arith.constant 0 : index
    %get3A_26 = vector.load %arg5[%get3A_24, %get3A_25] : memref<128x16xf32, #tpu.memory_space<vmem>>, vector<128x16xf32>
    %dot_general3A_27 = arith.constant dense<0.000000e+00> : vector<1000x16xf32>
    %dot_general3A_28 = tpu.matmul %get3A_1, %get3A_26, %dot_general3A_27 {dimension_numbers = #tpu.dot_dimension_numbers<[1], [0], [0], [1], [0, 0, 1, 1], [], []>, transpose_lhs_hint = false} : vector<1000x128xf32>, vector<128x16xf32>, vector<1000x16xf32> -> vector<1000x16xf32>
    %swap3A_29 = arith.constant 0 : index
    %swap3A_30 = arith.constant 0 : index
    %swap3A_31 = vector.load %arg9[%swap3A_29, %swap3A_30] : memref<1000x16xf32, #tpu.memory_space<vmem>>, vector<1000x16xf32>
    tpu.vector_store %arg9[%swap3A_29, %swap3A_30], %dot_general3A_28 {strides = array<i32>} : memref<1000x16xf32, #tpu.memory_space<vmem>>, vector<1000x16xf32>,
    return
  }
  func.func @transform_0(%arg0: i32) -> (i32, i32) {
    %c0_i32 = arith.constant 0 : i32
    %c0_i32_0 = arith.constant 0 : i32
    return %arg0, %c0_i32 : i32, i32
  }
  func.func @transform_1(%arg0: i32) -> (i32, i32) {
    %c0_i32 = arith.constant 0 : i32
    %c0_i32_0 = arith.constant 0 : i32
    %c0_i32_1 = arith.constant 0 : i32
    return %c0_i32, %c0_i32_0 : i32, i32
  }
  func.func @transform_2(%arg0: i32) -> (i32, i32) {
    %c0_i32 = arith.constant 0 : i32
    %c0_i32_0 = arith.constant 0 : i32
    %c0_i32_1 = arith.constant 0 : i32
    return %c0_i32, %c0_i32_0 : i32, i32
  }
  func.func @transform_3(%arg0: i32) -> (i32, i32) {
    %c0_i32 = arith.constant 0 : i32
    %c0_i32_0 = arith.constant 0 : i32
    %c0_i32_1 = arith.constant 0 : i32
    return %c0_i32, %c0_i32_0 : i32, i32
  }
  func.func @transform_4(%arg0: i32) -> (i32, i32) {
    %c0_i32 = arith.constant 0 : i32
    %c0_i32_0 = arith.constant 0 : i32
    %c0_i32_1 = arith.constant 0 : i32
    return %c0_i32, %c0_i32_0 : i32, i32
  }
  func.func @transform_5(%arg0: i32) -> (i32, i32) {
    %c0_i32 = arith.constant 0 : i32
    %c0_i32_0 = arith.constant 0 : i32
    return %arg0, %c0_i32 : i32, i32
  }
  func.func @transform_6(%arg0: i32) -> (i32, i32) {
    %c0_i32 = arith.constant 0 : i32
    %c0_i32_0 = arith.constant 0 : i32
    return %arg0, %c0_i32 : i32, i32
  }
  func.func @transform_7(%arg0: i32) -> (i32, i32) {
    %c0_i32 = arith.constant 0 : i32
    %c0_i32_0 = arith.constant 0 : i32
    return %arg0, %c0_i32 : i32, i32
  }
  func.func @transform_8(%arg0: i32) -> (i32, i32) {
    %c0_i32 = arith.constant 0 : i32
    %c0_i32_0 = arith.constant 0 : i32
    return %arg0, %c0_i32 : i32, i32
  }
}

module attributes {stable_mosaic.version = 14 : i64} {
  func.func @_fin_body(%arg0: i32, %arg1: memref<1000x128xf32, #tpu.memory_space<vmem>>, %arg2: memref<1000x128xf32, #tpu.memory_space<vmem>>, %arg3: memref<1000x128xf32, #tpu.memory_space<vmem>>, %arg4: memref<1000x16xf32, #tpu.memory_space<vmem>>, %arg5: memref<1000x16xf32, #tpu.memory_space<vmem>>, %arg6: memref<1x128xf32, #tpu.memory_space<vmem>>, %arg7: memref<1x128xf32, #tpu.memory_space<vmem>>, %arg8: memref<1000x128xf32, #tpu.memory_space<vmem>>) attributes {dimension_semantics = [#tpu.dimension_semantics<arbitrary>], iteration_bounds = array<i64: 10>, scalar_prefetch = 0 : i64, scratch_operands = 0 : i64, tpu.core_type = #tpu.core_type<tc>, window_params = [{transform_indices = @transform_0, window_bounds = array<i64: 1000, 128>}, {transform_indices = @transform_1, window_bounds = array<i64: 1000, 128>}, {transform_indices = @transform_2, window_bounds = array<i64: 1000, 128>}, {transform_indices = @transform_3, window_bounds = array<i64: 1000, 16>}, {transform_indices = @transform_4, window_bounds = array<i64: 1000, 16>}, {pipeline_mode = #tpu.pipeline_mode<synchronous>, transform_indices = @transform_5, window_bounds = array<i64: 1, 128>}, {pipeline_mode = #tpu.pipeline_mode<synchronous>, transform_indices = @transform_6, window_bounds = array<i64: 1, 128>}, {transform_indices = @transform_7, window_bounds = array<i64: 1000, 128>}]} {
    %get3A = arith.constant 0 : index
    %get3A_0 = arith.constant 0 : index
    %get3A_1 = vector.load %arg4[%get3A, %get3A_0] : memref<1000x16xf32, #tpu.memory_space<vmem>>, vector<1000x16xf32>
    %slice3A = vector.extract_strided_slice %get3A_1 {offsets = [0, 0], sizes = [1000, 1], strides = [1, 1]} : vector<1000x16xf32> to vector<1000x1xf32>
    %get3A_2 = arith.constant 0 : index
    %get3A_3 = arith.constant 0 : index
    %get3A_4 = vector.load %arg5[%get3A_2, %get3A_3] : memref<1000x16xf32, #tpu.memory_space<vmem>>, vector<1000x16xf32>
    %slice3A_5 = vector.extract_strided_slice %get3A_4 {offsets = [0, 0], sizes = [1000, 1], strides = [1, 1]} : vector<1000x16xf32> to vector<1000x1xf32>
    %add3A = arith.addf %slice3A, %slice3A_5 : vector<1000x1xf32>
    %add3A_6 = arith.constant 1.000000e-16 : f32
    %add3A_7 = vector.broadcast %add3A_6 : f32 to vector<1000x1xf32>
    %add3A_8 = arith.addf %add3A, %add3A_7 : vector<1000x1xf32>
    %get3A_9 = arith.constant 0 : index
    %get3A_10 = arith.constant 0 : index
    %get3A_11 = vector.load %arg1[%get3A_9, %get3A_10] : memref<1000x128xf32, #tpu.memory_space<vmem>>, vector<1000x128xf32>
    %get3A_12 = arith.constant 0 : index
    %get3A_13 = arith.constant 0 : index
    %get3A_14 = vector.load %arg2[%get3A_12, %get3A_13] : memref<1000x128xf32, #tpu.memory_space<vmem>>, vector<1000x128xf32>
    %get3A_15 = arith.constant 0 : index
    %get3A_16 = arith.constant 0 : index
    %get3A_17 = vector.load %arg3[%get3A_15, %get3A_16] : memref<1000x128xf32, #tpu.memory_space<vmem>>, vector<1000x128xf32>
    %add3A_18 = arith.addf %get3A_14, %get3A_17 : vector<1000x128xf32>
    %div3A = vector.broadcast %add3A_8 : vector<1000x1xf32> to vector<1000x128xf32>
    %div3A_19 = arith.divf %add3A_18, %div3A : vector<1000x128xf32>
    %add3A_20 = arith.addf %get3A_11, %div3A_19 : vector<1000x128xf32>
    %reduce_sum3A = arith.constant dense<0.000000e+00> : vector<1000xf32>
    %reduce_sum3A_21 = vector.multi_reduction <add>, %add3A_20, %reduce_sum3A [1] : vector<1000x128xf32> to vector<1000xf32>
    %broadcast_in_dim3A = vector.shape_cast %reduce_sum3A_21 : vector<1000xf32> to vector<1000x1xf32>
    %div3A_22 = arith.constant 1.280000e+02 : f32
    %div3A_23 = vector.broadcast %div3A_22 : f32 to vector<1000x1xf32>
    %div3A_24 = arith.divf %broadcast_in_dim3A, %div3A_23 : vector<1000x1xf32>
    %sub3A = vector.broadcast %div3A_24 : vector<1000x1xf32> to vector<1000x128xf32>
    %sub3A_25 = arith.subf %add3A_20, %sub3A : vector<1000x128xf32>
    %integer_pow3A = arith.mulf %sub3A_25, %sub3A_25 : vector<1000x128xf32>
    %reduce_sum3A_26 = arith.constant dense<0.000000e+00> : vector<1000xf32>
    %reduce_sum3A_27 = vector.multi_reduction <add>, %integer_pow3A, %reduce_sum3A_26 [1] : vector<1000x128xf32> to vector<1000xf32>
    %broadcast_in_dim3A_28 = vector.shape_cast %reduce_sum3A_27 : vector<1000xf32> to vector<1000x1xf32>
    %div3A_29 = arith.constant 1.280000e+02 : f32
    %div3A_30 = vector.broadcast %div3A_29 : f32 to vector<1000x1xf32>
    %div3A_31 = arith.divf %broadcast_in_dim3A_28, %div3A_30 : vector<1000x1xf32>
    %sub3A_32 = vector.broadcast %div3A_24 : vector<1000x1xf32> to vector<1000x128xf32>
    %sub3A_33 = arith.subf %add3A_20, %sub3A_32 : vector<1000x128xf32>
    %add3A_34 = arith.constant 9.99999974E-6 : f32
    %add3A_35 = vector.broadcast %add3A_34 : f32 to vector<1000x1xf32>
    %add3A_36 = arith.addf %div3A_31, %add3A_35 : vector<1000x1xf32>
    %rsqrt3A = math.rsqrt %add3A_36 : vector<1000x1xf32>
    %mul3A = vector.broadcast %rsqrt3A : vector<1000x1xf32> to vector<1000x128xf32>
    %mul3A_37 = arith.mulf %sub3A_33, %mul3A : vector<1000x128xf32>
    %get3A_38 = arith.constant 0 : index
    %get3A_39 = arith.constant 0 : index
    %get3A_40 = vector.load %arg6[%get3A_38, %get3A_39] : memref<1x128xf32, #tpu.memory_space<vmem>>, vector<1x128xf32>
    %mul3A_41 = vector.broadcast %get3A_40 : vector<1x128xf32> to vector<1000x128xf32>
    %mul3A_42 = arith.mulf %mul3A_37, %mul3A_41 : vector<1000x128xf32>
    %get3A_43 = arith.constant 0 : index
    %get3A_44 = arith.constant 0 : index
    %get3A_45 = vector.load %arg7[%get3A_43, %get3A_44] : memref<1x128xf32, #tpu.memory_space<vmem>>, vector<1x128xf32>
    %add3A_46 = vector.broadcast %get3A_45 : vector<1x128xf32> to vector<1000x128xf32>
    %add3A_47 = arith.addf %mul3A_42, %add3A_46 : vector<1000x128xf32>
    %max3A = arith.constant 0.000000e+00 : f32
    %max3A_48 = vector.broadcast %max3A : f32 to vector<1000x128xf32>
    %max3A_49 = arith.maximumf %add3A_47, %max3A_48 : vector<1000x128xf32>
    %swap3A = arith.constant 0 : index
    %swap3A_50 = arith.constant 0 : index
    %swap3A_51 = vector.load %arg8[%swap3A, %swap3A_50] : memref<1000x128xf32, #tpu.memory_space<vmem>>, vector<1000x128xf32>
    tpu.vector_store %arg8[%swap3A, %swap3A_50], %max3A_49 {strides = array<i32>} : memref<1000x128xf32, #tpu.memory_space<vmem>>, vector<1000x128xf32>,
    return
  }
  func.func @transform_0(%arg0: i32) -> (i32, i32) {
    %c0_i32 = arith.constant 0 : i32
    %c0_i32_0 = arith.constant 0 : i32
    return %arg0, %c0_i32 : i32, i32
  }
  func.func @transform_1(%arg0: i32) -> (i32, i32) {
    %c0_i32 = arith.constant 0 : i32
    %c0_i32_0 = arith.constant 0 : i32
    return %arg0, %c0_i32 : i32, i32
  }
  func.func @transform_2(%arg0: i32) -> (i32, i32) {
    %add3A = arith.constant 10 : i32
    %add3A_0 = arith.addi %arg0, %add3A : i32
    %c0_i32 = arith.constant 0 : i32
    %c0_i32_1 = arith.constant 0 : i32
    return %add3A_0, %c0_i32 : i32, i32
  }
  func.func @transform_3(%arg0: i32) -> (i32, i32) {
    %c0_i32 = arith.constant 0 : i32
    %c0_i32_0 = arith.constant 0 : i32
    return %arg0, %c0_i32 : i32, i32
  }
  func.func @transform_4(%arg0: i32) -> (i32, i32) {
    %add3A = arith.constant 10 : i32
    %add3A_0 = arith.addi %arg0, %add3A : i32
    %c0_i32 = arith.constant 0 : i32
    %c0_i32_1 = arith.constant 0 : i32
    return %add3A_0, %c0_i32 : i32, i32
  }
  func.func @transform_5(%arg0: i32) -> (i32, i32) {
    %c0_i32 = arith.constant 0 : i32
    %c0_i32_0 = arith.constant 0 : i32
    %c0_i32_1 = arith.constant 0 : i32
    return %c0_i32, %c0_i32_0 : i32, i32
  }
  func.func @transform_6(%arg0: i32) -> (i32, i32) {
    %c0_i32 = arith.constant 0 : i32
    %c0_i32_0 = arith.constant 0 : i32
    %c0_i32_1 = arith.constant 0 : i32
    return %c0_i32, %c0_i32_0 : i32, i32
  }
  func.func @transform_7(%arg0: i32) -> (i32, i32) {
    %c0_i32 = arith.constant 0 : i32
    %c0_i32_0 = arith.constant 0 : i32
    return %arg0, %c0_i32 : i32, i32
  }
}

module attributes {stable_mosaic.version = 14 : i64} {
  func.func @_ft_body(%arg0: i32, %arg1: memref<1000x128xf32, #tpu.memory_space<vmem>>, %arg2: memref<1000x128xf32, #tpu.memory_space<vmem>>, %arg3: memref<1000x128xf32, #tpu.memory_space<vmem>>, %arg4: memref<1000x16xf32, #tpu.memory_space<vmem>>, %arg5: memref<1000x16xf32, #tpu.memory_space<vmem>>, %arg6: memref<1x128xf32, #tpu.memory_space<vmem>>, %arg7: memref<1x128xf32, #tpu.memory_space<vmem>>, %arg8: memref<128x128xf32, #tpu.memory_space<vmem>>, %arg9: memref<128x128xf32, #tpu.memory_space<vmem>>, %arg10: memref<128x16xf32, #tpu.memory_space<vmem>>, %arg11: memref<128x16xf32, #tpu.memory_space<vmem>>, %arg12: memref<1000x128xbf16, #tpu.memory_space<vmem>>, %arg13: memref<1000x128xf32, #tpu.memory_space<vmem>>, %arg14: memref<1000x16xf32, #tpu.memory_space<vmem>>, %arg15: memref<1000x16xf32, #tpu.memory_space<vmem>>) attributes {dimension_semantics = [#tpu.dimension_semantics<arbitrary>], iteration_bounds = array<i64: 10>, scalar_prefetch = 0 : i64, scratch_operands = 0 : i64, tpu.core_type = #tpu.core_type<tc>, window_params = [{transform_indices = @transform_0, window_bounds = array<i64: 1000, 128>}, {transform_indices = @transform_1, window_bounds = array<i64: 1000, 128>}, {transform_indices = @transform_2, window_bounds = array<i64: 1000, 128>}, {transform_indices = @transform_3, window_bounds = array<i64: 1000, 16>}, {transform_indices = @transform_4, window_bounds = array<i64: 1000, 16>}, {pipeline_mode = #tpu.pipeline_mode<synchronous>, transform_indices = @transform_5, window_bounds = array<i64: 1, 128>}, {pipeline_mode = #tpu.pipeline_mode<synchronous>, transform_indices = @transform_6, window_bounds = array<i64: 1, 128>}, {pipeline_mode = #tpu.pipeline_mode<synchronous>, transform_indices = @transform_7, window_bounds = array<i64: 128, 128>}, {pipeline_mode = #tpu.pipeline_mode<synchronous>, transform_indices = @transform_8, window_bounds = array<i64: 128, 128>}, {pipeline_mode = #tpu.pipeline_mode<synchronous>, transform_indices = @transform_9, window_bounds = array<i64: 128, 16>}, {pipeline_mode = #tpu.pipeline_mode<synchronous>, transform_indices = @transform_10, window_bounds = array<i64: 128, 16>}, {transform_indices = @transform_11, window_bounds = array<i64: 1000, 128>}, {transform_indices = @transform_12, window_bounds = array<i64: 1000, 128>}, {transform_indices = @transform_13, window_bounds = array<i64: 1000, 16>}, {transform_indices = @transform_14, window_bounds = array<i64: 1000, 16>}]} {
    %get3A = arith.constant 0 : index
    %get3A_0 = arith.constant 0 : index
    %get3A_1 = vector.load %arg4[%get3A, %get3A_0] : memref<1000x16xf32, #tpu.memory_space<vmem>>, vector<1000x16xf32>
    %slice3A = vector.extract_strided_slice %get3A_1 {offsets = [0, 0], sizes = [1000, 1], strides = [1, 1]} : vector<1000x16xf32> to vector<1000x1xf32>
    %get3A_2 = arith.constant 0 : index
    %get3A_3 = arith.constant 0 : index
    %get3A_4 = vector.load %arg5[%get3A_2, %get3A_3] : memref<1000x16xf32, #tpu.memory_space<vmem>>, vector<1000x16xf32>
    %slice3A_5 = vector.extract_strided_slice %get3A_4 {offsets = [0, 0], sizes = [1000, 1], strides = [1, 1]} : vector<1000x16xf32> to vector<1000x1xf32>
    %add3A = arith.addf %slice3A, %slice3A_5 : vector<1000x1xf32>
    %add3A_6 = arith.constant 1.000000e-16 : f32
    %add3A_7 = vector.broadcast %add3A_6 : f32 to vector<1000x1xf32>
    %add3A_8 = arith.addf %add3A, %add3A_7 : vector<1000x1xf32>
    %get3A_9 = arith.constant 0 : index
    %get3A_10 = arith.constant 0 : index
    %get3A_11 = vector.load %arg1[%get3A_9, %get3A_10] : memref<1000x128xf32, #tpu.memory_space<vmem>>, vector<1000x128xf32>
    %get3A_12 = arith.constant 0 : index
    %get3A_13 = arith.constant 0 : index
    %get3A_14 = vector.load %arg2[%get3A_12, %get3A_13] : memref<1000x128xf32, #tpu.memory_space<vmem>>, vector<1000x128xf32>
    %get3A_15 = arith.constant 0 : index
    %get3A_16 = arith.constant 0 : index
    %get3A_17 = vector.load %arg3[%get3A_15, %get3A_16] : memref<1000x128xf32, #tpu.memory_space<vmem>>, vector<1000x128xf32>
    %add3A_18 = arith.addf %get3A_14, %get3A_17 : vector<1000x128xf32>
    %div3A = vector.broadcast %add3A_8 : vector<1000x1xf32> to vector<1000x128xf32>
    %div3A_19 = arith.divf %add3A_18, %div3A : vector<1000x128xf32>
    %add3A_20 = arith.addf %get3A_11, %div3A_19 : vector<1000x128xf32>
    %reduce_sum3A = arith.constant dense<0.000000e+00> : vector<1000xf32>
    %reduce_sum3A_21 = vector.multi_reduction <add>, %add3A_20, %reduce_sum3A [1] : vector<1000x128xf32> to vector<1000xf32>
    %broadcast_in_dim3A = vector.shape_cast %reduce_sum3A_21 : vector<1000xf32> to vector<1000x1xf32>
    %div3A_22 = arith.constant 1.280000e+02 : f32
    %div3A_23 = vector.broadcast %div3A_22 : f32 to vector<1000x1xf32>
    %div3A_24 = arith.divf %broadcast_in_dim3A, %div3A_23 : vector<1000x1xf32>
    %sub3A = vector.broadcast %div3A_24 : vector<1000x1xf32> to vector<1000x128xf32>
    %sub3A_25 = arith.subf %add3A_20, %sub3A : vector<1000x128xf32>
    %integer_pow3A = arith.mulf %sub3A_25, %sub3A_25 : vector<1000x128xf32>
    %reduce_sum3A_26 = arith.constant dense<0.000000e+00> : vector<1000xf32>
    %reduce_sum3A_27 = vector.multi_reduction <add>, %integer_pow3A, %reduce_sum3A_26 [1] : vector<1000x128xf32> to vector<1000xf32>
    %broadcast_in_dim3A_28 = vector.shape_cast %reduce_sum3A_27 : vector<1000xf32> to vector<1000x1xf32>
    %div3A_29 = arith.constant 1.280000e+02 : f32
    %div3A_30 = vector.broadcast %div3A_29 : f32 to vector<1000x1xf32>
    %div3A_31 = arith.divf %broadcast_in_dim3A_28, %div3A_30 : vector<1000x1xf32>
    %sub3A_32 = vector.broadcast %div3A_24 : vector<1000x1xf32> to vector<1000x128xf32>
    %sub3A_33 = arith.subf %add3A_20, %sub3A_32 : vector<1000x128xf32>
    %add3A_34 = arith.constant 9.99999974E-6 : f32
    %add3A_35 = vector.broadcast %add3A_34 : f32 to vector<1000x1xf32>
    %add3A_36 = arith.addf %div3A_31, %add3A_35 : vector<1000x1xf32>
    %rsqrt3A = math.rsqrt %add3A_36 : vector<1000x1xf32>
    %mul3A = vector.broadcast %rsqrt3A : vector<1000x1xf32> to vector<1000x128xf32>
    %mul3A_37 = arith.mulf %sub3A_33, %mul3A : vector<1000x128xf32>
    %get3A_38 = arith.constant 0 : index
    %get3A_39 = arith.constant 0 : index
    %get3A_40 = vector.load %arg6[%get3A_38, %get3A_39] : memref<1x128xf32, #tpu.memory_space<vmem>>, vector<1x128xf32>
    %mul3A_41 = vector.broadcast %get3A_40 : vector<1x128xf32> to vector<1000x128xf32>
    %mul3A_42 = arith.mulf %mul3A_37, %mul3A_41 : vector<1000x128xf32>
    %get3A_43 = arith.constant 0 : index
    %get3A_44 = arith.constant 0 : index
    %get3A_45 = vector.load %arg7[%get3A_43, %get3A_44] : memref<1x128xf32, #tpu.memory_space<vmem>>, vector<1x128xf32>
    %add3A_46 = vector.broadcast %get3A_45 : vector<1x128xf32> to vector<1000x128xf32>
    %add3A_47 = arith.addf %mul3A_42, %add3A_46 : vector<1000x128xf32>
    %max3A = arith.constant 0.000000e+00 : f32
    %max3A_48 = vector.broadcast %max3A : f32 to vector<1000x128xf32>
    %max3A_49 = arith.maximumf %add3A_47, %max3A_48 : vector<1000x128xf32>
    %get3A_50 = arith.constant 0 : index
    %get3A_51 = arith.constant 0 : index
    %get3A_52 = vector.load %arg8[%get3A_50, %get3A_51] : memref<128x128xf32, #tpu.memory_space<vmem>>, vector<128x128xf32>
    %dot_general3A = arith.constant dense<0.000000e+00> : vector<1000x128xf32>
    %dot_general3A_53 = tpu.matmul %max3A_49, %get3A_52, %dot_general3A {dimension_numbers = #tpu.dot_dimension_numbers<[1], [0], [0], [1], [0, 0, 1, 1], [], []>, transpose_lhs_hint = false} : vector<1000x128xf32>, vector<128x128xf32>, vector<1000x128xf32> -> vector<1000x128xf32>
    %convert_element_type3A = arith.truncf %dot_general3A_53 : vector<1000x128xf32> to vector<1000x128xbf16>
    %swap3A = arith.constant 0 : index
    %swap3A_54 = arith.constant 0 : index
    %swap3A_55 = vector.load %arg12[%swap3A, %swap3A_54] : memref<1000x128xbf16, #tpu.memory_space<vmem>>, vector<1000x128xbf16>
    tpu.vector_store %arg12[%swap3A, %swap3A_54], %convert_element_type3A {strides = array<i32>} : memref<1000x128xbf16, #tpu.memory_space<vmem>>, vector<1000x128xbf16>,
    %get3A_56 = arith.constant 0 : index
    %get3A_57 = arith.constant 0 : index
    %get3A_58 = vector.load %arg9[%get3A_56, %get3A_57] : memref<128x128xf32, #tpu.memory_space<vmem>>, vector<128x128xf32>
    %dot_general3A_59 = arith.constant dense<0.000000e+00> : vector<1000x128xf32>
    %dot_general3A_60 = tpu.matmul %max3A_49, %get3A_58, %dot_general3A_59 {dimension_numbers = #tpu.dot_dimension_numbers<[1], [0], [0], [1], [0, 0, 1, 1], [], []>, transpose_lhs_hint = false} : vector<1000x128xf32>, vector<128x128xf32>, vector<1000x128xf32> -> vector<1000x128xf32>
    %swap3A_61 = arith.constant 0 : index
    %swap3A_62 = arith.constant 0 : index
    %swap3A_63 = vector.load %arg13[%swap3A_61, %swap3A_62] : memref<1000x128xf32, #tpu.memory_space<vmem>>, vector<1000x128xf32>
    tpu.vector_store %arg13[%swap3A_61, %swap3A_62], %dot_general3A_60 {strides = array<i32>} : memref<1000x128xf32, #tpu.memory_space<vmem>>, vector<1000x128xf32>,
    %get3A_64 = arith.constant 0 : index
    %get3A_65 = arith.constant 0 : index
    %get3A_66 = vector.load %arg10[%get3A_64, %get3A_65] : memref<128x16xf32, #tpu.memory_space<vmem>>, vector<128x16xf32>
    %dot_general3A_67 = arith.constant dense<0.000000e+00> : vector<1000x16xf32>
    %dot_general3A_68 = tpu.matmul %max3A_49, %get3A_66, %dot_general3A_67 {dimension_numbers = #tpu.dot_dimension_numbers<[1], [0], [0], [1], [0, 0, 1, 1], [], []>, transpose_lhs_hint = false} : vector<1000x128xf32>, vector<128x16xf32>, vector<1000x16xf32> -> vector<1000x16xf32>
    %swap3A_69 = arith.constant 0 : index
    %swap3A_70 = arith.constant 0 : index
    %swap3A_71 = vector.load %arg14[%swap3A_69, %swap3A_70] : memref<1000x16xf32, #tpu.memory_space<vmem>>, vector<1000x16xf32>
    tpu.vector_store %arg14[%swap3A_69, %swap3A_70], %dot_general3A_68 {strides = array<i32>} : memref<1000x16xf32, #tpu.memory_space<vmem>>, vector<1000x16xf32>,
    %get3A_72 = arith.constant 0 : index
    %get3A_73 = arith.constant 0 : index
    %get3A_74 = vector.load %arg11[%get3A_72, %get3A_73] : memref<128x16xf32, #tpu.memory_space<vmem>>, vector<128x16xf32>
    %dot_general3A_75 = arith.constant dense<0.000000e+00> : vector<1000x16xf32>
    %dot_general3A_76 = tpu.matmul %max3A_49, %get3A_74, %dot_general3A_75 {dimension_numbers = #tpu.dot_dimension_numbers<[1], [0], [0], [1], [0, 0, 1, 1], [], []>, transpose_lhs_hint = false} : vector<1000x128xf32>, vector<128x16xf32>, vector<1000x16xf32> -> vector<1000x16xf32>
    %swap3A_77 = arith.constant 0 : index
    %swap3A_78 = arith.constant 0 : index
    %swap3A_79 = vector.load %arg15[%swap3A_77, %swap3A_78] : memref<1000x16xf32, #tpu.memory_space<vmem>>, vector<1000x16xf32>
    tpu.vector_store %arg15[%swap3A_77, %swap3A_78], %dot_general3A_76 {strides = array<i32>} : memref<1000x16xf32, #tpu.memory_space<vmem>>, vector<1000x16xf32>,
    return
  }
  func.func @transform_0(%arg0: i32) -> (i32, i32) {
    %c0_i32 = arith.constant 0 : i32
    %c0_i32_0 = arith.constant 0 : i32
    return %arg0, %c0_i32 : i32, i32
  }
  func.func @transform_1(%arg0: i32) -> (i32, i32) {
    %c0_i32 = arith.constant 0 : i32
    %c0_i32_0 = arith.constant 0 : i32
    return %arg0, %c0_i32 : i32, i32
  }
  func.func @transform_2(%arg0: i32) -> (i32, i32) {
    %add3A = arith.constant 10 : i32
    %add3A_0 = arith.addi %arg0, %add3A : i32
    %c0_i32 = arith.constant 0 : i32
    %c0_i32_1 = arith.constant 0 : i32
    return %add3A_0, %c0_i32 : i32, i32
  }
  func.func @transform_3(%arg0: i32) -> (i32, i32) {
    %c0_i32 = arith.constant 0 : i32
    %c0_i32_0 = arith.constant 0 : i32
    return %arg0, %c0_i32 : i32, i32
  }
  func.func @transform_4(%arg0: i32) -> (i32, i32) {
    %add3A = arith.constant 10 : i32
    %add3A_0 = arith.addi %arg0, %add3A : i32
    %c0_i32 = arith.constant 0 : i32
    %c0_i32_1 = arith.constant 0 : i32
    return %add3A_0, %c0_i32 : i32, i32
  }
  func.func @transform_5(%arg0: i32) -> (i32, i32) {
    %c0_i32 = arith.constant 0 : i32
    %c0_i32_0 = arith.constant 0 : i32
    %c0_i32_1 = arith.constant 0 : i32
    return %c0_i32, %c0_i32_0 : i32, i32
  }
  func.func @transform_6(%arg0: i32) -> (i32, i32) {
    %c0_i32 = arith.constant 0 : i32
    %c0_i32_0 = arith.constant 0 : i32
    %c0_i32_1 = arith.constant 0 : i32
    return %c0_i32, %c0_i32_0 : i32, i32
  }
  func.func @transform_7(%arg0: i32) -> (i32, i32) {
    %c0_i32 = arith.constant 0 : i32
    %c0_i32_0 = arith.constant 0 : i32
    %c0_i32_1 = arith.constant 0 : i32
    return %c0_i32, %c0_i32_0 : i32, i32
  }
  func.func @transform_8(%arg0: i32) -> (i32, i32) {
    %c0_i32 = arith.constant 0 : i32
    %c0_i32_0 = arith.constant 0 : i32
    %c0_i32_1 = arith.constant 0 : i32
    return %c0_i32, %c0_i32_0 : i32, i32
  }
  func.func @transform_9(%arg0: i32) -> (i32, i32) {
    %c0_i32 = arith.constant 0 : i32
    %c0_i32_0 = arith.constant 0 : i32
    %c0_i32_1 = arith.constant 0 : i32
    return %c0_i32, %c0_i32_0 : i32, i32
  }
  func.func @transform_10(%arg0: i32) -> (i32, i32) {
    %c0_i32 = arith.constant 0 : i32
    %c0_i32_0 = arith.constant 0 : i32
    %c0_i32_1 = arith.constant 0 : i32
    return %c0_i32, %c0_i32_0 : i32, i32
  }
  func.func @transform_11(%arg0: i32) -> (i32, i32) {
    %c0_i32 = arith.constant 0 : i32
    %c0_i32_0 = arith.constant 0 : i32
    return %arg0, %c0_i32 : i32, i32
  }
  func.func @transform_12(%arg0: i32) -> (i32, i32) {
    %c0_i32 = arith.constant 0 : i32
    %c0_i32_0 = arith.constant 0 : i32
    return %arg0, %c0_i32 : i32, i32
  }
  func.func @transform_13(%arg0: i32) -> (i32, i32) {
    %c0_i32 = arith.constant 0 : i32
    %c0_i32_0 = arith.constant 0 : i32
    return %arg0, %c0_i32 : i32, i32
  }
  func.func @transform_14(%arg0: i32) -> (i32, i32) {
    %c0_i32 = arith.constant 0 : i32
    %c0_i32_0 = arith.constant 0 : i32
    return %arg0, %c0_i32 : i32, i32
  }
}

</mosaic_0001>

<sc_bundles>
// kernel: kernel.10.cloned.1.call-start
scs
__scs_entry_jumppad:
0x0: {  	(pc) =	sbr.rel $0x88, $3  }
0x1: {  	(tag) =	ssettag $0x0;
	lr =	simm.s32 $0x1  }
0x2: {  	[smem:$0x3F99] =	sst lr;
	_ =	strace $0xD0000000  }
0x3: {  	_ = 	snop  }
0x4: {  	_ = 	snop  }
0x5: {  	_ = 	snop  }
0x6: {  	_ = 	snop  }
0x7: {  	_ = 	snop  }
__scs_overlays_trampoline_lowered:
0x8: {  	[smem:$0x3FA8] =	sst s0  }
0x9: {  	[smem:$0x3FA9] =	sst s1  }
0xa: {  	[smem:$0x3FAA] =	sst s2  }
0xb: {  	[smem:$0x3FAB] =	sst s3  }
0xc: {  	[smem:$0x3FAC] =	sst s4  }
0xd: {  	[smem:$0x3FAD] =	sst s5  }
0xe: {  	[smem:$0x3FAE] =	sst s6  }
0xf: {  	[smem:$0x3FAF] =	sst s7  }
0x10: {  	[smem:$0x3FB0] =	sst s8  }
0x11: {  	[smem:$0x3FB1] =	sst s9;
	s0 =	simm.s32 @!p0 $0x0  }
0x12: {  	s1 =	sld [smem:$0x3F97];
	s0 =	simm.s32 @p0 $0x1  }
0x13: {  	[smem:$0x3FB2] =	sst s0;
	s0 =	simm.s32 @!p1 $0x0  }
0x14: {  	s2 =	sld [smem:$0x3F96];
	s0 =	simm.s32 @p1 $0x1  }
0x15: {  	[smem:$0x3FB3] =	sst s0;
	s0 =	simm.s32 @!p2 $0x0  }
0x16: {  	s3 =	sld [smem:$0x3FDB];
	s0 =	simm.s32 @p2 $0x1  }
0x17: {  	s4 =	simm.s32 $0x1BF5;
	[smem:$0x3FB5] =	sst s0  }
0x18: {  	s0 =	sld [smem:$0x3F98];
	_ =	swait.ge [sflag:s4], $0x0  }
0x19: {  	s7 =	sld [smem:$0x3F99]  }
0x1a: {  	s8 =	sadd.s32 $0xFFFFE003, lr  }
0x1b: {  	s9 =	sadd.s32 $0xFFFFFEF7, lr;
	s5 =	simm.s32 $0xFFFFFFFF;
	p2 =	slt.u32 s8, $0xFFFFF086  }
0x1c: {  	p1 =	slt.u32 s9, $0xF7A;
	s5 =	simm.s32 @!p2 $0x0  }
0x1d: {  	s5 =	simm.s32 @p1 $0x1;
	p0 =	seq.s32 s7, s2  }
0x1e: {  	s7 =	smul.u32 @!p0 $0xF7A, s2;
	p2 =	seq.s32 @!p0 s5, $0x0  }
0x1f: {  	s9 =	smul.u32 $0xF7A, s1;
	s8 =	simm.s32 @!p0 $0x1BF5;
	p2 =	por !p2, p0  }
0x20: {  	[sflag:s8] =	ssyncset.s32 @!p0 $0xFFFFF086;
	s6 =	sadd.s32 @!p0 s3, s7;
	s7 =	simm.s32 @!p0 $0x108  }
0x21: {  	s3 =	sadd.s32 s3, s9;
	s6 =	sadd.s32 @!p0 $0x88, s6;
	s7 =	simm.s32 @p2 $0x1082  }
0x22: {  	[simem:s7], [sflag:s8] =	dma.local @!p0 [hbm:s6], $0xF7A  }
0x23: {  	s9 =	sor.u32 $0xD0000000, s2;
	s6 =	simm.s32 $0x108;
	_ =	swait.ge @!p0 [sflag:s8], $0x0  }
0x24: {  	s3 =	sadd.s32 $0x88, s3;
	s6 =	simm.s32 @!p1 $0x1082;
	[sflag:s4] =	ssyncset.s32 $0xFFFFF086  }
0x25: {  	[simem:s6], [sflag:s4] =	dma.local [hbm:s3], $0xF7A  }
0x26: {  	[smem:$0x3F99] =	sst s1;
	(tag) =	ssettag s2;
	_ =	strace s9  }
0x27: {  	s1 =	sld [smem:$0x3FA9]  }
0x28: {  	s2 =	sld [smem:$0x3FAA]  }
0x29: {  	s4 =	sld [smem:$0x3FAC]  }
0x2a: {  	p0 =	seq.s32 s5, $0x0;
	s5 =	sld [smem:$0x3FAD]  }
0x2b: {  	s6 =	sld [smem:$0x3FAE]  }
0x2c: {  	s7 =	sld [smem:$0x3FAF]  }
0x2d: {  	s3 =	simm.s32 $0x108;
	s8 =	sld [smem:$0x3FB0]  }
0x2e: {  	s3 =	simm.s32 @!p0 $0x1082;
	s9 =	sld [smem:$0x3FB1]  }
0x2f: {  	lr =	sadd.s32 s0, s3;
	s0 =	sld [smem:$0x3FA8]  }
0x30: {  	s3 =	sld [smem:$0x3FAB]  }
0x31: {  	[smem:$0x3FB4] =	sst s10  }
0x32: {  	s10 =	sld [smem:$0x3FB2];
	_ =	sdelay $0x3  }
0x33: {  	p0 =	seq.s32 s10, $0x1;
	s10 =	sld [smem:$0x3FB4];
	_ =	sdelay $0x3  }
0x34: {  	[smem:$0x3FB4] =	sst s10  }
0x35: {  	s10 =	sld [smem:$0x3FB3];
	_ =	sdelay $0x3  }
0x36: {  	p1 =	seq.s32 s10, $0x1;
	s10 =	sld [smem:$0x3FB4];
	_ =	sdelay $0x3  }
0x37: {  	[smem:$0x3FB4] =	sst s10  }
0x38: {  	s10 =	sld [smem:$0x3FB5]  }
0x39: {  	_ = 	snop;
	(pc) =	sbr.ind lr, $3  }
0x3a: {  	_ = 	snop  }
0x3b: {  	_ = 	snop  }
0x3c: {  	p2 =	seq.s32 s10, $0x1;
	s10 =	sld [smem:$0x3FB4]  }
0x3d: {  	_ =	shalt  }
0x3e: {  	_ =	shalt  }
0x3f: {  	_ =	shalt  }
0x40: {  	_ =	shalt  }
0x41: {  	_ =	shalt  }
0x42: {  	_ =	shalt  }
0x43: {  	_ =	shalt  }
0x44: {  	_ =	shalt  }
0x45: {  	_ =	shalt  }
0x46: {  	_ =	shalt  }
0x47: {  	_ =	shalt  }
0x48: {  	_ =	shalt  }
0x49: {  	_ =	shalt  }
0x4a: {  	_ =	shalt  }
0x4b: {  	_ =	shalt  }
0x4c: {  	_ =	shalt  }
0x4d: {  	_ =	shalt  }
0x4e: {  	_ =	shalt  }
0x4f: {  	_ =	shalt  }
0x50: {  	_ =	shalt  }
0x51: {  	_ =	shalt  }
0x52: {  	_ =	shalt  }
0x53: {  	_ =	shalt  }
0x54: {  	_ =	shalt  }
0x55: {  	_ =	shalt  }
0x56: {  	_ =	shalt  }
0x57: {  	_ =	shalt  }
0x58: {  	_ =	shalt  }
0x59: {  	_ =	shalt  }
0x5a: {  	_ =	shalt  }
0x5b: {  	_ =	shalt  }
0x5c: {  	_ =	shalt  }
0x5d: {  	_ =	shalt  }
0x5e: {  	_ =	shalt  }
0x5f: {  	_ =	shalt  }
0x60: {  	_ =	shalt  }
0x61: {  	_ =	shalt  }
0x62: {  	_ =	shalt  }
0x63: {  	_ =	shalt  }
0x64: {  	_ =	shalt  }
0x65: {  	_ =	shalt  }
0x66: {  	_ =	shalt  }
0x67: {  	_ =	shalt  }
0x68: {  	_ =	shalt  }
0x69: {  	_ =	shalt  }
0x6a: {  	_ =	shalt  }
0x6b: {  	_ =	shalt  }
0x6c: {  	_ =	shalt  }
0x6d: {  	_ =	shalt  }
0x6e: {  	_ =	shalt  }
0x6f: {  	_ =	shalt  }
0x70: {  	_ =	shalt  }
0x71: {  	_ =	shalt  }
0x72: {  	_ =	shalt  }
0x73: {  	_ =	shalt  }
0x74: {  	_ =	shalt  }
0x75: {  	_ =	shalt  }
0x76: {  	_ =	shalt  }
0x77: {  	_ =	shalt  }
0x78: {  	_ =	shalt  }
0x79: {  	_ =	shalt  }
0x7a: {  	_ =	shalt  }
0x7b: {  	_ =	shalt  }
0x7c: {  	_ =	shalt  }
0x7d: {  	_ =	shalt  }
0x7e: {  	_ =	shalt  }
0x7f: {  	_ =	shalt  }
0x80: {  	_ =	shalt  }
0x81: {  	_ =	shalt  }
0x82: {  	_ =	shalt  }
0x83: {  	_ =	shalt  }
0x84: {  	_ =	shalt  }
0x85: {  	_ =	shalt  }
0x86: {  	_ =	shalt  }
0x87: {  	_ =	shalt  }
.Lfunc_end0:
.L_simem_size_0:
called_computation.1_lowered:
.L_overlay_start_0:
0x88: {  	s2 =	sld [smem:$0x3FD9]  }
0x89: {  	s3 =	sld [smem:$0x3FFE];
	_ =	sdelay $0x1  }
0x8a: {  	s1 =	srdreg.scid  }
0x8b: {  	s0 =	sand.u32 $0x1, s1  }
0x8c: {  	s17 =	sshll.u32 s0, $0xA;
	s2 =	sadd.s32 s3, s2  }
0x8d: {  	s2 =	sadd.s32 s2, s17  }
0x8e: {  	[smem:$0x3FC0] =	sst s2  }
0x8f: {  	_ = 	snop  }
0x90: {  	s2 =	sld [smem:$0x3FD0];
	(tm) =	ssettm $0x1  }
0x91: {  	s18 =	sld [smem:$0x3FFB];
	_ =	sdelay $0x3  }
0x92: {  	_ =	strace s18  }
0x93: {  	s3 =	sld [smem:$0x3FFC];
	_ =	sdelay $0x3  }
0x94: {  	_ =	strace s3  }
0x95: {  	s3 =	sld [smem:$0x3FFD];
	_ =	sdelay $0x3  }
0x96: {  	_ =	strace s3  }
0x97: {  	_ =	strace $0x8FFFFFFF  }
0x98: {  	s19 =	sld [smem:$0x3FDB];
	_ =	sdelay $0x1  }
0x99: {  	s4 =	simm.s32 $_scs_section_size  }
0x9a: {  	s5 =	simm.s32 $_size__tile_overlayer_lowered;
	s6 =	simm.s32 $_tile_overlayer_lowered  }
0x9b: {  	s22 =	simm.s32 $0x1BFF;
	s21 =	sshll.u32 s6, $0x1;
	s3 =	sadd.s32 s4, s19  }
0x9c: {  	s7 =	simm.s32 $0x0;
	s20 =	sshll.u32 s5, $0x1;
	s5 =	sadd.s32 s21, s3  }
0x9d: {  	[timem:s7], [sflag:s22] =	dma.local [hbm:s5], s20  }
0x9e: {  	_ =	swait.ge [sflag:s22], s20  }
0x9f: {  	s4 =	ssub.s32 $0x0, s20;
	[sflag:s22] =	ssyncset.done $0x0  }
0xa0: {  	[sflag:s22] =	ssyncadd.s32 s4;
	_ =	sdelay $0x1  }
0xa1: {  	s23 =	simm.s32 $0x1B8B  }
0xa2: {  	_ =	swait.ge [sflag:s23], $0x1  }
0xa3: {  	[sflag:s23] =	ssyncset.done $0x0  }
0xa4: {  	s25 =	simm.s32 $0x1B8E;
	s24 =	sld [smem:$0x3FFE];
	[sflag:s23] =	ssyncadd.s32 $0xFFFFFFFF  }
0xa5: {  	s26 =	simm.s32 $execute0_lowered;
	[smem:$0x3FD2] =	sst s25  }
0xa6: {  	s5 =	sshll.u32 s26, $0x1;
	_ =	strace $0x80000049;
	[dreg:$0x1] =	wrdreg $0xFFFFFFFF  }
0xa7: {  	s28 =	simm.s32 $_size_execute0_lowered;
	s3 =	sadd.s32 s3, s5;
	[dreg:$0x0] =	wrdreg $0x0  }
0xa8: {  	s5 =	sshll.u32 s28, $0x1;
	[dreg:$0x2] =	wrdreg s3  }
0xa9: {  	[dreg:$0x3] =	wrdreg s5  }
0xaa: {  	[dreg:$0x4] =	wrdreg $0xC0  }
0xab: {  	_ =	task [dreg:s7], $0x5FFFF  }
0xac: {  	[dreg:$0x1] =	wrdreg $0xFFFFFFFF  }
0xad: {  	[dreg:$0x0] =	wrdreg $0x60  }
0xae: {  	[dreg:$0x2] =	wrdreg s2  }
0xaf: {  	[dreg:$0x3] =	wrdreg s24  }
0xb0: {  	[dreg:$0x4] =	wrdreg $0x0  }
0xb1: {  	[dreg:$0x5] =	wrdreg $0x138800  }
0xb2: {  	[dreg:$0x6] =	wrdreg $0x9  }
0xb3: {  	_ =	task.clear_ibuf [dreg:s7], $0x7FFFF;
	_ =	strace $0x90000049  }
0xb4: {  	s29 =	simm.s32 $0x9;
	_ =	strace $0x8000004B  }
0xb5: {  	_ =	swait.ge [sflag:s29], $0x1  }
0xb6: {  	[sflag:s29] =	ssyncadd.s32 $0xFFFFFFFF  }
0xb7: {  	_ =	strace $0x9000004B  }
0xb8: {  	_ =	sfence  }
0xb9: {  	s30 =	sld [smem:$0x0];
	_ =	sdelay $0x2  }
0xba: {  	s31 =	sshll.u32 s1, $0xD;
	s1 =	sshrl.u32 s1, $0x2  }
0xbb: {  	s3 =	sand.u32 $0x4000, s31;
	s1 =	sadd.s32 s1, s30  }
0xbc: {  	s0 =	sor.u32 s3, s0;
	s1 =	sshll.u32 s1, $0x11  }
0xbd: {  	s0 =	sor.u32 s1, s0  }
0xbe: {  	s0 =	sadd.s32 $0x8F2B, s0  }
0xbf: {  	[sflag:s0] =	ssyncadd.remote.s32 $0x1  }
0xc0: {  	_ =	sfence.sel $0xFFFF  }
0xc1: {  	[dreg:$0x0] =	wrdreg $0xFFFFFFFF;
	(pc) =	sbr.abs _section_cstart, $3  }
0xc2: {  	[dreg:$0x1] =	wrdreg $0xFFFFFFFF  }
0xc3: {  	_ =	task.clear_ibuf [dreg:s7], $0x2FFFF;
	_ =	strace $0x9FFFFFFF  }
0xc4: {  	(tm) =	ssettm $0x7FFFFFFF  }
0xc5: {  	_ =	shalt  }
tec
execute0_lowered:
.L_overlay_start_1:
0x0: {  	(tag) =	ssettag $0x1  }
0x1: {  	s1 =	rddreg [dreg:$0x0]  }
0x2: {  	s0 =	rddreg [dreg:$0x1]  }
0x3: {  	s2 =	rddreg [dreg:$0x2]  }
0x4: {  	s3 =	rddreg [dreg:$0x3]  }
0x5: {  	s4 =	srdreg.scid;
	s20 =	stileid.u32  }
0x6: {  	s5 =	simm.s32 $0x0;
	s21 =	simm.s32 $0x8;
	s16 =	smul.u32 $0x8C00, s20  }
0x7: {  	s29 =	simm.s32 $0x50;
	s4 =	sand.u32 $0x1, s4;
	s18 =	smul.u32 $0x46000, s20  }
0x8: {  	[smem:$0x7FF] =	sst s5;
	s31 =	smin.u32 s20, $0xD;
	s24 =	smul.u32 $0x230, s20  }
0x9: {  	s6 =	sshll.u32 s4, $0x4;
	s14 =	ssub.s32 $0x2, s4;
	s4 =	smul.u32 $0x2710, s4  }
0xa: {  	s7 =	sadd.s32 $0x1AE00, s0;
	s9 =	sadd.s32 $0xC000, s0;
	s17 =	smul.u32 $0x1400, s31  }
0xb: {  	s10 =	sadd.s32 $0x2200, s0;
	s11 =	sadd.s32 $0x29C00, s0;
	s22 =	smul.u32 $0xA000, s31  }
0xc: {  	p0 =	slt.u32 s20, $0xD;
	s25 =	smul.u32 $0x50, s31;
	s12 =	sor.u32 s20, s6  }
0xd: {  	_ =	strace $0x8000004A;
	s21 =	simm.s32 @!p0 $0x7;
	s8 =	smul.u32 $0x7D, s12  }
0xe: {  	s6 =	sadd.s32 $0x15E00, s0;
	s30 =	sshrl.u32 s14, $0x1;
	s13 =	smul.u32 $0x4E2, s12  }
0xf: {  	[dreg:$0x5] =	wrdreg s21;
	s15 =	smul.u32 $0x2710, s12;
	s12 =	sadd.s32 $0x1FE00, s0  }
0x10: {  	s0 =	ssub.s32 s14, s30;
	s26 =	sadd.s32 s17, s16;
	s28 =	sadd.s32 s22, s18  }
0x11: {  	s4 =	sadd.s32 s24, s4;
	s24 =	simm.s32 $0xF;
	s16 =	simm.s32 $0x0  }
0x12: {  	s0 =	smax.u32 s0, $0x1;
	s30 =	sshrl.u32 s26, $0x2;
	s31 =	sshrl.u32 s28, $0x2  }
0x13: {  	s15 =	sshrl.u32 s15, $0x3;
	s19 =	sadd.s32 s9, s13;
	[dreg:$0xa] =	wrdreg s0  }
0x14: {  	s13 =	sadd.s32 s10, s13;
	s0 =	sadd.s32 s25, s4;
	[dreg:$0x6] =	wrdreg s19  }
0x15: {  	s20 =	sadd.s32 s31, s2;
	[dreg:$0x7] =	wrdreg s13;
	s4 =	sshll.u32 s0, $0x1  }
0x16: {  	s15 =	sadd.s32 $0xA, s15;
	s0 =	sshll.u32 s0, $0x4;
	[dreg:$0xb] =	wrdreg s4  }
0x17: {  	s25 =	simm.s32 $0x17570;
	s23 =	sadd.s32 s9, s15;
	[dreg:$0xc] =	wrdreg s0  }
0x18: {  	s19 =	sadd.s32 s30, s3;
	s15 =	sadd.s32 s10, s15;
	[dreg:$0x8] =	wrdreg s23  }
0x19: {  	v0 =	vimm.f32 $0.0e+00;
	s4 =	simm.s32 $0x7;
	[dreg:$0x9] =	wrdreg s15;
	s23 =	simm.s32 $0x1A770  }
.LBB2_1:
0x1a: {  	s0 =	simm.s32 $0x1CFE0  }
0x1b: {  	[tilespmem:s0+$0xFFFFD800] =	vst v0  }
0x1c: {  	[tilespmem:s0+$0xFFFFFFF0] =	vst v0  }
0x1d: {  	[tilespmem:s0+$0xFFFFD7F0] =	vst v0  }
0x1e: {  	[tilespmem:s0+$0xFFFFFFE0] =	vst v0  }
0x1f: {  	[tilespmem:s0+$0xFFFFD7E0] =	vst v0  }
0x20: {  	[tilespmem:s0+$0xFFFFFFD0] =	vst v0  }
0x21: {  	[tilespmem:s0+$0xFFFFD7D0] =	vst v0  }
0x22: {  	[tilespmem:s0+$0xFFFFFFC0] =	vst v0  }
0x23: {  	[tilespmem:s0+$0xFFFFD7C0] =	vst v0  }
0x24: {  	[tilespmem:s0+$0xFFFFFFB0] =	vst v0  }
0x25: {  	[tilespmem:s0+$0xFFFFD7B0] =	vst v0  }
0x26: {  	[tilespmem:s0+$0xFFFFFFA0] =	vst v0  }
0x27: {  	[tilespmem:s0+$0xFFFFD7A0] =	vst v0  }
0x28: {  	[tilespmem:s0+$0xFFFFFF90] =	vst v0  }
0x29: {  	[tilespmem:s0+$0xFFFFD790] =	vst v0  }
0x2a: {  	s14 =	simm.s32 $0x0;
	s13 =	simm.s32 $0x40;
	[tilespmem:s0+$0x0] =	vst v0  }
.LBB2_2:
0x2b: {  	p0 =	sne.s32 s13, $0x13C0;
	[tilespmem:s14+$0x17A70] =	vst v0  }
0x2c: {  	s0 =	sadd.s32 $0x80, s0;
	[tilespmem:s14+$0x17570] =	vst v0  }
0x2d: {  	[tilespmem:s0+$0xFFFFD800] =	vst v0  }
0x2e: {  	[tilespmem:s0+$0xFFFFFFF0] =	vst v0  }
0x2f: {  	[tilespmem:s0+$0xFFFFD7F0] =	vst v0  }
0x30: {  	[tilespmem:s0+$0xFFFFFFE0] =	vst v0  }
0x31: {  	[tilespmem:s0+$0xFFFFD7E0] =	vst v0  }
0x32: {  	[tilespmem:s0+$0xFFFFFFD0] =	vst v0  }
0x33: {  	[tilespmem:s0+$0xFFFFD7D0] =	vst v0  }
0x34: {  	[tilespmem:s0+$0xFFFFFFC0] =	vst v0  }
0x35: {  	[tilespmem:s0+$0xFFFFD7C0] =	vst v0  }
0x36: {  	[tilespmem:s0+$0xFFFFFFB0] =	vst v0  }
0x37: {  	[tilespmem:s0+$0xFFFFD7B0] =	vst v0  }
.Ltmp0:
0x38: {  	[tilespmem:s0+$0xFFFFFFA0] =	vst v0;
	(pc) =	sbr.rel @p0 .LBB2_2-.Ltmp0, $4  }
0x39: {  	[tilespmem:s0+$0xFFFFD7A0] =	vst v0  }
0x3a: {  	[tilespmem:s0+$0xFFFFFF90] =	vst v0  }
0x3b: {  	[tilespmem:s0+$0xFFFFD790] =	vst v0  }
0x3c: {  	s14 =	sshra.s32 s13, $0x2;
	s13 =	sadd.s32 $0x40, s13;
	[tilespmem:s0+$0x0] =	vst v0  }
0x3d: {  	[tilespmem:s14+$0x17A70] =	vst v0  }
0x3e: {  	[tilespmem:s14+$0x17570] =	vst v0  }
0x3f: {  	[spmem:s20] =	stream.linear.scatter [tilespmem:s23], [sflag:$0xF], $0x2800, $0x38;
	[tilespmem:$0x1F770] =	vst v63  }
0x40: {  	p0 =	sne.s32 s21, $0x1;
	_ =	swait.ge [sflag:s24], $0x2800  }
.Ltmp1:
0x41: {  	[sflag:s24] =	ssyncset.done $0x0;
	(pc) =	sbr.rel @!p0 .LBB2_5-.Ltmp1, $4  }
0x42: {  	[sflag:s24] =	ssyncadd.s32 $0xFFFFD800  }
0x43: {  	[spmem:s19] =	stream.linear.scatter [tilespmem:s25], [sflag:$0xF], $0x500, $0x38;
	[tilespmem:$0x1F770] =	vst v63  }
0x44: {  	s0 =	sadd.s32 $0xFFFFFFFF, s21;
	_ =	swait.ge [sflag:s24], $0x500  }
0x45: {  	s13 =	smov.u32 s19;
	s14 =	smov.u32 s20;
	[sflag:s24] =	ssyncset.done $0x0  }
.LBB2_4:
0x46: {  	[sflag:s24] =	ssyncadd.s32 $0xFFFFFB00;
	s13 =	sadd.s32 $0x500, s13;
	s14 =	sadd.s32 $0x2800, s14  }
0x47: {  	[spmem:s14] =	stream.linear.scatter [tilespmem:s23], [sflag:$0xF], $0x2800, $0x38;
	[tilespmem:$0x1F770] =	vst v63  }
0x48: {  	p1 =	sne.s32 s0, $0x1;
	s0 =	sadd.s32 $0xFFFFFFFF, s0;
	_ =	swait.ge [sflag:s24], $0x2800  }
.Ltmp2:
0x49: {  	[sflag:s24] =	ssyncset.done $0x0;
	(pc) =	sbr.rel @p1 .LBB2_4-.Ltmp2, $4  }
0x4a: {  	[sflag:s24] =	ssyncadd.s32 $0xFFFFD800  }
0x4b: {  	[spmem:s13] =	stream.linear.scatter [tilespmem:s25], [sflag:$0xF], $0x500, $0x38;
	[tilespmem:$0x1F770] =	vst v63  }
0x4c: {  	_ =	swait.ge [sflag:s24], $0x500  }
0x4d: {  	[sflag:s24] =	ssyncset.done $0x0  }
.LBB2_5:
0x4e: {  	[sflag:s24] =	ssyncadd.s32 $0xFFFFFB00  }
0x4f: {  	[bflag:$0x0] =	sbarrier.arrive $0xFFFF  }
0x50: {  	s17 =	simm.s32 $0x0;
	s13 =	simm.s32 $0x15F90;
	s0 =	rddreg [dreg:$0x6]  }
0x51: {  	[tilespmem:s13], [sflag:$0xF] =	stream.linear.gather [hbm4b:s0+s17], $0x50, $0x38;
	[tilespmem:$0x1F770] =	vst v63  }
0x52: {  	_ =	swait.ge [sflag:s24], $0x50  }
0x53: {  	[sflag:s24] =	ssyncset.done $0x0  }
0x54: {  	s14 =	simm.s32 $0x16080;
	s30 =	rddreg [dreg:$0x7];
	[sflag:s24] =	ssyncadd.s32 $0xFFFFFFB0  }
0x55: {  	[tilespmem:s14], [sflag:$0xF] =	stream.linear.gather [hbm4b:s30+s17], $0x50, $0x38;
	[tilespmem:$0x1F770] =	vst v63  }
0x56: {  	_ =	swait.ge [sflag:s24], $0x50  }
0x57: {  	[sflag:s24] =	ssyncset.done $0x0  }
0x58: {  	s31 =	simm.s32 $0x1CF70;
	[sflag:s24] =	ssyncadd.s32 $0xFFFFFFB0  }
0x59: {  	[spmem:s2] =	stream.indirect.scatter.add.f32 [tilespmem:s31], [sflag:$0x8], $0x80, s14, s29, $0xb8;
	[tilespmem:$0x1F770] =	vst v63  }
0x5a: {  	s15 =	simm.s32 $0x17A70  }
0x5b: {  	[spmem:s3] =	stream.indirect.scatter.add.f32 [tilespmem:s15], [sflag:$0x8], $0x10, s14, s29, $0xb8;
	[tilespmem:$0x1F770] =	vst v63  }
0x5c: {  	s18 =	simm.s32 $0x17F70  }
0x5d: {  	[tilespmem:s18], [sflag:$0x1] =	stream.indirect.gather [hbm4b:s1+s29], $0x40, s13, s29, $0xb8;
	[tilespmem:$0x1F770] =	vst v63  }
0x5e: {  	s21 =	simm.s32 $0x16170  }
0x5f: {  	[tilespmem:s21], [sflag:$0x3] =	stream.indirect.gather [hbm4b:s6+s29], $0x10, s13, s29, $0xb8;
	[tilespmem:$0x1F770] =	vst v63  }
0x60: {  	s22 =	simm.s32 $0x16B70  }
0x61: {  	[tilespmem:s22], [sflag:$0x5] =	stream.indirect.gather [hbm4b:s7+s29], $0x10, s14, s29, $0xb8;
	[tilespmem:$0x1F770] =	vst v63  }
0x62: {  	s28 =	simm.s32 $0x15FE0;
	s26 =	rddreg [dreg:$0x8]  }
0x63: {  	[tilespmem:s28], [sflag:$0xA] =	stream.linear.gather [hbm4b:s26+s17], $0x50, $0x38;
	[tilespmem:$0x1F770] =	vst v63  }
0x64: {  	p1 =	por $0x0, $0x0;
	s30 =	rddreg [dreg:$0x9];
	s31 =	simm.s32 $0x160D0  }
0x65: {  	[tilespmem:s31], [sflag:$0xD] =	stream.linear.gather [hbm4b:s30+s17], $0x50, $0x38;
	[tilespmem:$0x1F770] =	vst v63  }
.LBB2_6:
0x66: {  	s18 =	sand.u32 $0x1, s17  }
0x67: {  	s0 =	smul.u32 $0xAB, s17;
	s13 =	sadd.s32 $0x1, s18  }
0x68: {  	_ =	swait.ge [sflag:s13], $0x1400  }
0x69: {  	s14 =	sadd.s32 $0xAB, s0;
	[sflag:s13] =	ssyncset.done $0x0  }
0x6a: {  	s22 =	sadd.s32 $0x3, s18;
	s14 =	sshrl.u32 s14, $0x9;
	[sflag:s13] =	ssyncadd.s32 $0xFFFFEC00  }
0x6b: {  	s14 =	sand.u32 $0x7F, s14;
	_ =	swait.ge [sflag:s22], $0x500  }
0x6c: {  	s14 =	smul.u32 $0x3, s14;
	[sflag:s22] =	ssyncset.done $0x0  }
0x6d: {  	s26 =	sadd.s32 $0x1, s17;
	s15 =	sadd.s32 $0x5, s18;
	[sflag:s22] =	ssyncadd.s32 $0xFFFFFB00  }
0x6e: {  	s14 =	ssub.s32 s26, s14;
	_ =	swait.ge [sflag:s15], $0x500  }
0x6f: {  	s14 =	sand.u32 $0xFF, s14;
	[sflag:s15] =	ssyncset.done $0x0  }
0x70: {  	s21 =	sadd.s32 $0x9, s14;
	[sflag:s15] =	ssyncadd.s32 $0xFFFFFB00  }
0x71: {  	_ =	swait.ge [sflag:s21], $0x50  }
0x72: {  	[sflag:s21] =	ssyncset.done $0x0  }
0x73: {  	s22 =	sor.u32 $0xC, s14;
	[sflag:s21] =	ssyncadd.s32 $0xFFFFFFB0  }
0x74: {  	s0 =	sadd.s32 $0x156, s0;
	_ =	swait.ge [sflag:s22], $0x50  }
0x75: {  	s0 =	sshrl.u32 s0, $0x9;
	s15 =	sxor.u32 $0x1, s18;
	[sflag:s22] =	ssyncset.done $0x0  }
0x76: {  	s0 =	sand.u32 $0x7F, s0;
	s13 =	sadd.s32 $0x7, s15;
	[sflag:s22] =	ssyncadd.s32 $0xFFFFFFB0  }
0x77: {  	s0 =	smul.u32 $0x3, s0;
	_ =	swait.ge [sflag:s13], $0x2800  }
0x78: {  	s14 =	smul.u32 $0x50, s14;
	[sflag:s13] =	ssyncset.done $0x0  }
0x79: {  	s21 =	smul.u32 $0x5000, s15;
	[sflag:s13] =	ssyncadd.s32 $0xFFFFD800  }
0x7a: {  	s28 =	smul.u32 $0x500, s15;
	_ =	swait.ge [sflag:s13], $0x500  }
0x7b: {  	s21 =	sshrl.u32 s21, $0x2;
	s22 =	sadd.s32 $0x15F90, s14;
	[sflag:s13] =	ssyncset.done $0x0  }
0x7c: {  	[sflag:s13] =	ssyncadd.s32 $0xFFFFFB00;
	s13 =	sadd.s32 $0x17F70, s21;
	s21 =	sadd.s32 $0x1, s15  }
0x7d: {  	[tilespmem:s13], [sflag:s21] =	stream.indirect.gather [hbm4b:s1+s29], $0x40, s22, s29, $0xb8;
	[tilespmem:$0x1F770] =	vst v63  }
0x7e: {  	s14 =	sadd.s32 $0x16080, s14;
	s13 =	sadd.s32 $0x16170, s28;
	s21 =	sadd.s32 $0x3, s15  }
0x7f: {  	[tilespmem:s13], [sflag:s21] =	stream.indirect.gather [hbm4b:s6+s29], $0x10, s22, s29, $0xb8;
	[tilespmem:$0x1F770] =	vst v63  }
0x80: {  	s28 =	sadd.s32 $0x16B70, s28;
	s21 =	simm.s32 $0x1;
	s22 =	sadd.s32 $0x2, s17  }
0x81: {  	s15 =	sadd.s32 $0x5, s15;
	s21 =	simm.s32 @!p1 $0x0;
	s0 =	ssub.s32 s22, s0  }
0x82: {  	s22 =	smin.u32 s22, $0x7C;
	s13 =	smul.u32 $0x1400, s21;
	s0 =	sand.u32 $0xFF, s0  }
0x83: {  	[tilespmem:s28], [sflag:s15] =	stream.indirect.gather [hbm4b:s7+s29], $0x10, s14, s29, $0xb8;
	[tilespmem:$0x1F770] =	vst v63  }
0x84: {  	s22 =	sadd.s32 s8, s22;
	s31 =	smul.u32 $0x50, s0  }
0x85: {  	s22 =	smul.u32 $0xA, s22  }
0x86: {  	s15 =	sadd.s32 $0x9, s0;
	s0 =	sor.u32 $0xC, s0  }
0x87: {  	s30 =	sshrl.u32 s13, $0x2;
	s14 =	sadd.s32 $0x15F90, s31;
	s28 =	sadd.s32 s9, s22  }
0x88: {  	[tilespmem:s14], [sflag:s15] =	stream.linear.gather [hbm4b:s28+s5], $0x50, $0x38;
	[tilespmem:$0x1F770] =	vst v63  }
0x89: {  	s13 =	sadd.s32 $0x16190, s30;
	s22 =	sadd.s32 s10, s22;
	s15 =	sadd.s32 $0x16080, s31  }
0x8a: {  	[tilespmem:s15], [sflag:s0] =	stream.linear.gather [hbm4b:s22+s5], $0x50, $0x38;
	[tilespmem:$0x1F770] =	vst v63  }
0x8b: {  	s15 =	sadd.s32 $0x16B90, s30;
	v1 =	vld [tilespmem:s13+$0x10]  }
0x8c: {  	v2 =	vld [tilespmem:s15+$0x10];
	_ =	sdelay $0x4  }
0x8d: {  	v1 =	vadd.f32 v2, v1;
	_ =	sdelay $0x1  }
0x8e: {  	v3 =	vld [tilespmem:s15+$0xFFFFFFE0];
	v6 =	vmul.f32 $2.000000030e-01, v1  }
0x8f: {  	v4 =	vld [tilespmem:s13+$0xFFFFFFF0]  }
0x90: {  	v2 =	vld [tilespmem:s15+$0xFFFFFFF0];
	v1 =	vmax.f32 v1, v6  }
0x91: {  	v5 =	vld [tilespmem:s13+$0xFFFFFFE0];
	v1 =	vmul.f32 $1.442695020e+00, v1;
	_ =	sdelay $0x1  }
0x92: {  	(erf) = vpow2.f32 v1;
	_ =	sdelay $0x1  }
0x93: {  	v2 =	vadd.f32 v2, v4  }
0x94: {  	v3 =	vadd.f32 v3, v5  }
0x95: {  	v1 =	vmul.f32 $2.000000030e-01, v2  }
0x96: {  	v5 =	vld [tilespmem:s15+$0x0];
	v4 =	vmul.f32 $2.000000030e-01, v3  }
0x97: {  	v1 =	vmax.f32 v2, v1;
	v2 =	vld [tilespmem:s13+$0x0]  }
0x98: {  	s22 =	smul.u32 $0x5000, s21;
	_ =	sdelay $0x1  }
0x99: {  	s0 =	sshrl.u32 s22, $0x2;
	s22 =	sadd.s32 $0x17590, s30;
	v3 =	vmax.f32 v3, v4;
	v1 =	vmul.f32 $1.442695020e+00, v1;
	v4 =	vpop (erf)  }
0x9a: {  	s14 =	sadd.s32 $0x17FF0, s0;
	[tilespmem:s22+$0x10] =	vst v4  }
0x9b: {  	v3 =	vmul.f32 $1.442695020e+00, v3;
	(erf) = vpow2.f32 v1;
	v1 =	vadd.f32 v5, v2;
	v2 =	vld [tilespmem:s14+$0x40];
	_ =	sdelay $0x1  }
0x9c: {  	(erf) = vpow2.f32 v3;
	v3 =	vmul.f32 $2.000000030e-01, v1;
	_ =	sdelay $0x1  }
0x9d: {  	s21 =	smul.u32 $0xA000, s21;
	s15 =	sadd.s32 $0x40, s15;
	v1 =	vmax.f32 v1, v3  }
0x9e: {  	v10 =	vld [tilespmem:s15+$0xFFFFFFE0];
	v1 =	vmul.f32 $1.442695020e+00, v1;
	v3 =	vunpack.i.l.bf16.f32 v2  }
0x9f: {  	s21 =	sshrl.u32 s21, $0x2;
	v12 =	vld [tilespmem:s15+$0xFFFFFFF0];
	v2 =	vunpack.i.u.bf16.f32 v2;
	v3 =	vmul.f32 v4, v3  }
0xa0: {  	s30 =	sadd.s32 $0x1A870, s21;
	v16 =	vld [tilespmem:s15+$0x0];
	s13 =	sadd.s32 $0x40, s13;
	(erf) = vpow2.f32 v1;
	v2 =	vmul.f32 v4, v2  }
0xa1: {  	[tilespmem:s30+$0x80] =	vst v3;
	v3 =	vld [tilespmem:s13+$0x10]  }
0xa2: {  	[tilespmem:s30+$0x90] =	vst v2;
	v2 =	vld [tilespmem:s15+$0x10]  }
0xa3: {  	v6 =	vpop (erf);
	v9 =	vld [tilespmem:s14+$0x50]  }
0xa4: {  	v11 =	vld [tilespmem:s13+$0xFFFFFFF0];
	v7 =	vpop (erf)  }
0xa5: {  	v13 =	vld [tilespmem:s13+$0x0];
	[tilespmem:s22+$0xFFFFFFE0] =	vst v7  }
0xa6: {  	v5 =	vld [tilespmem:s14+$0xFFFFFF80]  }
0xa7: {  	v14 =	vld [tilespmem:s13+$0xFFFFFFE0];
	[tilespmem:s22+$0xFFFFFFF0] =	vst v6;
	v2 =	vadd.f32 v2, v3  }
0xa8: {  	v1 =	vld [tilespmem:s14+$0xFFFFFFC0];
	v15 =	vunpack.i.l.bf16.f32 v9  }
0xa9: {  	v8 =	vpop (erf);
	v9 =	vunpack.i.u.bf16.f32 v9;
	v17 =	vmul.f32 $2.000000030e-01, v2;
	v15 =	vmul.f32 v15, v4  }
0xaa: {  	v11 =	vadd.f32 v12, v11;
	[tilespmem:s22+$0x0] =	vst v8;
	v9 =	vmul.f32 v9, v4  }
0xab: {  	v19 =	vunpack.i.u.bf16.f32 v5;
	v5 =	vunpack.i.l.bf16.f32 v5;
	v2 =	vmax.f32 v2, v17;
	[tilespmem:s30+$0xA0] =	vst v15  }
0xac: {  	v13 =	vadd.f32 v16, v13;
	v5 =	vmul.f32 v7, v5;
	v18 =	vld [tilespmem:s14+$0x0];
	[tilespmem:s30+$0xB0] =	vst v9;
	v2 =	vmul.f32 $1.442695020e+00, v2  }
0xad: {  	v12 =	vmul.f32 v7, v19;
	v3 =	vunpack.i.u.bf16.f32 v1;
	v9 =	vadd.f32 v10, v14;
	v10 =	vld [tilespmem:s14+$0x60]  }
0xae: {  	v1 =	vunpack.i.l.bf16.f32 v1;
	v14 =	vmul.f32 $2.000000030e-01, v11;
	(erf) = vpow2.f32 v2  }
0xaf: {  	v1 =	vmul.f32 v6, v1;
	[tilespmem:s30+$0xFFFFFF00] =	vst v5;
	v5 =	vmul.f32 $2.000000030e-01, v9  }
0xb0: {  	v3 =	vmul.f32 v6, v3;
	[tilespmem:s30+$0xFFFFFF10] =	vst v12;
	v12 =	vmul.f32 $2.000000030e-01, v13;
	v11 =	vmax.f32 v11, v14  }
0xb1: {  	[tilespmem:s30+$0xFFFFFF80] =	vst v1;
	v15 =	vunpack.i.l.bf16.f32 v18;
	v5 =	vmax.f32 v9, v5;
	v9 =	vmul.f32 $1.442695020e+00, v11  }
0xb2: {  	[tilespmem:s30+$0xFFFFFF90] =	vst v3;
	v3 =	vmax.f32 v13, v12;
	v1 =	vmul.f32 v8, v15;
	v12 =	vunpack.i.l.bf16.f32 v10  }
0xb3: {  	v14 =	vld [tilespmem:s14+$0xFFFFFF90];
	v2 =	vunpack.i.u.bf16.f32 v18;
	(erf) = vpow2.f32 v9;
	v9 =	vmul.f32 v12, v4  }
0xb4: {  	v2 =	vmul.f32 v8, v2;
	v11 =	vld [tilespmem:s14+$0xFFFFFFD0]  }
0xb5: {  	[tilespmem:s30+$0x0] =	vst v1  }
0xb6: {  	v5 =	vmul.f32 $1.442695020e+00, v5;
	v1 =	vunpack.i.u.bf16.f32 v10;
	[tilespmem:s30+$0x10] =	vst v2  }
0xb7: {  	s22 =	sadd.s32 $0x40, s22;
	v1 =	vmul.f32 v1, v4;
	[tilespmem:s30+$0xC0] =	vst v9;
	v9 =	vpop (erf)  }
0xb8: {  	s0 =	sadd.s32 $0x100, s14;
	v3 =	vmul.f32 $1.442695020e+00, v3;
	(erf) = vpow2.f32 v5;
	v2 =	vunpack.i.l.bf16.f32 v14;
	v5 =	vld [tilespmem:s14+$0x10];
	[tilespmem:s22+$0x10] =	vst v9  }
0xb9: {  	[tilespmem:s30+$0xD0] =	vst v1;
	v1 =	vmul.f32 v2, v7;
	v2 =	vunpack.i.l.bf16.f32 v11;
	v10 =	vunpack.i.u.bf16.f32 v11;
	v11 =	vld [tilespmem:s0+$0x40]  }
0xba: {  	s28 =	sadd.s32 $0x40, s15  }
0xbb: {  	v20 =	vld [tilespmem:s28+$0x10];
	(erf) = vpow2.f32 v3;
	v3 =	vunpack.i.u.bf16.f32 v14;
	v2 =	vmul.f32 v2, v6  }
0xbc: {  	v24 =	vld [tilespmem:s28+$0xFFFFFFF0];
	s13 =	sadd.s32 $0x40, s13;
	v3 =	vmul.f32 v3, v7;
	[tilespmem:s30+$0xFFFFFF20] =	vst v1  }
0xbd: {  	v21 =	vld [tilespmem:s13+$0xFFFFFFF0];
	v10 =	vmul.f32 v10, v6;
	[tilespmem:s30+$0xFFFFFFA0] =	vst v2;
	v2 =	vunpack.i.l.bf16.f32 v5  }
0xbe: {  	v17 =	vld [tilespmem:s13+$0x10];
	[tilespmem:s30+$0xFFFFFF30] =	vst v3;
	v12 =	vmul.f32 v2, v8;
	v14 =	vunpack.i.l.bf16.f32 v11  }
0xbf: {  	[tilespmem:s30+$0xFFFFFFB0] =	vst v10;
	v10 =	vld [tilespmem:s14+$0x70];
	v11 =	vunpack.i.u.bf16.f32 v11;
	v14 =	vmul.f32 v9, v14  }
0xc0: {  	s31 =	sadd.s32 $0x200, s30;
	v13 =	vld [tilespmem:s14+$0xFFFFFFA0];
	[tilespmem:s30+$0x20] =	vst v12;
	v11 =	vmul.f32 v9, v11  }
0xc1: {  	[tilespmem:s31+$0x80] =	vst v14  }
0xc2: {  	v5 =	vunpack.i.u.bf16.f32 v5;
	v15 =	vld [tilespmem:s14+$0xFFFFFFE0];
	v1 =	vpop (erf);
	[tilespmem:s31+$0x90] =	vst v11  }
0xc3: {  	v5 =	vmul.f32 v5, v8;
	[tilespmem:s22+$0xFFFFFFF0] =	vst v1;
	v3 =	vpop (erf);
	v11 =	vld [tilespmem:s0+$0x50]  }
0xc4: {  	v21 =	vadd.f32 v24, v21;
	v17 =	vadd.f32 v20, v17;
	[tilespmem:s22+$0xFFFFFFE0] =	vst v3;
	v16 =	vld [tilespmem:s0+$0xFFFFFFC0];
	v18 =	vunpack.i.u.bf16.f32 v10  }
0xc5: {  	[tilespmem:s30+$0x30] =	vst v5;
	v2 =	vpop (erf);
	v19 =	vunpack.i.u.bf16.f32 v13;
	v13 =	vunpack.i.l.bf16.f32 v13;
	v12 =	vld [tilespmem:s0+$0xFFFFFF80];
	v18 =	vmul.f32 v18, v4  }
0xc6: {  	v20 =	vld [tilespmem:s28+$0x0];
	v10 =	vunpack.i.l.bf16.f32 v10;
	[tilespmem:s22+$0x0] =	vst v2;
	v19 =	vmul.f32 v19, v7;
	v13 =	vmul.f32 v13, v7  }
0xc7: {  	v5 =	vld [tilespmem:s14+$0x20];
	v22 =	vunpack.i.u.bf16.f32 v15;
	v15 =	vunpack.i.l.bf16.f32 v15;
	v4 =	vmul.f32 v10, v4;
	[tilespmem:s30+$0xF0] =	vst v18  }
0xc8: {  	v15 =	vmul.f32 v15, v6;
	v18 =	vld [tilespmem:s28+$0xFFFFFFE0];
	[tilespmem:s30+$0xFFFFFF50] =	vst v19;
	v19 =	vmul.f32 $2.000000030e-01, v17;
	v23 =	vunpack.i.l.bf16.f32 v11  }
0xc9: {  	[tilespmem:s30+$0xFFFFFF40] =	vst v13;
	v14 =	vld [tilespmem:s0+$0x0];
	v25 =	vunpack.i.u.bf16.f32 v16;
	v11 =	vunpack.i.u.bf16.f32 v11;
	v23 =	vmul.f32 v23, v9  }
0xca: {  	v13 =	vld [tilespmem:s13+$0x0];
	[tilespmem:s30+$0xFFFFFFC0] =	vst v15;
	v16 =	vunpack.i.l.bf16.f32 v16;
	v26 =	vunpack.i.l.bf16.f32 v12;
	v11 =	vmul.f32 v11, v9  }
0xcb: {  	v12 =	vunpack.i.u.bf16.f32 v12;
	v16 =	vmul.f32 v1, v16;
	[tilespmem:s31+$0xA0] =	vst v23;
	v23 =	vmul.f32 v3, v26;
	v26 =	vld [tilespmem:s13+$0xFFFFFFE0]  }
0xcc: {  	v17 =	vmax.f32 v17, v19;
	v19 =	vunpack.i.u.bf16.f32 v5;
	v12 =	vmul.f32 v3, v12;
	[tilespmem:s31+$0xB0] =	vst v11  }
0xcd: {  	v5 =	vunpack.i.l.bf16.f32 v5;
	v17 =	vmul.f32 $1.442695020e+00, v17;
	[tilespmem:s31+$0xFFFFFF80] =	vst v16;
	v16 =	vmul.f32 v1, v25;
	v24 =	vld [tilespmem:s0+$0x60]  }
0xce: {  	v5 =	vmul.f32 v5, v8;
	[tilespmem:s31+$0xFFFFFF10] =	vst v12;
	v11 =	vunpack.i.u.bf16.f32 v14;
	v14 =	vunpack.i.l.bf16.f32 v14  }
0xcf: {  	(erf) = vpow2.f32 v17;
	[tilespmem:s31+$0xFFFFFF90] =	vst v16;
	v14 =	vmul.f32 v2, v14  }
0xd0: {  	v13 =	vadd.f32 v20, v13;
	v11 =	vmul.f32 v2, v11;
	[tilespmem:s31+$0xFFFFFF00] =	vst v23;
	v18 =	vadd.f32 v18, v26  }
0xd1: {  	v12 =	vmul.f32 v22, v6;
	v16 =	vmul.f32 $2.000000030e-01, v21;
	[tilespmem:s31+$0x0] =	vst v14  }
0xd2: {  	v15 =	vmul.f32 $2.000000030e-01, v13;
	[tilespmem:s31+$0x10] =	vst v11;
	v11 =	vld [tilespmem:s0+$0xFFFFFF90];
	v14 =	vunpack.i.l.bf16.f32 v24;
	v17 =	vmul.f32 $2.000000030e-01, v18  }
0xd3: {  	[tilespmem:s30+$0x40] =	vst v5;
	v16 =	vmax.f32 v21, v16;
	v20 =	vunpack.i.u.bf16.f32 v24;
	v14 =	vmul.f32 v14, v9  }
0xd4: {  	[tilespmem:s30+$0xFFFFFFD0] =	vst v12;
	v16 =	vmul.f32 $1.442695020e+00, v16;
	v10 =	vld [tilespmem:s0+$0x10];
	v20 =	vmul.f32 v20, v9;
	v17 =	vmax.f32 v18, v17  }
0xd5: {  	v19 =	vmul.f32 v19, v8;
	v13 =	vmax.f32 v13, v15;
	[tilespmem:s31+$0xC0] =	vst v14;
	v14 =	vld [tilespmem:s0+$0xFFFFFFD0];
	v15 =	vmul.f32 $1.442695020e+00, v17  }
0xd6: {  	v12 =	vmul.f32 $1.442695020e+00, v13;
	(erf) = vpow2.f32 v16;
	[tilespmem:s31+$0xD0] =	vst v20  }
0xd7: {  	[tilespmem:s30+$0x50] =	vst v19;
	v5 =	vunpack.i.l.bf16.f32 v11;
	v13 =	vld [tilespmem:s0+$0x70];
	(erf) = vpow2.f32 v15  }
0xd8: {  	s21 =	sadd.s32 $0x40, s22;
	[tilespmem:s30+$0xE0] =	vst v4;
	v16 =	vld [tilespmem:s14+$0x30];
	v4 =	vpop (erf);
	v11 =	vunpack.i.u.bf16.f32 v11;
	v5 =	vmul.f32 v5, v3;
	(erf) = vpow2.f32 v12  }
0xd9: {  	[tilespmem:s21+$0x10] =	vst v4;
	v11 =	vmul.f32 v11, v3;
	v18 =	vunpack.i.u.bf16.f32 v10;
	v10 =	vunpack.i.l.bf16.f32 v10;
	v15 =	vld [tilespmem:s14+$0xFFFFFFB0]  }
0xda: {  	v21 =	vmul.f32 v10, v2;
	[tilespmem:s31+$0xFFFFFF20] =	vst v5;
	v12 =	vld [tilespmem:s14+$0xFFFFFFF0];
	s14 =	sadd.s32 $0x100, s0;
	v17 =	vunpack.i.l.bf16.f32 v14  }
0xdb: {  	[tilespmem:s31+$0xFFFFFF30] =	vst v11;
	v5 =	vunpack.i.u.bf16.f32 v14;
	v19 =	vld [tilespmem:s14+$0x40];
	v14 =	vmul.f32 v17, v1  }
0xdc: {  	[tilespmem:s31+$0x20] =	vst v21;
	v17 =	vunpack.i.u.bf16.f32 v13;
	v20 =	vmul.f32 v5, v1  }
0xdd: {  	v23 =	vunpack.i.u.bf16.f32 v16;
	v11 =	vmul.f32 v17, v9;
	[tilespmem:s31+$0xFFFFFFA0] =	vst v14  }
0xde: {  	v22 =	vld [tilespmem:s0+$0xFFFFFFA0];
	v17 =	vunpack.i.u.bf16.f32 v15;
	v15 =	vunpack.i.l.bf16.f32 v15;
	[tilespmem:s31+$0xFFFFFFB0] =	vst v20;
	v20 =	vunpack.i.l.bf16.f32 v13  }
0xdf: {  	v5 =	vpop (erf);
	v10 =	vunpack.i.u.bf16.f32 v12;
	[tilespmem:s31+$0xF0] =	vst v11;
	v11 =	vunpack.i.l.bf16.f32 v12;
	v14 =	vmul.f32 v15, v7  }
0xe0: {  	v13 =	vmul.f32 v17, v7;
	[tilespmem:s21+$0xFFFFFFF0] =	vst v5;
	v15 =	vld [tilespmem:s0+$0xFFFFFFE0];
	v12 =	vmul.f32 v11, v6;
	v17 =	vunpack.i.l.bf16.f32 v19;
	v7 =	vpop (erf)  }
0xe1: {  	v16 =	vunpack.i.l.bf16.f32 v16;
	v11 =	vmul.f32 v10, v6;
	v24 =	vld [tilespmem:s14+$0xFFFFFFC0];
	v17 =	vmul.f32 v4, v17;
	[tilespmem:s21+$0xFFFFFFE0] =	vst v7;
	v6 =	vpop (erf)  }
0xe2: {  	s15 =	sadd.s32 $0x200, s31;
	v18 =	vmul.f32 v18, v2;
	v10 =	vmul.f32 v16, v8;
	v16 =	vunpack.i.u.bf16.f32 v19;
	v25 =	vld [tilespmem:s14+$0xFFFFFF80];
	[tilespmem:s21+$0x0] =	vst v6  }
0xe3: {  	v21 =	vunpack.i.l.bf16.f32 v22;
	v9 =	vmul.f32 v20, v9;
	v16 =	vmul.f32 v4, v16;
	[tilespmem:s15+$0x80] =	vst v17;
	v17 =	vld [tilespmem:s14+$0x0]  }
0xe4: {  	v26 =	vmul.f32 v21, v3;
	v8 =	vmul.f32 v23, v8;
	v19 =	vunpack.i.u.bf16.f32 v22  }
0xe5: {  	v20 =	vmul.f32 v19, v3;
	[tilespmem:s15+$0x90] =	vst v16;
	v16 =	vunpack.i.u.bf16.f32 v15;
	v15 =	vunpack.i.l.bf16.f32 v15  }
0xe6: {  	[tilespmem:s31+$0x30] =	vst v18;
	v19 =	vld [tilespmem:s14+$0x50];
	v21 =	vunpack.i.u.bf16.f32 v24;
	v23 =	vunpack.i.l.bf16.f32 v24;
	v15 =	vmul.f32 v15, v1  }
0xe7: {  	s22 =	simm.s32 $0x8;
	s13 =	sadd.s32 $0x40, s13;
	v18 =	vld [tilespmem:s0+$0x20];
	[tilespmem:s31+$0xFFFFFF40] =	vst v26;
	v23 =	vmul.f32 v5, v23;
	v22 =	vunpack.i.u.bf16.f32 v25;
	v24 =	vunpack.i.l.bf16.f32 v25  }
.LBB2_7:
0xe8: {  	v25 =	vld [tilespmem:s13+$0x10];
	v24 =	vmul.f32 v7, v24;
	v26 =	vunpack.i.u.bf16.f32 v17;
	v17 =	vunpack.i.l.bf16.f32 v17;
	s28 =	sadd.s32 $0x40, s28;
	[tilespmem:s31+$0xFFFFFF50] =	vst v20  }
0xe9: {  	v22 =	vmul.f32 v7, v22;
	v21 =	vmul.f32 v5, v21;
	v20 =	vld [tilespmem:s28+$0x10];
	[tilespmem:s15+$0xFFFFFF80] =	vst v23  }
0xea: {  	v17 =	vmul.f32 v6, v17;
	v23 =	vld [tilespmem:s28+$0xFFFFFFE0];
	[tilespmem:s15+$0xFFFFFF00] =	vst v24;
	v24 =	vmul.f32 v6, v26  }
0xeb: {  	v16 =	vmul.f32 v16, v1;
	v26 =	vld [tilespmem:s13+$0xFFFFFFF0];
	[tilespmem:s15+$0xFFFFFF10] =	vst v22;
	v22 =	vunpack.i.l.bf16.f32 v19  }
0xec: {  	s22 =	sadd.s32 $0x4, s22;
	v19 =	vunpack.i.u.bf16.f32 v19;
	v27 =	vld [tilespmem:s28+$0xFFFFFFF0];
	[tilespmem:s15+$0xFFFFFF90] =	vst v21;
	v21 =	vmul.f32 v22, v4;
	v22 =	vunpack.i.u.bf16.f32 v18  }
0xed: {  	p2 =	slt.u32 s22, $0x4C;
	v18 =	vunpack.i.l.bf16.f32 v18;
	v28 =	vld [tilespmem:s13+$0x0];
	[tilespmem:s15+$0x0] =	vst v17;
	v17 =	vmul.f32 v19, v4;
	v19 =	vmul.f32 v22, v2  }
0xee: {  	v18 =	vmul.f32 v18, v2;
	v22 =	vld [tilespmem:s28+$0x0];
	v20 =	vadd.f32 v20, v25;
	[tilespmem:s15+$0xA0] =	vst v21  }
0xef: {  	v21 =	vld [tilespmem:s13+$0xFFFFFFE0];
	[tilespmem:s15+$0xB0] =	vst v17  }
0xf0: {  	v17 =	vmul.f32 $2.000000030e-01, v20;
	[tilespmem:s15+$0x10] =	vst v24;
	v24 =	vld [tilespmem:s14+$0x60]  }
0xf1: {  	v25 =	vadd.f32 v27, v26;
	v26 =	vld [tilespmem:s14+$0xFFFFFF90];
	[tilespmem:s31+$0xFFFFFFC0] =	vst v15  }
0xf2: {  	v15 =	vmax.f32 v20, v17;
	v17 =	vld [tilespmem:s14+$0xFFFFFFD0];
	[tilespmem:s31+$0xFFFFFFD0] =	vst v16  }
0xf3: {  	v16 =	vmul.f32 $2.000000030e-01, v25;
	v20 =	vadd.f32 v22, v28;
	v15 =	vmul.f32 $1.442695020e+00, v15;
	v22 =	vld [tilespmem:s14+$0x10];
	[tilespmem:s31+$0x40] =	vst v18  }
0xf4: {  	v18 =	vadd.f32 v23, v21;
	v21 =	vld [tilespmem:s0+$0xFFFFFFB0];
	[tilespmem:s31+$0x50] =	vst v19  }
0xf5: {  	v19 =	vmul.f32 $2.000000030e-01, v20;
	(erf) = vpow2.f32 v15;
	v15 =	vunpack.i.l.bf16.f32 v24;
	v23 =	vld [tilespmem:s0+$0xFFFFFFF0];
	[tilespmem:s30+$0xFFFFFF60] =	vst v14  }
0xf6: {  	v24 =	vunpack.i.u.bf16.f32 v24;
	v14 =	vmul.f32 $2.000000030e-01, v18;
	v15 =	vmul.f32 v15, v4;
	v27 =	vld [tilespmem:s0+$0x30];
	[tilespmem:s30+$0xFFFFFF70] =	vst v13;
	s0 =	smov.u32 s14  }
0xf7: {  	v13 =	vmax.f32 v25, v16;
	v16 =	vmax.f32 v20, v19;
	v19 =	vmul.f32 v24, v4;
	[tilespmem:s30+$0xFFFFFFE0] =	vst v12  }
0xf8: {  	v13 =	vmul.f32 $1.442695020e+00, v13;
	v12 =	vmax.f32 v18, v14;
	v14 =	vmul.f32 $1.442695020e+00, v16;
	[tilespmem:s15+$0xC0] =	vst v15  }
0xf9: {  	v15 =	vunpack.i.u.bf16.f32 v26;
	v16 =	vunpack.i.l.bf16.f32 v26;
	v12 =	vmul.f32 $1.442695020e+00, v12;
	[tilespmem:s15+$0xD0] =	vst v19  }
0xfa: {  	(erf) = vpow2.f32 v13;
	v13 =	vunpack.i.u.bf16.f32 v17;
	v17 =	vunpack.i.l.bf16.f32 v17;
	v18 =	vld [tilespmem:s14+$0x70];
	[tilespmem:s30+$0xFFFFFFF0] =	vst v11  }
0xfb: {  	v11 =	vunpack.i.u.bf16.f32 v22;
	(erf) = vpow2.f32 v12;
	v12 =	vunpack.i.l.bf16.f32 v22;
	[tilespmem:s30+$0x60] =	vst v10  }
0xfc: {  	v10 =	vmul.f32 v16, v7;
	v16 =	vunpack.i.u.bf16.f32 v21;
	(erf) = vpow2.f32 v14;
	[tilespmem:s30+$0x70] =	vst v8;
	s30 =	smov.u32 s31;
	s31 =	smov.u32 s15  }
0xfd: {  	v8 =	vmul.f32 v15, v7;
	v14 =	vmul.f32 v17, v5;
	v15 =	vunpack.i.l.bf16.f32 v21;
	[tilespmem:s30+$0xE0] =	vst v9  }
0xfe: {  	s21 =	sadd.s32 $0x40, s21;
	v19 =	vmul.f32 v12, v6;
	v9 =	vmul.f32 v13, v5;
	v17 =	vpop (erf);
	[tilespmem:s15+$0xFFFFFF20] =	vst v10;
	v10 =	vunpack.i.u.bf16.f32 v23  }
0xff: {  	s14 =	sadd.s32 $0x100, s14;
	v22 =	vmul.f32 v11, v6;
	v12 =	vunpack.i.l.bf16.f32 v23;
	[tilespmem:s21+$0x10] =	vst v17;
	v11 =	vunpack.i.u.bf16.f32 v18  }
0x100: {  	v21 =	vunpack.i.u.bf16.f32 v27;
	v23 =	vunpack.i.l.bf16.f32 v27;
	v20 =	vld [tilespmem:s14+$0x40];
	[tilespmem:s15+$0xFFFFFF30] =	vst v8;
	v8 =	vmul.f32 v11, v4  }
0x101: {  	v13 =	vmul.f32 v16, v3;
	v18 =	vunpack.i.l.bf16.f32 v18;
	v24 =	vld [tilespmem:s0+$0xFFFFFFA0];
	[tilespmem:s15+$0xFFFFFFA0] =	vst v14;
	v14 =	vmul.f32 v15, v3;
	v3 =	vmovc v7  }
0x102: {  	v12 =	vmul.f32 v12, v1;
	v11 =	vmul.f32 v10, v1;
	v1 =	vmov v5;
	[tilespmem:s15+$0xF0] =	vst v8  }
0x103: {  	v10 =	vmul.f32 v23, v2;
	v8 =	vmul.f32 v21, v2;
	v2 =	vmov v6;
	v5 =	vpop (erf);
	[tilespmem:s15+$0xFFFFFFB0] =	vst v9  }
0x104: {  	v9 =	vmul.f32 v18, v4;
	v4 =	vmov v17;
	[tilespmem:s21+$0xFFFFFFF0] =	vst v5;
	v7 =	vpop (erf);
	v15 =	vld [tilespmem:s0+$0xFFFFFFE0]  }
0x105: {  	[tilespmem:s21+$0xFFFFFFE0] =	vst v7;
	v18 =	vld [tilespmem:s14+$0xFFFFFFC0];
	v16 =	vunpack.i.l.bf16.f32 v20;
	v6 =	vpop (erf)  }
0x106: {  	v20 =	vunpack.i.u.bf16.f32 v20;
	v23 =	vld [tilespmem:s14+$0xFFFFFF80];
	[tilespmem:s21+$0x0] =	vst v6;
	v16 =	vmul.f32 v4, v16;
	v21 =	vunpack.i.u.bf16.f32 v24  }
.Ltmp3:
0x107: {  	s15 =	sadd.s32 $0x200, s15;
	v25 =	vmul.f32 v4, v20;
	v24 =	vunpack.i.l.bf16.f32 v24;
	v17 =	vld [tilespmem:s14+$0x0];
	v20 =	vmul.f32 v21, v3;
	[tilespmem:s31+$0x20] =	vst v19;
	(pc) =	sbr.rel @p2 .LBB2_7-.Ltmp3, $4  }
0x108: {  	v26 =	vmul.f32 v24, v3;
	[tilespmem:s15+$0x80] =	vst v16  }
0x109: {  	[tilespmem:s15+$0x90] =	vst v25;
	v16 =	vunpack.i.u.bf16.f32 v15;
	v15 =	vunpack.i.l.bf16.f32 v15  }
0x10a: {  	v21 =	vunpack.i.u.bf16.f32 v18;
	v18 =	vunpack.i.l.bf16.f32 v18;
	v19 =	vld [tilespmem:s14+$0x50];
	v15 =	vmul.f32 v15, v1;
	[tilespmem:s31+$0x30] =	vst v22  }
0x10b: {  	s13 =	sadd.s32 $0x40, s13;
	v22 =	vunpack.i.u.bf16.f32 v23;
	v24 =	vunpack.i.l.bf16.f32 v23;
	v23 =	vmul.f32 v5, v18;
	[tilespmem:s31+$0xFFFFFF40] =	vst v26;
	v18 =	vld [tilespmem:s0+$0x20]  }
0x10c: {  	[tilespmem:s31+$0xFFFFFF50] =	vst v20  }
0x10d: {  	[tilespmem:s31+$0xFFFFFFC0] =	vst v15  }
0x10e: {  	[tilespmem:s30+$0xFFFFFF60] =	vst v14  }
0x10f: {  	[tilespmem:s30+$0xFFFFFF70] =	vst v13  }
0x110: {  	[tilespmem:s30+$0xFFFFFFE0] =	vst v12  }
0x111: {  	v24 =	vmul.f32 v7, v24;
	[tilespmem:s30+$0xFFFFFFF0] =	vst v11  }
0x112: {  	v21 =	vmul.f32 v5, v21;
	[tilespmem:s30+$0x60] =	vst v10  }
0x113: {  	v60 =	vmul.f32 v7, v22;
	v61 =	vunpack.i.l.bf16.f32 v17;
	[tilespmem:s15+$0xFFFFFF00] =	vst v24  }
0x114: {  	v22 =	vmul.f32 v6, v61;
	[tilespmem:s15+$0xFFFFFF90] =	vst v21;
	v21 =	vunpack.i.u.bf16.f32 v17  }
0x115: {  	[tilespmem:s15+$0xFFFFFF10] =	vst v60;
	v62 =	vunpack.i.l.bf16.f32 v19;
	v17 =	vmul.f32 v6, v21  }
0x116: {  	v63 =	vunpack.i.u.bf16.f32 v19;
	[tilespmem:s15+$0x0] =	vst v22;
	v27 =	vld [tilespmem:s14+$0xFFFFFF90];
	v20 =	vmul.f32 v62, v4  }
0x117: {  	v19 =	vmul.f32 v63, v4;
	[tilespmem:s15+$0x10] =	vst v17  }
0x118: {  	[tilespmem:s15+$0xA0] =	vst v20;
	v32 =	vld [tilespmem:s14+$0x10]  }
0x119: {  	[tilespmem:s15+$0xB0] =	vst v19  }
0x11a: {  	v16 =	vmul.f32 v16, v1;
	[tilespmem:s30+$0x70] =	vst v8;
	v24 =	vld [tilespmem:s14+$0x60]  }
0x11b: {  	[tilespmem:s15+$0xFFFFFF80] =	vst v23;
	v33 =	vunpack.i.l.bf16.f32 v27  }
0x11c: {  	[tilespmem:s31+$0xFFFFFFD0] =	vst v16;
	v28 =	vld [tilespmem:s14+$0xFFFFFFD0];
	v16 =	vunpack.i.u.bf16.f32 v27;
	v12 =	vmul.f32 v33, v7  }
0x11d: {  	[tilespmem:s31+$0xE0] =	vst v9;
	v35 =	vmul.f32 v16, v7;
	v37 =	vunpack.i.l.bf16.f32 v32  }
0x11e: {  	[tilespmem:s15+$0xFFFFFF20] =	vst v12;
	v38 =	vunpack.i.u.bf16.f32 v32;
	v39 =	vmul.f32 v37, v6  }
0x11f: {  	[tilespmem:s15+$0xFFFFFF30] =	vst v35;
	v29 =	vunpack.i.l.bf16.f32 v24;
	v11 =	vmul.f32 v38, v6  }
0x120: {  	v30 =	vunpack.i.u.bf16.f32 v24;
	v40 =	vld [tilespmem:s14+$0xFFFFFFA0];
	v31 =	vmul.f32 v29, v4;
	[tilespmem:s15+$0x20] =	vst v39  }
0x121: {  	v15 =	vunpack.i.u.bf16.f32 v28;
	v14 =	vmul.f32 v30, v4;
	[tilespmem:s15+$0x30] =	vst v11  }
0x122: {  	v34 =	vunpack.i.l.bf16.f32 v28;
	v15 =	vmul.f32 v15, v5;
	[tilespmem:s15+$0xC0] =	vst v31;
	v11 =	vld [tilespmem:s14+$0x20]  }
0x123: {  	v25 =	vunpack.i.u.bf16.f32 v18;
	[tilespmem:s15+$0xD0] =	vst v14;
	v14 =	vmul.f32 v34, v5  }
0x124: {  	v23 =	vunpack.i.l.bf16.f32 v18;
	v26 =	vmul.f32 v25, v2;
	[tilespmem:s15+$0xFFFFFFB0] =	vst v15;
	v36 =	vld [tilespmem:s14+$0x70]  }
0x125: {  	v48 =	vld [tilespmem:s0+$0xFFFFFFF0];
	v19 =	vmul.f32 v23, v2;
	[tilespmem:s15+$0xFFFFFFA0] =	vst v14;
	v43 =	vunpack.i.l.bf16.f32 v40  }
0x126: {  	[tilespmem:s31+$0x50] =	vst v26;
	v45 =	vunpack.i.u.bf16.f32 v40;
	v14 =	vld [tilespmem:s14+$0xFFFFFFE0];
	v10 =	vmul.f32 v43, v7  }
0x127: {  	[tilespmem:s31+$0x40] =	vst v19;
	v46 =	vmul.f32 v45, v7;
	v50 =	vunpack.i.l.bf16.f32 v11  }
0x128: {  	[tilespmem:s15+$0xFFFFFF40] =	vst v10;
	v11 =	vunpack.i.u.bf16.f32 v11;
	v10 =	vmul.f32 v50, v6  }
0x129: {  	v44 =	vld [tilespmem:s0+$0xFFFFFFB0];
	[tilespmem:s15+$0xFFFFFF50] =	vst v46;
	v41 =	vunpack.i.u.bf16.f32 v36;
	v11 =	vmul.f32 v11, v6  }
0x12a: {  	v54 =	vunpack.i.l.bf16.f32 v48;
	v51 =	vld [tilespmem:s0+$0x30];
	v42 =	vmul.f32 v41, v4;
	[tilespmem:s15+$0x40] =	vst v10  }
0x12b: {  	v55 =	vld [tilespmem:s14+$0xFFFFFFB0];
	v47 =	vunpack.i.l.bf16.f32 v14;
	[tilespmem:s15+$0x50] =	vst v11;
	v10 =	vmul.f32 v54, v1  }
0x12c: {  	v14 =	vunpack.i.u.bf16.f32 v14;
	[tilespmem:s15+$0xF0] =	vst v42;
	v9 =	vmul.f32 v47, v5  }
0x12d: {  	v56 =	vunpack.i.u.bf16.f32 v48;
	v49 =	vmul.f32 v14, v5;
	[tilespmem:s31+$0xFFFFFFE0] =	vst v10  }
0x12e: {  	v52 =	vunpack.i.l.bf16.f32 v44;
	v53 =	vunpack.i.u.bf16.f32 v44;
	v1 =	vmul.f32 v56, v1;
	[tilespmem:s15+$0xFFFFFFC0] =	vst v9  }
0x12f: {  	[tilespmem:s15+$0xFFFFFFD0] =	vst v49;
	v9 =	vmul.f32 v52, v3;
	v3 =	vmul.f32 v53, v3  }
0x130: {  	v57 =	vunpack.i.l.bf16.f32 v51;
	v59 =	vunpack.i.l.bf16.f32 v36;
	[tilespmem:s31+$0xFFFFFFF0] =	vst v1;
	v8 =	vunpack.i.u.bf16.f32 v55;
	v58 =	vld [tilespmem:s14+$0xFFFFFFF0]  }
0x131: {  	v1 =	vmul.f32 v59, v4;
	v61 =	vmul.f32 v8, v7;
	[tilespmem:s31+$0xFFFFFF70] =	vst v3;
	v3 =	vunpack.i.u.bf16.f32 v51  }
0x132: {  	s22 =	smulhi.u32 $0xAAAAAAAB, s17;
	[tilespmem:s31+$0xFFFFFF60] =	vst v9;
	v9 =	vmul.f32 v57, v2;
	v2 =	vmul.f32 v3, v2;
	v3 =	vld [tilespmem:s14+$0x30]  }
0x133: {  	[tilespmem:s15+$0xE0] =	vst v1  }
0x134: {  	s0 =	sshrl.u32 s22, $0x1;
	v60 =	vunpack.i.l.bf16.f32 v55;
	[tilespmem:s15+$0xFFFFFF70] =	vst v61  }
0x135: {  	s0 =	smul.u32 $0x3, s0;
	[tilespmem:s31+$0x70] =	vst v2;
	v2 =	vmul.f32 v60, v7;
	v1 =	vunpack.i.l.bf16.f32 v58  }
0x136: {  	[tilespmem:s31+$0x60] =	vst v9;
	v62 =	vunpack.i.u.bf16.f32 v58;
	v1 =	vmul.f32 v1, v5  }
0x137: {  	s13 =	smul.u32 $0xA000, s18;
	s0 =	ssub.s32 s17, s0;
	[tilespmem:s15+$0xFFFFFF60] =	vst v2;
	v63 =	vmul.f32 v62, v5;
	v2 =	vunpack.i.l.bf16.f32 v3  }
0x138: {  	s0 =	smul.u32 $0x140, s0;
	v3 =	vunpack.i.u.bf16.f32 v3;
	v2 =	vmul.f32 v2, v6;
	[tilespmem:s15+$0xFFFFFFE0] =	vst v1  }
0x139: {  	s28 =	sadd.s32 $0x7, s18;
	s30 =	smul.u32 $0x1400, s18;
	p2 =	sne.s32 s26, $0x7D;
	v1 =	vmul.f32 v3, v6;
	[tilespmem:s15+$0xFFFFFFF0] =	vst v63  }
.Ltmp4:
0x13a: {  	s13 =	sshrl.u32 s13, $0x2;
	s0 =	sshrl.u32 s0, $0x2;
	[tilespmem:s15+$0x60] =	vst v2;
	(pc) =	sbr.rel @p2 .LBB2_6-.Ltmp4, $4  }
0x13b: {  	s13 =	sadd.s32 $0x1A770, s13;
	s0 =	sadd.s32 $0x16080, s0;
	s31 =	sshrl.u32 s30, $0x2;
	[tilespmem:s15+$0x70] =	vst v1  }
0x13c: {  	[spmem:s2] =	stream.indirect.scatter.add.f32 [tilespmem:s13], [sflag:s28], $0x80, s0, s29, $0xb8;
	[tilespmem:$0x1F770] =	vst v63  }
0x13d: {  	p1 =	por !p1, !p1;
	s17 =	smov.u32 s26;
	s13 =	sadd.s32 $0x17570, s31  }
0x13e: {  	[spmem:s3] =	stream.indirect.scatter.add.f32 [tilespmem:s13], [sflag:s28], $0x10, s0, s29, $0xb8;
	[tilespmem:$0x1F770] =	vst v63  }
0x13f: {  	_ =	swait.ge [sflag:s4], $0x2800  }
0x140: {  	[sflag:s4] =	ssyncset.done $0x0  }
0x141: {  	[sflag:s4] =	ssyncadd.s32 $0xFFFFD800  }
0x142: {  	_ =	swait.ge [sflag:s4], $0x500  }
0x143: {  	[sflag:s4] =	ssyncset.done $0x0  }
0x144: {  	s0 =	simm.s32 $0x2;
	[sflag:s4] =	ssyncadd.s32 $0xFFFFFB00  }
0x145: {  	_ =	swait.ge [sflag:s0], $0x1400  }
0x146: {  	[sflag:s0] =	ssyncset.done $0x0  }
0x147: {  	s21 =	simm.s32 $0x4;
	[sflag:s0] =	ssyncadd.s32 $0xFFFFEC00  }
0x148: {  	_ =	swait.ge [sflag:s21], $0x500  }
0x149: {  	[sflag:s21] =	ssyncset.done $0x0  }
0x14a: {  	s22 =	simm.s32 $0x6;
	[sflag:s21] =	ssyncadd.s32 $0xFFFFFB00  }
0x14b: {  	_ =	swait.ge [sflag:s22], $0x500  }
0x14c: {  	[sflag:s22] =	ssyncset.done $0x0  }
0x14d: {  	s26 =	simm.s32 $0x9;
	[sflag:s22] =	ssyncadd.s32 $0xFFFFFB00  }
0x14e: {  	_ =	swait.ge [sflag:s26], $0x50  }
0x14f: {  	[sflag:s26] =	ssyncset.done $0x0  }
0x150: {  	s28 =	simm.s32 $0xC;
	[sflag:s26] =	ssyncadd.s32 $0xFFFFFFB0  }
0x151: {  	_ =	swait.ge [sflag:s28], $0x50  }
0x152: {  	[sflag:s28] =	ssyncset.done $0x0  }
0x153: {  	[sflag:s28] =	ssyncadd.s32 $0xFFFFFFB0  }
0x154: {  	[bflag:$0x0] =	sbarrier.arrive $0xFFFF  }
0x155: {  	[tilespmem:s23], [sflag:$0xF] =	stream.linear.gather [spmem:s20], $0x2800, $0x38;
	[tilespmem:$0x1F770] =	vst v63  }
0x156: {  	_ =	swait.ge [sflag:s24], $0x2800  }
0x157: {  	s14 =	rddreg [dreg:$0xc]  }
0x158: {  	[sflag:s24] =	ssyncset.done $0x0;
	s30 =	sand.u32 $0x1FFFFF00, s14  }
0x159: {  	[sflag:s24] =	ssyncadd.s32 $0xFFFFD800;
	s0 =	sadd.s32 s11, s30  }
0x15a: {  	[hbm4b:s0+s5] =	stream.linear.scatter [tilespmem:s23], [sflag:$0xF], $0x2800, $0x38;
	[tilespmem:$0x1F770] =	vst v63  }
0x15b: {  	_ =	swait.ge [sflag:s24], $0x2800  }
0x15c: {  	[sflag:s24] =	ssyncset.done $0x0  }
0x15d: {  	[sflag:s24] =	ssyncadd.s32 $0xFFFFD800  }
0x15e: {  	[tilespmem:s25], [sflag:$0xF] =	stream.linear.gather [spmem:s19], $0x500, $0x38;
	[tilespmem:$0x1F770] =	vst v63  }
0x15f: {  	_ =	swait.ge [sflag:s24], $0x500  }
0x160: {  	s15 =	smov.u32 s19;
	s13 =	rddreg [dreg:$0xb]  }
.Ltmp5:
0x161: {  	[sflag:s24] =	ssyncset.done $0x0;
	s31 =	sand.u32 $0x1FFFFFE0, s13;
	(pc) =	sbr.rel @!p0 .LBB2_11-.Ltmp5, $4  }
0x162: {  	s17 =	smov.u32 s20;
	[sflag:s24] =	ssyncadd.s32 $0xFFFFFB00;
	s0 =	sadd.s32 s12, s31  }
0x163: {  	[hbm4b:s0+s5] =	stream.linear.scatter [tilespmem:s25], [sflag:$0xF], $0x500, $0x38;
	[tilespmem:$0x1F770] =	vst v63  }
0x164: {  	s14 =	sadd.s32 $0x500, s14;
	s21 =	rddreg [dreg:$0x5];
	_ =	swait.ge [sflag:s24], $0x500  }
0x165: {  	s13 =	sadd.s32 $0xA0, s13;
	s0 =	sadd.s32 $0xFFFFFFFF, s21;
	[sflag:s24] =	ssyncset.done $0x0  }
.LBB2_10:
0x166: {  	[sflag:s24] =	ssyncadd.s32 $0xFFFFFB00;
	s15 =	sadd.s32 $0x500, s15;
	s17 =	sadd.s32 $0x2800, s17  }
0x167: {  	[tilespmem:s23], [sflag:$0xF] =	stream.linear.gather [spmem:s17], $0x2800, $0x38;
	[tilespmem:$0x1F770] =	vst v63  }
0x168: {  	p0 =	sne.s32 s0, $0x1;
	s0 =	sadd.s32 $0xFFFFFFFF, s0;
	_ =	swait.ge [sflag:s24], $0x2800  }
0x169: {  	s18 =	sand.u32 $0x1FFFFF00, s14;
	[sflag:s24] =	ssyncset.done $0x0  }
0x16a: {  	s18 =	sadd.s32 s11, s18;
	[sflag:s24] =	ssyncadd.s32 $0xFFFFD800  }
0x16b: {  	[hbm4b:s18+s5] =	stream.linear.scatter [tilespmem:s23], [sflag:$0xF], $0x2800, $0x38;
	[tilespmem:$0x1F770] =	vst v63  }
0x16c: {  	_ =	swait.ge [sflag:s24], $0x2800  }
0x16d: {  	[sflag:s24] =	ssyncset.done $0x0  }
0x16e: {  	[sflag:s24] =	ssyncadd.s32 $0xFFFFD800  }
0x16f: {  	[tilespmem:s25], [sflag:$0xF] =	stream.linear.gather [spmem:s15], $0x500, $0x38;
	[tilespmem:$0x1F770] =	vst v63  }
0x170: {  	_ =	swait.ge [sflag:s24], $0x500  }
.Ltmp6:
0x171: {  	s18 =	sand.u32 $0x1FFFFFE0, s13;
	[sflag:s24] =	ssyncset.done $0x0;
	(pc) =	sbr.rel @p0 .LBB2_10-.Ltmp6, $4  }
0x172: {  	s18 =	sadd.s32 s12, s18;
	[sflag:s24] =	ssyncadd.s32 $0xFFFFFB00  }
0x173: {  	[hbm4b:s18+s5] =	stream.linear.scatter [tilespmem:s25], [sflag:$0xF], $0x500, $0x38;
	[tilespmem:$0x1F770] =	vst v63  }
0x174: {  	_ =	swait.ge [sflag:s24], $0x500  }
0x175: {  	s14 =	sadd.s32 $0x500, s14;
	s13 =	sadd.s32 $0xA0, s13;
	[sflag:s24] =	ssyncset.done $0x0  }
.LBB2_11:
0x176: {  	s16 =	sadd.s32 $0x1, s16;
	s0 =	rddreg [dreg:$0xa]  }
0x177: {  	p0 =	sne.s32 s16, s0  }
.Ltmp7:
0x178: {  	_ = 	snop;
	(pc) =	sbr.rel @p0 .LBB2_1-.Ltmp7, $2  }
0x179: {  	_ =	sdelay $0x2  }
0x17a: {  	[sflag:s24] =	ssyncadd.s32 $0xFFFFFB00  }
0x17b: {  	_ =	sfence.sel $0x180000  }
0x17c: {  	[bflag:$0x0] =	sbarrier.arrive $0xFFFF  }
0x17d: {  	_ =	strace $0x9000004A  }
0x17e: {  	s0 =	stileid.u32;
	[bflag:$0x2] =	sbarrier.arrive $0xFFFF  }
0x17f: {  	p0 =	sne.s32 s0, $0x0;
	s0 =	rddreg [dreg:$0x4]  }
0x180: {  	s0 =	sadd.s32 @!p0 $0x100000, s0  }
0x181: {  	[sflag:s0] =	ssyncadd.tile.s32 @!p0 $0x1;
	_ =	shalt  }
.Lfunc_end2:
_tile_overlayer_lowered:
.L_overlay_start_2:
0x182: {  	(tag) =	ssettag $0x2  }
0x183: {  	s0 =	rddreg [dreg:$0x0];
	s2 =	stileid.u32  }
0x184: {  	s1 =	rddreg [dreg:$0x1];
	p0 =	sne.s32 s2, $0x0  }
0x185: {  	s3 =	rddreg [dreg:$0x2];
	[bflag:$0x3] =	sbarrier.arrive $0xFFFF;
	s2 =	simm.s32 @!p0 $0x1C0F  }
0x186: {  	[timem:s3], [sflag:s2] =	dma.local @!p0 [hbm:s0], s1  }
0x187: {  	s0 =	simm.s32 @!p0 $0xF  }
0x188: {  	_ =	swait.ge @!p0 [sflag:s0], s1  }
0x189: {  	s1 =	ssub.s32 @!p0 $0x0, s1;
	[sflag:s0] =	ssyncset.done @!p0 $0x0  }
0x18a: {  	[sflag:s0] =	ssyncadd.s32 @!p0 s1  }
0x18b: {  	[bflag:$0x3] =	sbarrier.arrive $0xFFFF  }
0x18c: {  	_ =	shalt  }

// kernel: kernel.7.cloned.1.call-start
scs
__scs_entry_jumppad:
0x0: {  	(pc) =	sbr.rel $0x88, $3  }
0x1: {  	(tag) =	ssettag $0x0;
	lr =	simm.s32 $0x1  }
0x2: {  	[smem:$0x3F99] =	sst lr;
	_ =	strace $0xD0000000  }
0x3: {  	_ = 	snop  }
0x4: {  	_ = 	snop  }
0x5: {  	_ = 	snop  }
0x6: {  	_ = 	snop  }
0x7: {  	_ = 	snop  }
__scs_overlays_trampoline_lowered:
0x8: {  	[smem:$0x3FA8] =	sst s0  }
0x9: {  	[smem:$0x3FA9] =	sst s1  }
0xa: {  	[smem:$0x3FAA] =	sst s2  }
0xb: {  	[smem:$0x3FAB] =	sst s3  }
0xc: {  	[smem:$0x3FAC] =	sst s4  }
0xd: {  	[smem:$0x3FAD] =	sst s5  }
0xe: {  	[smem:$0x3FAE] =	sst s6  }
0xf: {  	[smem:$0x3FAF] =	sst s7  }
0x10: {  	[smem:$0x3FB0] =	sst s8  }
0x11: {  	[smem:$0x3FB1] =	sst s9;
	s0 =	simm.s32 @!p0 $0x0  }
0x12: {  	s1 =	sld [smem:$0x3F97];
	s0 =	simm.s32 @p0 $0x1  }
0x13: {  	[smem:$0x3FB2] =	sst s0;
	s0 =	simm.s32 @!p1 $0x0  }
0x14: {  	s2 =	sld [smem:$0x3F96];
	s0 =	simm.s32 @p1 $0x1  }
0x15: {  	[smem:$0x3FB3] =	sst s0;
	s0 =	simm.s32 @!p2 $0x0  }
0x16: {  	s3 =	sld [smem:$0x3FDB];
	s0 =	simm.s32 @p2 $0x1  }
0x17: {  	s4 =	simm.s32 $0x1BF5;
	[smem:$0x3FB5] =	sst s0  }
0x18: {  	s0 =	sld [smem:$0x3F98];
	_ =	swait.ge [sflag:s4], $0x0  }
0x19: {  	s7 =	sld [smem:$0x3F99]  }
0x1a: {  	s8 =	sadd.s32 $0xFFFFE003, lr  }
0x1b: {  	s9 =	sadd.s32 $0xFFFFFEF7, lr;
	s5 =	simm.s32 $0xFFFFFFFF;
	p2 =	slt.u32 s8, $0xFFFFF086  }
0x1c: {  	p1 =	slt.u32 s9, $0xF7A;
	s5 =	simm.s32 @!p2 $0x0  }
0x1d: {  	s5 =	simm.s32 @p1 $0x1;
	p0 =	seq.s32 s7, s2  }
0x1e: {  	s7 =	smul.u32 @!p0 $0xF7A, s2;
	p2 =	seq.s32 @!p0 s5, $0x0  }
0x1f: {  	s9 =	smul.u32 $0xF7A, s1;
	s8 =	simm.s32 @!p0 $0x1BF5;
	p2 =	por !p2, p0  }
0x20: {  	[sflag:s8] =	ssyncset.s32 @!p0 $0xFFFFF086;
	s6 =	sadd.s32 @!p0 s3, s7;
	s7 =	simm.s32 @!p0 $0x108  }
0x21: {  	s3 =	sadd.s32 s3, s9;
	s6 =	sadd.s32 @!p0 $0x88, s6;
	s7 =	simm.s32 @p2 $0x1082  }
0x22: {  	[simem:s7], [sflag:s8] =	dma.local @!p0 [hbm:s6], $0xF7A  }
0x23: {  	s9 =	sor.u32 $0xD0000000, s2;
	s6 =	simm.s32 $0x108;
	_ =	swait.ge @!p0 [sflag:s8], $0x0  }
0x24: {  	s3 =	sadd.s32 $0x88, s3;
	s6 =	simm.s32 @!p1 $0x1082;
	[sflag:s4] =	ssyncset.s32 $0xFFFFF086  }
0x25: {  	[simem:s6], [sflag:s4] =	dma.local [hbm:s3], $0xF7A  }
0x26: {  	[smem:$0x3F99] =	sst s1;
	(tag) =	ssettag s2;
	_ =	strace s9  }
0x27: {  	s1 =	sld [smem:$0x3FA9]  }
0x28: {  	s2 =	sld [smem:$0x3FAA]  }
0x29: {  	s4 =	sld [smem:$0x3FAC]  }
0x2a: {  	p0 =	seq.s32 s5, $0x0;
	s5 =	sld [smem:$0x3FAD]  }
0x2b: {  	s6 =	sld [smem:$0x3FAE]  }
0x2c: {  	s7 =	sld [smem:$0x3FAF]  }
0x2d: {  	s3 =	simm.s32 $0x108;
	s8 =	sld [smem:$0x3FB0]  }
0x2e: {  	s3 =	simm.s32 @!p0 $0x1082;
	s9 =	sld [smem:$0x3FB1]  }
0x2f: {  	lr =	sadd.s32 s0, s3;
	s0 =	sld [smem:$0x3FA8]  }
0x30: {  	s3 =	sld [smem:$0x3FAB]  }
0x31: {  	[smem:$0x3FB4] =	sst s10  }
0x32: {  	s10 =	sld [smem:$0x3FB2];
	_ =	sdelay $0x3  }
0x33: {  	p0 =	seq.s32 s10, $0x1;
	s10 =	sld [smem:$0x3FB4];
	_ =	sdelay $0x3  }
0x34: {  	[smem:$0x3FB4] =	sst s10  }
0x35: {  	s10 =	sld [smem:$0x3FB3];
	_ =	sdelay $0x3  }
0x36: {  	p1 =	seq.s32 s10, $0x1;
	s10 =	sld [smem:$0x3FB4];
	_ =	sdelay $0x3  }
0x37: {  	[smem:$0x3FB4] =	sst s10  }
0x38: {  	s10 =	sld [smem:$0x3FB5]  }
0x39: {  	_ = 	snop;
	(pc) =	sbr.ind lr, $3  }
0x3a: {  	_ = 	snop  }
0x3b: {  	_ = 	snop  }
0x3c: {  	p2 =	seq.s32 s10, $0x1;
	s10 =	sld [smem:$0x3FB4]  }
0x3d: {  	_ =	shalt  }
0x3e: {  	_ =	shalt  }
0x3f: {  	_ =	shalt  }
0x40: {  	_ =	shalt  }
0x41: {  	_ =	shalt  }
0x42: {  	_ =	shalt  }
0x43: {  	_ =	shalt  }
0x44: {  	_ =	shalt  }
0x45: {  	_ =	shalt  }
0x46: {  	_ =	shalt  }
0x47: {  	_ =	shalt  }
0x48: {  	_ =	shalt  }
0x49: {  	_ =	shalt  }
0x4a: {  	_ =	shalt  }
0x4b: {  	_ =	shalt  }
0x4c: {  	_ =	shalt  }
0x4d: {  	_ =	shalt  }
0x4e: {  	_ =	shalt  }
0x4f: {  	_ =	shalt  }
0x50: {  	_ =	shalt  }
0x51: {  	_ =	shalt  }
0x52: {  	_ =	shalt  }
0x53: {  	_ =	shalt  }
0x54: {  	_ =	shalt  }
0x55: {  	_ =	shalt  }
0x56: {  	_ =	shalt  }
0x57: {  	_ =	shalt  }
0x58: {  	_ =	shalt  }
0x59: {  	_ =	shalt  }
0x5a: {  	_ =	shalt  }
0x5b: {  	_ =	shalt  }
0x5c: {  	_ =	shalt  }
0x5d: {  	_ =	shalt  }
0x5e: {  	_ =	shalt  }
0x5f: {  	_ =	shalt  }
0x60: {  	_ =	shalt  }
0x61: {  	_ =	shalt  }
0x62: {  	_ =	shalt  }
0x63: {  	_ =	shalt  }
0x64: {  	_ =	shalt  }
0x65: {  	_ =	shalt  }
0x66: {  	_ =	shalt  }
0x67: {  	_ =	shalt  }
0x68: {  	_ =	shalt  }
0x69: {  	_ =	shalt  }
0x6a: {  	_ =	shalt  }
0x6b: {  	_ =	shalt  }
0x6c: {  	_ =	shalt  }
0x6d: {  	_ =	shalt  }
0x6e: {  	_ =	shalt  }
0x6f: {  	_ =	shalt  }
0x70: {  	_ =	shalt  }
0x71: {  	_ =	shalt  }
0x72: {  	_ =	shalt  }
0x73: {  	_ =	shalt  }
0x74: {  	_ =	shalt  }
0x75: {  	_ =	shalt  }
0x76: {  	_ =	shalt  }
0x77: {  	_ =	shalt  }
0x78: {  	_ =	shalt  }
0x79: {  	_ =	shalt  }
0x7a: {  	_ =	shalt  }
0x7b: {  	_ =	shalt  }
0x7c: {  	_ =	shalt  }
0x7d: {  	_ =	shalt  }
0x7e: {  	_ =	shalt  }
0x7f: {  	_ =	shalt  }
0x80: {  	_ =	shalt  }
0x81: {  	_ =	shalt  }
0x82: {  	_ =	shalt  }
0x83: {  	_ =	shalt  }
0x84: {  	_ =	shalt  }
0x85: {  	_ =	shalt  }
0x86: {  	_ =	shalt  }
0x87: {  	_ =	shalt  }
.Lfunc_end0:
.L_simem_size_0:
called_computation_lowered:
.L_overlay_start_0:
0x88: {  	s2 =	sld [smem:$0x3FD9]  }
0x89: {  	s3 =	sld [smem:$0x3FFE];
	_ =	sdelay $0x1  }
0x8a: {  	s1 =	srdreg.scid  }
0x8b: {  	s0 =	sand.u32 $0x1, s1  }
0x8c: {  	s16 =	sshll.u32 s0, $0xA;
	s2 =	sadd.s32 s3, s2  }
0x8d: {  	s2 =	sadd.s32 s2, s16  }
0x8e: {  	[smem:$0x3FC0] =	sst s2  }
0x8f: {  	_ = 	snop  }
0x90: {  	(tm) =	ssettm $0x1  }
0x91: {  	s17 =	sld [smem:$0x3FFB];
	_ =	sdelay $0x3  }
0x92: {  	_ =	strace s17  }
0x93: {  	s2 =	sld [smem:$0x3FFC];
	_ =	sdelay $0x3  }
0x94: {  	_ =	strace s2  }
0x95: {  	s2 =	sld [smem:$0x3FFD];
	_ =	sdelay $0x3  }
0x96: {  	_ =	strace s2  }
0x97: {  	_ =	strace $0x8FFFFFFF  }
0x98: {  	s18 =	sld [smem:$0x3FDB];
	_ =	sdelay $0x1  }
0x99: {  	s19 =	simm.s32 $_scs_section_size  }
0x9a: {  	s4 =	simm.s32 $_size__tile_overlayer_lowered;
	s5 =	simm.s32 $_tile_overlayer_lowered  }
0x9b: {  	s22 =	simm.s32 $0x1BFF;
	s21 =	sshll.u32 s5, $0x1;
	s2 =	sadd.s32 s19, s18  }
0x9c: {  	s6 =	simm.s32 $0x0;
	s20 =	sshll.u32 s4, $0x1;
	s4 =	sadd.s32 s21, s2  }
0x9d: {  	[timem:s6], [sflag:s22] =	dma.local [hbm:s4], s20  }
0x9e: {  	_ =	swait.ge [sflag:s22], s20  }
0x9f: {  	s3 =	ssub.s32 $0x0, s20;
	[sflag:s22] =	ssyncset.done $0x0  }
0xa0: {  	[sflag:s22] =	ssyncadd.s32 s3;
	_ =	sdelay $0x1  }
0xa1: {  	s23 =	simm.s32 $0x1B8B  }
0xa2: {  	_ =	swait.ge [sflag:s23], $0x1  }
0xa3: {  	[sflag:s23] =	ssyncset.done $0x0  }
0xa4: {  	s25 =	simm.s32 $0x1B8E;
	s24 =	sld [smem:$0x3FFE];
	[sflag:s23] =	ssyncadd.s32 $0xFFFFFFFF  }
0xa5: {  	s26 =	simm.s32 $execute0_lowered;
	[smem:$0x3FD2] =	sst s25  }
0xa6: {  	s4 =	sshll.u32 s26, $0x1;
	_ =	strace $0x80000046;
	[dreg:$0x1] =	wrdreg $0xFFFFFFFF  }
0xa7: {  	s28 =	simm.s32 $_size_execute0_lowered;
	s2 =	sadd.s32 s2, s4;
	[dreg:$0x0] =	wrdreg $0x0  }
0xa8: {  	s4 =	sshll.u32 s28, $0x1;
	[dreg:$0x2] =	wrdreg s2  }
0xa9: {  	[dreg:$0x3] =	wrdreg s4  }
0xaa: {  	[dreg:$0x4] =	wrdreg $0xC0  }
0xab: {  	_ =	task [dreg:s6], $0x5FFFF  }
0xac: {  	[dreg:$0x1] =	wrdreg $0xFFFFFFFF  }
0xad: {  	[dreg:$0x0] =	wrdreg $0x60  }
0xae: {  	[dreg:$0x2] =	wrdreg s24  }
0xaf: {  	[dreg:$0x3] =	wrdreg $0x0  }
0xb0: {  	[dreg:$0x4] =	wrdreg $0x138800  }
0xb1: {  	[dreg:$0x5] =	wrdreg $0x9  }
0xb2: {  	_ =	task.clear_ibuf [dreg:s6], $0x6FFFF;
	_ =	strace $0x90000046  }
0xb3: {  	s29 =	simm.s32 $0x9;
	_ =	strace $0x80000048  }
0xb4: {  	_ =	swait.ge [sflag:s29], $0x1  }
0xb5: {  	[sflag:s29] =	ssyncadd.s32 $0xFFFFFFFF  }
0xb6: {  	_ =	strace $0x90000048  }
0xb7: {  	_ =	sfence  }
0xb8: {  	s30 =	sld [smem:$0x0];
	_ =	sdelay $0x2  }
0xb9: {  	s31 =	sshll.u32 s1, $0xD;
	s1 =	sshrl.u32 s1, $0x2  }
0xba: {  	s3 =	sand.u32 $0x4000, s31;
	s1 =	sadd.s32 s1, s30  }
0xbb: {  	s0 =	sor.u32 s3, s0;
	s1 =	sshll.u32 s1, $0x11  }
0xbc: {  	s0 =	sor.u32 s1, s0  }
0xbd: {  	s0 =	sadd.s32 $0x8F2B, s0  }
0xbe: {  	[sflag:s0] =	ssyncadd.remote.s32 $0x1  }
0xbf: {  	_ =	sfence.sel $0xFFFF  }
0xc0: {  	[dreg:$0x0] =	wrdreg $0xFFFFFFFF;
	(pc) =	sbr.abs _section_cstart, $3  }
0xc1: {  	[dreg:$0x1] =	wrdreg $0xFFFFFFFF  }
0xc2: {  	_ =	task.clear_ibuf [dreg:s6], $0x2FFFF;
	_ =	strace $0x9FFFFFFF  }
0xc3: {  	(tm) =	ssettm $0x7FFFFFFF  }
tec
execute0_lowered:
.L_overlay_start_1:
0x0: {  	(tag) =	ssettag $0x1  }
0x1: {  	s0 =	rddreg [dreg:$0x0]  }
0x2: {  	s1 =	rddreg [dreg:$0x1]  }
0x3: {  	s2 =	rddreg [dreg:$0x2]  }
0x4: {  	s3 =	srdreg.scid;
	s4 =	simm.s32 $0x0;
	s20 =	stileid.u32  }
0x5: {  	s21 =	simm.s32 $0x8;
	s29 =	simm.s32 $0x50;
	s16 =	smul.u32 $0x8C00, s20  }
0x6: {  	s3 =	sand.u32 $0x1, s3;
	[smem:$0x7FF] =	sst s4;
	s18 =	smul.u32 $0x46000, s20  }
0x7: {  	s5 =	sadd.s32 $0x15E00, s0;
	s31 =	smin.u32 s20, $0xD;
	s24 =	smul.u32 $0x230, s20  }
0x8: {  	s6 =	sshll.u32 s3, $0x4;
	s14 =	ssub.s32 $0x2, s3;
	s3 =	smul.u32 $0x2710, s3  }
0x9: {  	s7 =	sadd.s32 $0x2E800, s0;
	s9 =	sadd.s32 $0xC000, s0;
	s17 =	smul.u32 $0x1400, s31  }
0xa: {  	s10 =	sadd.s32 $0x2200, s0;
	s11 =	sadd.s32 $0x3D600, s0;
	s22 =	smul.u32 $0xA000, s31  }
0xb: {  	p0 =	slt.u32 s20, $0xD;
	s25 =	smul.u32 $0x50, s31;
	s12 =	sor.u32 s20, s6  }
0xc: {  	_ =	strace $0x80000047;
	s21 =	simm.s32 @!p0 $0x7;
	s8 =	smul.u32 $0x7D, s12  }
0xd: {  	s6 =	sadd.s32 $0x29800, s0;
	s30 =	sshrl.u32 s14, $0x1;
	s13 =	smul.u32 $0x4E2, s12  }
0xe: {  	[dreg:$0x4] =	wrdreg s21;
	s15 =	smul.u32 $0x2710, s12;
	s12 =	sadd.s32 $0x33800, s0  }
0xf: {  	s0 =	ssub.s32 s14, s30;
	s26 =	sadd.s32 s17, s16;
	s28 =	sadd.s32 s22, s18  }
0x10: {  	s3 =	sadd.s32 s24, s3;
	s24 =	simm.s32 $0xF;
	s16 =	simm.s32 $0x0  }
0x11: {  	s0 =	smax.u32 s0, $0x1;
	s30 =	sshrl.u32 s26, $0x2;
	s31 =	sshrl.u32 s28, $0x2  }
0x12: {  	s15 =	sshrl.u32 s15, $0x3;
	s19 =	sadd.s32 s9, s13;
	[dreg:$0x9] =	wrdreg s0  }
0x13: {  	s13 =	sadd.s32 s10, s13;
	s0 =	sadd.s32 s25, s3;
	[dreg:$0x5] =	wrdreg s19  }
0x14: {  	s20 =	sadd.s32 s31, s1;
	[dreg:$0x6] =	wrdreg s13;
	s3 =	sshll.u32 s0, $0x1  }
0x15: {  	s15 =	sadd.s32 $0xA, s15;
	s0 =	sshll.u32 s0, $0x4;
	[dreg:$0xa] =	wrdreg s3  }
0x16: {  	s25 =	simm.s32 $0x17570;
	s23 =	sadd.s32 s9, s15;
	[dreg:$0xb] =	wrdreg s0  }
0x17: {  	s19 =	sadd.s32 s30, s2;
	s15 =	sadd.s32 s10, s15;
	[dreg:$0x7] =	wrdreg s23  }
0x18: {  	v0 =	vimm.f32 $0.0e+00;
	s3 =	simm.s32 $0x7;
	[dreg:$0x8] =	wrdreg s15;
	s23 =	simm.s32 $0x1A770  }
.LBB2_1:
0x19: {  	s0 =	simm.s32 $0x1CFE0  }
0x1a: {  	[tilespmem:s0+$0xFFFFD800] =	vst v0  }
0x1b: {  	[tilespmem:s0+$0xFFFFFFF0] =	vst v0  }
0x1c: {  	[tilespmem:s0+$0xFFFFD7F0] =	vst v0  }
0x1d: {  	[tilespmem:s0+$0xFFFFFFE0] =	vst v0  }
0x1e: {  	[tilespmem:s0+$0xFFFFD7E0] =	vst v0  }
0x1f: {  	[tilespmem:s0+$0xFFFFFFD0] =	vst v0  }
0x20: {  	[tilespmem:s0+$0xFFFFD7D0] =	vst v0  }
0x21: {  	[tilespmem:s0+$0xFFFFFFC0] =	vst v0  }
0x22: {  	[tilespmem:s0+$0xFFFFD7C0] =	vst v0  }
0x23: {  	[tilespmem:s0+$0xFFFFFFB0] =	vst v0  }
0x24: {  	[tilespmem:s0+$0xFFFFD7B0] =	vst v0  }
0x25: {  	[tilespmem:s0+$0xFFFFFFA0] =	vst v0  }
0x26: {  	[tilespmem:s0+$0xFFFFD7A0] =	vst v0  }
0x27: {  	[tilespmem:s0+$0xFFFFFF90] =	vst v0  }
0x28: {  	[tilespmem:s0+$0xFFFFD790] =	vst v0  }
0x29: {  	s14 =	simm.s32 $0x0;
	s13 =	simm.s32 $0x40;
	[tilespmem:s0+$0x0] =	vst v0  }
.LBB2_2:
0x2a: {  	p0 =	sne.s32 s13, $0x13C0;
	[tilespmem:s14+$0x17A70] =	vst v0  }
0x2b: {  	s0 =	sadd.s32 $0x80, s0;
	[tilespmem:s14+$0x17570] =	vst v0  }
0x2c: {  	[tilespmem:s0+$0xFFFFD800] =	vst v0  }
0x2d: {  	[tilespmem:s0+$0xFFFFFFF0] =	vst v0  }
0x2e: {  	[tilespmem:s0+$0xFFFFD7F0] =	vst v0  }
0x2f: {  	[tilespmem:s0+$0xFFFFFFE0] =	vst v0  }
0x30: {  	[tilespmem:s0+$0xFFFFD7E0] =	vst v0  }
0x31: {  	[tilespmem:s0+$0xFFFFFFD0] =	vst v0  }
0x32: {  	[tilespmem:s0+$0xFFFFD7D0] =	vst v0  }
0x33: {  	[tilespmem:s0+$0xFFFFFFC0] =	vst v0  }
0x34: {  	[tilespmem:s0+$0xFFFFD7C0] =	vst v0  }
0x35: {  	[tilespmem:s0+$0xFFFFFFB0] =	vst v0  }
0x36: {  	[tilespmem:s0+$0xFFFFD7B0] =	vst v0  }
.Ltmp0:
0x37: {  	[tilespmem:s0+$0xFFFFFFA0] =	vst v0;
	(pc) =	sbr.rel @p0 .LBB2_2-.Ltmp0, $4  }
0x38: {  	[tilespmem:s0+$0xFFFFD7A0] =	vst v0  }
0x39: {  	[tilespmem:s0+$0xFFFFFF90] =	vst v0  }
0x3a: {  	[tilespmem:s0+$0xFFFFD790] =	vst v0  }
0x3b: {  	s14 =	sshra.s32 s13, $0x2;
	s13 =	sadd.s32 $0x40, s13;
	[tilespmem:s0+$0x0] =	vst v0  }
0x3c: {  	[tilespmem:s14+$0x17A70] =	vst v0  }
0x3d: {  	[tilespmem:s14+$0x17570] =	vst v0  }
0x3e: {  	[spmem:s20] =	stream.linear.scatter [tilespmem:s23], [sflag:$0xF], $0x2800, $0x38;
	[tilespmem:$0x1F770] =	vst v63  }
0x3f: {  	p0 =	sne.s32 s21, $0x1;
	_ =	swait.ge [sflag:s24], $0x2800  }
.Ltmp1:
0x40: {  	[sflag:s24] =	ssyncset.done $0x0;
	(pc) =	sbr.rel @!p0 .LBB2_5-.Ltmp1, $4  }
0x41: {  	[sflag:s24] =	ssyncadd.s32 $0xFFFFD800  }
0x42: {  	[spmem:s19] =	stream.linear.scatter [tilespmem:s25], [sflag:$0xF], $0x500, $0x38;
	[tilespmem:$0x1F770] =	vst v63  }
0x43: {  	s0 =	sadd.s32 $0xFFFFFFFF, s21;
	_ =	swait.ge [sflag:s24], $0x500  }
0x44: {  	s13 =	smov.u32 s19;
	s14 =	smov.u32 s20;
	[sflag:s24] =	ssyncset.done $0x0  }
.LBB2_4:
0x45: {  	[sflag:s24] =	ssyncadd.s32 $0xFFFFFB00;
	s13 =	sadd.s32 $0x500, s13;
	s14 =	sadd.s32 $0x2800, s14  }
0x46: {  	[spmem:s14] =	stream.linear.scatter [tilespmem:s23], [sflag:$0xF], $0x2800, $0x38;
	[tilespmem:$0x1F770] =	vst v63  }
0x47: {  	p1 =	sne.s32 s0, $0x1;
	s0 =	sadd.s32 $0xFFFFFFFF, s0;
	_ =	swait.ge [sflag:s24], $0x2800  }
.Ltmp2:
0x48: {  	[sflag:s24] =	ssyncset.done $0x0;
	(pc) =	sbr.rel @p1 .LBB2_4-.Ltmp2, $4  }
0x49: {  	[sflag:s24] =	ssyncadd.s32 $0xFFFFD800  }
0x4a: {  	[spmem:s13] =	stream.linear.scatter [tilespmem:s25], [sflag:$0xF], $0x500, $0x38;
	[tilespmem:$0x1F770] =	vst v63  }
0x4b: {  	_ =	swait.ge [sflag:s24], $0x500  }
0x4c: {  	[sflag:s24] =	ssyncset.done $0x0  }
.LBB2_5:
0x4d: {  	[sflag:s24] =	ssyncadd.s32 $0xFFFFFB00  }
0x4e: {  	[bflag:$0x0] =	sbarrier.arrive $0xFFFF  }
0x4f: {  	s17 =	simm.s32 $0x0;
	s13 =	simm.s32 $0x15F90;
	s0 =	rddreg [dreg:$0x5]  }
0x50: {  	[tilespmem:s13], [sflag:$0xF] =	stream.linear.gather [hbm4b:s0+s17], $0x50, $0x38;
	[tilespmem:$0x1F770] =	vst v63  }
0x51: {  	_ =	swait.ge [sflag:s24], $0x50  }
0x52: {  	[sflag:s24] =	ssyncset.done $0x0  }
0x53: {  	s14 =	simm.s32 $0x16080;
	s30 =	rddreg [dreg:$0x6];
	[sflag:s24] =	ssyncadd.s32 $0xFFFFFFB0  }
0x54: {  	[tilespmem:s14], [sflag:$0xF] =	stream.linear.gather [hbm4b:s30+s17], $0x50, $0x38;
	[tilespmem:$0x1F770] =	vst v63  }
0x55: {  	_ =	swait.ge [sflag:s24], $0x50  }
0x56: {  	[sflag:s24] =	ssyncset.done $0x0  }
0x57: {  	s31 =	simm.s32 $0x1CF70;
	[sflag:s24] =	ssyncadd.s32 $0xFFFFFFB0  }
0x58: {  	[spmem:s1] =	stream.indirect.scatter.add.f32 [tilespmem:s31], [sflag:$0x8], $0x80, s14, s29, $0xb8;
	[tilespmem:$0x1F770] =	vst v63  }
0x59: {  	s15 =	simm.s32 $0x17A70  }
0x5a: {  	[spmem:s2] =	stream.indirect.scatter.add.f32 [tilespmem:s15], [sflag:$0x8], $0x10, s14, s29, $0xb8;
	[tilespmem:$0x1F770] =	vst v63  }
0x5b: {  	s18 =	simm.s32 $0x17F70  }
0x5c: {  	[tilespmem:s18], [sflag:$0x1] =	stream.indirect.gather [hbm4b:s5+s29], $0x40, s13, s29, $0xb8;
	[tilespmem:$0x1F770] =	vst v63  }
0x5d: {  	s21 =	simm.s32 $0x16170  }
0x5e: {  	[tilespmem:s21], [sflag:$0x3] =	stream.indirect.gather [hbm4b:s6+s29], $0x10, s13, s29, $0xb8;
	[tilespmem:$0x1F770] =	vst v63  }
0x5f: {  	s22 =	simm.s32 $0x16B70  }
0x60: {  	[tilespmem:s22], [sflag:$0x5] =	stream.indirect.gather [hbm4b:s7+s29], $0x10, s14, s29, $0xb8;
	[tilespmem:$0x1F770] =	vst v63  }
0x61: {  	s28 =	simm.s32 $0x15FE0;
	s26 =	rddreg [dreg:$0x7]  }
0x62: {  	[tilespmem:s28], [sflag:$0xA] =	stream.linear.gather [hbm4b:s26+s17], $0x50, $0x38;
	[tilespmem:$0x1F770] =	vst v63  }
0x63: {  	p1 =	por $0x0, $0x0;
	s30 =	rddreg [dreg:$0x8];
	s31 =	simm.s32 $0x160D0  }
0x64: {  	[tilespmem:s31], [sflag:$0xD] =	stream.linear.gather [hbm4b:s30+s17], $0x50, $0x38;
	[tilespmem:$0x1F770] =	vst v63  }
.LBB2_6:
0x65: {  	s18 =	sand.u32 $0x1, s17  }
0x66: {  	s0 =	smul.u32 $0xAB, s17;
	s13 =	sadd.s32 $0x1, s18  }
0x67: {  	_ =	swait.ge [sflag:s13], $0x1400  }
0x68: {  	s14 =	sadd.s32 $0xAB, s0;
	[sflag:s13] =	ssyncset.done $0x0  }
0x69: {  	s22 =	sadd.s32 $0x3, s18;
	s14 =	sshrl.u32 s14, $0x9;
	[sflag:s13] =	ssyncadd.s32 $0xFFFFEC00  }
0x6a: {  	s14 =	sand.u32 $0x7F, s14;
	_ =	swait.ge [sflag:s22], $0x500  }
0x6b: {  	s14 =	smul.u32 $0x3, s14;
	[sflag:s22] =	ssyncset.done $0x0  }
0x6c: {  	s26 =	sadd.s32 $0x1, s17;
	s15 =	sadd.s32 $0x5, s18;
	[sflag:s22] =	ssyncadd.s32 $0xFFFFFB00  }
0x6d: {  	s14 =	ssub.s32 s26, s14;
	_ =	swait.ge [sflag:s15], $0x500  }
0x6e: {  	s14 =	sand.u32 $0xFF, s14;
	[sflag:s15] =	ssyncset.done $0x0  }
0x6f: {  	s21 =	sadd.s32 $0x9, s14;
	[sflag:s15] =	ssyncadd.s32 $0xFFFFFB00  }
0x70: {  	_ =	swait.ge [sflag:s21], $0x50  }
0x71: {  	[sflag:s21] =	ssyncset.done $0x0  }
0x72: {  	s22 =	sor.u32 $0xC, s14;
	[sflag:s21] =	ssyncadd.s32 $0xFFFFFFB0  }
0x73: {  	s0 =	sadd.s32 $0x156, s0;
	_ =	swait.ge [sflag:s22], $0x50  }
0x74: {  	s0 =	sshrl.u32 s0, $0x9;
	s15 =	sxor.u32 $0x1, s18;
	[sflag:s22] =	ssyncset.done $0x0  }
0x75: {  	s0 =	sand.u32 $0x7F, s0;
	s13 =	sadd.s32 $0x7, s15;
	[sflag:s22] =	ssyncadd.s32 $0xFFFFFFB0  }
0x76: {  	s0 =	smul.u32 $0x3, s0;
	_ =	swait.ge [sflag:s13], $0x2800  }
0x77: {  	s14 =	smul.u32 $0x50, s14;
	[sflag:s13] =	ssyncset.done $0x0  }
0x78: {  	s21 =	smul.u32 $0x5000, s15;
	[sflag:s13] =	ssyncadd.s32 $0xFFFFD800  }
0x79: {  	s28 =	smul.u32 $0x500, s15;
	_ =	swait.ge [sflag:s13], $0x500  }
0x7a: {  	s21 =	sshrl.u32 s21, $0x2;
	s22 =	sadd.s32 $0x15F90, s14;
	[sflag:s13] =	ssyncset.done $0x0  }
0x7b: {  	[sflag:s13] =	ssyncadd.s32 $0xFFFFFB00;
	s13 =	sadd.s32 $0x17F70, s21;
	s21 =	sadd.s32 $0x1, s15  }
0x7c: {  	[tilespmem:s13], [sflag:s21] =	stream.indirect.gather [hbm4b:s5+s29], $0x40, s22, s29, $0xb8;
	[tilespmem:$0x1F770] =	vst v63  }
0x7d: {  	s14 =	sadd.s32 $0x16080, s14;
	s13 =	sadd.s32 $0x16170, s28;
	s21 =	sadd.s32 $0x3, s15  }
0x7e: {  	[tilespmem:s13], [sflag:s21] =	stream.indirect.gather [hbm4b:s6+s29], $0x10, s22, s29, $0xb8;
	[tilespmem:$0x1F770] =	vst v63  }
0x7f: {  	s28 =	sadd.s32 $0x16B70, s28;
	s21 =	simm.s32 $0x1;
	s22 =	sadd.s32 $0x2, s17  }
0x80: {  	s15 =	sadd.s32 $0x5, s15;
	s21 =	simm.s32 @!p1 $0x0;
	s0 =	ssub.s32 s22, s0  }
0x81: {  	s22 =	smin.u32 s22, $0x7C;
	s13 =	smul.u32 $0x1400, s21;
	s0 =	sand.u32 $0xFF, s0  }
0x82: {  	[tilespmem:s28], [sflag:s15] =	stream.indirect.gather [hbm4b:s7+s29], $0x10, s14, s29, $0xb8;
	[tilespmem:$0x1F770] =	vst v63  }
0x83: {  	s22 =	sadd.s32 s8, s22;
	s31 =	smul.u32 $0x50, s0  }
0x84: {  	s22 =	smul.u32 $0xA, s22  }
0x85: {  	s15 =	sadd.s32 $0x9, s0;
	s0 =	sor.u32 $0xC, s0  }
0x86: {  	s30 =	sshrl.u32 s13, $0x2;
	s14 =	sadd.s32 $0x15F90, s31;
	s28 =	sadd.s32 s9, s22  }
0x87: {  	[tilespmem:s14], [sflag:s15] =	stream.linear.gather [hbm4b:s28+s4], $0x50, $0x38;
	[tilespmem:$0x1F770] =	vst v63  }
0x88: {  	s13 =	sadd.s32 $0x16190, s30;
	s22 =	sadd.s32 s10, s22;
	s15 =	sadd.s32 $0x16080, s31  }
0x89: {  	[tilespmem:s15], [sflag:s0] =	stream.linear.gather [hbm4b:s22+s4], $0x50, $0x38;
	[tilespmem:$0x1F770] =	vst v63  }
0x8a: {  	s15 =	sadd.s32 $0x16B90, s30;
	v1 =	vld [tilespmem:s13+$0x10]  }
0x8b: {  	v2 =	vld [tilespmem:s15+$0x10];
	_ =	sdelay $0x4  }
0x8c: {  	v1 =	vadd.f32 v2, v1;
	_ =	sdelay $0x1  }
0x8d: {  	v3 =	vld [tilespmem:s15+$0xFFFFFFE0];
	v6 =	vmul.f32 $2.000000030e-01, v1  }
0x8e: {  	v4 =	vld [tilespmem:s13+$0xFFFFFFF0]  }
0x8f: {  	v2 =	vld [tilespmem:s15+$0xFFFFFFF0];
	v1 =	vmax.f32 v1, v6  }
0x90: {  	v5 =	vld [tilespmem:s13+$0xFFFFFFE0];
	v1 =	vmul.f32 $1.442695020e+00, v1;
	_ =	sdelay $0x1  }
0x91: {  	(erf) = vpow2.f32 v1;
	_ =	sdelay $0x1  }
0x92: {  	v2 =	vadd.f32 v2, v4  }
0x93: {  	v3 =	vadd.f32 v3, v5  }
0x94: {  	v1 =	vmul.f32 $2.000000030e-01, v2  }
0x95: {  	v5 =	vld [tilespmem:s15+$0x0];
	v4 =	vmul.f32 $2.000000030e-01, v3  }
0x96: {  	v1 =	vmax.f32 v2, v1;
	v2 =	vld [tilespmem:s13+$0x0]  }
0x97: {  	s22 =	smul.u32 $0x5000, s21;
	_ =	sdelay $0x1  }
0x98: {  	s0 =	sshrl.u32 s22, $0x2;
	s22 =	sadd.s32 $0x17590, s30;
	v3 =	vmax.f32 v3, v4;
	v1 =	vmul.f32 $1.442695020e+00, v1;
	v4 =	vpop (erf)  }
0x99: {  	s14 =	sadd.s32 $0x17FF0, s0;
	[tilespmem:s22+$0x10] =	vst v4  }
0x9a: {  	v3 =	vmul.f32 $1.442695020e+00, v3;
	(erf) = vpow2.f32 v1;
	v1 =	vadd.f32 v5, v2;
	v2 =	vld [tilespmem:s14+$0x40];
	_ =	sdelay $0x1  }
0x9b: {  	(erf) = vpow2.f32 v3;
	v3 =	vmul.f32 $2.000000030e-01, v1;
	_ =	sdelay $0x1  }
0x9c: {  	s21 =	smul.u32 $0xA000, s21;
	s15 =	sadd.s32 $0x40, s15;
	v1 =	vmax.f32 v1, v3  }
0x9d: {  	v10 =	vld [tilespmem:s15+$0xFFFFFFE0];
	v1 =	vmul.f32 $1.442695020e+00, v1;
	v3 =	vunpack.i.l.bf16.f32 v2  }
0x9e: {  	s21 =	sshrl.u32 s21, $0x2;
	v12 =	vld [tilespmem:s15+$0xFFFFFFF0];
	v2 =	vunpack.i.u.bf16.f32 v2;
	v3 =	vmul.f32 v4, v3  }
0x9f: {  	s30 =	sadd.s32 $0x1A870, s21;
	v16 =	vld [tilespmem:s15+$0x0];
	s13 =	sadd.s32 $0x40, s13;
	(erf) = vpow2.f32 v1;
	v2 =	vmul.f32 v4, v2  }
0xa0: {  	[tilespmem:s30+$0x80] =	vst v3;
	v3 =	vld [tilespmem:s13+$0x10]  }
0xa1: {  	[tilespmem:s30+$0x90] =	vst v2;
	v2 =	vld [tilespmem:s15+$0x10]  }
0xa2: {  	v6 =	vpop (erf);
	v9 =	vld [tilespmem:s14+$0x50]  }
0xa3: {  	v11 =	vld [tilespmem:s13+$0xFFFFFFF0];
	v7 =	vpop (erf)  }
0xa4: {  	v13 =	vld [tilespmem:s13+$0x0];
	[tilespmem:s22+$0xFFFFFFE0] =	vst v7  }
0xa5: {  	v5 =	vld [tilespmem:s14+$0xFFFFFF80]  }
0xa6: {  	v14 =	vld [tilespmem:s13+$0xFFFFFFE0];
	[tilespmem:s22+$0xFFFFFFF0] =	vst v6;
	v2 =	vadd.f32 v2, v3  }
0xa7: {  	v1 =	vld [tilespmem:s14+$0xFFFFFFC0];
	v15 =	vunpack.i.l.bf16.f32 v9  }
0xa8: {  	v8 =	vpop (erf);
	v9 =	vunpack.i.u.bf16.f32 v9;
	v17 =	vmul.f32 $2.000000030e-01, v2;
	v15 =	vmul.f32 v15, v4  }
0xa9: {  	v11 =	vadd.f32 v12, v11;
	[tilespmem:s22+$0x0] =	vst v8;
	v9 =	vmul.f32 v9, v4  }
0xaa: {  	v19 =	vunpack.i.u.bf16.f32 v5;
	v5 =	vunpack.i.l.bf16.f32 v5;
	v2 =	vmax.f32 v2, v17;
	[tilespmem:s30+$0xA0] =	vst v15  }
0xab: {  	v13 =	vadd.f32 v16, v13;
	v5 =	vmul.f32 v7, v5;
	v18 =	vld [tilespmem:s14+$0x0];
	[tilespmem:s30+$0xB0] =	vst v9;
	v2 =	vmul.f32 $1.442695020e+00, v2  }
0xac: {  	v12 =	vmul.f32 v7, v19;
	v3 =	vunpack.i.u.bf16.f32 v1;
	v9 =	vadd.f32 v10, v14;
	v10 =	vld [tilespmem:s14+$0x60]  }
0xad: {  	v1 =	vunpack.i.l.bf16.f32 v1;
	v14 =	vmul.f32 $2.000000030e-01, v11;
	(erf) = vpow2.f32 v2  }
0xae: {  	v1 =	vmul.f32 v6, v1;
	[tilespmem:s30+$0xFFFFFF00] =	vst v5;
	v5 =	vmul.f32 $2.000000030e-01, v9  }
0xaf: {  	v3 =	vmul.f32 v6, v3;
	[tilespmem:s30+$0xFFFFFF10] =	vst v12;
	v12 =	vmul.f32 $2.000000030e-01, v13;
	v11 =	vmax.f32 v11, v14  }
0xb0: {  	[tilespmem:s30+$0xFFFFFF80] =	vst v1;
	v15 =	vunpack.i.l.bf16.f32 v18;
	v5 =	vmax.f32 v9, v5;
	v9 =	vmul.f32 $1.442695020e+00, v11  }
0xb1: {  	[tilespmem:s30+$0xFFFFFF90] =	vst v3;
	v3 =	vmax.f32 v13, v12;
	v1 =	vmul.f32 v8, v15;
	v12 =	vunpack.i.l.bf16.f32 v10  }
0xb2: {  	v14 =	vld [tilespmem:s14+$0xFFFFFF90];
	v2 =	vunpack.i.u.bf16.f32 v18;
	(erf) = vpow2.f32 v9;
	v9 =	vmul.f32 v12, v4  }
0xb3: {  	v2 =	vmul.f32 v8, v2;
	v11 =	vld [tilespmem:s14+$0xFFFFFFD0]  }
0xb4: {  	[tilespmem:s30+$0x0] =	vst v1  }
0xb5: {  	v5 =	vmul.f32 $1.442695020e+00, v5;
	v1 =	vunpack.i.u.bf16.f32 v10;
	[tilespmem:s30+$0x10] =	vst v2  }
0xb6: {  	s22 =	sadd.s32 $0x40, s22;
	v1 =	vmul.f32 v1, v4;
	[tilespmem:s30+$0xC0] =	vst v9;
	v9 =	vpop (erf)  }
0xb7: {  	s0 =	sadd.s32 $0x100, s14;
	v3 =	vmul.f32 $1.442695020e+00, v3;
	(erf) = vpow2.f32 v5;
	v2 =	vunpack.i.l.bf16.f32 v14;
	v5 =	vld [tilespmem:s14+$0x10];
	[tilespmem:s22+$0x10] =	vst v9  }
0xb8: {  	[tilespmem:s30+$0xD0] =	vst v1;
	v1 =	vmul.f32 v2, v7;
	v2 =	vunpack.i.l.bf16.f32 v11;
	v10 =	vunpack.i.u.bf16.f32 v11;
	v11 =	vld [tilespmem:s0+$0x40]  }
0xb9: {  	s28 =	sadd.s32 $0x40, s15  }
0xba: {  	v20 =	vld [tilespmem:s28+$0x10];
	(erf) = vpow2.f32 v3;
	v3 =	vunpack.i.u.bf16.f32 v14;
	v2 =	vmul.f32 v2, v6  }
0xbb: {  	v24 =	vld [tilespmem:s28+$0xFFFFFFF0];
	s13 =	sadd.s32 $0x40, s13;
	v3 =	vmul.f32 v3, v7;
	[tilespmem:s30+$0xFFFFFF20] =	vst v1  }
0xbc: {  	v21 =	vld [tilespmem:s13+$0xFFFFFFF0];
	v10 =	vmul.f32 v10, v6;
	[tilespmem:s30+$0xFFFFFFA0] =	vst v2;
	v2 =	vunpack.i.l.bf16.f32 v5  }
0xbd: {  	v17 =	vld [tilespmem:s13+$0x10];
	[tilespmem:s30+$0xFFFFFF30] =	vst v3;
	v12 =	vmul.f32 v2, v8;
	v14 =	vunpack.i.l.bf16.f32 v11  }
0xbe: {  	[tilespmem:s30+$0xFFFFFFB0] =	vst v10;
	v10 =	vld [tilespmem:s14+$0x70];
	v11 =	vunpack.i.u.bf16.f32 v11;
	v14 =	vmul.f32 v9, v14  }
0xbf: {  	s31 =	sadd.s32 $0x200, s30;
	v13 =	vld [tilespmem:s14+$0xFFFFFFA0];
	[tilespmem:s30+$0x20] =	vst v12;
	v11 =	vmul.f32 v9, v11  }
0xc0: {  	[tilespmem:s31+$0x80] =	vst v14  }
0xc1: {  	v5 =	vunpack.i.u.bf16.f32 v5;
	v15 =	vld [tilespmem:s14+$0xFFFFFFE0];
	v1 =	vpop (erf);
	[tilespmem:s31+$0x90] =	vst v11  }
0xc2: {  	v5 =	vmul.f32 v5, v8;
	[tilespmem:s22+$0xFFFFFFF0] =	vst v1;
	v3 =	vpop (erf);
	v11 =	vld [tilespmem:s0+$0x50]  }
0xc3: {  	v21 =	vadd.f32 v24, v21;
	v17 =	vadd.f32 v20, v17;
	[tilespmem:s22+$0xFFFFFFE0] =	vst v3;
	v16 =	vld [tilespmem:s0+$0xFFFFFFC0];
	v18 =	vunpack.i.u.bf16.f32 v10  }
0xc4: {  	[tilespmem:s30+$0x30] =	vst v5;
	v2 =	vpop (erf);
	v19 =	vunpack.i.u.bf16.f32 v13;
	v13 =	vunpack.i.l.bf16.f32 v13;
	v12 =	vld [tilespmem:s0+$0xFFFFFF80];
	v18 =	vmul.f32 v18, v4  }
0xc5: {  	v20 =	vld [tilespmem:s28+$0x0];
	v10 =	vunpack.i.l.bf16.f32 v10;
	[tilespmem:s22+$0x0] =	vst v2;
	v19 =	vmul.f32 v19, v7;
	v13 =	vmul.f32 v13, v7  }
0xc6: {  	v5 =	vld [tilespmem:s14+$0x20];
	v22 =	vunpack.i.u.bf16.f32 v15;
	v15 =	vunpack.i.l.bf16.f32 v15;
	v4 =	vmul.f32 v10, v4;
	[tilespmem:s30+$0xF0] =	vst v18  }
0xc7: {  	v15 =	vmul.f32 v15, v6;
	v18 =	vld [tilespmem:s28+$0xFFFFFFE0];
	[tilespmem:s30+$0xFFFFFF50] =	vst v19;
	v19 =	vmul.f32 $2.000000030e-01, v17;
	v23 =	vunpack.i.l.bf16.f32 v11  }
0xc8: {  	[tilespmem:s30+$0xFFFFFF40] =	vst v13;
	v14 =	vld [tilespmem:s0+$0x0];
	v25 =	vunpack.i.u.bf16.f32 v16;
	v11 =	vunpack.i.u.bf16.f32 v11;
	v23 =	vmul.f32 v23, v9  }
0xc9: {  	v13 =	vld [tilespmem:s13+$0x0];
	[tilespmem:s30+$0xFFFFFFC0] =	vst v15;
	v16 =	vunpack.i.l.bf16.f32 v16;
	v26 =	vunpack.i.l.bf16.f32 v12;
	v11 =	vmul.f32 v11, v9  }
0xca: {  	v12 =	vunpack.i.u.bf16.f32 v12;
	v16 =	vmul.f32 v1, v16;
	[tilespmem:s31+$0xA0] =	vst v23;
	v23 =	vmul.f32 v3, v26;
	v26 =	vld [tilespmem:s13+$0xFFFFFFE0]  }
0xcb: {  	v17 =	vmax.f32 v17, v19;
	v19 =	vunpack.i.u.bf16.f32 v5;
	v12 =	vmul.f32 v3, v12;
	[tilespmem:s31+$0xB0] =	vst v11  }
0xcc: {  	v5 =	vunpack.i.l.bf16.f32 v5;
	v17 =	vmul.f32 $1.442695020e+00, v17;
	[tilespmem:s31+$0xFFFFFF80] =	vst v16;
	v16 =	vmul.f32 v1, v25;
	v24 =	vld [tilespmem:s0+$0x60]  }
0xcd: {  	v5 =	vmul.f32 v5, v8;
	[tilespmem:s31+$0xFFFFFF10] =	vst v12;
	v11 =	vunpack.i.u.bf16.f32 v14;
	v14 =	vunpack.i.l.bf16.f32 v14  }
0xce: {  	(erf) = vpow2.f32 v17;
	[tilespmem:s31+$0xFFFFFF90] =	vst v16;
	v14 =	vmul.f32 v2, v14  }
0xcf: {  	v13 =	vadd.f32 v20, v13;
	v11 =	vmul.f32 v2, v11;
	[tilespmem:s31+$0xFFFFFF00] =	vst v23;
	v18 =	vadd.f32 v18, v26  }
0xd0: {  	v12 =	vmul.f32 v22, v6;
	v16 =	vmul.f32 $2.000000030e-01, v21;
	[tilespmem:s31+$0x0] =	vst v14  }
0xd1: {  	v15 =	vmul.f32 $2.000000030e-01, v13;
	[tilespmem:s31+$0x10] =	vst v11;
	v11 =	vld [tilespmem:s0+$0xFFFFFF90];
	v14 =	vunpack.i.l.bf16.f32 v24;
	v17 =	vmul.f32 $2.000000030e-01, v18  }
0xd2: {  	[tilespmem:s30+$0x40] =	vst v5;
	v16 =	vmax.f32 v21, v16;
	v20 =	vunpack.i.u.bf16.f32 v24;
	v14 =	vmul.f32 v14, v9  }
0xd3: {  	[tilespmem:s30+$0xFFFFFFD0] =	vst v12;
	v16 =	vmul.f32 $1.442695020e+00, v16;
	v10 =	vld [tilespmem:s0+$0x10];
	v20 =	vmul.f32 v20, v9;
	v17 =	vmax.f32 v18, v17  }
0xd4: {  	v19 =	vmul.f32 v19, v8;
	v13 =	vmax.f32 v13, v15;
	[tilespmem:s31+$0xC0] =	vst v14;
	v14 =	vld [tilespmem:s0+$0xFFFFFFD0];
	v15 =	vmul.f32 $1.442695020e+00, v17  }
0xd5: {  	v12 =	vmul.f32 $1.442695020e+00, v13;
	(erf) = vpow2.f32 v16;
	[tilespmem:s31+$0xD0] =	vst v20  }
0xd6: {  	[tilespmem:s30+$0x50] =	vst v19;
	v5 =	vunpack.i.l.bf16.f32 v11;
	v13 =	vld [tilespmem:s0+$0x70];
	(erf) = vpow2.f32 v15  }
0xd7: {  	s21 =	sadd.s32 $0x40, s22;
	[tilespmem:s30+$0xE0] =	vst v4;
	v16 =	vld [tilespmem:s14+$0x30];
	v4 =	vpop (erf);
	v11 =	vunpack.i.u.bf16.f32 v11;
	v5 =	vmul.f32 v5, v3;
	(erf) = vpow2.f32 v12  }
0xd8: {  	[tilespmem:s21+$0x10] =	vst v4;
	v11 =	vmul.f32 v11, v3;
	v18 =	vunpack.i.u.bf16.f32 v10;
	v10 =	vunpack.i.l.bf16.f32 v10;
	v15 =	vld [tilespmem:s14+$0xFFFFFFB0]  }
0xd9: {  	v21 =	vmul.f32 v10, v2;
	[tilespmem:s31+$0xFFFFFF20] =	vst v5;
	v12 =	vld [tilespmem:s14+$0xFFFFFFF0];
	s14 =	sadd.s32 $0x100, s0;
	v17 =	vunpack.i.l.bf16.f32 v14  }
0xda: {  	[tilespmem:s31+$0xFFFFFF30] =	vst v11;
	v5 =	vunpack.i.u.bf16.f32 v14;
	v19 =	vld [tilespmem:s14+$0x40];
	v14 =	vmul.f32 v17, v1  }
0xdb: {  	[tilespmem:s31+$0x20] =	vst v21;
	v17 =	vunpack.i.u.bf16.f32 v13;
	v20 =	vmul.f32 v5, v1  }
0xdc: {  	v23 =	vunpack.i.u.bf16.f32 v16;
	v11 =	vmul.f32 v17, v9;
	[tilespmem:s31+$0xFFFFFFA0] =	vst v14  }
0xdd: {  	v22 =	vld [tilespmem:s0+$0xFFFFFFA0];
	v17 =	vunpack.i.u.bf16.f32 v15;
	v15 =	vunpack.i.l.bf16.f32 v15;
	[tilespmem:s31+$0xFFFFFFB0] =	vst v20;
	v20 =	vunpack.i.l.bf16.f32 v13  }
0xde: {  	v5 =	vpop (erf);
	v10 =	vunpack.i.u.bf16.f32 v12;
	[tilespmem:s31+$0xF0] =	vst v11;
	v11 =	vunpack.i.l.bf16.f32 v12;
	v14 =	vmul.f32 v15, v7  }
0xdf: {  	v13 =	vmul.f32 v17, v7;
	[tilespmem:s21+$0xFFFFFFF0] =	vst v5;
	v15 =	vld [tilespmem:s0+$0xFFFFFFE0];
	v12 =	vmul.f32 v11, v6;
	v17 =	vunpack.i.l.bf16.f32 v19;
	v7 =	vpop (erf)  }
0xe0: {  	v16 =	vunpack.i.l.bf16.f32 v16;
	v11 =	vmul.f32 v10, v6;
	v24 =	vld [tilespmem:s14+$0xFFFFFFC0];
	v17 =	vmul.f32 v4, v17;
	[tilespmem:s21+$0xFFFFFFE0] =	vst v7;
	v6 =	vpop (erf)  }
0xe1: {  	s15 =	sadd.s32 $0x200, s31;
	v18 =	vmul.f32 v18, v2;
	v10 =	vmul.f32 v16, v8;
	v16 =	vunpack.i.u.bf16.f32 v19;
	v25 =	vld [tilespmem:s14+$0xFFFFFF80];
	[tilespmem:s21+$0x0] =	vst v6  }
0xe2: {  	v21 =	vunpack.i.l.bf16.f32 v22;
	v9 =	vmul.f32 v20, v9;
	v16 =	vmul.f32 v4, v16;
	[tilespmem:s15+$0x80] =	vst v17;
	v17 =	vld [tilespmem:s14+$0x0]  }
0xe3: {  	v26 =	vmul.f32 v21, v3;
	v8 =	vmul.f32 v23, v8;
	v19 =	vunpack.i.u.bf16.f32 v22  }
0xe4: {  	v20 =	vmul.f32 v19, v3;
	[tilespmem:s15+$0x90] =	vst v16;
	v16 =	vunpack.i.u.bf16.f32 v15;
	v15 =	vunpack.i.l.bf16.f32 v15  }
0xe5: {  	[tilespmem:s31+$0x30] =	vst v18;
	v19 =	vld [tilespmem:s14+$0x50];
	v21 =	vunpack.i.u.bf16.f32 v24;
	v23 =	vunpack.i.l.bf16.f32 v24;
	v15 =	vmul.f32 v15, v1  }
0xe6: {  	s22 =	simm.s32 $0x8;
	s13 =	sadd.s32 $0x40, s13;
	v18 =	vld [tilespmem:s0+$0x20];
	[tilespmem:s31+$0xFFFFFF40] =	vst v26;
	v23 =	vmul.f32 v5, v23;
	v22 =	vunpack.i.u.bf16.f32 v25;
	v24 =	vunpack.i.l.bf16.f32 v25  }
.LBB2_7:
0xe7: {  	v25 =	vld [tilespmem:s13+$0x10];
	v24 =	vmul.f32 v7, v24;
	v26 =	vunpack.i.u.bf16.f32 v17;
	v17 =	vunpack.i.l.bf16.f32 v17;
	s28 =	sadd.s32 $0x40, s28;
	[tilespmem:s31+$0xFFFFFF50] =	vst v20  }
0xe8: {  	v22 =	vmul.f32 v7, v22;
	v21 =	vmul.f32 v5, v21;
	v20 =	vld [tilespmem:s28+$0x10];
	[tilespmem:s15+$0xFFFFFF80] =	vst v23  }
0xe9: {  	v17 =	vmul.f32 v6, v17;
	v23 =	vld [tilespmem:s28+$0xFFFFFFE0];
	[tilespmem:s15+$0xFFFFFF00] =	vst v24;
	v24 =	vmul.f32 v6, v26  }
0xea: {  	v16 =	vmul.f32 v16, v1;
	v26 =	vld [tilespmem:s13+$0xFFFFFFF0];
	[tilespmem:s15+$0xFFFFFF10] =	vst v22;
	v22 =	vunpack.i.l.bf16.f32 v19  }
0xeb: {  	s22 =	sadd.s32 $0x4, s22;
	v19 =	vunpack.i.u.bf16.f32 v19;
	v27 =	vld [tilespmem:s28+$0xFFFFFFF0];
	[tilespmem:s15+$0xFFFFFF90] =	vst v21;
	v21 =	vmul.f32 v22, v4;
	v22 =	vunpack.i.u.bf16.f32 v18  }
0xec: {  	p2 =	slt.u32 s22, $0x4C;
	v18 =	vunpack.i.l.bf16.f32 v18;
	v28 =	vld [tilespmem:s13+$0x0];
	[tilespmem:s15+$0x0] =	vst v17;
	v17 =	vmul.f32 v19, v4;
	v19 =	vmul.f32 v22, v2  }
0xed: {  	v18 =	vmul.f32 v18, v2;
	v22 =	vld [tilespmem:s28+$0x0];
	v20 =	vadd.f32 v20, v25;
	[tilespmem:s15+$0xA0] =	vst v21  }
0xee: {  	v21 =	vld [tilespmem:s13+$0xFFFFFFE0];
	[tilespmem:s15+$0xB0] =	vst v17  }
0xef: {  	v17 =	vmul.f32 $2.000000030e-01, v20;
	[tilespmem:s15+$0x10] =	vst v24;
	v24 =	vld [tilespmem:s14+$0x60]  }
0xf0: {  	v25 =	vadd.f32 v27, v26;
	v26 =	vld [tilespmem:s14+$0xFFFFFF90];
	[tilespmem:s31+$0xFFFFFFC0] =	vst v15  }
0xf1: {  	v15 =	vmax.f32 v20, v17;
	v17 =	vld [tilespmem:s14+$0xFFFFFFD0];
	[tilespmem:s31+$0xFFFFFFD0] =	vst v16  }
0xf2: {  	v16 =	vmul.f32 $2.000000030e-01, v25;
	v20 =	vadd.f32 v22, v28;
	v15 =	vmul.f32 $1.442695020e+00, v15;
	v22 =	vld [tilespmem:s14+$0x10];
	[tilespmem:s31+$0x40] =	vst v18  }
0xf3: {  	v18 =	vadd.f32 v23, v21;
	v21 =	vld [tilespmem:s0+$0xFFFFFFB0];
	[tilespmem:s31+$0x50] =	vst v19  }
0xf4: {  	v19 =	vmul.f32 $2.000000030e-01, v20;
	(erf) = vpow2.f32 v15;
	v15 =	vunpack.i.l.bf16.f32 v24;
	v23 =	vld [tilespmem:s0+$0xFFFFFFF0];
	[tilespmem:s30+$0xFFFFFF60] =	vst v14  }
0xf5: {  	v24 =	vunpack.i.u.bf16.f32 v24;
	v14 =	vmul.f32 $2.000000030e-01, v18;
	v15 =	vmul.f32 v15, v4;
	v27 =	vld [tilespmem:s0+$0x30];
	[tilespmem:s30+$0xFFFFFF70] =	vst v13;
	s0 =	smov.u32 s14  }
0xf6: {  	v13 =	vmax.f32 v25, v16;
	v16 =	vmax.f32 v20, v19;
	v19 =	vmul.f32 v24, v4;
	[tilespmem:s30+$0xFFFFFFE0] =	vst v12  }
0xf7: {  	v13 =	vmul.f32 $1.442695020e+00, v13;
	v12 =	vmax.f32 v18, v14;
	v14 =	vmul.f32 $1.442695020e+00, v16;
	[tilespmem:s15+$0xC0] =	vst v15  }
0xf8: {  	v15 =	vunpack.i.u.bf16.f32 v26;
	v16 =	vunpack.i.l.bf16.f32 v26;
	v12 =	vmul.f32 $1.442695020e+00, v12;
	[tilespmem:s15+$0xD0] =	vst v19  }
0xf9: {  	(erf) = vpow2.f32 v13;
	v13 =	vunpack.i.u.bf16.f32 v17;
	v17 =	vunpack.i.l.bf16.f32 v17;
	v18 =	vld [tilespmem:s14+$0x70];
	[tilespmem:s30+$0xFFFFFFF0] =	vst v11  }
0xfa: {  	v11 =	vunpack.i.u.bf16.f32 v22;
	(erf) = vpow2.f32 v12;
	v12 =	vunpack.i.l.bf16.f32 v22;
	[tilespmem:s30+$0x60] =	vst v10  }
0xfb: {  	v10 =	vmul.f32 v16, v7;
	v16 =	vunpack.i.u.bf16.f32 v21;
	(erf) = vpow2.f32 v14;
	[tilespmem:s30+$0x70] =	vst v8;
	s30 =	smov.u32 s31;
	s31 =	smov.u32 s15  }
0xfc: {  	v8 =	vmul.f32 v15, v7;
	v14 =	vmul.f32 v17, v5;
	v15 =	vunpack.i.l.bf16.f32 v21;
	[tilespmem:s30+$0xE0] =	vst v9  }
0xfd: {  	s21 =	sadd.s32 $0x40, s21;
	v19 =	vmul.f32 v12, v6;
	v9 =	vmul.f32 v13, v5;
	v17 =	vpop (erf);
	[tilespmem:s15+$0xFFFFFF20] =	vst v10;
	v10 =	vunpack.i.u.bf16.f32 v23  }
0xfe: {  	s14 =	sadd.s32 $0x100, s14;
	v22 =	vmul.f32 v11, v6;
	v12 =	vunpack.i.l.bf16.f32 v23;
	[tilespmem:s21+$0x10] =	vst v17;
	v11 =	vunpack.i.u.bf16.f32 v18  }
0xff: {  	v21 =	vunpack.i.u.bf16.f32 v27;
	v23 =	vunpack.i.l.bf16.f32 v27;
	v20 =	vld [tilespmem:s14+$0x40];
	[tilespmem:s15+$0xFFFFFF30] =	vst v8;
	v8 =	vmul.f32 v11, v4  }
0x100: {  	v13 =	vmul.f32 v16, v3;
	v18 =	vunpack.i.l.bf16.f32 v18;
	v24 =	vld [tilespmem:s0+$0xFFFFFFA0];
	[tilespmem:s15+$0xFFFFFFA0] =	vst v14;
	v14 =	vmul.f32 v15, v3;
	v3 =	vmovc v7  }
0x101: {  	v12 =	vmul.f32 v12, v1;
	v11 =	vmul.f32 v10, v1;
	v1 =	vmov v5;
	[tilespmem:s15+$0xF0] =	vst v8  }
0x102: {  	v10 =	vmul.f32 v23, v2;
	v8 =	vmul.f32 v21, v2;
	v2 =	vmov v6;
	v5 =	vpop (erf);
	[tilespmem:s15+$0xFFFFFFB0] =	vst v9  }
0x103: {  	v9 =	vmul.f32 v18, v4;
	v4 =	vmov v17;
	[tilespmem:s21+$0xFFFFFFF0] =	vst v5;
	v7 =	vpop (erf);
	v15 =	vld [tilespmem:s0+$0xFFFFFFE0]  }
0x104: {  	[tilespmem:s21+$0xFFFFFFE0] =	vst v7;
	v18 =	vld [tilespmem:s14+$0xFFFFFFC0];
	v16 =	vunpack.i.l.bf16.f32 v20;
	v6 =	vpop (erf)  }
0x105: {  	v20 =	vunpack.i.u.bf16.f32 v20;
	v23 =	vld [tilespmem:s14+$0xFFFFFF80];
	[tilespmem:s21+$0x0] =	vst v6;
	v16 =	vmul.f32 v4, v16;
	v21 =	vunpack.i.u.bf16.f32 v24  }
.Ltmp3:
0x106: {  	s15 =	sadd.s32 $0x200, s15;
	v25 =	vmul.f32 v4, v20;
	v24 =	vunpack.i.l.bf16.f32 v24;
	v17 =	vld [tilespmem:s14+$0x0];
	v20 =	vmul.f32 v21, v3;
	[tilespmem:s31+$0x20] =	vst v19;
	(pc) =	sbr.rel @p2 .LBB2_7-.Ltmp3, $4  }
0x107: {  	v26 =	vmul.f32 v24, v3;
	[tilespmem:s15+$0x80] =	vst v16  }
0x108: {  	[tilespmem:s15+$0x90] =	vst v25;
	v16 =	vunpack.i.u.bf16.f32 v15;
	v15 =	vunpack.i.l.bf16.f32 v15  }
0x109: {  	v21 =	vunpack.i.u.bf16.f32 v18;
	v18 =	vunpack.i.l.bf16.f32 v18;
	v19 =	vld [tilespmem:s14+$0x50];
	v15 =	vmul.f32 v15, v1;
	[tilespmem:s31+$0x30] =	vst v22  }
0x10a: {  	s13 =	sadd.s32 $0x40, s13;
	v22 =	vunpack.i.u.bf16.f32 v23;
	v24 =	vunpack.i.l.bf16.f32 v23;
	v23 =	vmul.f32 v5, v18;
	[tilespmem:s31+$0xFFFFFF40] =	vst v26;
	v18 =	vld [tilespmem:s0+$0x20]  }
0x10b: {  	[tilespmem:s31+$0xFFFFFF50] =	vst v20  }
0x10c: {  	[tilespmem:s31+$0xFFFFFFC0] =	vst v15  }
0x10d: {  	[tilespmem:s30+$0xFFFFFF60] =	vst v14  }
0x10e: {  	[tilespmem:s30+$0xFFFFFF70] =	vst v13  }
0x10f: {  	[tilespmem:s30+$0xFFFFFFE0] =	vst v12  }
0x110: {  	v24 =	vmul.f32 v7, v24;
	[tilespmem:s30+$0xFFFFFFF0] =	vst v11  }
0x111: {  	v21 =	vmul.f32 v5, v21;
	[tilespmem:s30+$0x60] =	vst v10  }
0x112: {  	v60 =	vmul.f32 v7, v22;
	v61 =	vunpack.i.l.bf16.f32 v17;
	[tilespmem:s15+$0xFFFFFF00] =	vst v24  }
0x113: {  	v22 =	vmul.f32 v6, v61;
	[tilespmem:s15+$0xFFFFFF90] =	vst v21;
	v21 =	vunpack.i.u.bf16.f32 v17  }
0x114: {  	[tilespmem:s15+$0xFFFFFF10] =	vst v60;
	v62 =	vunpack.i.l.bf16.f32 v19;
	v17 =	vmul.f32 v6, v21  }
0x115: {  	v63 =	vunpack.i.u.bf16.f32 v19;
	[tilespmem:s15+$0x0] =	vst v22;
	v27 =	vld [tilespmem:s14+$0xFFFFFF90];
	v20 =	vmul.f32 v62, v4  }
0x116: {  	v19 =	vmul.f32 v63, v4;
	[tilespmem:s15+$0x10] =	vst v17  }
0x117: {  	[tilespmem:s15+$0xA0] =	vst v20;
	v32 =	vld [tilespmem:s14+$0x10]  }
0x118: {  	[tilespmem:s15+$0xB0] =	vst v19  }
0x119: {  	v16 =	vmul.f32 v16, v1;
	[tilespmem:s30+$0x70] =	vst v8;
	v24 =	vld [tilespmem:s14+$0x60]  }
0x11a: {  	[tilespmem:s15+$0xFFFFFF80] =	vst v23;
	v33 =	vunpack.i.l.bf16.f32 v27  }
0x11b: {  	[tilespmem:s31+$0xFFFFFFD0] =	vst v16;
	v28 =	vld [tilespmem:s14+$0xFFFFFFD0];
	v16 =	vunpack.i.u.bf16.f32 v27;
	v12 =	vmul.f32 v33, v7  }
0x11c: {  	[tilespmem:s31+$0xE0] =	vst v9;
	v35 =	vmul.f32 v16, v7;
	v37 =	vunpack.i.l.bf16.f32 v32  }
0x11d: {  	[tilespmem:s15+$0xFFFFFF20] =	vst v12;
	v38 =	vunpack.i.u.bf16.f32 v32;
	v39 =	vmul.f32 v37, v6  }
0x11e: {  	[tilespmem:s15+$0xFFFFFF30] =	vst v35;
	v29 =	vunpack.i.l.bf16.f32 v24;
	v11 =	vmul.f32 v38, v6  }
0x11f: {  	v30 =	vunpack.i.u.bf16.f32 v24;
	v40 =	vld [tilespmem:s14+$0xFFFFFFA0];
	v31 =	vmul.f32 v29, v4;
	[tilespmem:s15+$0x20] =	vst v39  }
0x120: {  	v15 =	vunpack.i.u.bf16.f32 v28;
	v14 =	vmul.f32 v30, v4;
	[tilespmem:s15+$0x30] =	vst v11  }
0x121: {  	v34 =	vunpack.i.l.bf16.f32 v28;
	v15 =	vmul.f32 v15, v5;
	[tilespmem:s15+$0xC0] =	vst v31;
	v11 =	vld [tilespmem:s14+$0x20]  }
0x122: {  	v25 =	vunpack.i.u.bf16.f32 v18;
	[tilespmem:s15+$0xD0] =	vst v14;
	v14 =	vmul.f32 v34, v5  }
0x123: {  	v23 =	vunpack.i.l.bf16.f32 v18;
	v26 =	vmul.f32 v25, v2;
	[tilespmem:s15+$0xFFFFFFB0] =	vst v15;
	v36 =	vld [tilespmem:s14+$0x70]  }
0x124: {  	v48 =	vld [tilespmem:s0+$0xFFFFFFF0];
	v19 =	vmul.f32 v23, v2;
	[tilespmem:s15+$0xFFFFFFA0] =	vst v14;
	v43 =	vunpack.i.l.bf16.f32 v40  }
0x125: {  	[tilespmem:s31+$0x50] =	vst v26;
	v45 =	vunpack.i.u.bf16.f32 v40;
	v14 =	vld [tilespmem:s14+$0xFFFFFFE0];
	v10 =	vmul.f32 v43, v7  }
0x126: {  	[tilespmem:s31+$0x40] =	vst v19;
	v46 =	vmul.f32 v45, v7;
	v50 =	vunpack.i.l.bf16.f32 v11  }
0x127: {  	[tilespmem:s15+$0xFFFFFF40] =	vst v10;
	v11 =	vunpack.i.u.bf16.f32 v11;
	v10 =	vmul.f32 v50, v6  }
0x128: {  	v44 =	vld [tilespmem:s0+$0xFFFFFFB0];
	[tilespmem:s15+$0xFFFFFF50] =	vst v46;
	v41 =	vunpack.i.u.bf16.f32 v36;
	v11 =	vmul.f32 v11, v6  }
0x129: {  	v54 =	vunpack.i.l.bf16.f32 v48;
	v51 =	vld [tilespmem:s0+$0x30];
	v42 =	vmul.f32 v41, v4;
	[tilespmem:s15+$0x40] =	vst v10  }
0x12a: {  	v55 =	vld [tilespmem:s14+$0xFFFFFFB0];
	v47 =	vunpack.i.l.bf16.f32 v14;
	[tilespmem:s15+$0x50] =	vst v11;
	v10 =	vmul.f32 v54, v1  }
0x12b: {  	v14 =	vunpack.i.u.bf16.f32 v14;
	[tilespmem:s15+$0xF0] =	vst v42;
	v9 =	vmul.f32 v47, v5  }
0x12c: {  	v56 =	vunpack.i.u.bf16.f32 v48;
	v49 =	vmul.f32 v14, v5;
	[tilespmem:s31+$0xFFFFFFE0] =	vst v10  }
0x12d: {  	v52 =	vunpack.i.l.bf16.f32 v44;
	v53 =	vunpack.i.u.bf16.f32 v44;
	v1 =	vmul.f32 v56, v1;
	[tilespmem:s15+$0xFFFFFFC0] =	vst v9  }
0x12e: {  	[tilespmem:s15+$0xFFFFFFD0] =	vst v49;
	v9 =	vmul.f32 v52, v3;
	v3 =	vmul.f32 v53, v3  }
0x12f: {  	v57 =	vunpack.i.l.bf16.f32 v51;
	v59 =	vunpack.i.l.bf16.f32 v36;
	[tilespmem:s31+$0xFFFFFFF0] =	vst v1;
	v8 =	vunpack.i.u.bf16.f32 v55;
	v58 =	vld [tilespmem:s14+$0xFFFFFFF0]  }
0x130: {  	v1 =	vmul.f32 v59, v4;
	v61 =	vmul.f32 v8, v7;
	[tilespmem:s31+$0xFFFFFF70] =	vst v3;
	v3 =	vunpack.i.u.bf16.f32 v51  }
0x131: {  	s22 =	smulhi.u32 $0xAAAAAAAB, s17;
	[tilespmem:s31+$0xFFFFFF60] =	vst v9;
	v9 =	vmul.f32 v57, v2;
	v2 =	vmul.f32 v3, v2;
	v3 =	vld [tilespmem:s14+$0x30]  }
0x132: {  	[tilespmem:s15+$0xE0] =	vst v1  }
0x133: {  	s0 =	sshrl.u32 s22, $0x1;
	v60 =	vunpack.i.l.bf16.f32 v55;
	[tilespmem:s15+$0xFFFFFF70] =	vst v61  }
0x134: {  	s0 =	smul.u32 $0x3, s0;
	[tilespmem:s31+$0x70] =	vst v2;
	v2 =	vmul.f32 v60, v7;
	v1 =	vunpack.i.l.bf16.f32 v58  }
0x135: {  	[tilespmem:s31+$0x60] =	vst v9;
	v62 =	vunpack.i.u.bf16.f32 v58;
	v1 =	vmul.f32 v1, v5  }
0x136: {  	s13 =	smul.u32 $0xA000, s18;
	s0 =	ssub.s32 s17, s0;
	[tilespmem:s15+$0xFFFFFF60] =	vst v2;
	v63 =	vmul.f32 v62, v5;
	v2 =	vunpack.i.l.bf16.f32 v3  }
0x137: {  	s0 =	smul.u32 $0x140, s0;
	v3 =	vunpack.i.u.bf16.f32 v3;
	v2 =	vmul.f32 v2, v6;
	[tilespmem:s15+$0xFFFFFFE0] =	vst v1  }
0x138: {  	s28 =	sadd.s32 $0x7, s18;
	s30 =	smul.u32 $0x1400, s18;
	p2 =	sne.s32 s26, $0x7D;
	v1 =	vmul.f32 v3, v6;
	[tilespmem:s15+$0xFFFFFFF0] =	vst v63  }
.Ltmp4:
0x139: {  	s13 =	sshrl.u32 s13, $0x2;
	s0 =	sshrl.u32 s0, $0x2;
	[tilespmem:s15+$0x60] =	vst v2;
	(pc) =	sbr.rel @p2 .LBB2_6-.Ltmp4, $4  }
0x13a: {  	s13 =	sadd.s32 $0x1A770, s13;
	s0 =	sadd.s32 $0x16080, s0;
	s31 =	sshrl.u32 s30, $0x2;
	[tilespmem:s15+$0x70] =	vst v1  }
0x13b: {  	[spmem:s1] =	stream.indirect.scatter.add.f32 [tilespmem:s13], [sflag:s28], $0x80, s0, s29, $0xb8;
	[tilespmem:$0x1F770] =	vst v63  }
0x13c: {  	p1 =	por !p1, !p1;
	s17 =	smov.u32 s26;
	s13 =	sadd.s32 $0x17570, s31  }
0x13d: {  	[spmem:s2] =	stream.indirect.scatter.add.f32 [tilespmem:s13], [sflag:s28], $0x10, s0, s29, $0xb8;
	[tilespmem:$0x1F770] =	vst v63  }
0x13e: {  	_ =	swait.ge [sflag:s3], $0x2800  }
0x13f: {  	[sflag:s3] =	ssyncset.done $0x0  }
0x140: {  	[sflag:s3] =	ssyncadd.s32 $0xFFFFD800  }
0x141: {  	_ =	swait.ge [sflag:s3], $0x500  }
0x142: {  	[sflag:s3] =	ssyncset.done $0x0  }
0x143: {  	s0 =	simm.s32 $0x2;
	[sflag:s3] =	ssyncadd.s32 $0xFFFFFB00  }
0x144: {  	_ =	swait.ge [sflag:s0], $0x1400  }
0x145: {  	[sflag:s0] =	ssyncset.done $0x0  }
0x146: {  	s21 =	simm.s32 $0x4;
	[sflag:s0] =	ssyncadd.s32 $0xFFFFEC00  }
0x147: {  	_ =	swait.ge [sflag:s21], $0x500  }
0x148: {  	[sflag:s21] =	ssyncset.done $0x0  }
0x149: {  	s22 =	simm.s32 $0x6;
	[sflag:s21] =	ssyncadd.s32 $0xFFFFFB00  }
0x14a: {  	_ =	swait.ge [sflag:s22], $0x500  }
0x14b: {  	[sflag:s22] =	ssyncset.done $0x0  }
0x14c: {  	s26 =	simm.s32 $0x9;
	[sflag:s22] =	ssyncadd.s32 $0xFFFFFB00  }
0x14d: {  	_ =	swait.ge [sflag:s26], $0x50  }
0x14e: {  	[sflag:s26] =	ssyncset.done $0x0  }
0x14f: {  	s28 =	simm.s32 $0xC;
	[sflag:s26] =	ssyncadd.s32 $0xFFFFFFB0  }
0x150: {  	_ =	swait.ge [sflag:s28], $0x50  }
0x151: {  	[sflag:s28] =	ssyncset.done $0x0  }
0x152: {  	[sflag:s28] =	ssyncadd.s32 $0xFFFFFFB0  }
0x153: {  	[bflag:$0x0] =	sbarrier.arrive $0xFFFF  }
0x154: {  	[tilespmem:s23], [sflag:$0xF] =	stream.linear.gather [spmem:s20], $0x2800, $0x38;
	[tilespmem:$0x1F770] =	vst v63  }
0x155: {  	_ =	swait.ge [sflag:s24], $0x2800  }
0x156: {  	s14 =	rddreg [dreg:$0xb]  }
0x157: {  	[sflag:s24] =	ssyncset.done $0x0;
	s30 =	sand.u32 $0x1FFFFF00, s14  }
0x158: {  	[sflag:s24] =	ssyncadd.s32 $0xFFFFD800;
	s0 =	sadd.s32 s11, s30  }
0x159: {  	[hbm4b:s0+s4] =	stream.linear.scatter [tilespmem:s23], [sflag:$0xF], $0x2800, $0x38;
	[tilespmem:$0x1F770] =	vst v63  }
0x15a: {  	_ =	swait.ge [sflag:s24], $0x2800  }
0x15b: {  	[sflag:s24] =	ssyncset.done $0x0  }
0x15c: {  	[sflag:s24] =	ssyncadd.s32 $0xFFFFD800  }
0x15d: {  	[tilespmem:s25], [sflag:$0xF] =	stream.linear.gather [spmem:s19], $0x500, $0x38;
	[tilespmem:$0x1F770] =	vst v63  }
0x15e: {  	_ =	swait.ge [sflag:s24], $0x500  }
0x15f: {  	s15 =	smov.u32 s19;
	s13 =	rddreg [dreg:$0xa]  }
.Ltmp5:
0x160: {  	[sflag:s24] =	ssyncset.done $0x0;
	s31 =	sand.u32 $0x1FFFFFE0, s13;
	(pc) =	sbr.rel @!p0 .LBB2_11-.Ltmp5, $4  }
0x161: {  	s17 =	smov.u32 s20;
	[sflag:s24] =	ssyncadd.s32 $0xFFFFFB00;
	s0 =	sadd.s32 s12, s31  }
0x162: {  	[hbm4b:s0+s4] =	stream.linear.scatter [tilespmem:s25], [sflag:$0xF], $0x500, $0x38;
	[tilespmem:$0x1F770] =	vst v63  }
0x163: {  	s14 =	sadd.s32 $0x500, s14;
	s21 =	rddreg [dreg:$0x4];
	_ =	swait.ge [sflag:s24], $0x500  }
0x164: {  	s13 =	sadd.s32 $0xA0, s13;
	s0 =	sadd.s32 $0xFFFFFFFF, s21;
	[sflag:s24] =	ssyncset.done $0x0  }
.LBB2_10:
0x165: {  	[sflag:s24] =	ssyncadd.s32 $0xFFFFFB00;
	s15 =	sadd.s32 $0x500, s15;
	s17 =	sadd.s32 $0x2800, s17  }
0x166: {  	[tilespmem:s23], [sflag:$0xF] =	stream.linear.gather [spmem:s17], $0x2800, $0x38;
	[tilespmem:$0x1F770] =	vst v63  }
0x167: {  	p0 =	sne.s32 s0, $0x1;
	s0 =	sadd.s32 $0xFFFFFFFF, s0;
	_ =	swait.ge [sflag:s24], $0x2800  }
0x168: {  	s18 =	sand.u32 $0x1FFFFF00, s14;
	[sflag:s24] =	ssyncset.done $0x0  }
0x169: {  	s18 =	sadd.s32 s11, s18;
	[sflag:s24] =	ssyncadd.s32 $0xFFFFD800  }
0x16a: {  	[hbm4b:s18+s4] =	stream.linear.scatter [tilespmem:s23], [sflag:$0xF], $0x2800, $0x38;
	[tilespmem:$0x1F770] =	vst v63  }
0x16b: {  	_ =	swait.ge [sflag:s24], $0x2800  }
0x16c: {  	[sflag:s24] =	ssyncset.done $0x0  }
0x16d: {  	[sflag:s24] =	ssyncadd.s32 $0xFFFFD800  }
0x16e: {  	[tilespmem:s25], [sflag:$0xF] =	stream.linear.gather [spmem:s15], $0x500, $0x38;
	[tilespmem:$0x1F770] =	vst v63  }
0x16f: {  	_ =	swait.ge [sflag:s24], $0x500  }
.Ltmp6:
0x170: {  	s18 =	sand.u32 $0x1FFFFFE0, s13;
	[sflag:s24] =	ssyncset.done $0x0;
	(pc) =	sbr.rel @p0 .LBB2_10-.Ltmp6, $4  }
0x171: {  	s18 =	sadd.s32 s12, s18;
	[sflag:s24] =	ssyncadd.s32 $0xFFFFFB00  }
0x172: {  	[hbm4b:s18+s4] =	stream.linear.scatter [tilespmem:s25], [sflag:$0xF], $0x500, $0x38;
	[tilespmem:$0x1F770] =	vst v63  }
0x173: {  	_ =	swait.ge [sflag:s24], $0x500  }
0x174: {  	s14 =	sadd.s32 $0x500, s14;
	s13 =	sadd.s32 $0xA0, s13;
	[sflag:s24] =	ssyncset.done $0x0  }
.LBB2_11:
0x175: {  	s16 =	sadd.s32 $0x1, s16;
	s0 =	rddreg [dreg:$0x9]  }
0x176: {  	p0 =	sne.s32 s16, s0  }
.Ltmp7:
0x177: {  	_ = 	snop;
	(pc) =	sbr.rel @p0 .LBB2_1-.Ltmp7, $2  }
0x178: {  	_ =	sdelay $0x2  }
0x179: {  	[sflag:s24] =	ssyncadd.s32 $0xFFFFFB00  }
0x17a: {  	_ =	sfence.sel $0x180000  }
0x17b: {  	[bflag:$0x0] =	sbarrier.arrive $0xFFFF  }
0x17c: {  	_ =	strace $0x90000047  }
0x17d: {  	s0 =	stileid.u32;
	[bflag:$0x2] =	sbarrier.arrive $0xFFFF  }
0x17e: {  	p0 =	sne.s32 s0, $0x0;
	s0 =	rddreg [dreg:$0x3]  }
0x17f: {  	s0 =	sadd.s32 @!p0 $0x100000, s0  }
0x180: {  	[sflag:s0] =	ssyncadd.tile.s32 @!p0 $0x1;
	_ =	shalt  }
.Lfunc_end2:
_tile_overlayer_lowered:
.L_overlay_start_2:
0x181: {  	(tag) =	ssettag $0x2  }
0x182: {  	s0 =	rddreg [dreg:$0x0];
	s2 =	stileid.u32  }
0x183: {  	s1 =	rddreg [dreg:$0x1];
	p0 =	sne.s32 s2, $0x0  }
0x184: {  	s3 =	rddreg [dreg:$0x2];
	[bflag:$0x3] =	sbarrier.arrive $0xFFFF;
	s2 =	simm.s32 @!p0 $0x1C0F  }
0x185: {  	[timem:s3], [sflag:s2] =	dma.local @!p0 [hbm:s0], s1  }
0x186: {  	s0 =	simm.s32 @!p0 $0xF  }
0x187: {  	_ =	swait.ge @!p0 [sflag:s0], s1  }
0x188: {  	s1 =	ssub.s32 @!p0 $0x0, s1;
	[sflag:s0] =	ssyncset.done @!p0 $0x0  }
0x189: {  	[sflag:s0] =	ssyncadd.s32 @!p0 s1  }
0x18a: {  	[bflag:$0x3] =	sbarrier.arrive $0xFFFF  }
0x18b: {  	_ =	shalt  }

</sc_bundles>
